<compile_context>
chip_gen: v7x
topology: tpu7x:2x2x1
jax: 0.10.2.dev20260603
libtpu: 0.0.44.dev20260713+nightly
codegen_flags: <defaults>
</compile_context>

<pallas_src>
import functools

import jax
import jax.numpy as jnp
from jax import lax
from jax.experimental import pallas as pl
from jax.experimental.pallas import tpu as pltpu
from jax.experimental.pallas import tpu_sc as plsc

_NC = 2
_NS = 16
_NW = _NC * _NS
_RING = 2


@functools.lru_cache(maxsize=None)
def _build_gather(b: int, n_neg: int, d: int):
    pos_per_w = b // _NW
    bblk = b // _NW
    ktn = d // 8
    assert bblk == 128 and d % 8 == 0 and n_neg % _RING == 0

    mesh = plsc.VectorSubcoreMesh(
        core_axis_name="c", subcore_axis_name="s",
        num_cores=_NC, num_subcores=_NS)

    @functools.partial(
        pl.kernel,
        out_type=(
            jax.ShapeDtypeStruct((b, d), jnp.float32),
            jax.ShapeDtypeStruct((n_neg, ktn, _NW, 8, 128), jnp.float32),
        ),
        mesh=mesh,
        scratch_types=[
            pltpu.VMEM((pos_per_w,), jnp.int32),
            pltpu.VMEM((pos_per_w, d), jnp.float32),
            pltpu.VMEM((n_neg, 128), jnp.int32),
            [pltpu.VMEM((128, d), jnp.float32) for _ in range(_RING)],
            [pltpu.VMEM((d // 8, 8, 128), jnp.float32) for _ in range(_RING)],
            [pltpu.SemaphoreType.DMA for _ in range(_RING)],
            [pltpu.SemaphoreType.DMA for _ in range(_RING)],
            pltpu.SemaphoreType.DMA,
        ],
        compiler_params=pltpu.CompilerParams(use_tc_tiling_on_sc=False,
                                             needs_layout_passes=False),
    )
    def gather_k(pos_hbm, negT_hbm, table_hbm, pos_out, negT_out,
                 pidx_v, prows_v, idsblk, rowbuf, tbuf, gsems, ssems, psem):
        wid = lax.axis_index("s") * _NC + lax.axis_index("c")

        pltpu.sync_copy(negT_hbm.at[:, pl.ds(wid * bblk, bblk)], idsblk)

        for p in range(_RING):
            pltpu.async_copy(table_hbm.at[idsblk.at[p]], rowbuf[p], gsems[p])

        pbase = wid * pos_per_w
        pltpu.sync_copy(pos_hbm.at[pl.ds(pbase, pos_per_w)], pidx_v)
        pltpu.async_copy(table_hbm.at[pidx_v], prows_v, psem).wait()
        pltpu.sync_copy(prows_v, pos_out.at[pl.ds(pbase, pos_per_w)])

        iota = lax.iota(jnp.int32, 16)
        row_idx = [iota + 16 * g for g in range(8)]
        perm = [(iota + c) & 15 for c in range(16)]

        @pl.loop(0, n_neg, step=_RING)
        def _ring(n0):
            for p in range(_RING):
                n = n0 + p
                pltpu.make_async_copy(table_hbm.at[idsblk.at[n]], rowbuf[p],
                                      gsems[p]).wait()

                @pl.when(n0 >= _RING)
                def _drain():
                    pltpu.make_async_copy(
                        tbuf[p], negT_out.at[n - _RING, :, wid],
                        ssems[p]).wait()

                @pl.loop(0, d // 16)
                def _q(q):
                    k0 = q * 16
                    cols = [perm[c] + k0 for c in range(16)]
                    kts = [cv >> 3 for cv in cols]
                    krs = [cv & 7 for cv in cols]
                    for g in range(8):
                        rv = row_idx[g]
                        for c in range(16):
                            v = plsc.load_gather(rowbuf[p], [rv, cols[c]])
                            plsc.store_scatter(tbuf[p], [kts[c], krs[c], rv],
                                               v)

                pltpu.async_copy(tbuf[p], negT_out.at[n, :, wid], ssems[p])

                @pl.when(n + _RING < n_neg)
                def _refill():
                    pltpu.async_copy(table_hbm.at[idsblk.at[n + _RING]],
                                     rowbuf[p], gsems[p])

        for p in range(_RING):
            n = n_neg - _RING + p
            pltpu.make_async_copy(tbuf[p], negT_out.at[n, :, wid],
                                  ssems[p]).wait()

    return gather_k


def kernel(query_emb, positive_ids, negative_ids, table):
    b, n_neg = negative_ids.shape
    _, d = table.shape
    ids_t = negative_ids.T
    gather_k = _build_gather(b, n_neg, d)
    pos_emb, neg_t = gather_k(positive_ids, ids_t, table)
    neg_emb = jnp.transpose(neg_t, (2, 4, 0, 1, 3)).reshape(b, n_neg, d)
    return (query_emb, pos_emb, neg_emb)

# --- scband reference (transcript-rebuilt; emitter-appended) ---
"""Pipeline reference for scband-contrastive-representation-transform-21079699489266 (READ-ONLY COPY).

The authoritative reference and input builder live on the scoring server;
editing this copy changes nothing except your own understanding.
"""

import jax, jax.numpy as jnp
import numpy as np

NUM_EMBEDDINGS = 100000
EMBEDDING_DIM = 64
BATCH = 4096
NUM_NEG = 200

def setup_inputs(seed: int = 0) -> dict:
    key = jax.random.key(seed)
    k1, k2, k3, k4 = jax.random.split(key, 4)
    query_emb = jax.random.normal(k1, (BATCH, EMBEDDING_DIM), dtype=jnp.float32)
    positive_ids = jax.random.randint(k2, (BATCH,), 0, NUM_EMBEDDINGS, dtype=jnp.int64 if jax.config.jax_enable_x64 else jnp.int32).astype(jnp.int32)
    negative_ids = jax.random.randint(k3, (BATCH, NUM_NEG), 0, NUM_EMBEDDINGS, dtype=jnp.int64 if jax.config.jax_enable_x64 else jnp.int32).astype(jnp.int32)
    table = jax.random.normal(k4, (NUM_EMBEDDINGS, EMBEDDING_DIM), dtype=jnp.float32) * 0.05
    return {"query_emb": query_emb, "positive_ids": positive_ids, "negative_ids": negative_ids, "table": table}

def reference(query_emb, positive_ids, negative_ids, table):
    # Faithful translation of ContrastiveRepresentationTransform.call:
    # query already has an embedding; positive/negative items lack embeddings,
    # so they are filled in via task.block.embedding_lookup(ids) -> table gather.
    positive_emb = jnp.take(table, positive_ids, axis=0)
    negative_emb = jnp.take(table, negative_ids, axis=0)
    return (query_emb, positive_emb, negative_emb)

if __name__ == "__main__":
    import jax
    _d = setup_inputs()
    print(jax.jit(kernel)(*tuple(_d.values())))

</pallas_src>

<mosaic_0001>
#map = affine_map<(d0, d1) -> (0)>
#map1 = affine_map<(d0, d1) -> (0, 0)>
#map2 = affine_map<(d0, d1) -> (0, 0, 0, 0, 0)>
module attributes {stable_mosaic.version = 14 : i64} {
  func.func @gather_k(%arg0: i32, %arg1: i32, %arg2: memref<4096xi32, #tpu.memory_space<hbm>>, %arg3: memref<200x4096xi32, #tpu.memory_space<hbm>>, %arg4: memref<100000x64xf32, #tpu.memory_space<hbm>>, %arg5: memref<4096x64xf32, #tpu.memory_space<hbm>>, %arg6: memref<200x8x32x8x128xf32, #tpu.memory_space<hbm>>, %arg7: memref<128xi32, #tpu.memory_space<vmem>>, %arg8: memref<128x64xf32, #tpu.memory_space<vmem>>, %arg9: memref<200x128xi32, #tpu.memory_space<vmem>>, %arg10: memref<128x64xf32, #tpu.memory_space<vmem>>, %arg11: memref<128x64xf32, #tpu.memory_space<vmem>>, %arg12: memref<8x8x128xf32, #tpu.memory_space<vmem>>, %arg13: memref<8x8x128xf32, #tpu.memory_space<vmem>>, %arg14: memref<!tpu.dma_semaphore, #tpu.memory_space<semaphore_mem>>, %arg15: memref<!tpu.dma_semaphore, #tpu.memory_space<semaphore_mem>>, %arg16: memref<!tpu.dma_semaphore, #tpu.memory_space<semaphore_mem>>, %arg17: memref<!tpu.dma_semaphore, #tpu.memory_space<semaphore_mem>>, %arg18: memref<!tpu.dma_semaphore, #tpu.memory_space<semaphore_mem>>) attributes {dimension_semantics = [#tpu.dimension_semantics<core_parallel>, #tpu.dimension_semantics<subcore_parallel>], iteration_bounds = array<i64: 2, 16>, scalar_prefetch = 0 : i64, scratch_operands = 12 : i64, tpu.core_type = #tpu.core_type<sc_vector_subcore>, window_params = [{transform_indices = #map}, {transform_indices = #map1}, {transform_indices = #map1}, {transform_indices = #map1}, {transform_indices = #map2}]} {
    %mul3A = arith.constant 2 : i32
    %mul3A_0 = arith.muli %arg1, %mul3A : i32
    %add3A = arith.addi %mul3A_0, %arg0 : i32
    %mul3A_1 = arith.constant 128 : i32
    %mul3A_2 = arith.muli %add3A, %mul3A_1 : i32
    "tpu.region"() ({
      %run_scoped3A = tpu.sem_alloc : memref<!tpu.dma_semaphore, #tpu.memory_space<semaphore_mem>>
      %dma_start3A_168 = arith.constant 0 : i32
      %dma_start3A_169 = tpu.memref_slice %arg3[%dma_start3A_168, %mul3A_2] : memref<200x4096xi32, #tpu.memory_space<hbm>> -> memref<200x128xi32, #tpu.memory_space<hbm>>
      %dma_start3A_170 = arith.constant 0 : i32
      %dma_start3A_171 = tpu.memref_slice %arg3[%dma_start3A_170, %mul3A_2] : memref<200x4096xi32, #tpu.memory_space<hbm>> -> memref<200x128xi32, #tpu.memory_space<hbm>>
      tpu.enqueue_dma source(%dma_start3A_171 : memref<200x128xi32, #tpu.memory_space<hbm>>) target(%arg9 : memref<200x128xi32, #tpu.memory_space<vmem>>) target_semaphore(%run_scoped3A : memref<!tpu.dma_semaphore, #tpu.memory_space<semaphore_mem>>)
      %dma_wait3A_172 = arith.constant 0 : i32
      %dma_wait3A_173 = tpu.memref_slice %arg3[%dma_wait3A_172, %mul3A_2] : memref<200x4096xi32, #tpu.memory_space<hbm>> -> memref<200x128xi32, #tpu.memory_space<hbm>>
      %dma_wait3A_174 = arith.constant 0 : i32
      %dma_wait3A_175 = tpu.memref_slice %arg3[%dma_wait3A_174, %mul3A_2] : memref<200x4096xi32, #tpu.memory_space<hbm>> -> memref<200x128xi32, #tpu.memory_space<hbm>>
      tpu.wait_dma2 semaphore(%run_scoped3A : memref<!tpu.dma_semaphore, #tpu.memory_space<semaphore_mem>>) src(%dma_wait3A_175 : memref<200x128xi32, #tpu.memory_space<hbm>>) dst(%arg9 : memref<200x128xi32, #tpu.memory_space<vmem>>)
      tpu.yield
    }) : () -> ()
    %dma_start3A = arith.constant 0 : i32
    %dma_start3A_3 = arith.constant 0 : i32
    %dma_start3A_4 = tpu.memref_slice %arg9[%dma_start3A, %dma_start3A_3] : memref<200x128xi32, #tpu.memory_space<vmem>> -> memref<1x128xi32, #tpu.memory_space<vmem>>
    %dma_start3A_5 = tpu.memref_squeeze %dma_start3A_4 : memref<1x128xi32, #tpu.memory_space<vmem>> -> memref<128xi32, #tpu.memory_space<vmem>>
    %dma_start3A_6 = arith.constant 0 : i32
    %dma_start3A_7 = arith.constant 0 : i32
    %dma_start3A_8 = tpu.memref_slice %arg4[%dma_start3A_6, %dma_start3A_7] : memref<100000x64xf32, #tpu.memory_space<hbm>> -> memref<100000x64xf32, #tpu.memory_space<hbm>>
    tpu.enqueue_indirect_dma source(%dma_start3A_8 : memref<100000x64xf32, #tpu.memory_space<hbm>>) target(%arg10 : memref<128x64xf32, #tpu.memory_space<vmem>>) offsets(%dma_start3A_5 : memref<128xi32, #tpu.memory_space<vmem>>) semaphore(%arg14 : memref<!tpu.dma_semaphore, #tpu.memory_space<semaphore_mem>>)
    %dma_start3A_9 = arith.constant 1 : i32
    %dma_start3A_10 = arith.constant 0 : i32
    %dma_start3A_11 = tpu.memref_slice %arg9[%dma_start3A_9, %dma_start3A_10] : memref<200x128xi32, #tpu.memory_space<vmem>> -> memref<1x128xi32, #tpu.memory_space<vmem>>
    %dma_start3A_12 = tpu.memref_squeeze %dma_start3A_11 : memref<1x128xi32, #tpu.memory_space<vmem>> -> memref<128xi32, #tpu.memory_space<vmem>>
    %dma_start3A_13 = arith.constant 0 : i32
    %dma_start3A_14 = arith.constant 0 : i32
    %dma_start3A_15 = tpu.memref_slice %arg4[%dma_start3A_13, %dma_start3A_14] : memref<100000x64xf32, #tpu.memory_space<hbm>> -> memref<100000x64xf32, #tpu.memory_space<hbm>>
    tpu.enqueue_indirect_dma source(%dma_start3A_15 : memref<100000x64xf32, #tpu.memory_space<hbm>>) target(%arg11 : memref<128x64xf32, #tpu.memory_space<vmem>>) offsets(%dma_start3A_12 : memref<128xi32, #tpu.memory_space<vmem>>) semaphore(%arg15 : memref<!tpu.dma_semaphore, #tpu.memory_space<semaphore_mem>>)
    %mul3A_16 = arith.constant 128 : i32
    %mul3A_17 = arith.muli %add3A, %mul3A_16 : i32
    "tpu.region"() ({
      %run_scoped3A = tpu.sem_alloc : memref<!tpu.dma_semaphore, #tpu.memory_space<semaphore_mem>>
      %dma_start3A_168 = tpu.memref_slice %arg2[%mul3A_17] : memref<4096xi32, #tpu.memory_space<hbm>> -> memref<128xi32, #tpu.memory_space<hbm>>
      %dma_start3A_169 = tpu.memref_slice %arg2[%mul3A_17] : memref<4096xi32, #tpu.memory_space<hbm>> -> memref<128xi32, #tpu.memory_space<hbm>>
      tpu.enqueue_dma source(%dma_start3A_169 : memref<128xi32, #tpu.memory_space<hbm>>) target(%arg7 : memref<128xi32, #tpu.memory_space<vmem>>) target_semaphore(%run_scoped3A : memref<!tpu.dma_semaphore, #tpu.memory_space<semaphore_mem>>)
      %dma_wait3A_170 = tpu.memref_slice %arg2[%mul3A_17] : memref<4096xi32, #tpu.memory_space<hbm>> -> memref<128xi32, #tpu.memory_space<hbm>>
      %dma_wait3A_171 = tpu.memref_slice %arg2[%mul3A_17] : memref<4096xi32, #tpu.memory_space<hbm>> -> memref<128xi32, #tpu.memory_space<hbm>>
      tpu.wait_dma2 semaphore(%run_scoped3A : memref<!tpu.dma_semaphore, #tpu.memory_space<semaphore_mem>>) src(%dma_wait3A_171 : memref<128xi32, #tpu.memory_space<hbm>>) dst(%arg7 : memref<128xi32, #tpu.memory_space<vmem>>)
      tpu.yield
    }) : () -> ()
    %dma_start3A_18 = arith.constant 0 : i32
    %dma_start3A_19 = arith.constant 0 : i32
    %dma_start3A_20 = tpu.memref_slice %arg4[%dma_start3A_18, %dma_start3A_19] : memref<100000x64xf32, #tpu.memory_space<hbm>> -> memref<100000x64xf32, #tpu.memory_space<hbm>>
    tpu.enqueue_indirect_dma source(%dma_start3A_20 : memref<100000x64xf32, #tpu.memory_space<hbm>>) target(%arg8 : memref<128x64xf32, #tpu.memory_space<vmem>>) offsets(%arg7 : memref<128xi32, #tpu.memory_space<vmem>>) semaphore(%arg18 : memref<!tpu.dma_semaphore, #tpu.memory_space<semaphore_mem>>)
    %dma_wait3A = arith.constant 0 : i32
    %dma_wait3A_21 = arith.constant 0 : i32
    %dma_wait3A_22 = tpu.memref_slice %arg4[%dma_wait3A, %dma_wait3A_21] : memref<100000x64xf32, #tpu.memory_space<hbm>> -> memref<100000x64xf32, #tpu.memory_space<hbm>>
    tpu.wait_indirect_dma semaphore(%arg18 : memref<!tpu.dma_semaphore, #tpu.memory_space<semaphore_mem>>) src(%dma_wait3A_22 : memref<100000x64xf32, #tpu.memory_space<hbm>>) dst(%arg8 : memref<128x64xf32, #tpu.memory_space<vmem>>)
    "tpu.region"() ({
      %run_scoped3A = tpu.sem_alloc : memref<!tpu.dma_semaphore, #tpu.memory_space<semaphore_mem>>
      %dma_start3A_168 = arith.constant 0 : i32
      %dma_start3A_169 = tpu.memref_slice %arg5[%mul3A_17, %dma_start3A_168] : memref<4096x64xf32, #tpu.memory_space<hbm>> -> memref<128x64xf32, #tpu.memory_space<hbm>>
      %dma_start3A_170 = arith.constant 0 : i32
      %dma_start3A_171 = tpu.memref_slice %arg5[%mul3A_17, %dma_start3A_170] : memref<4096x64xf32, #tpu.memory_space<hbm>> -> memref<128x64xf32, #tpu.memory_space<hbm>>
      tpu.enqueue_dma source(%arg8 : memref<128x64xf32, #tpu.memory_space<vmem>>) target(%dma_start3A_171 : memref<128x64xf32, #tpu.memory_space<hbm>>) target_semaphore(%run_scoped3A : memref<!tpu.dma_semaphore, #tpu.memory_space<semaphore_mem>>)
      %dma_wait3A_172 = arith.constant 0 : i32
      %dma_wait3A_173 = tpu.memref_slice %arg5[%mul3A_17, %dma_wait3A_172] : memref<4096x64xf32, #tpu.memory_space<hbm>> -> memref<128x64xf32, #tpu.memory_space<hbm>>
      %dma_wait3A_174 = arith.constant 0 : i32
      %dma_wait3A_175 = tpu.memref_slice %arg5[%mul3A_17, %dma_wait3A_174] : memref<4096x64xf32, #tpu.memory_space<hbm>> -> memref<128x64xf32, #tpu.memory_space<hbm>>
      tpu.wait_dma2 semaphore(%run_scoped3A : memref<!tpu.dma_semaphore, #tpu.memory_space<semaphore_mem>>) src(%arg8 : memref<128x64xf32, #tpu.memory_space<vmem>>) dst(%dma_wait3A_175 : memref<128x64xf32, #tpu.memory_space<hbm>>)
      tpu.yield
    }) : () -> ()
    %iota3A = tpu.iota {dimensions = array<i32: 0>} : vector<16xi32>
    %add3A_23 = arith.constant 0 : i32
    %add3A_24 = vector.broadcast %add3A_23 : i32 to vector<16xi32>
    %add3A_25 = arith.addi %iota3A, %add3A_24 : vector<16xi32>
    %add3A_26 = arith.constant 16 : i32
    %add3A_27 = vector.broadcast %add3A_26 : i32 to vector<16xi32>
    %add3A_28 = arith.addi %iota3A, %add3A_27 : vector<16xi32>
    %add3A_29 = arith.constant 32 : i32
    %add3A_30 = vector.broadcast %add3A_29 : i32 to vector<16xi32>
    %add3A_31 = arith.addi %iota3A, %add3A_30 : vector<16xi32>
    %add3A_32 = arith.constant 48 : i32
    %add3A_33 = vector.broadcast %add3A_32 : i32 to vector<16xi32>
    %add3A_34 = arith.addi %iota3A, %add3A_33 : vector<16xi32>
    %add3A_35 = arith.constant 64 : i32
    %add3A_36 = vector.broadcast %add3A_35 : i32 to vector<16xi32>
    %add3A_37 = arith.addi %iota3A, %add3A_36 : vector<16xi32>
    %add3A_38 = arith.constant 80 : i32
    %add3A_39 = vector.broadcast %add3A_38 : i32 to vector<16xi32>
    %add3A_40 = arith.addi %iota3A, %add3A_39 : vector<16xi32>
    %add3A_41 = arith.constant 96 : i32
    %add3A_42 = vector.broadcast %add3A_41 : i32 to vector<16xi32>
    %add3A_43 = arith.addi %iota3A, %add3A_42 : vector<16xi32>
    %add3A_44 = arith.constant 112 : i32
    %add3A_45 = vector.broadcast %add3A_44 : i32 to vector<16xi32>
    %add3A_46 = arith.addi %iota3A, %add3A_45 : vector<16xi32>
    %add3A_47 = arith.constant 0 : i32
    %add3A_48 = vector.broadcast %add3A_47 : i32 to vector<16xi32>
    %add3A_49 = arith.addi %iota3A, %add3A_48 : vector<16xi32>
    %and3A = arith.constant 15 : i32
    %and3A_50 = vector.broadcast %and3A : i32 to vector<16xi32>
    %and3A_51 = arith.andi %add3A_49, %and3A_50 : vector<16xi32>
    %add3A_52 = arith.constant 1 : i32
    %add3A_53 = vector.broadcast %add3A_52 : i32 to vector<16xi32>
    %add3A_54 = arith.addi %iota3A, %add3A_53 : vector<16xi32>
    %and3A_55 = arith.constant 15 : i32
    %and3A_56 = vector.broadcast %and3A_55 : i32 to vector<16xi32>
    %and3A_57 = arith.andi %add3A_54, %and3A_56 : vector<16xi32>
    %add3A_58 = arith.constant 2 : i32
    %add3A_59 = vector.broadcast %add3A_58 : i32 to vector<16xi32>
    %add3A_60 = arith.addi %iota3A, %add3A_59 : vector<16xi32>
    %and3A_61 = arith.constant 15 : i32
    %and3A_62 = vector.broadcast %and3A_61 : i32 to vector<16xi32>
    %and3A_63 = arith.andi %add3A_60, %and3A_62 : vector<16xi32>
    %add3A_64 = arith.constant 3 : i32
    %add3A_65 = vector.broadcast %add3A_64 : i32 to vector<16xi32>
    %add3A_66 = arith.addi %iota3A, %add3A_65 : vector<16xi32>
    %and3A_67 = arith.constant 15 : i32
    %and3A_68 = vector.broadcast %and3A_67 : i32 to vector<16xi32>
    %and3A_69 = arith.andi %add3A_66, %and3A_68 : vector<16xi32>
    %add3A_70 = arith.constant 4 : i32
    %add3A_71 = vector.broadcast %add3A_70 : i32 to vector<16xi32>
    %add3A_72 = arith.addi %iota3A, %add3A_71 : vector<16xi32>
    %and3A_73 = arith.constant 15 : i32
    %and3A_74 = vector.broadcast %and3A_73 : i32 to vector<16xi32>
    %and3A_75 = arith.andi %add3A_72, %and3A_74 : vector<16xi32>
    %add3A_76 = arith.constant 5 : i32
    %add3A_77 = vector.broadcast %add3A_76 : i32 to vector<16xi32>
    %add3A_78 = arith.addi %iota3A, %add3A_77 : vector<16xi32>
    %and3A_79 = arith.constant 15 : i32
    %and3A_80 = vector.broadcast %and3A_79 : i32 to vector<16xi32>
    %and3A_81 = arith.andi %add3A_78, %and3A_80 : vector<16xi32>
    %add3A_82 = arith.constant 6 : i32
    %add3A_83 = vector.broadcast %add3A_82 : i32 to vector<16xi32>
    %add3A_84 = arith.addi %iota3A, %add3A_83 : vector<16xi32>
    %and3A_85 = arith.constant 15 : i32
    %and3A_86 = vector.broadcast %and3A_85 : i32 to vector<16xi32>
    %and3A_87 = arith.andi %add3A_84, %and3A_86 : vector<16xi32>
    %add3A_88 = arith.constant 7 : i32
    %add3A_89 = vector.broadcast %add3A_88 : i32 to vector<16xi32>
    %add3A_90 = arith.addi %iota3A, %add3A_89 : vector<16xi32>
    %and3A_91 = arith.constant 15 : i32
    %and3A_92 = vector.broadcast %and3A_91 : i32 to vector<16xi32>
    %and3A_93 = arith.andi %add3A_90, %and3A_92 : vector<16xi32>
    %add3A_94 = arith.constant 8 : i32
    %add3A_95 = vector.broadcast %add3A_94 : i32 to vector<16xi32>
    %add3A_96 = arith.addi %iota3A, %add3A_95 : vector<16xi32>
    %and3A_97 = arith.constant 15 : i32
    %and3A_98 = vector.broadcast %and3A_97 : i32 to vector<16xi32>
    %and3A_99 = arith.andi %add3A_96, %and3A_98 : vector<16xi32>
    %add3A_100 = arith.constant 9 : i32
    %add3A_101 = vector.broadcast %add3A_100 : i32 to vector<16xi32>
    %add3A_102 = arith.addi %iota3A, %add3A_101 : vector<16xi32>
    %and3A_103 = arith.constant 15 : i32
    %and3A_104 = vector.broadcast %and3A_103 : i32 to vector<16xi32>
    %and3A_105 = arith.andi %add3A_102, %and3A_104 : vector<16xi32>
    %add3A_106 = arith.constant 10 : i32
    %add3A_107 = vector.broadcast %add3A_106 : i32 to vector<16xi32>
    %add3A_108 = arith.addi %iota3A, %add3A_107 : vector<16xi32>
    %and3A_109 = arith.constant 15 : i32
    %and3A_110 = vector.broadcast %and3A_109 : i32 to vector<16xi32>
    %and3A_111 = arith.andi %add3A_108, %and3A_110 : vector<16xi32>
    %add3A_112 = arith.constant 11 : i32
    %add3A_113 = vector.broadcast %add3A_112 : i32 to vector<16xi32>
    %add3A_114 = arith.addi %iota3A, %add3A_113 : vector<16xi32>
    %and3A_115 = arith.constant 15 : i32
    %and3A_116 = vector.broadcast %and3A_115 : i32 to vector<16xi32>
    %and3A_117 = arith.andi %add3A_114, %and3A_116 : vector<16xi32>
    %add3A_118 = arith.constant 12 : i32
    %add3A_119 = vector.broadcast %add3A_118 : i32 to vector<16xi32>
    %add3A_120 = arith.addi %iota3A, %add3A_119 : vector<16xi32>
    %and3A_121 = arith.constant 15 : i32
    %and3A_122 = vector.broadcast %and3A_121 : i32 to vector<16xi32>
    %and3A_123 = arith.andi %add3A_120, %and3A_122 : vector<16xi32>
    %add3A_124 = arith.constant 13 : i32
    %add3A_125 = vector.broadcast %add3A_124 : i32 to vector<16xi32>
    %add3A_126 = arith.addi %iota3A, %add3A_125 : vector<16xi32>
    %and3A_127 = arith.constant 15 : i32
    %and3A_128 = vector.broadcast %and3A_127 : i32 to vector<16xi32>
    %and3A_129 = arith.andi %add3A_126, %and3A_128 : vector<16xi32>
    %add3A_130 = arith.constant 14 : i32
    %add3A_131 = vector.broadcast %add3A_130 : i32 to vector<16xi32>
    %add3A_132 = arith.addi %iota3A, %add3A_131 : vector<16xi32>
    %and3A_133 = arith.constant 15 : i32
    %and3A_134 = vector.broadcast %and3A_133 : i32 to vector<16xi32>
    %and3A_135 = arith.andi %add3A_132, %and3A_134 : vector<16xi32>
    %add3A_136 = arith.constant 15 : i32
    %add3A_137 = vector.broadcast %add3A_136 : i32 to vector<16xi32>
    %add3A_138 = arith.addi %iota3A, %add3A_137 : vector<16xi32>
    %and3A_139 = arith.constant 15 : i32
    %and3A_140 = vector.broadcast %and3A_139 : i32 to vector<16xi32>
    %and3A_141 = arith.andi %add3A_138, %and3A_140 : vector<16xi32>
    %scan3A = arith.constant 0 : i32
    %scan3A_142 = arith.constant 100 : i32
    %scan3A_143 = arith.addi %scan3A, %scan3A_142 : i32
    %scan3A_144 = arith.constant 1 : i32
    scf.for %scan3A_168 = %scan3A to %scan3A_143 step %scan3A_144  : i32 {
      %mul3A_169 = arith.constant 2 : i32
      %mul3A_170 = arith.muli %scan3A_168, %mul3A_169 : i32
      %add3A_171 = arith.constant 0 : i32
      %add3A_172 = arith.addi %add3A_171, %mul3A_170 : i32
      %add3A_173 = arith.constant 0 : i32
      %add3A_174 = arith.addi %add3A_172, %add3A_173 : i32
      %dma_wait3A_175 = arith.constant 0 : i32
      %dma_wait3A_176 = tpu.memref_slice %arg9[%add3A_174, %dma_wait3A_175] : memref<200x128xi32, #tpu.memory_space<vmem>> -> memref<1x128xi32, #tpu.memory_space<vmem>>
      %dma_wait3A_177 = tpu.memref_squeeze %dma_wait3A_176 : memref<1x128xi32, #tpu.memory_space<vmem>> -> memref<128xi32, #tpu.memory_space<vmem>>
      %dma_wait3A_178 = arith.constant 0 : i32
      %dma_wait3A_179 = arith.constant 0 : i32
      %dma_wait3A_180 = tpu.memref_slice %arg4[%dma_wait3A_178, %dma_wait3A_179] : memref<100000x64xf32, #tpu.memory_space<hbm>> -> memref<100000x64xf32, #tpu.memory_space<hbm>>
      tpu.wait_indirect_dma semaphore(%arg14 : memref<!tpu.dma_semaphore, #tpu.memory_space<semaphore_mem>>) src(%dma_wait3A_180 : memref<100000x64xf32, #tpu.memory_space<hbm>>) dst(%arg10 : memref<128x64xf32, #tpu.memory_space<vmem>>)
      %ge3A = arith.constant 2 : i32
      %ge3A_181 = arith.cmpi sge, %add3A_172, %ge3A : i32
      %convert_element_type3A = arith.extui %ge3A_181 : i1 to i32
      %cond3A = arith.constant 0 : i32
      %cond3A_182 = arith.cmpi ne, %convert_element_type3A, %cond3A : i32
      scf.if %cond3A_182 {
        %sub3A = arith.constant 2 : i32
        %sub3A_239 = arith.subi %add3A_174, %sub3A : i32
        %dma_wait3A_240 = arith.constant 0 : i32
        %dma_wait3A_241 = arith.constant 0 : i32
        %dma_wait3A_242 = arith.constant 0 : i32
        %dma_wait3A_243 = tpu.memref_slice %arg6[%sub3A_239, %dma_wait3A_240, %add3A, %dma_wait3A_241, %dma_wait3A_242] : memref<200x8x32x8x128xf32, #tpu.memory_space<hbm>> -> memref<1x8x1x8x128xf32, #tpu.memory_space<hbm>>
        %dma_wait3A_244 = tpu.memref_squeeze %dma_wait3A_243 : memref<1x8x1x8x128xf32, #tpu.memory_space<hbm>> -> memref<8x8x128xf32, #tpu.memory_space<hbm>>
        %dma_wait3A_245 = arith.constant 0 : i32
        %dma_wait3A_246 = arith.constant 0 : i32
        %dma_wait3A_247 = arith.constant 0 : i32
        %dma_wait3A_248 = tpu.memref_slice %arg6[%sub3A_239, %dma_wait3A_245, %add3A, %dma_wait3A_246, %dma_wait3A_247] : memref<200x8x32x8x128xf32, #tpu.memory_space<hbm>> -> memref<1x8x1x8x128xf32, #tpu.memory_space<hbm>>
        %dma_wait3A_249 = tpu.memref_squeeze %dma_wait3A_248 : memref<1x8x1x8x128xf32, #tpu.memory_space<hbm>> -> memref<8x8x128xf32, #tpu.memory_space<hbm>>
        tpu.wait_dma2 semaphore(%arg16 : memref<!tpu.dma_semaphore, #tpu.memory_space<semaphore_mem>>) src(%arg12 : memref<8x8x128xf32, #tpu.memory_space<vmem>>) dst(%dma_wait3A_249 : memref<8x8x128xf32, #tpu.memory_space<hbm>>)
      } else {
      }
      %scan3A_183 = arith.constant 0 : i32
      %scan3A_184 = arith.constant 4 : i32
      %scan3A_185 = arith.addi %scan3A_183, %scan3A_184 : i32
      %scan3A_186 = arith.constant 1 : i32
      scf.for %scan3A_239 = %scan3A_183 to %scan3A_185 step %scan3A_186  : i32 {
        %mul3A_240 = arith.constant 1 : i32
        %mul3A_241 = arith.muli %scan3A_239, %mul3A_240 : i32
        %add3A_242 = arith.constant 0 : i32
        %add3A_243 = arith.addi %add3A_242, %mul3A_241 : i32
        %mul3A_244 = arith.constant 16 : i32
        %mul3A_245 = arith.muli %add3A_243, %mul3A_244 : i32
        %add3A_246 = vector.broadcast %mul3A_245 : i32 to vector<16xi32>
        %add3A_247 = arith.addi %and3A_51, %add3A_246 : vector<16xi32>
        %add3A_248 = vector.broadcast %mul3A_245 : i32 to vector<16xi32>
        %add3A_249 = arith.addi %and3A_57, %add3A_248 : vector<16xi32>
        %add3A_250 = vector.broadcast %mul3A_245 : i32 to vector<16xi32>
        %add3A_251 = arith.addi %and3A_63, %add3A_250 : vector<16xi32>
        %add3A_252 = vector.broadcast %mul3A_245 : i32 to vector<16xi32>
        %add3A_253 = arith.addi %and3A_69, %add3A_252 : vector<16xi32>
        %add3A_254 = vector.broadcast %mul3A_245 : i32 to vector<16xi32>
        %add3A_255 = arith.addi %and3A_75, %add3A_254 : vector<16xi32>
        %add3A_256 = vector.broadcast %mul3A_245 : i32 to vector<16xi32>
        %add3A_257 = arith.addi %and3A_81, %add3A_256 : vector<16xi32>
        %add3A_258 = vector.broadcast %mul3A_245 : i32 to vector<16xi32>
        %add3A_259 = arith.addi %and3A_87, %add3A_258 : vector<16xi32>
        %add3A_260 = vector.broadcast %mul3A_245 : i32 to vector<16xi32>
        %add3A_261 = arith.addi %and3A_93, %add3A_260 : vector<16xi32>
        %add3A_262 = vector.broadcast %mul3A_245 : i32 to vector<16xi32>
        %add3A_263 = arith.addi %and3A_99, %add3A_262 : vector<16xi32>
        %add3A_264 = vector.broadcast %mul3A_245 : i32 to vector<16xi32>
        %add3A_265 = arith.addi %and3A_105, %add3A_264 : vector<16xi32>
        %add3A_266 = vector.broadcast %mul3A_245 : i32 to vector<16xi32>
        %add3A_267 = arith.addi %and3A_111, %add3A_266 : vector<16xi32>
        %add3A_268 = vector.broadcast %mul3A_245 : i32 to vector<16xi32>
        %add3A_269 = arith.addi %and3A_117, %add3A_268 : vector<16xi32>
        %add3A_270 = vector.broadcast %mul3A_245 : i32 to vector<16xi32>
        %add3A_271 = arith.addi %and3A_123, %add3A_270 : vector<16xi32>
        %add3A_272 = vector.broadcast %mul3A_245 : i32 to vector<16xi32>
        %add3A_273 = arith.addi %and3A_129, %add3A_272 : vector<16xi32>
        %add3A_274 = vector.broadcast %mul3A_245 : i32 to vector<16xi32>
        %add3A_275 = arith.addi %and3A_135, %add3A_274 : vector<16xi32>
        %add3A_276 = vector.broadcast %mul3A_245 : i32 to vector<16xi32>
        %add3A_277 = arith.addi %and3A_141, %add3A_276 : vector<16xi32>
        %shift_right_arithmetic3A = arith.constant 3 : i32
        %shift_right_arithmetic3A_278 = vector.broadcast %shift_right_arithmetic3A : i32 to vector<16xi32>
        %shift_right_arithmetic3A_279 = arith.shrsi %add3A_247, %shift_right_arithmetic3A_278 : vector<16xi32>
        %shift_right_arithmetic3A_280 = arith.constant 3 : i32
        %shift_right_arithmetic3A_281 = vector.broadcast %shift_right_arithmetic3A_280 : i32 to vector<16xi32>
        %shift_right_arithmetic3A_282 = arith.shrsi %add3A_249, %shift_right_arithmetic3A_281 : vector<16xi32>
        %shift_right_arithmetic3A_283 = arith.constant 3 : i32
        %shift_right_arithmetic3A_284 = vector.broadcast %shift_right_arithmetic3A_283 : i32 to vector<16xi32>
        %shift_right_arithmetic3A_285 = arith.shrsi %add3A_251, %shift_right_arithmetic3A_284 : vector<16xi32>
        %shift_right_arithmetic3A_286 = arith.constant 3 : i32
        %shift_right_arithmetic3A_287 = vector.broadcast %shift_right_arithmetic3A_286 : i32 to vector<16xi32>
        %shift_right_arithmetic3A_288 = arith.shrsi %add3A_253, %shift_right_arithmetic3A_287 : vector<16xi32>
        %shift_right_arithmetic3A_289 = arith.constant 3 : i32
        %shift_right_arithmetic3A_290 = vector.broadcast %shift_right_arithmetic3A_289 : i32 to vector<16xi32>
        %shift_right_arithmetic3A_291 = arith.shrsi %add3A_255, %shift_right_arithmetic3A_290 : vector<16xi32>
        %shift_right_arithmetic3A_292 = arith.constant 3 : i32
        %shift_right_arithmetic3A_293 = vector.broadcast %shift_right_arithmetic3A_292 : i32 to vector<16xi32>
        %shift_right_arithmetic3A_294 = arith.shrsi %add3A_257, %shift_right_arithmetic3A_293 : vector<16xi32>
        %shift_right_arithmetic3A_295 = arith.constant 3 : i32
        %shift_right_arithmetic3A_296 = vector.broadcast %shift_right_arithmetic3A_295 : i32 to vector<16xi32>
        %shift_right_arithmetic3A_297 = arith.shrsi %add3A_259, %shift_right_arithmetic3A_296 : vector<16xi32>
        %shift_right_arithmetic3A_298 = arith.constant 3 : i32
        %shift_right_arithmetic3A_299 = vector.broadcast %shift_right_arithmetic3A_298 : i32 to vector<16xi32>
        %shift_right_arithmetic3A_300 = arith.shrsi %add3A_261, %shift_right_arithmetic3A_299 : vector<16xi32>
        %shift_right_arithmetic3A_301 = arith.constant 3 : i32
        %shift_right_arithmetic3A_302 = vector.broadcast %shift_right_arithmetic3A_301 : i32 to vector<16xi32>
        %shift_right_arithmetic3A_303 = arith.shrsi %add3A_263, %shift_right_arithmetic3A_302 : vector<16xi32>
        %shift_right_arithmetic3A_304 = arith.constant 3 : i32
        %shift_right_arithmetic3A_305 = vector.broadcast %shift_right_arithmetic3A_304 : i32 to vector<16xi32>
        %shift_right_arithmetic3A_306 = arith.shrsi %add3A_265, %shift_right_arithmetic3A_305 : vector<16xi32>
        %shift_right_arithmetic3A_307 = arith.constant 3 : i32
        %shift_right_arithmetic3A_308 = vector.broadcast %shift_right_arithmetic3A_307 : i32 to vector<16xi32>
        %shift_right_arithmetic3A_309 = arith.shrsi %add3A_267, %shift_right_arithmetic3A_308 : vector<16xi32>
        %shift_right_arithmetic3A_310 = arith.constant 3 : i32
        %shift_right_arithmetic3A_311 = vector.broadcast %shift_right_arithmetic3A_310 : i32 to vector<16xi32>
        %shift_right_arithmetic3A_312 = arith.shrsi %add3A_269, %shift_right_arithmetic3A_311 : vector<16xi32>
        %shift_right_arithmetic3A_313 = arith.constant 3 : i32
        %shift_right_arithmetic3A_314 = vector.broadcast %shift_right_arithmetic3A_313 : i32 to vector<16xi32>
        %shift_right_arithmetic3A_315 = arith.shrsi %add3A_271, %shift_right_arithmetic3A_314 : vector<16xi32>
        %shift_right_arithmetic3A_316 = arith.constant 3 : i32
        %shift_right_arithmetic3A_317 = vector.broadcast %shift_right_arithmetic3A_316 : i32 to vector<16xi32>
        %shift_right_arithmetic3A_318 = arith.shrsi %add3A_273, %shift_right_arithmetic3A_317 : vector<16xi32>
        %shift_right_arithmetic3A_319 = arith.constant 3 : i32
        %shift_right_arithmetic3A_320 = vector.broadcast %shift_right_arithmetic3A_319 : i32 to vector<16xi32>
        %shift_right_arithmetic3A_321 = arith.shrsi %add3A_275, %shift_right_arithmetic3A_320 : vector<16xi32>
        %shift_right_arithmetic3A_322 = arith.constant 3 : i32
        %shift_right_arithmetic3A_323 = vector.broadcast %shift_right_arithmetic3A_322 : i32 to vector<16xi32>
        %shift_right_arithmetic3A_324 = arith.shrsi %add3A_277, %shift_right_arithmetic3A_323 : vector<16xi32>
        %and3A_325 = arith.constant 7 : i32
        %and3A_326 = vector.broadcast %and3A_325 : i32 to vector<16xi32>
        %and3A_327 = arith.andi %add3A_247, %and3A_326 : vector<16xi32>
        %and3A_328 = arith.constant 7 : i32
        %and3A_329 = vector.broadcast %and3A_328 : i32 to vector<16xi32>
        %and3A_330 = arith.andi %add3A_249, %and3A_329 : vector<16xi32>
        %and3A_331 = arith.constant 7 : i32
        %and3A_332 = vector.broadcast %and3A_331 : i32 to vector<16xi32>
        %and3A_333 = arith.andi %add3A_251, %and3A_332 : vector<16xi32>
        %and3A_334 = arith.constant 7 : i32
        %and3A_335 = vector.broadcast %and3A_334 : i32 to vector<16xi32>
        %and3A_336 = arith.andi %add3A_253, %and3A_335 : vector<16xi32>
        %and3A_337 = arith.constant 7 : i32
        %and3A_338 = vector.broadcast %and3A_337 : i32 to vector<16xi32>
        %and3A_339 = arith.andi %add3A_255, %and3A_338 : vector<16xi32>
        %and3A_340 = arith.constant 7 : i32
        %and3A_341 = vector.broadcast %and3A_340 : i32 to vector<16xi32>
        %and3A_342 = arith.andi %add3A_257, %and3A_341 : vector<16xi32>
        %and3A_343 = arith.constant 7 : i32
        %and3A_344 = vector.broadcast %and3A_343 : i32 to vector<16xi32>
        %and3A_345 = arith.andi %add3A_259, %and3A_344 : vector<16xi32>
        %and3A_346 = arith.constant 7 : i32
        %and3A_347 = vector.broadcast %and3A_346 : i32 to vector<16xi32>
        %and3A_348 = arith.andi %add3A_261, %and3A_347 : vector<16xi32>
        %and3A_349 = arith.constant 7 : i32
        %and3A_350 = vector.broadcast %and3A_349 : i32 to vector<16xi32>
        %and3A_351 = arith.andi %add3A_263, %and3A_350 : vector<16xi32>
        %and3A_352 = arith.constant 7 : i32
        %and3A_353 = vector.broadcast %and3A_352 : i32 to vector<16xi32>
        %and3A_354 = arith.andi %add3A_265, %and3A_353 : vector<16xi32>
        %and3A_355 = arith.constant 7 : i32
        %and3A_356 = vector.broadcast %and3A_355 : i32 to vector<16xi32>
        %and3A_357 = arith.andi %add3A_267, %and3A_356 : vector<16xi32>
        %and3A_358 = arith.constant 7 : i32
        %and3A_359 = vector.broadcast %and3A_358 : i32 to vector<16xi32>
        %and3A_360 = arith.andi %add3A_269, %and3A_359 : vector<16xi32>
        %and3A_361 = arith.constant 7 : i32
        %and3A_362 = vector.broadcast %and3A_361 : i32 to vector<16xi32>
        %and3A_363 = arith.andi %add3A_271, %and3A_362 : vector<16xi32>
        %and3A_364 = arith.constant 7 : i32
        %and3A_365 = vector.broadcast %and3A_364 : i32 to vector<16xi32>
        %and3A_366 = arith.andi %add3A_273, %and3A_365 : vector<16xi32>
        %and3A_367 = arith.constant 7 : i32
        %and3A_368 = vector.broadcast %and3A_367 : i32 to vector<16xi32>
        %and3A_369 = arith.andi %add3A_275, %and3A_368 : vector<16xi32>
        %and3A_370 = arith.constant 7 : i32
        %and3A_371 = vector.broadcast %and3A_370 : i32 to vector<16xi32>
        %and3A_372 = arith.andi %add3A_277, %and3A_371 : vector<16xi32>
        %gather3A = tpu.vector_load_idx %arg10[%add3A_25, %add3A_247] : memref<128x64xf32, #tpu.memory_space<vmem>>[vector<16xi32>, vector<16xi32>], vector<16xf32>,
        tpu.vector_store_idx %arg12[%shift_right_arithmetic3A_279, %and3A_327, %add3A_25], %gather3A : memref<8x8x128xf32, #tpu.memory_space<vmem>>[vector<16xi32>, vector<16xi32>, vector<16xi32>], vector<16xf32>,
        %gather3A_373 = tpu.vector_load_idx %arg10[%add3A_25, %add3A_249] : memref<128x64xf32, #tpu.memory_space<vmem>>[vector<16xi32>, vector<16xi32>], vector<16xf32>,
        tpu.vector_store_idx %arg12[%shift_right_arithmetic3A_282, %and3A_330, %add3A_25], %gather3A_373 : memref<8x8x128xf32, #tpu.memory_space<vmem>>[vector<16xi32>, vector<16xi32>, vector<16xi32>], vector<16xf32>,
        %gather3A_374 = tpu.vector_load_idx %arg10[%add3A_25, %add3A_251] : memref<128x64xf32, #tpu.memory_space<vmem>>[vector<16xi32>, vector<16xi32>], vector<16xf32>,
        tpu.vector_store_idx %arg12[%shift_right_arithmetic3A_285, %and3A_333, %add3A_25], %gather3A_374 : memref<8x8x128xf32, #tpu.memory_space<vmem>>[vector<16xi32>, vector<16xi32>, vector<16xi32>], vector<16xf32>,
        %gather3A_375 = tpu.vector_load_idx %arg10[%add3A_25, %add3A_253] : memref<128x64xf32, #tpu.memory_space<vmem>>[vector<16xi32>, vector<16xi32>], vector<16xf32>,
        tpu.vector_store_idx %arg12[%shift_right_arithmetic3A_288, %and3A_336, %add3A_25], %gather3A_375 : memref<8x8x128xf32, #tpu.memory_space<vmem>>[vector<16xi32>, vector<16xi32>, vector<16xi32>], vector<16xf32>,
        %gather3A_376 = tpu.vector_load_idx %arg10[%add3A_25, %add3A_255] : memref<128x64xf32, #tpu.memory_space<vmem>>[vector<16xi32>, vector<16xi32>], vector<16xf32>,
        tpu.vector_store_idx %arg12[%shift_right_arithmetic3A_291, %and3A_339, %add3A_25], %gather3A_376 : memref<8x8x128xf32, #tpu.memory_space<vmem>>[vector<16xi32>, vector<16xi32>, vector<16xi32>], vector<16xf32>,
        %gather3A_377 = tpu.vector_load_idx %arg10[%add3A_25, %add3A_257] : memref<128x64xf32, #tpu.memory_space<vmem>>[vector<16xi32>, vector<16xi32>], vector<16xf32>,
        tpu.vector_store_idx %arg12[%shift_right_arithmetic3A_294, %and3A_342, %add3A_25], %gather3A_377 : memref<8x8x128xf32, #tpu.memory_space<vmem>>[vector<16xi32>, vector<16xi32>, vector<16xi32>], vector<16xf32>,
        %gather3A_378 = tpu.vector_load_idx %arg10[%add3A_25, %add3A_259] : memref<128x64xf32, #tpu.memory_space<vmem>>[vector<16xi32>, vector<16xi32>], vector<16xf32>,
        tpu.vector_store_idx %arg12[%shift_right_arithmetic3A_297, %and3A_345, %add3A_25], %gather3A_378 : memref<8x8x128xf32, #tpu.memory_space<vmem>>[vector<16xi32>, vector<16xi32>, vector<16xi32>], vector<16xf32>,
        %gather3A_379 = tpu.vector_load_idx %arg10[%add3A_25, %add3A_261] : memref<128x64xf32, #tpu.memory_space<vmem>>[vector<16xi32>, vector<16xi32>], vector<16xf32>,
        tpu.vector_store_idx %arg12[%shift_right_arithmetic3A_300, %and3A_348, %add3A_25], %gather3A_379 : memref<8x8x128xf32, #tpu.memory_space<vmem>>[vector<16xi32>, vector<16xi32>, vector<16xi32>], vector<16xf32>,
        %gather3A_380 = tpu.vector_load_idx %arg10[%add3A_25, %add3A_263] : memref<128x64xf32, #tpu.memory_space<vmem>>[vector<16xi32>, vector<16xi32>], vector<16xf32>,
        tpu.vector_store_idx %arg12[%shift_right_arithmetic3A_303, %and3A_351, %add3A_25], %gather3A_380 : memref<8x8x128xf32, #tpu.memory_space<vmem>>[vector<16xi32>, vector<16xi32>, vector<16xi32>], vector<16xf32>,
        %gather3A_381 = tpu.vector_load_idx %arg10[%add3A_25, %add3A_265] : memref<128x64xf32, #tpu.memory_space<vmem>>[vector<16xi32>, vector<16xi32>], vector<16xf32>,
        tpu.vector_store_idx %arg12[%shift_right_arithmetic3A_306, %and3A_354, %add3A_25], %gather3A_381 : memref<8x8x128xf32, #tpu.memory_space<vmem>>[vector<16xi32>, vector<16xi32>, vector<16xi32>], vector<16xf32>,
        %gather3A_382 = tpu.vector_load_idx %arg10[%add3A_25, %add3A_267] : memref<128x64xf32, #tpu.memory_space<vmem>>[vector<16xi32>, vector<16xi32>], vector<16xf32>,
        tpu.vector_store_idx %arg12[%shift_right_arithmetic3A_309, %and3A_357, %add3A_25], %gather3A_382 : memref<8x8x128xf32, #tpu.memory_space<vmem>>[vector<16xi32>, vector<16xi32>, vector<16xi32>], vector<16xf32>,
        %gather3A_383 = tpu.vector_load_idx %arg10[%add3A_25, %add3A_269] : memref<128x64xf32, #tpu.memory_space<vmem>>[vector<16xi32>, vector<16xi32>], vector<16xf32>,
        tpu.vector_store_idx %arg12[%shift_right_arithmetic3A_312, %and3A_360, %add3A_25], %gather3A_383 : memref<8x8x128xf32, #tpu.memory_space<vmem>>[vector<16xi32>, vector<16xi32>, vector<16xi32>], vector<16xf32>,
        %gather3A_384 = tpu.vector_load_idx %arg10[%add3A_25, %add3A_271] : memref<128x64xf32, #tpu.memory_space<vmem>>[vector<16xi32>, vector<16xi32>], vector<16xf32>,
        tpu.vector_store_idx %arg12[%shift_right_arithmetic3A_315, %and3A_363, %add3A_25], %gather3A_384 : memref<8x8x128xf32, #tpu.memory_space<vmem>>[vector<16xi32>, vector<16xi32>, vector<16xi32>], vector<16xf32>,
        %gather3A_385 = tpu.vector_load_idx %arg10[%add3A_25, %add3A_273] : memref<128x64xf32, #tpu.memory_space<vmem>>[vector<16xi32>, vector<16xi32>], vector<16xf32>,
        tpu.vector_store_idx %arg12[%shift_right_arithmetic3A_318, %and3A_366, %add3A_25], %gather3A_385 : memref<8x8x128xf32, #tpu.memory_space<vmem>>[vector<16xi32>, vector<16xi32>, vector<16xi32>], vector<16xf32>,
        %gather3A_386 = tpu.vector_load_idx %arg10[%add3A_25, %add3A_275] : memref<128x64xf32, #tpu.memory_space<vmem>>[vector<16xi32>, vector<16xi32>], vector<16xf32>,
        tpu.vector_store_idx %arg12[%shift_right_arithmetic3A_321, %and3A_369, %add3A_25], %gather3A_386 : memref<8x8x128xf32, #tpu.memory_space<vmem>>[vector<16xi32>, vector<16xi32>, vector<16xi32>], vector<16xf32>,
        %gather3A_387 = tpu.vector_load_idx %arg10[%add3A_25, %add3A_277] : memref<128x64xf32, #tpu.memory_space<vmem>>[vector<16xi32>, vector<16xi32>], vector<16xf32>,
        tpu.vector_store_idx %arg12[%shift_right_arithmetic3A_324, %and3A_372, %add3A_25], %gather3A_387 : memref<8x8x128xf32, #tpu.memory_space<vmem>>[vector<16xi32>, vector<16xi32>, vector<16xi32>], vector<16xf32>,
        %gather3A_388 = tpu.vector_load_idx %arg10[%add3A_28, %add3A_247] : memref<128x64xf32, #tpu.memory_space<vmem>>[vector<16xi32>, vector<16xi32>], vector<16xf32>,
        tpu.vector_store_idx %arg12[%shift_right_arithmetic3A_279, %and3A_327, %add3A_28], %gather3A_388 : memref<8x8x128xf32, #tpu.memory_space<vmem>>[vector<16xi32>, vector<16xi32>, vector<16xi32>], vector<16xf32>,
        %gather3A_389 = tpu.vector_load_idx %arg10[%add3A_28, %add3A_249] : memref<128x64xf32, #tpu.memory_space<vmem>>[vector<16xi32>, vector<16xi32>], vector<16xf32>,
        tpu.vector_store_idx %arg12[%shift_right_arithmetic3A_282, %and3A_330, %add3A_28], %gather3A_389 : memref<8x8x128xf32, #tpu.memory_space<vmem>>[vector<16xi32>, vector<16xi32>, vector<16xi32>], vector<16xf32>,
        %gather3A_390 = tpu.vector_load_idx %arg10[%add3A_28, %add3A_251] : memref<128x64xf32, #tpu.memory_space<vmem>>[vector<16xi32>, vector<16xi32>], vector<16xf32>,
        tpu.vector_store_idx %arg12[%shift_right_arithmetic3A_285, %and3A_333, %add3A_28], %gather3A_390 : memref<8x8x128xf32, #tpu.memory_space<vmem>>[vector<16xi32>, vector<16xi32>, vector<16xi32>], vector<16xf32>,
        %gather3A_391 = tpu.vector_load_idx %arg10[%add3A_28, %add3A_253] : memref<128x64xf32, #tpu.memory_space<vmem>>[vector<16xi32>, vector<16xi32>], vector<16xf32>,
        tpu.vector_store_idx %arg12[%shift_right_arithmetic3A_288, %and3A_336, %add3A_28], %gather3A_391 : memref<8x8x128xf32, #tpu.memory_space<vmem>>[vector<16xi32>, vector<16xi32>, vector<16xi32>], vector<16xf32>,
        %gather3A_392 = tpu.vector_load_idx %arg10[%add3A_28, %add3A_255] : memref<128x64xf32, #tpu.memory_space<vmem>>[vector<16xi32>, vector<16xi32>], vector<16xf32>,
        tpu.vector_store_idx %arg12[%shift_right_arithmetic3A_291, %and3A_339, %add3A_28], %gather3A_392 : memref<8x8x128xf32, #tpu.memory_space<vmem>>[vector<16xi32>, vector<16xi32>, vector<16xi32>], vector<16xf32>,
        %gather3A_393 = tpu.vector_load_idx %arg10[%add3A_28, %add3A_257] : memref<128x64xf32, #tpu.memory_space<vmem>>[vector<16xi32>, vector<16xi32>], vector<16xf32>,
        tpu.vector_store_idx %arg12[%shift_right_arithmetic3A_294, %and3A_342, %add3A_28], %gather3A_393 : memref<8x8x128xf32, #tpu.memory_space<vmem>>[vector<16xi32>, vector<16xi32>, vector<16xi32>], vector<16xf32>,
        %gather3A_394 = tpu.vector_load_idx %arg10[%add3A_28, %add3A_259] : memref<128x64xf32, #tpu.memory_space<vmem>>[vector<16xi32>, vector<16xi32>], vector<16xf32>,
        tpu.vector_store_idx %arg12[%shift_right_arithmetic3A_297, %and3A_345, %add3A_28], %gather3A_394 : memref<8x8x128xf32, #tpu.memory_space<vmem>>[vector<16xi32>, vector<16xi32>, vector<16xi32>], vector<16xf32>,
        %gather3A_395 = tpu.vector_load_idx %arg10[%add3A_28, %add3A_261] : memref<128x64xf32, #tpu.memory_space<vmem>>[vector<16xi32>, vector<16xi32>], vector<16xf32>,
        tpu.vector_store_idx %arg12[%shift_right_arithmetic3A_300, %and3A_348, %add3A_28], %gather3A_395 : memref<8x8x128xf32, #tpu.memory_space<vmem>>[vector<16xi32>, vector<16xi32>, vector<16xi32>], vector<16xf32>,
        %gather3A_396 = tpu.vector_load_idx %arg10[%add3A_28, %add3A_263] : memref<128x64xf32, #tpu.memory_space<vmem>>[vector<16xi32>, vector<16xi32>], vector<16xf32>,
        tpu.vector_store_idx %arg12[%shift_right_arithmetic3A_303, %and3A_351, %add3A_28], %gather3A_396 : memref<8x8x128xf32, #tpu.memory_space<vmem>>[vector<16xi32>, vector<16xi32>, vector<16xi32>], vector<16xf32>,
        %gather3A_397 = tpu.vector_load_idx %arg10[%add3A_28, %add3A_265] : memref<128x64xf32, #tpu.memory_space<vmem>>[vector<16xi32>, vector<16xi32>], vector<16xf32>,
        tpu.vector_store_idx %arg12[%shift_right_arithmetic3A_306, %and3A_354, %add3A_28], %gather3A_397 : memref<8x8x128xf32, #tpu.memory_space<vmem>>[vector<16xi32>, vector<16xi32>, vector<16xi32>], vector<16xf32>,
        %gather3A_398 = tpu.vector_load_idx %arg10[%add3A_28, %add3A_267] : memref<128x64xf32, #tpu.memory_space<vmem>>[vector<16xi32>, vector<16xi32>], vector<16xf32>,
        tpu.vector_store_idx %arg12[%shift_right_arithmetic3A_309, %and3A_357, %add3A_28], %gather3A_398 : memref<8x8x128xf32, #tpu.memory_space<vmem>>[vector<16xi32>, vector<16xi32>, vector<16xi32>], vector<16xf32>,
        %gather3A_399 = tpu.vector_load_idx %arg10[%add3A_28, %add3A_269] : memref<128x64xf32, #tpu.memory_space<vmem>>[vector<16xi32>, vector<16xi32>], vector<16xf32>,
        tpu.vector_store_idx %arg12[%shift_right_arithmetic3A_312, %and3A_360, %add3A_28], %gather3A_399 : memref<8x8x128xf32, #tpu.memory_space<vmem>>[vector<16xi32>, vector<16xi32>, vector<16xi32>], vector<16xf32>,
        %gather3A_400 = tpu.vector_load_idx %arg10[%add3A_28, %add3A_271] : memref<128x64xf32, #tpu.memory_space<vmem>>[vector<16xi32>, vector<16xi32>], vector<16xf32>,
        tpu.vector_store_idx %arg12[%shift_right_arithmetic3A_315, %and3A_363, %add3A_28], %gather3A_400 : memref<8x8x128xf32, #tpu.memory_space<vmem>>[vector<16xi32>, vector<16xi32>, vector<16xi32>], vector<16xf32>,
        %gather3A_401 = tpu.vector_load_idx %arg10[%add3A_28, %add3A_273] : memref<128x64xf32, #tpu.memory_space<vmem>>[vector<16xi32>, vector<16xi32>], vector<16xf32>,
        tpu.vector_store_idx %arg12[%shift_right_arithmetic3A_318, %and3A_366, %add3A_28], %gather3A_401 : memref<8x8x128xf32, #tpu.memory_space<vmem>>[vector<16xi32>, vector<16xi32>, vector<16xi32>], vector<16xf32>,
        %gather3A_402 = tpu.vector_load_idx %arg10[%add3A_28, %add3A_275] : memref<128x64xf32, #tpu.memory_space<vmem>>[vector<16xi32>, vector<16xi32>], vector<16xf32>,
        tpu.vector_store_idx %arg12[%shift_right_arithmetic3A_321, %and3A_369, %add3A_28], %gather3A_402 : memref<8x8x128xf32, #tpu.memory_space<vmem>>[vector<16xi32>, vector<16xi32>, vector<16xi32>], vector<16xf32>,
        %gather3A_403 = tpu.vector_load_idx %arg10[%add3A_28, %add3A_277] : memref<128x64xf32, #tpu.memory_space<vmem>>[vector<16xi32>, vector<16xi32>], vector<16xf32>,
        tpu.vector_store_idx %arg12[%shift_right_arithmetic3A_324, %and3A_372, %add3A_28], %gather3A_403 : memref<8x8x128xf32, #tpu.memory_space<vmem>>[vector<16xi32>, vector<16xi32>, vector<16xi32>], vector<16xf32>,
        %gather3A_404 = tpu.vector_load_idx %arg10[%add3A_31, %add3A_247] : memref<128x64xf32, #tpu.memory_space<vmem>>[vector<16xi32>, vector<16xi32>], vector<16xf32>,
        tpu.vector_store_idx %arg12[%shift_right_arithmetic3A_279, %and3A_327, %add3A_31], %gather3A_404 : memref<8x8x128xf32, #tpu.memory_space<vmem>>[vector<16xi32>, vector<16xi32>, vector<16xi32>], vector<16xf32>,
        %gather3A_405 = tpu.vector_load_idx %arg10[%add3A_31, %add3A_249] : memref<128x64xf32, #tpu.memory_space<vmem>>[vector<16xi32>, vector<16xi32>], vector<16xf32>,
        tpu.vector_store_idx %arg12[%shift_right_arithmetic3A_282, %and3A_330, %add3A_31], %gather3A_405 : memref<8x8x128xf32, #tpu.memory_space<vmem>>[vector<16xi32>, vector<16xi32>, vector<16xi32>], vector<16xf32>,
        %gather3A_406 = tpu.vector_load_idx %arg10[%add3A_31, %add3A_251] : memref<128x64xf32, #tpu.memory_space<vmem>>[vector<16xi32>, vector<16xi32>], vector<16xf32>,
        tpu.vector_store_idx %arg12[%shift_right_arithmetic3A_285, %and3A_333, %add3A_31], %gather3A_406 : memref<8x8x128xf32, #tpu.memory_space<vmem>>[vector<16xi32>, vector<16xi32>, vector<16xi32>], vector<16xf32>,
        %gather3A_407 = tpu.vector_load_idx %arg10[%add3A_31, %add3A_253] : memref<128x64xf32, #tpu.memory_space<vmem>>[vector<16xi32>, vector<16xi32>], vector<16xf32>,
        tpu.vector_store_idx %arg12[%shift_right_arithmetic3A_288, %and3A_336, %add3A_31], %gather3A_407 : memref<8x8x128xf32, #tpu.memory_space<vmem>>[vector<16xi32>, vector<16xi32>, vector<16xi32>], vector<16xf32>,
        %gather3A_408 = tpu.vector_load_idx %arg10[%add3A_31, %add3A_255] : memref<128x64xf32, #tpu.memory_space<vmem>>[vector<16xi32>, vector<16xi32>], vector<16xf32>,
        tpu.vector_store_idx %arg12[%shift_right_arithmetic3A_291, %and3A_339, %add3A_31], %gather3A_408 : memref<8x8x128xf32, #tpu.memory_space<vmem>>[vector<16xi32>, vector<16xi32>, vector<16xi32>], vector<16xf32>,
        %gather3A_409 = tpu.vector_load_idx %arg10[%add3A_31, %add3A_257] : memref<128x64xf32, #tpu.memory_space<vmem>>[vector<16xi32>, vector<16xi32>], vector<16xf32>,
        tpu.vector_store_idx %arg12[%shift_right_arithmetic3A_294, %and3A_342, %add3A_31], %gather3A_409 : memref<8x8x128xf32, #tpu.memory_space<vmem>>[vector<16xi32>, vector<16xi32>, vector<16xi32>], vector<16xf32>,
        %gather3A_410 = tpu.vector_load_idx %arg10[%add3A_31, %add3A_259] : memref<128x64xf32, #tpu.memory_space<vmem>>[vector<16xi32>, vector<16xi32>], vector<16xf32>,
        tpu.vector_store_idx %arg12[%shift_right_arithmetic3A_297, %and3A_345, %add3A_31], %gather3A_410 : memref<8x8x128xf32, #tpu.memory_space<vmem>>[vector<16xi32>, vector<16xi32>, vector<16xi32>], vector<16xf32>,
        %gather3A_411 = tpu.vector_load_idx %arg10[%add3A_31, %add3A_261] : memref<128x64xf32, #tpu.memory_space<vmem>>[vector<16xi32>, vector<16xi32>], vector<16xf32>,
        tpu.vector_store_idx %arg12[%shift_right_arithmetic3A_300, %and3A_348, %add3A_31], %gather3A_411 : memref<8x8x128xf32, #tpu.memory_space<vmem>>[vector<16xi32>, vector<16xi32>, vector<16xi32>], vector<16xf32>,
        %gather3A_412 = tpu.vector_load_idx %arg10[%add3A_31, %add3A_263] : memref<128x64xf32, #tpu.memory_space<vmem>>[vector<16xi32>, vector<16xi32>], vector<16xf32>,
        tpu.vector_store_idx %arg12[%shift_right_arithmetic3A_303, %and3A_351, %add3A_31], %gather3A_412 : memref<8x8x128xf32, #tpu.memory_space<vmem>>[vector<16xi32>, vector<16xi32>, vector<16xi32>], vector<16xf32>,
        %gather3A_413 = tpu.vector_load_idx %arg10[%add3A_31, %add3A_265] : memref<128x64xf32, #tpu.memory_space<vmem>>[vector<16xi32>, vector<16xi32>], vector<16xf32>,
        tpu.vector_store_idx %arg12[%shift_right_arithmetic3A_306, %and3A_354, %add3A_31], %gather3A_413 : memref<8x8x128xf32, #tpu.memory_space<vmem>>[vector<16xi32>, vector<16xi32>, vector<16xi32>], vector<16xf32>,
        %gather3A_414 = tpu.vector_load_idx %arg10[%add3A_31, %add3A_267] : memref<128x64xf32, #tpu.memory_space<vmem>>[vector<16xi32>, vector<16xi32>], vector<16xf32>,
        tpu.vector_store_idx %arg12[%shift_right_arithmetic3A_309, %and3A_357, %add3A_31], %gather3A_414 : memref<8x8x128xf32, #tpu.memory_space<vmem>>[vector<16xi32>, vector<16xi32>, vector<16xi32>], vector<16xf32>,
        %gather3A_415 = tpu.vector_load_idx %arg10[%add3A_31, %add3A_269] : memref<128x64xf32, #tpu.memory_space<vmem>>[vector<16xi32>, vector<16xi32>], vector<16xf32>,
        tpu.vector_store_idx %arg12[%shift_right_arithmetic3A_312, %and3A_360, %add3A_31], %gather3A_415 : memref<8x8x128xf32, #tpu.memory_space<vmem>>[vector<16xi32>, vector<16xi32>, vector<16xi32>], vector<16xf32>,
        %gather3A_416 = tpu.vector_load_idx %arg10[%add3A_31, %add3A_271] : memref<128x64xf32, #tpu.memory_space<vmem>>[vector<16xi32>, vector<16xi32>], vector<16xf32>,
        tpu.vector_store_idx %arg12[%shift_right_arithmetic3A_315, %and3A_363, %add3A_31], %gather3A_416 : memref<8x8x128xf32, #tpu.memory_space<vmem>>[vector<16xi32>, vector<16xi32>, vector<16xi32>], vector<16xf32>,
        %gather3A_417 = tpu.vector_load_idx %arg10[%add3A_31, %add3A_273] : memref<128x64xf32, #tpu.memory_space<vmem>>[vector<16xi32>, vector<16xi32>], vector<16xf32>,
        tpu.vector_store_idx %arg12[%shift_right_arithmetic3A_318, %and3A_366, %add3A_31], %gather3A_417 : memref<8x8x128xf32, #tpu.memory_space<vmem>>[vector<16xi32>, vector<16xi32>, vector<16xi32>], vector<16xf32>,
        %gather3A_418 = tpu.vector_load_idx %arg10[%add3A_31, %add3A_275] : memref<128x64xf32, #tpu.memory_space<vmem>>[vector<16xi32>, vector<16xi32>], vector<16xf32>,
        tpu.vector_store_idx %arg12[%shift_right_arithmetic3A_321, %and3A_369, %add3A_31], %gather3A_418 : memref<8x8x128xf32, #tpu.memory_space<vmem>>[vector<16xi32>, vector<16xi32>, vector<16xi32>], vector<16xf32>,
        %gather3A_419 = tpu.vector_load_idx %arg10[%add3A_31, %add3A_277] : memref<128x64xf32, #tpu.memory_space<vmem>>[vector<16xi32>, vector<16xi32>], vector<16xf32>,
        tpu.vector_store_idx %arg12[%shift_right_arithmetic3A_324, %and3A_372, %add3A_31], %gather3A_419 : memref<8x8x128xf32, #tpu.memory_space<vmem>>[vector<16xi32>, vector<16xi32>, vector<16xi32>], vector<16xf32>,
        %gather3A_420 = tpu.vector_load_idx %arg10[%add3A_34, %add3A_247] : memref<128x64xf32, #tpu.memory_space<vmem>>[vector<16xi32>, vector<16xi32>], vector<16xf32>,
        tpu.vector_store_idx %arg12[%shift_right_arithmetic3A_279, %and3A_327, %add3A_34], %gather3A_420 : memref<8x8x128xf32, #tpu.memory_space<vmem>>[vector<16xi32>, vector<16xi32>, vector<16xi32>], vector<16xf32>,
        %gather3A_421 = tpu.vector_load_idx %arg10[%add3A_34, %add3A_249] : memref<128x64xf32, #tpu.memory_space<vmem>>[vector<16xi32>, vector<16xi32>], vector<16xf32>,
        tpu.vector_store_idx %arg12[%shift_right_arithmetic3A_282, %and3A_330, %add3A_34], %gather3A_421 : memref<8x8x128xf32, #tpu.memory_space<vmem>>[vector<16xi32>, vector<16xi32>, vector<16xi32>], vector<16xf32>,
        %gather3A_422 = tpu.vector_load_idx %arg10[%add3A_34, %add3A_251] : memref<128x64xf32, #tpu.memory_space<vmem>>[vector<16xi32>, vector<16xi32>], vector<16xf32>,
        tpu.vector_store_idx %arg12[%shift_right_arithmetic3A_285, %and3A_333, %add3A_34], %gather3A_422 : memref<8x8x128xf32, #tpu.memory_space<vmem>>[vector<16xi32>, vector<16xi32>, vector<16xi32>], vector<16xf32>,
        %gather3A_423 = tpu.vector_load_idx %arg10[%add3A_34, %add3A_253] : memref<128x64xf32, #tpu.memory_space<vmem>>[vector<16xi32>, vector<16xi32>], vector<16xf32>,
        tpu.vector_store_idx %arg12[%shift_right_arithmetic3A_288, %and3A_336, %add3A_34], %gather3A_423 : memref<8x8x128xf32, #tpu.memory_space<vmem>>[vector<16xi32>, vector<16xi32>, vector<16xi32>], vector<16xf32>,
        %gather3A_424 = tpu.vector_load_idx %arg10[%add3A_34, %add3A_255] : memref<128x64xf32, #tpu.memory_space<vmem>>[vector<16xi32>, vector<16xi32>], vector<16xf32>,
        tpu.vector_store_idx %arg12[%shift_right_arithmetic3A_291, %and3A_339, %add3A_34], %gather3A_424 : memref<8x8x128xf32, #tpu.memory_space<vmem>>[vector<16xi32>, vector<16xi32>, vector<16xi32>], vector<16xf32>,
        %gather3A_425 = tpu.vector_load_idx %arg10[%add3A_34, %add3A_257] : memref<128x64xf32, #tpu.memory_space<vmem>>[vector<16xi32>, vector<16xi32>], vector<16xf32>,
        tpu.vector_store_idx %arg12[%shift_right_arithmetic3A_294, %and3A_342, %add3A_34], %gather3A_425 : memref<8x8x128xf32, #tpu.memory_space<vmem>>[vector<16xi32>, vector<16xi32>, vector<16xi32>], vector<16xf32>,
        %gather3A_426 = tpu.vector_load_idx %arg10[%add3A_34, %add3A_259] : memref<128x64xf32, #tpu.memory_space<vmem>>[vector<16xi32>, vector<16xi32>], vector<16xf32>,
        tpu.vector_store_idx %arg12[%shift_right_arithmetic3A_297, %and3A_345, %add3A_34], %gather3A_426 : memref<8x8x128xf32, #tpu.memory_space<vmem>>[vector<16xi32>, vector<16xi32>, vector<16xi32>], vector<16xf32>,
        %gather3A_427 = tpu.vector_load_idx %arg10[%add3A_34, %add3A_261] : memref<128x64xf32, #tpu.memory_space<vmem>>[vector<16xi32>, vector<16xi32>], vector<16xf32>,
        tpu.vector_store_idx %arg12[%shift_right_arithmetic3A_300, %and3A_348, %add3A_34], %gather3A_427 : memref<8x8x128xf32, #tpu.memory_space<vmem>>[vector<16xi32>, vector<16xi32>, vector<16xi32>], vector<16xf32>,
        %gather3A_428 = tpu.vector_load_idx %arg10[%add3A_34, %add3A_263] : memref<128x64xf32, #tpu.memory_space<vmem>>[vector<16xi32>, vector<16xi32>], vector<16xf32>,
        tpu.vector_store_idx %arg12[%shift_right_arithmetic3A_303, %and3A_351, %add3A_34], %gather3A_428 : memref<8x8x128xf32, #tpu.memory_space<vmem>>[vector<16xi32>, vector<16xi32>, vector<16xi32>], vector<16xf32>,
        %gather3A_429 = tpu.vector_load_idx %arg10[%add3A_34, %add3A_265] : memref<128x64xf32, #tpu.memory_space<vmem>>[vector<16xi32>, vector<16xi32>], vector<16xf32>,
        tpu.vector_store_idx %arg12[%shift_right_arithmetic3A_306, %and3A_354, %add3A_34], %gather3A_429 : memref<8x8x128xf32, #tpu.memory_space<vmem>>[vector<16xi32>, vector<16xi32>, vector<16xi32>], vector<16xf32>,
        %gather3A_430 = tpu.vector_load_idx %arg10[%add3A_34, %add3A_267] : memref<128x64xf32, #tpu.memory_space<vmem>>[vector<16xi32>, vector<16xi32>], vector<16xf32>,
        tpu.vector_store_idx %arg12[%shift_right_arithmetic3A_309, %and3A_357, %add3A_34], %gather3A_430 : memref<8x8x128xf32, #tpu.memory_space<vmem>>[vector<16xi32>, vector<16xi32>, vector<16xi32>], vector<16xf32>,
        %gather3A_431 = tpu.vector_load_idx %arg10[%add3A_34, %add3A_269] : memref<128x64xf32, #tpu.memory_space<vmem>>[vector<16xi32>, vector<16xi32>], vector<16xf32>,
        tpu.vector_store_idx %arg12[%shift_right_arithmetic3A_312, %and3A_360, %add3A_34], %gather3A_431 : memref<8x8x128xf32, #tpu.memory_space<vmem>>[vector<16xi32>, vector<16xi32>, vector<16xi32>], vector<16xf32>,
        %gather3A_432 = tpu.vector_load_idx %arg10[%add3A_34, %add3A_271] : memref<128x64xf32, #tpu.memory_space<vmem>>[vector<16xi32>, vector<16xi32>], vector<16xf32>,
        tpu.vector_store_idx %arg12[%shift_right_arithmetic3A_315, %and3A_363, %add3A_34], %gather3A_432 : memref<8x8x128xf32, #tpu.memory_space<vmem>>[vector<16xi32>, vector<16xi32>, vector<16xi32>], vector<16xf32>,
        %gather3A_433 = tpu.vector_load_idx %arg10[%add3A_34, %add3A_273] : memref<128x64xf32, #tpu.memory_space<vmem>>[vector<16xi32>, vector<16xi32>], vector<16xf32>,
        tpu.vector_store_idx %arg12[%shift_right_arithmetic3A_318, %and3A_366, %add3A_34], %gather3A_433 : memref<8x8x128xf32, #tpu.memory_space<vmem>>[vector<16xi32>, vector<16xi32>, vector<16xi32>], vector<16xf32>,
        %gather3A_434 = tpu.vector_load_idx %arg10[%add3A_34, %add3A_275] : memref<128x64xf32, #tpu.memory_space<vmem>>[vector<16xi32>, vector<16xi32>], vector<16xf32>,
        tpu.vector_store_idx %arg12[%shift_right_arithmetic3A_321, %and3A_369, %add3A_34], %gather3A_434 : memref<8x8x128xf32, #tpu.memory_space<vmem>>[vector<16xi32>, vector<16xi32>, vector<16xi32>], vector<16xf32>,
        %gather3A_435 = tpu.vector_load_idx %arg10[%add3A_34, %add3A_277] : memref<128x64xf32, #tpu.memory_space<vmem>>[vector<16xi32>, vector<16xi32>], vector<16xf32>,
        tpu.vector_store_idx %arg12[%shift_right_arithmetic3A_324, %and3A_372, %add3A_34], %gather3A_435 : memref<8x8x128xf32, #tpu.memory_space<vmem>>[vector<16xi32>, vector<16xi32>, vector<16xi32>], vector<16xf32>,
        %gather3A_436 = tpu.vector_load_idx %arg10[%add3A_37, %add3A_247] : memref<128x64xf32, #tpu.memory_space<vmem>>[vector<16xi32>, vector<16xi32>], vector<16xf32>,
        tpu.vector_store_idx %arg12[%shift_right_arithmetic3A_279, %and3A_327, %add3A_37], %gather3A_436 : memref<8x8x128xf32, #tpu.memory_space<vmem>>[vector<16xi32>, vector<16xi32>, vector<16xi32>], vector<16xf32>,
        %gather3A_437 = tpu.vector_load_idx %arg10[%add3A_37, %add3A_249] : memref<128x64xf32, #tpu.memory_space<vmem>>[vector<16xi32>, vector<16xi32>], vector<16xf32>,
        tpu.vector_store_idx %arg12[%shift_right_arithmetic3A_282, %and3A_330, %add3A_37], %gather3A_437 : memref<8x8x128xf32, #tpu.memory_space<vmem>>[vector<16xi32>, vector<16xi32>, vector<16xi32>], vector<16xf32>,
        %gather3A_438 = tpu.vector_load_idx %arg10[%add3A_37, %add3A_251] : memref<128x64xf32, #tpu.memory_space<vmem>>[vector<16xi32>, vector<16xi32>], vector<16xf32>,
        tpu.vector_store_idx %arg12[%shift_right_arithmetic3A_285, %and3A_333, %add3A_37], %gather3A_438 : memref<8x8x128xf32, #tpu.memory_space<vmem>>[vector<16xi32>, vector<16xi32>, vector<16xi32>], vector<16xf32>,
        %gather3A_439 = tpu.vector_load_idx %arg10[%add3A_37, %add3A_253] : memref<128x64xf32, #tpu.memory_space<vmem>>[vector<16xi32>, vector<16xi32>], vector<16xf32>,
        tpu.vector_store_idx %arg12[%shift_right_arithmetic3A_288, %and3A_336, %add3A_37], %gather3A_439 : memref<8x8x128xf32, #tpu.memory_space<vmem>>[vector<16xi32>, vector<16xi32>, vector<16xi32>], vector<16xf32>,
        %gather3A_440 = tpu.vector_load_idx %arg10[%add3A_37, %add3A_255] : memref<128x64xf32, #tpu.memory_space<vmem>>[vector<16xi32>, vector<16xi32>], vector<16xf32>,
        tpu.vector_store_idx %arg12[%shift_right_arithmetic3A_291, %and3A_339, %add3A_37], %gather3A_440 : memref<8x8x128xf32, #tpu.memory_space<vmem>>[vector<16xi32>, vector<16xi32>, vector<16xi32>], vector<16xf32>,
        %gather3A_441 = tpu.vector_load_idx %arg10[%add3A_37, %add3A_257] : memref<128x64xf32, #tpu.memory_space<vmem>>[vector<16xi32>, vector<16xi32>], vector<16xf32>,
        tpu.vector_store_idx %arg12[%shift_right_arithmetic3A_294, %and3A_342, %add3A_37], %gather3A_441 : memref<8x8x128xf32, #tpu.memory_space<vmem>>[vector<16xi32>, vector<16xi32>, vector<16xi32>], vector<16xf32>,
        %gather3A_442 = tpu.vector_load_idx %arg10[%add3A_37, %add3A_259] : memref<128x64xf32, #tpu.memory_space<vmem>>[vector<16xi32>, vector<16xi32>], vector<16xf32>,
        tpu.vector_store_idx %arg12[%shift_right_arithmetic3A_297, %and3A_345, %add3A_37], %gather3A_442 : memref<8x8x128xf32, #tpu.memory_space<vmem>>[vector<16xi32>, vector<16xi32>, vector<16xi32>], vector<16xf32>,
        %gather3A_443 = tpu.vector_load_idx %arg10[%add3A_37, %add3A_261] : memref<128x64xf32, #tpu.memory_space<vmem>>[vector<16xi32>, vector<16xi32>], vector<16xf32>,
        tpu.vector_store_idx %arg12[%shift_right_arithmetic3A_300, %and3A_348, %add3A_37], %gather3A_443 : memref<8x8x128xf32, #tpu.memory_space<vmem>>[vector<16xi32>, vector<16xi32>, vector<16xi32>], vector<16xf32>,
        %gather3A_444 = tpu.vector_load_idx %arg10[%add3A_37, %add3A_263] : memref<128x64xf32, #tpu.memory_space<vmem>>[vector<16xi32>, vector<16xi32>], vector<16xf32>,
        tpu.vector_store_idx %arg12[%shift_right_arithmetic3A_303, %and3A_351, %add3A_37], %gather3A_444 : memref<8x8x128xf32, #tpu.memory_space<vmem>>[vector<16xi32>, vector<16xi32>, vector<16xi32>], vector<16xf32>,
        %gather3A_445 = tpu.vector_load_idx %arg10[%add3A_37, %add3A_265] : memref<128x64xf32, #tpu.memory_space<vmem>>[vector<16xi32>, vector<16xi32>], vector<16xf32>,
        tpu.vector_store_idx %arg12[%shift_right_arithmetic3A_306, %and3A_354, %add3A_37], %gather3A_445 : memref<8x8x128xf32, #tpu.memory_space<vmem>>[vector<16xi32>, vector<16xi32>, vector<16xi32>], vector<16xf32>,
        %gather3A_446 = tpu.vector_load_idx %arg10[%add3A_37, %add3A_267] : memref<128x64xf32, #tpu.memory_space<vmem>>[vector<16xi32>, vector<16xi32>], vector<16xf32>,
        tpu.vector_store_idx %arg12[%shift_right_arithmetic3A_309, %and3A_357, %add3A_37], %gather3A_446 : memref<8x8x128xf32, #tpu.memory_space<vmem>>[vector<16xi32>, vector<16xi32>, vector<16xi32>], vector<16xf32>,
        %gather3A_447 = tpu.vector_load_idx %arg10[%add3A_37, %add3A_269] : memref<128x64xf32, #tpu.memory_space<vmem>>[vector<16xi32>, vector<16xi32>], vector<16xf32>,
        tpu.vector_store_idx %arg12[%shift_right_arithmetic3A_312, %and3A_360, %add3A_37], %gather3A_447 : memref<8x8x128xf32, #tpu.memory_space<vmem>>[vector<16xi32>, vector<16xi32>, vector<16xi32>], vector<16xf32>,
        %gather3A_448 = tpu.vector_load_idx %arg10[%add3A_37, %add3A_271] : memref<128x64xf32, #tpu.memory_space<vmem>>[vector<16xi32>, vector<16xi32>], vector<16xf32>,
        tpu.vector_store_idx %arg12[%shift_right_arithmetic3A_315, %and3A_363, %add3A_37], %gather3A_448 : memref<8x8x128xf32, #tpu.memory_space<vmem>>[vector<16xi32>, vector<16xi32>, vector<16xi32>], vector<16xf32>,
        %gather3A_449 = tpu.vector_load_idx %arg10[%add3A_37, %add3A_273] : memref<128x64xf32, #tpu.memory_space<vmem>>[vector<16xi32>, vector<16xi32>], vector<16xf32>,
        tpu.vector_store_idx %arg12[%shift_right_arithmetic3A_318, %and3A_366, %add3A_37], %gather3A_449 : memref<8x8x128xf32, #tpu.memory_space<vmem>>[vector<16xi32>, vector<16xi32>, vector<16xi32>], vector<16xf32>,
        %gather3A_450 = tpu.vector_load_idx %arg10[%add3A_37, %add3A_275] : memref<128x64xf32, #tpu.memory_space<vmem>>[vector<16xi32>, vector<16xi32>], vector<16xf32>,
        tpu.vector_store_idx %arg12[%shift_right_arithmetic3A_321, %and3A_369, %add3A_37], %gather3A_450 : memref<8x8x128xf32, #tpu.memory_space<vmem>>[vector<16xi32>, vector<16xi32>, vector<16xi32>], vector<16xf32>,
        %gather3A_451 = tpu.vector_load_idx %arg10[%add3A_37, %add3A_277] : memref<128x64xf32, #tpu.memory_space<vmem>>[vector<16xi32>, vector<16xi32>], vector<16xf32>,
        tpu.vector_store_idx %arg12[%shift_right_arithmetic3A_324, %and3A_372, %add3A_37], %gather3A_451 : memref<8x8x128xf32, #tpu.memory_space<vmem>>[vector<16xi32>, vector<16xi32>, vector<16xi32>], vector<16xf32>,
        %gather3A_452 = tpu.vector_load_idx %arg10[%add3A_40, %add3A_247] : memref<128x64xf32, #tpu.memory_space<vmem>>[vector<16xi32>, vector<16xi32>], vector<16xf32>,
        tpu.vector_store_idx %arg12[%shift_right_arithmetic3A_279, %and3A_327, %add3A_40], %gather3A_452 : memref<8x8x128xf32, #tpu.memory_space<vmem>>[vector<16xi32>, vector<16xi32>, vector<16xi32>], vector<16xf32>,
        %gather3A_453 = tpu.vector_load_idx %arg10[%add3A_40, %add3A_249] : memref<128x64xf32, #tpu.memory_space<vmem>>[vector<16xi32>, vector<16xi32>], vector<16xf32>,
        tpu.vector_store_idx %arg12[%shift_right_arithmetic3A_282, %and3A_330, %add3A_40], %gather3A_453 : memref<8x8x128xf32, #tpu.memory_space<vmem>>[vector<16xi32>, vector<16xi32>, vector<16xi32>], vector<16xf32>,
        %gather3A_454 = tpu.vector_load_idx %arg10[%add3A_40, %add3A_251] : memref<128x64xf32, #tpu.memory_space<vmem>>[vector<16xi32>, vector<16xi32>], vector<16xf32>,
        tpu.vector_store_idx %arg12[%shift_right_arithmetic3A_285, %and3A_333, %add3A_40], %gather3A_454 : memref<8x8x128xf32, #tpu.memory_space<vmem>>[vector<16xi32>, vector<16xi32>, vector<16xi32>], vector<16xf32>,
        %gather3A_455 = tpu.vector_load_idx %arg10[%add3A_40, %add3A_253] : memref<128x64xf32, #tpu.memory_space<vmem>>[vector<16xi32>, vector<16xi32>], vector<16xf32>,
        tpu.vector_store_idx %arg12[%shift_right_arithmetic3A_288, %and3A_336, %add3A_40], %gather3A_455 : memref<8x8x128xf32, #tpu.memory_space<vmem>>[vector<16xi32>, vector<16xi32>, vector<16xi32>], vector<16xf32>,
        %gather3A_456 = tpu.vector_load_idx %arg10[%add3A_40, %add3A_255] : memref<128x64xf32, #tpu.memory_space<vmem>>[vector<16xi32>, vector<16xi32>], vector<16xf32>,
        tpu.vector_store_idx %arg12[%shift_right_arithmetic3A_291, %and3A_339, %add3A_40], %gather3A_456 : memref<8x8x128xf32, #tpu.memory_space<vmem>>[vector<16xi32>, vector<16xi32>, vector<16xi32>], vector<16xf32>,
        %gather3A_457 = tpu.vector_load_idx %arg10[%add3A_40, %add3A_257] : memref<128x64xf32, #tpu.memory_space<vmem>>[vector<16xi32>, vector<16xi32>], vector<16xf32>,
        tpu.vector_store_idx %arg12[%shift_right_arithmetic3A_294, %and3A_342, %add3A_40], %gather3A_457 : memref<8x8x128xf32, #tpu.memory_space<vmem>>[vector<16xi32>, vector<16xi32>, vector<16xi32>], vector<16xf32>,
        %gather3A_458 = tpu.vector_load_idx %arg10[%add3A_40, %add3A_259] : memref<128x64xf32, #tpu.memory_space<vmem>>[vector<16xi32>, vector<16xi32>], vector<16xf32>,
        tpu.vector_store_idx %arg12[%shift_right_arithmetic3A_297, %and3A_345, %add3A_40], %gather3A_458 : memref<8x8x128xf32, #tpu.memory_space<vmem>>[vector<16xi32>, vector<16xi32>, vector<16xi32>], vector<16xf32>,
        %gather3A_459 = tpu.vector_load_idx %arg10[%add3A_40, %add3A_261] : memref<128x64xf32, #tpu.memory_space<vmem>>[vector<16xi32>, vector<16xi32>], vector<16xf32>,
        tpu.vector_store_idx %arg12[%shift_right_arithmetic3A_300, %and3A_348, %add3A_40], %gather3A_459 : memref<8x8x128xf32, #tpu.memory_space<vmem>>[vector<16xi32>, vector<16xi32>, vector<16xi32>], vector<16xf32>,
        %gather3A_460 = tpu.vector_load_idx %arg10[%add3A_40, %add3A_263] : memref<128x64xf32, #tpu.memory_space<vmem>>[vector<16xi32>, vector<16xi32>], vector<16xf32>,
        tpu.vector_store_idx %arg12[%shift_right_arithmetic3A_303, %and3A_351, %add3A_40], %gather3A_460 : memref<8x8x128xf32, #tpu.memory_space<vmem>>[vector<16xi32>, vector<16xi32>, vector<16xi32>], vector<16xf32>,
        %gather3A_461 = tpu.vector_load_idx %arg10[%add3A_40, %add3A_265] : memref<128x64xf32, #tpu.memory_space<vmem>>[vector<16xi32>, vector<16xi32>], vector<16xf32>,
        tpu.vector_store_idx %arg12[%shift_right_arithmetic3A_306, %and3A_354, %add3A_40], %gather3A_461 : memref<8x8x128xf32, #tpu.memory_space<vmem>>[vector<16xi32>, vector<16xi32>, vector<16xi32>], vector<16xf32>,
        %gather3A_462 = tpu.vector_load_idx %arg10[%add3A_40, %add3A_267] : memref<128x64xf32, #tpu.memory_space<vmem>>[vector<16xi32>, vector<16xi32>], vector<16xf32>,
        tpu.vector_store_idx %arg12[%shift_right_arithmetic3A_309, %and3A_357, %add3A_40], %gather3A_462 : memref<8x8x128xf32, #tpu.memory_space<vmem>>[vector<16xi32>, vector<16xi32>, vector<16xi32>], vector<16xf32>,
        %gather3A_463 = tpu.vector_load_idx %arg10[%add3A_40, %add3A_269] : memref<128x64xf32, #tpu.memory_space<vmem>>[vector<16xi32>, vector<16xi32>], vector<16xf32>,
        tpu.vector_store_idx %arg12[%shift_right_arithmetic3A_312, %and3A_360, %add3A_40], %gather3A_463 : memref<8x8x128xf32, #tpu.memory_space<vmem>>[vector<16xi32>, vector<16xi32>, vector<16xi32>], vector<16xf32>,
        %gather3A_464 = tpu.vector_load_idx %arg10[%add3A_40, %add3A_271] : memref<128x64xf32, #tpu.memory_space<vmem>>[vector<16xi32>, vector<16xi32>], vector<16xf32>,
        tpu.vector_store_idx %arg12[%shift_right_arithmetic3A_315, %and3A_363, %add3A_40], %gather3A_464 : memref<8x8x128xf32, #tpu.memory_space<vmem>>[vector<16xi32>, vector<16xi32>, vector<16xi32>], vector<16xf32>,
        %gather3A_465 = tpu.vector_load_idx %arg10[%add3A_40, %add3A_273] : memref<128x64xf32, #tpu.memory_space<vmem>>[vector<16xi32>, vector<16xi32>], vector<16xf32>,
        tpu.vector_store_idx %arg12[%shift_right_arithmetic3A_318, %and3A_366, %add3A_40], %gather3A_465 : memref<8x8x128xf32, #tpu.memory_space<vmem>>[vector<16xi32>, vector<16xi32>, vector<16xi32>], vector<16xf32>,
        %gather3A_466 = tpu.vector_load_idx %arg10[%add3A_40, %add3A_275] : memref<128x64xf32, #tpu.memory_space<vmem>>[vector<16xi32>, vector<16xi32>], vector<16xf32>,
        tpu.vector_store_idx %arg12[%shift_right_arithmetic3A_321, %and3A_369, %add3A_40], %gather3A_466 : memref<8x8x128xf32, #tpu.memory_space<vmem>>[vector<16xi32>, vector<16xi32>, vector<16xi32>], vector<16xf32>,
        %gather3A_467 = tpu.vector_load_idx %arg10[%add3A_40, %add3A_277] : memref<128x64xf32, #tpu.memory_space<vmem>>[vector<16xi32>, vector<16xi32>], vector<16xf32>,
        tpu.vector_store_idx %arg12[%shift_right_arithmetic3A_324, %and3A_372, %add3A_40], %gather3A_467 : memref<8x8x128xf32, #tpu.memory_space<vmem>>[vector<16xi32>, vector<16xi32>, vector<16xi32>], vector<16xf32>,
        %gather3A_468 = tpu.vector_load_idx %arg10[%add3A_43, %add3A_247] : memref<128x64xf32, #tpu.memory_space<vmem>>[vector<16xi32>, vector<16xi32>], vector<16xf32>,
        tpu.vector_store_idx %arg12[%shift_right_arithmetic3A_279, %and3A_327, %add3A_43], %gather3A_468 : memref<8x8x128xf32, #tpu.memory_space<vmem>>[vector<16xi32>, vector<16xi32>, vector<16xi32>], vector<16xf32>,
        %gather3A_469 = tpu.vector_load_idx %arg10[%add3A_43, %add3A_249] : memref<128x64xf32, #tpu.memory_space<vmem>>[vector<16xi32>, vector<16xi32>], vector<16xf32>,
        tpu.vector_store_idx %arg12[%shift_right_arithmetic3A_282, %and3A_330, %add3A_43], %gather3A_469 : memref<8x8x128xf32, #tpu.memory_space<vmem>>[vector<16xi32>, vector<16xi32>, vector<16xi32>], vector<16xf32>,
        %gather3A_470 = tpu.vector_load_idx %arg10[%add3A_43, %add3A_251] : memref<128x64xf32, #tpu.memory_space<vmem>>[vector<16xi32>, vector<16xi32>], vector<16xf32>,
        tpu.vector_store_idx %arg12[%shift_right_arithmetic3A_285, %and3A_333, %add3A_43], %gather3A_470 : memref<8x8x128xf32, #tpu.memory_space<vmem>>[vector<16xi32>, vector<16xi32>, vector<16xi32>], vector<16xf32>,
        %gather3A_471 = tpu.vector_load_idx %arg10[%add3A_43, %add3A_253] : memref<128x64xf32, #tpu.memory_space<vmem>>[vector<16xi32>, vector<16xi32>], vector<16xf32>,
        tpu.vector_store_idx %arg12[%shift_right_arithmetic3A_288, %and3A_336, %add3A_43], %gather3A_471 : memref<8x8x128xf32, #tpu.memory_space<vmem>>[vector<16xi32>, vector<16xi32>, vector<16xi32>], vector<16xf32>,
        %gather3A_472 = tpu.vector_load_idx %arg10[%add3A_43, %add3A_255] : memref<128x64xf32, #tpu.memory_space<vmem>>[vector<16xi32>, vector<16xi32>], vector<16xf32>,
        tpu.vector_store_idx %arg12[%shift_right_arithmetic3A_291, %and3A_339, %add3A_43], %gather3A_472 : memref<8x8x128xf32, #tpu.memory_space<vmem>>[vector<16xi32>, vector<16xi32>, vector<16xi32>], vector<16xf32>,
        %gather3A_473 = tpu.vector_load_idx %arg10[%add3A_43, %add3A_257] : memref<128x64xf32, #tpu.memory_space<vmem>>[vector<16xi32>, vector<16xi32>], vector<16xf32>,
        tpu.vector_store_idx %arg12[%shift_right_arithmetic3A_294, %and3A_342, %add3A_43], %gather3A_473 : memref<8x8x128xf32, #tpu.memory_space<vmem>>[vector<16xi32>, vector<16xi32>, vector<16xi32>], vector<16xf32>,
        %gather3A_474 = tpu.vector_load_idx %arg10[%add3A_43, %add3A_259] : memref<128x64xf32, #tpu.memory_space<vmem>>[vector<16xi32>, vector<16xi32>], vector<16xf32>,
        tpu.vector_store_idx %arg12[%shift_right_arithmetic3A_297, %and3A_345, %add3A_43], %gather3A_474 : memref<8x8x128xf32, #tpu.memory_space<vmem>>[vector<16xi32>, vector<16xi32>, vector<16xi32>], vector<16xf32>,
        %gather3A_475 = tpu.vector_load_idx %arg10[%add3A_43, %add3A_261] : memref<128x64xf32, #tpu.memory_space<vmem>>[vector<16xi32>, vector<16xi32>], vector<16xf32>,
        tpu.vector_store_idx %arg12[%shift_right_arithmetic3A_300, %and3A_348, %add3A_43], %gather3A_475 : memref<8x8x128xf32, #tpu.memory_space<vmem>>[vector<16xi32>, vector<16xi32>, vector<16xi32>], vector<16xf32>,
        %gather3A_476 = tpu.vector_load_idx %arg10[%add3A_43, %add3A_263] : memref<128x64xf32, #tpu.memory_space<vmem>>[vector<16xi32>, vector<16xi32>], vector<16xf32>,
        tpu.vector_store_idx %arg12[%shift_right_arithmetic3A_303, %and3A_351, %add3A_43], %gather3A_476 : memref<8x8x128xf32, #tpu.memory_space<vmem>>[vector<16xi32>, vector<16xi32>, vector<16xi32>], vector<16xf32>,
        %gather3A_477 = tpu.vector_load_idx %arg10[%add3A_43, %add3A_265] : memref<128x64xf32, #tpu.memory_space<vmem>>[vector<16xi32>, vector<16xi32>], vector<16xf32>,
        tpu.vector_store_idx %arg12[%shift_right_arithmetic3A_306, %and3A_354, %add3A_43], %gather3A_477 : memref<8x8x128xf32, #tpu.memory_space<vmem>>[vector<16xi32>, vector<16xi32>, vector<16xi32>], vector<16xf32>,
        %gather3A_478 = tpu.vector_load_idx %arg10[%add3A_43, %add3A_267] : memref<128x64xf32, #tpu.memory_space<vmem>>[vector<16xi32>, vector<16xi32>], vector<16xf32>,
        tpu.vector_store_idx %arg12[%shift_right_arithmetic3A_309, %and3A_357, %add3A_43], %gather3A_478 : memref<8x8x128xf32, #tpu.memory_space<vmem>>[vector<16xi32>, vector<16xi32>, vector<16xi32>], vector<16xf32>,
        %gather3A_479 = tpu.vector_load_idx %arg10[%add3A_43, %add3A_269] : memref<128x64xf32, #tpu.memory_space<vmem>>[vector<16xi32>, vector<16xi32>], vector<16xf32>,
        tpu.vector_store_idx %arg12[%shift_right_arithmetic3A_312, %and3A_360, %add3A_43], %gather3A_479 : memref<8x8x128xf32, #tpu.memory_space<vmem>>[vector<16xi32>, vector<16xi32>, vector<16xi32>], vector<16xf32>,
        %gather3A_480 = tpu.vector_load_idx %arg10[%add3A_43, %add3A_271] : memref<128x64xf32, #tpu.memory_space<vmem>>[vector<16xi32>, vector<16xi32>], vector<16xf32>,
        tpu.vector_store_idx %arg12[%shift_right_arithmetic3A_315, %and3A_363, %add3A_43], %gather3A_480 : memref<8x8x128xf32, #tpu.memory_space<vmem>>[vector<16xi32>, vector<16xi32>, vector<16xi32>], vector<16xf32>,
        %gather3A_481 = tpu.vector_load_idx %arg10[%add3A_43, %add3A_273] : memref<128x64xf32, #tpu.memory_space<vmem>>[vector<16xi32>, vector<16xi32>], vector<16xf32>,
        tpu.vector_store_idx %arg12[%shift_right_arithmetic3A_318, %and3A_366, %add3A_43], %gather3A_481 : memref<8x8x128xf32, #tpu.memory_space<vmem>>[vector<16xi32>, vector<16xi32>, vector<16xi32>], vector<16xf32>,
        %gather3A_482 = tpu.vector_load_idx %arg10[%add3A_43, %add3A_275] : memref<128x64xf32, #tpu.memory_space<vmem>>[vector<16xi32>, vector<16xi32>], vector<16xf32>,
        tpu.vector_store_idx %arg12[%shift_right_arithmetic3A_321, %and3A_369, %add3A_43], %gather3A_482 : memref<8x8x128xf32, #tpu.memory_space<vmem>>[vector<16xi32>, vector<16xi32>, vector<16xi32>], vector<16xf32>,
        %gather3A_483 = tpu.vector_load_idx %arg10[%add3A_43, %add3A_277] : memref<128x64xf32, #tpu.memory_space<vmem>>[vector<16xi32>, vector<16xi32>], vector<16xf32>,
        tpu.vector_store_idx %arg12[%shift_right_arithmetic3A_324, %and3A_372, %add3A_43], %gather3A_483 : memref<8x8x128xf32, #tpu.memory_space<vmem>>[vector<16xi32>, vector<16xi32>, vector<16xi32>], vector<16xf32>,
        %gather3A_484 = tpu.vector_load_idx %arg10[%add3A_46, %add3A_247] : memref<128x64xf32, #tpu.memory_space<vmem>>[vector<16xi32>, vector<16xi32>], vector<16xf32>,
        tpu.vector_store_idx %arg12[%shift_right_arithmetic3A_279, %and3A_327, %add3A_46], %gather3A_484 : memref<8x8x128xf32, #tpu.memory_space<vmem>>[vector<16xi32>, vector<16xi32>, vector<16xi32>], vector<16xf32>,
        %gather3A_485 = tpu.vector_load_idx %arg10[%add3A_46, %add3A_249] : memref<128x64xf32, #tpu.memory_space<vmem>>[vector<16xi32>, vector<16xi32>], vector<16xf32>,
        tpu.vector_store_idx %arg12[%shift_right_arithmetic3A_282, %and3A_330, %add3A_46], %gather3A_485 : memref<8x8x128xf32, #tpu.memory_space<vmem>>[vector<16xi32>, vector<16xi32>, vector<16xi32>], vector<16xf32>,
        %gather3A_486 = tpu.vector_load_idx %arg10[%add3A_46, %add3A_251] : memref<128x64xf32, #tpu.memory_space<vmem>>[vector<16xi32>, vector<16xi32>], vector<16xf32>,
        tpu.vector_store_idx %arg12[%shift_right_arithmetic3A_285, %and3A_333, %add3A_46], %gather3A_486 : memref<8x8x128xf32, #tpu.memory_space<vmem>>[vector<16xi32>, vector<16xi32>, vector<16xi32>], vector<16xf32>,
        %gather3A_487 = tpu.vector_load_idx %arg10[%add3A_46, %add3A_253] : memref<128x64xf32, #tpu.memory_space<vmem>>[vector<16xi32>, vector<16xi32>], vector<16xf32>,
        tpu.vector_store_idx %arg12[%shift_right_arithmetic3A_288, %and3A_336, %add3A_46], %gather3A_487 : memref<8x8x128xf32, #tpu.memory_space<vmem>>[vector<16xi32>, vector<16xi32>, vector<16xi32>], vector<16xf32>,
        %gather3A_488 = tpu.vector_load_idx %arg10[%add3A_46, %add3A_255] : memref<128x64xf32, #tpu.memory_space<vmem>>[vector<16xi32>, vector<16xi32>], vector<16xf32>,
        tpu.vector_store_idx %arg12[%shift_right_arithmetic3A_291, %and3A_339, %add3A_46], %gather3A_488 : memref<8x8x128xf32, #tpu.memory_space<vmem>>[vector<16xi32>, vector<16xi32>, vector<16xi32>], vector<16xf32>,
        %gather3A_489 = tpu.vector_load_idx %arg10[%add3A_46, %add3A_257] : memref<128x64xf32, #tpu.memory_space<vmem>>[vector<16xi32>, vector<16xi32>], vector<16xf32>,
        tpu.vector_store_idx %arg12[%shift_right_arithmetic3A_294, %and3A_342, %add3A_46], %gather3A_489 : memref<8x8x128xf32, #tpu.memory_space<vmem>>[vector<16xi32>, vector<16xi32>, vector<16xi32>], vector<16xf32>,
        %gather3A_490 = tpu.vector_load_idx %arg10[%add3A_46, %add3A_259] : memref<128x64xf32, #tpu.memory_space<vmem>>[vector<16xi32>, vector<16xi32>], vector<16xf32>,
        tpu.vector_store_idx %arg12[%shift_right_arithmetic3A_297, %and3A_345, %add3A_46], %gather3A_490 : memref<8x8x128xf32, #tpu.memory_space<vmem>>[vector<16xi32>, vector<16xi32>, vector<16xi32>], vector<16xf32>,
        %gather3A_491 = tpu.vector_load_idx %arg10[%add3A_46, %add3A_261] : memref<128x64xf32, #tpu.memory_space<vmem>>[vector<16xi32>, vector<16xi32>], vector<16xf32>,
        tpu.vector_store_idx %arg12[%shift_right_arithmetic3A_300, %and3A_348, %add3A_46], %gather3A_491 : memref<8x8x128xf32, #tpu.memory_space<vmem>>[vector<16xi32>, vector<16xi32>, vector<16xi32>], vector<16xf32>,
        %gather3A_492 = tpu.vector_load_idx %arg10[%add3A_46, %add3A_263] : memref<128x64xf32, #tpu.memory_space<vmem>>[vector<16xi32>, vector<16xi32>], vector<16xf32>,
        tpu.vector_store_idx %arg12[%shift_right_arithmetic3A_303, %and3A_351, %add3A_46], %gather3A_492 : memref<8x8x128xf32, #tpu.memory_space<vmem>>[vector<16xi32>, vector<16xi32>, vector<16xi32>], vector<16xf32>,
        %gather3A_493 = tpu.vector_load_idx %arg10[%add3A_46, %add3A_265] : memref<128x64xf32, #tpu.memory_space<vmem>>[vector<16xi32>, vector<16xi32>], vector<16xf32>,
        tpu.vector_store_idx %arg12[%shift_right_arithmetic3A_306, %and3A_354, %add3A_46], %gather3A_493 : memref<8x8x128xf32, #tpu.memory_space<vmem>>[vector<16xi32>, vector<16xi32>, vector<16xi32>], vector<16xf32>,
        %gather3A_494 = tpu.vector_load_idx %arg10[%add3A_46, %add3A_267] : memref<128x64xf32, #tpu.memory_space<vmem>>[vector<16xi32>, vector<16xi32>], vector<16xf32>,
        tpu.vector_store_idx %arg12[%shift_right_arithmetic3A_309, %and3A_357, %add3A_46], %gather3A_494 : memref<8x8x128xf32, #tpu.memory_space<vmem>>[vector<16xi32>, vector<16xi32>, vector<16xi32>], vector<16xf32>,
        %gather3A_495 = tpu.vector_load_idx %arg10[%add3A_46, %add3A_269] : memref<128x64xf32, #tpu.memory_space<vmem>>[vector<16xi32>, vector<16xi32>], vector<16xf32>,
        tpu.vector_store_idx %arg12[%shift_right_arithmetic3A_312, %and3A_360, %add3A_46], %gather3A_495 : memref<8x8x128xf32, #tpu.memory_space<vmem>>[vector<16xi32>, vector<16xi32>, vector<16xi32>], vector<16xf32>,
        %gather3A_496 = tpu.vector_load_idx %arg10[%add3A_46, %add3A_271] : memref<128x64xf32, #tpu.memory_space<vmem>>[vector<16xi32>, vector<16xi32>], vector<16xf32>,
        tpu.vector_store_idx %arg12[%shift_right_arithmetic3A_315, %and3A_363, %add3A_46], %gather3A_496 : memref<8x8x128xf32, #tpu.memory_space<vmem>>[vector<16xi32>, vector<16xi32>, vector<16xi32>], vector<16xf32>,
        %gather3A_497 = tpu.vector_load_idx %arg10[%add3A_46, %add3A_273] : memref<128x64xf32, #tpu.memory_space<vmem>>[vector<16xi32>, vector<16xi32>], vector<16xf32>,
        tpu.vector_store_idx %arg12[%shift_right_arithmetic3A_318, %and3A_366, %add3A_46], %gather3A_497 : memref<8x8x128xf32, #tpu.memory_space<vmem>>[vector<16xi32>, vector<16xi32>, vector<16xi32>], vector<16xf32>,
        %gather3A_498 = tpu.vector_load_idx %arg10[%add3A_46, %add3A_275] : memref<128x64xf32, #tpu.memory_space<vmem>>[vector<16xi32>, vector<16xi32>], vector<16xf32>,
        tpu.vector_store_idx %arg12[%shift_right_arithmetic3A_321, %and3A_369, %add3A_46], %gather3A_498 : memref<8x8x128xf32, #tpu.memory_space<vmem>>[vector<16xi32>, vector<16xi32>, vector<16xi32>], vector<16xf32>,
        %gather3A_499 = tpu.vector_load_idx %arg10[%add3A_46, %add3A_277] : memref<128x64xf32, #tpu.memory_space<vmem>>[vector<16xi32>, vector<16xi32>], vector<16xf32>,
        tpu.vector_store_idx %arg12[%shift_right_arithmetic3A_324, %and3A_372, %add3A_46], %gather3A_499 : memref<8x8x128xf32, #tpu.memory_space<vmem>>[vector<16xi32>, vector<16xi32>, vector<16xi32>], vector<16xf32>,
      }
      %scan3A_187 = arith.constant 4 : i32
      %dma_start3A_188 = arith.constant 0 : i32
      %dma_start3A_189 = arith.constant 0 : i32
      %dma_start3A_190 = arith.constant 0 : i32
      %dma_start3A_191 = tpu.memref_slice %arg6[%add3A_174, %dma_start3A_188, %add3A, %dma_start3A_189, %dma_start3A_190] : memref<200x8x32x8x128xf32, #tpu.memory_space<hbm>> -> memref<1x8x1x8x128xf32, #tpu.memory_space<hbm>>
      %dma_start3A_192 = tpu.memref_squeeze %dma_start3A_191 : memref<1x8x1x8x128xf32, #tpu.memory_space<hbm>> -> memref<8x8x128xf32, #tpu.memory_space<hbm>>
      %dma_start3A_193 = arith.constant 0 : i32
      %dma_start3A_194 = arith.constant 0 : i32
      %dma_start3A_195 = arith.constant 0 : i32
      %dma_start3A_196 = tpu.memref_slice %arg6[%add3A_174, %dma_start3A_193, %add3A, %dma_start3A_194, %dma_start3A_195] : memref<200x8x32x8x128xf32, #tpu.memory_space<hbm>> -> memref<1x8x1x8x128xf32, #tpu.memory_space<hbm>>
      %dma_start3A_197 = tpu.memref_squeeze %dma_start3A_196 : memref<1x8x1x8x128xf32, #tpu.memory_space<hbm>> -> memref<8x8x128xf32, #tpu.memory_space<hbm>>
      tpu.enqueue_dma source(%arg12 : memref<8x8x128xf32, #tpu.memory_space<vmem>>) target(%dma_start3A_197 : memref<8x8x128xf32, #tpu.memory_space<hbm>>) target_semaphore(%arg16 : memref<!tpu.dma_semaphore, #tpu.memory_space<semaphore_mem>>)
      %add3A_198 = arith.constant 2 : i32
      %add3A_199 = arith.addi %add3A_174, %add3A_198 : i32
      %lt3A = arith.constant 200 : i32
      %lt3A_200 = arith.cmpi slt, %add3A_199, %lt3A : i32
      %convert_element_type3A_201 = arith.extui %lt3A_200 : i1 to i32
      %cond3A_202 = arith.constant 0 : i32
      %cond3A_203 = arith.cmpi ne, %convert_element_type3A_201, %cond3A_202 : i32
      scf.if %cond3A_203 {
        %add3A_239 = arith.constant 2 : i32
        %add3A_240 = arith.addi %add3A_174, %add3A_239 : i32
        %dma_start3A_241 = arith.constant 0 : i32
        %dma_start3A_242 = tpu.memref_slice %arg9[%add3A_240, %dma_start3A_241] : memref<200x128xi32, #tpu.memory_space<vmem>> -> memref<1x128xi32, #tpu.memory_space<vmem>>
        %dma_start3A_243 = tpu.memref_squeeze %dma_start3A_242 : memref<1x128xi32, #tpu.memory_space<vmem>> -> memref<128xi32, #tpu.memory_space<vmem>>
        %dma_start3A_244 = arith.constant 0 : i32
        %dma_start3A_245 = arith.constant 0 : i32
        %dma_start3A_246 = tpu.memref_slice %arg4[%dma_start3A_244, %dma_start3A_245] : memref<100000x64xf32, #tpu.memory_space<hbm>> -> memref<100000x64xf32, #tpu.memory_space<hbm>>
        tpu.enqueue_indirect_dma source(%dma_start3A_246 : memref<100000x64xf32, #tpu.memory_space<hbm>>) target(%arg10 : memref<128x64xf32, #tpu.memory_space<vmem>>) offsets(%dma_start3A_243 : memref<128xi32, #tpu.memory_space<vmem>>) semaphore(%arg14 : memref<!tpu.dma_semaphore, #tpu.memory_space<semaphore_mem>>)
      } else {
      }
      %add3A_204 = arith.constant 1 : i32
      %add3A_205 = arith.addi %add3A_172, %add3A_204 : i32
      %dma_wait3A_206 = arith.constant 0 : i32
      %dma_wait3A_207 = tpu.memref_slice %arg9[%add3A_205, %dma_wait3A_206] : memref<200x128xi32, #tpu.memory_space<vmem>> -> memref<1x128xi32, #tpu.memory_space<vmem>>
      %dma_wait3A_208 = tpu.memref_squeeze %dma_wait3A_207 : memref<1x128xi32, #tpu.memory_space<vmem>> -> memref<128xi32, #tpu.memory_space<vmem>>
      %dma_wait3A_209 = arith.constant 0 : i32
      %dma_wait3A_210 = arith.constant 0 : i32
      %dma_wait3A_211 = tpu.memref_slice %arg4[%dma_wait3A_209, %dma_wait3A_210] : memref<100000x64xf32, #tpu.memory_space<hbm>> -> memref<100000x64xf32, #tpu.memory_space<hbm>>
      tpu.wait_indirect_dma semaphore(%arg15 : memref<!tpu.dma_semaphore, #tpu.memory_space<semaphore_mem>>) src(%dma_wait3A_211 : memref<100000x64xf32, #tpu.memory_space<hbm>>) dst(%arg11 : memref<128x64xf32, #tpu.memory_space<vmem>>)
      %ge3A_212 = arith.constant 2 : i32
      %ge3A_213 = arith.cmpi sge, %add3A_172, %ge3A_212 : i32
      %convert_element_type3A_214 = arith.extui %ge3A_213 : i1 to i32
      %cond3A_215 = arith.constant 0 : i32
      %cond3A_216 = arith.cmpi ne, %convert_element_type3A_214, %cond3A_215 : i32
      scf.if %cond3A_216 {
        %sub3A = arith.constant 2 : i32
        %sub3A_239 = arith.subi %add3A_205, %sub3A : i32
        %dma_wait3A_240 = arith.constant 0 : i32
        %dma_wait3A_241 = arith.constant 0 : i32
        %dma_wait3A_242 = arith.constant 0 : i32
        %dma_wait3A_243 = tpu.memref_slice %arg6[%sub3A_239, %dma_wait3A_240, %add3A, %dma_wait3A_241, %dma_wait3A_242] : memref<200x8x32x8x128xf32, #tpu.memory_space<hbm>> -> memref<1x8x1x8x128xf32, #tpu.memory_space<hbm>>
        %dma_wait3A_244 = tpu.memref_squeeze %dma_wait3A_243 : memref<1x8x1x8x128xf32, #tpu.memory_space<hbm>> -> memref<8x8x128xf32, #tpu.memory_space<hbm>>
        %dma_wait3A_245 = arith.constant 0 : i32
        %dma_wait3A_246 = arith.constant 0 : i32
        %dma_wait3A_247 = arith.constant 0 : i32
        %dma_wait3A_248 = tpu.memref_slice %arg6[%sub3A_239, %dma_wait3A_245, %add3A, %dma_wait3A_246, %dma_wait3A_247] : memref<200x8x32x8x128xf32, #tpu.memory_space<hbm>> -> memref<1x8x1x8x128xf32, #tpu.memory_space<hbm>>
        %dma_wait3A_249 = tpu.memref_squeeze %dma_wait3A_248 : memref<1x8x1x8x128xf32, #tpu.memory_space<hbm>> -> memref<8x8x128xf32, #tpu.memory_space<hbm>>
        tpu.wait_dma2 semaphore(%arg17 : memref<!tpu.dma_semaphore, #tpu.memory_space<semaphore_mem>>) src(%arg13 : memref<8x8x128xf32, #tpu.memory_space<vmem>>) dst(%dma_wait3A_249 : memref<8x8x128xf32, #tpu.memory_space<hbm>>)
      } else {
      }
      %scan3A_217 = arith.constant 0 : i32
      %scan3A_218 = arith.constant 4 : i32
      %scan3A_219 = arith.addi %scan3A_217, %scan3A_218 : i32
      %scan3A_220 = arith.constant 1 : i32
      scf.for %scan3A_239 = %scan3A_217 to %scan3A_219 step %scan3A_220  : i32 {
        %mul3A_240 = arith.constant 1 : i32
        %mul3A_241 = arith.muli %scan3A_239, %mul3A_240 : i32
        %add3A_242 = arith.constant 0 : i32
        %add3A_243 = arith.addi %add3A_242, %mul3A_241 : i32
        %mul3A_244 = arith.constant 16 : i32
        %mul3A_245 = arith.muli %add3A_243, %mul3A_244 : i32
        %add3A_246 = vector.broadcast %mul3A_245 : i32 to vector<16xi32>
        %add3A_247 = arith.addi %and3A_51, %add3A_246 : vector<16xi32>
        %add3A_248 = vector.broadcast %mul3A_245 : i32 to vector<16xi32>
        %add3A_249 = arith.addi %and3A_57, %add3A_248 : vector<16xi32>
        %add3A_250 = vector.broadcast %mul3A_245 : i32 to vector<16xi32>
        %add3A_251 = arith.addi %and3A_63, %add3A_250 : vector<16xi32>
        %add3A_252 = vector.broadcast %mul3A_245 : i32 to vector<16xi32>
        %add3A_253 = arith.addi %and3A_69, %add3A_252 : vector<16xi32>
        %add3A_254 = vector.broadcast %mul3A_245 : i32 to vector<16xi32>
        %add3A_255 = arith.addi %and3A_75, %add3A_254 : vector<16xi32>
        %add3A_256 = vector.broadcast %mul3A_245 : i32 to vector<16xi32>
        %add3A_257 = arith.addi %and3A_81, %add3A_256 : vector<16xi32>
        %add3A_258 = vector.broadcast %mul3A_245 : i32 to vector<16xi32>
        %add3A_259 = arith.addi %and3A_87, %add3A_258 : vector<16xi32>
        %add3A_260 = vector.broadcast %mul3A_245 : i32 to vector<16xi32>
        %add3A_261 = arith.addi %and3A_93, %add3A_260 : vector<16xi32>
        %add3A_262 = vector.broadcast %mul3A_245 : i32 to vector<16xi32>
        %add3A_263 = arith.addi %and3A_99, %add3A_262 : vector<16xi32>
        %add3A_264 = vector.broadcast %mul3A_245 : i32 to vector<16xi32>
        %add3A_265 = arith.addi %and3A_105, %add3A_264 : vector<16xi32>
        %add3A_266 = vector.broadcast %mul3A_245 : i32 to vector<16xi32>
        %add3A_267 = arith.addi %and3A_111, %add3A_266 : vector<16xi32>
        %add3A_268 = vector.broadcast %mul3A_245 : i32 to vector<16xi32>
        %add3A_269 = arith.addi %and3A_117, %add3A_268 : vector<16xi32>
        %add3A_270 = vector.broadcast %mul3A_245 : i32 to vector<16xi32>
        %add3A_271 = arith.addi %and3A_123, %add3A_270 : vector<16xi32>
        %add3A_272 = vector.broadcast %mul3A_245 : i32 to vector<16xi32>
        %add3A_273 = arith.addi %and3A_129, %add3A_272 : vector<16xi32>
        %add3A_274 = vector.broadcast %mul3A_245 : i32 to vector<16xi32>
        %add3A_275 = arith.addi %and3A_135, %add3A_274 : vector<16xi32>
        %add3A_276 = vector.broadcast %mul3A_245 : i32 to vector<16xi32>
        %add3A_277 = arith.addi %and3A_141, %add3A_276 : vector<16xi32>
        %shift_right_arithmetic3A = arith.constant 3 : i32
        %shift_right_arithmetic3A_278 = vector.broadcast %shift_right_arithmetic3A : i32 to vector<16xi32>
        %shift_right_arithmetic3A_279 = arith.shrsi %add3A_247, %shift_right_arithmetic3A_278 : vector<16xi32>
        %shift_right_arithmetic3A_280 = arith.constant 3 : i32
        %shift_right_arithmetic3A_281 = vector.broadcast %shift_right_arithmetic3A_280 : i32 to vector<16xi32>
        %shift_right_arithmetic3A_282 = arith.shrsi %add3A_249, %shift_right_arithmetic3A_281 : vector<16xi32>
        %shift_right_arithmetic3A_283 = arith.constant 3 : i32
        %shift_right_arithmetic3A_284 = vector.broadcast %shift_right_arithmetic3A_283 : i32 to vector<16xi32>
        %shift_right_arithmetic3A_285 = arith.shrsi %add3A_251, %shift_right_arithmetic3A_284 : vector<16xi32>
        %shift_right_arithmetic3A_286 = arith.constant 3 : i32
        %shift_right_arithmetic3A_287 = vector.broadcast %shift_right_arithmetic3A_286 : i32 to vector<16xi32>
        %shift_right_arithmetic3A_288 = arith.shrsi %add3A_253, %shift_right_arithmetic3A_287 : vector<16xi32>
        %shift_right_arithmetic3A_289 = arith.constant 3 : i32
        %shift_right_arithmetic3A_290 = vector.broadcast %shift_right_arithmetic3A_289 : i32 to vector<16xi32>
        %shift_right_arithmetic3A_291 = arith.shrsi %add3A_255, %shift_right_arithmetic3A_290 : vector<16xi32>
        %shift_right_arithmetic3A_292 = arith.constant 3 : i32
        %shift_right_arithmetic3A_293 = vector.broadcast %shift_right_arithmetic3A_292 : i32 to vector<16xi32>
        %shift_right_arithmetic3A_294 = arith.shrsi %add3A_257, %shift_right_arithmetic3A_293 : vector<16xi32>
        %shift_right_arithmetic3A_295 = arith.constant 3 : i32
        %shift_right_arithmetic3A_296 = vector.broadcast %shift_right_arithmetic3A_295 : i32 to vector<16xi32>
        %shift_right_arithmetic3A_297 = arith.shrsi %add3A_259, %shift_right_arithmetic3A_296 : vector<16xi32>
        %shift_right_arithmetic3A_298 = arith.constant 3 : i32
        %shift_right_arithmetic3A_299 = vector.broadcast %shift_right_arithmetic3A_298 : i32 to vector<16xi32>
        %shift_right_arithmetic3A_300 = arith.shrsi %add3A_261, %shift_right_arithmetic3A_299 : vector<16xi32>
        %shift_right_arithmetic3A_301 = arith.constant 3 : i32
        %shift_right_arithmetic3A_302 = vector.broadcast %shift_right_arithmetic3A_301 : i32 to vector<16xi32>
        %shift_right_arithmetic3A_303 = arith.shrsi %add3A_263, %shift_right_arithmetic3A_302 : vector<16xi32>
        %shift_right_arithmetic3A_304 = arith.constant 3 : i32
        %shift_right_arithmetic3A_305 = vector.broadcast %shift_right_arithmetic3A_304 : i32 to vector<16xi32>
        %shift_right_arithmetic3A_306 = arith.shrsi %add3A_265, %shift_right_arithmetic3A_305 : vector<16xi32>
        %shift_right_arithmetic3A_307 = arith.constant 3 : i32
        %shift_right_arithmetic3A_308 = vector.broadcast %shift_right_arithmetic3A_307 : i32 to vector<16xi32>
        %shift_right_arithmetic3A_309 = arith.shrsi %add3A_267, %shift_right_arithmetic3A_308 : vector<16xi32>
        %shift_right_arithmetic3A_310 = arith.constant 3 : i32
        %shift_right_arithmetic3A_311 = vector.broadcast %shift_right_arithmetic3A_310 : i32 to vector<16xi32>
        %shift_right_arithmetic3A_312 = arith.shrsi %add3A_269, %shift_right_arithmetic3A_311 : vector<16xi32>
        %shift_right_arithmetic3A_313 = arith.constant 3 : i32
        %shift_right_arithmetic3A_314 = vector.broadcast %shift_right_arithmetic3A_313 : i32 to vector<16xi32>
        %shift_right_arithmetic3A_315 = arith.shrsi %add3A_271, %shift_right_arithmetic3A_314 : vector<16xi32>
        %shift_right_arithmetic3A_316 = arith.constant 3 : i32
        %shift_right_arithmetic3A_317 = vector.broadcast %shift_right_arithmetic3A_316 : i32 to vector<16xi32>
        %shift_right_arithmetic3A_318 = arith.shrsi %add3A_273, %shift_right_arithmetic3A_317 : vector<16xi32>
        %shift_right_arithmetic3A_319 = arith.constant 3 : i32
        %shift_right_arithmetic3A_320 = vector.broadcast %shift_right_arithmetic3A_319 : i32 to vector<16xi32>
        %shift_right_arithmetic3A_321 = arith.shrsi %add3A_275, %shift_right_arithmetic3A_320 : vector<16xi32>
        %shift_right_arithmetic3A_322 = arith.constant 3 : i32
        %shift_right_arithmetic3A_323 = vector.broadcast %shift_right_arithmetic3A_322 : i32 to vector<16xi32>
        %shift_right_arithmetic3A_324 = arith.shrsi %add3A_277, %shift_right_arithmetic3A_323 : vector<16xi32>
        %and3A_325 = arith.constant 7 : i32
        %and3A_326 = vector.broadcast %and3A_325 : i32 to vector<16xi32>
        %and3A_327 = arith.andi %add3A_247, %and3A_326 : vector<16xi32>
        %and3A_328 = arith.constant 7 : i32
        %and3A_329 = vector.broadcast %and3A_328 : i32 to vector<16xi32>
        %and3A_330 = arith.andi %add3A_249, %and3A_329 : vector<16xi32>
        %and3A_331 = arith.constant 7 : i32
        %and3A_332 = vector.broadcast %and3A_331 : i32 to vector<16xi32>
        %and3A_333 = arith.andi %add3A_251, %and3A_332 : vector<16xi32>
        %and3A_334 = arith.constant 7 : i32
        %and3A_335 = vector.broadcast %and3A_334 : i32 to vector<16xi32>
        %and3A_336 = arith.andi %add3A_253, %and3A_335 : vector<16xi32>
        %and3A_337 = arith.constant 7 : i32
        %and3A_338 = vector.broadcast %and3A_337 : i32 to vector<16xi32>
        %and3A_339 = arith.andi %add3A_255, %and3A_338 : vector<16xi32>
        %and3A_340 = arith.constant 7 : i32
        %and3A_341 = vector.broadcast %and3A_340 : i32 to vector<16xi32>
        %and3A_342 = arith.andi %add3A_257, %and3A_341 : vector<16xi32>
        %and3A_343 = arith.constant 7 : i32
        %and3A_344 = vector.broadcast %and3A_343 : i32 to vector<16xi32>
        %and3A_345 = arith.andi %add3A_259, %and3A_344 : vector<16xi32>
        %and3A_346 = arith.constant 7 : i32
        %and3A_347 = vector.broadcast %and3A_346 : i32 to vector<16xi32>
        %and3A_348 = arith.andi %add3A_261, %and3A_347 : vector<16xi32>
        %and3A_349 = arith.constant 7 : i32
        %and3A_350 = vector.broadcast %and3A_349 : i32 to vector<16xi32>
        %and3A_351 = arith.andi %add3A_263, %and3A_350 : vector<16xi32>
        %and3A_352 = arith.constant 7 : i32
        %and3A_353 = vector.broadcast %and3A_352 : i32 to vector<16xi32>
        %and3A_354 = arith.andi %add3A_265, %and3A_353 : vector<16xi32>
        %and3A_355 = arith.constant 7 : i32
        %and3A_356 = vector.broadcast %and3A_355 : i32 to vector<16xi32>
        %and3A_357 = arith.andi %add3A_267, %and3A_356 : vector<16xi32>
        %and3A_358 = arith.constant 7 : i32
        %and3A_359 = vector.broadcast %and3A_358 : i32 to vector<16xi32>
        %and3A_360 = arith.andi %add3A_269, %and3A_359 : vector<16xi32>
        %and3A_361 = arith.constant 7 : i32
        %and3A_362 = vector.broadcast %and3A_361 : i32 to vector<16xi32>
        %and3A_363 = arith.andi %add3A_271, %and3A_362 : vector<16xi32>
        %and3A_364 = arith.constant 7 : i32
        %and3A_365 = vector.broadcast %and3A_364 : i32 to vector<16xi32>
        %and3A_366 = arith.andi %add3A_273, %and3A_365 : vector<16xi32>
        %and3A_367 = arith.constant 7 : i32
        %and3A_368 = vector.broadcast %and3A_367 : i32 to vector<16xi32>
        %and3A_369 = arith.andi %add3A_275, %and3A_368 : vector<16xi32>
        %and3A_370 = arith.constant 7 : i32
        %and3A_371 = vector.broadcast %and3A_370 : i32 to vector<16xi32>
        %and3A_372 = arith.andi %add3A_277, %and3A_371 : vector<16xi32>
        %gather3A = tpu.vector_load_idx %arg11[%add3A_25, %add3A_247] : memref<128x64xf32, #tpu.memory_space<vmem>>[vector<16xi32>, vector<16xi32>], vector<16xf32>,
        tpu.vector_store_idx %arg13[%shift_right_arithmetic3A_279, %and3A_327, %add3A_25], %gather3A : memref<8x8x128xf32, #tpu.memory_space<vmem>>[vector<16xi32>, vector<16xi32>, vector<16xi32>], vector<16xf32>,
        %gather3A_373 = tpu.vector_load_idx %arg11[%add3A_25, %add3A_249] : memref<128x64xf32, #tpu.memory_space<vmem>>[vector<16xi32>, vector<16xi32>], vector<16xf32>,
        tpu.vector_store_idx %arg13[%shift_right_arithmetic3A_282, %and3A_330, %add3A_25], %gather3A_373 : memref<8x8x128xf32, #tpu.memory_space<vmem>>[vector<16xi32>, vector<16xi32>, vector<16xi32>], vector<16xf32>,
        %gather3A_374 = tpu.vector_load_idx %arg11[%add3A_25, %add3A_251] : memref<128x64xf32, #tpu.memory_space<vmem>>[vector<16xi32>, vector<16xi32>], vector<16xf32>,
        tpu.vector_store_idx %arg13[%shift_right_arithmetic3A_285, %and3A_333, %add3A_25], %gather3A_374 : memref<8x8x128xf32, #tpu.memory_space<vmem>>[vector<16xi32>, vector<16xi32>, vector<16xi32>], vector<16xf32>,
        %gather3A_375 = tpu.vector_load_idx %arg11[%add3A_25, %add3A_253] : memref<128x64xf32, #tpu.memory_space<vmem>>[vector<16xi32>, vector<16xi32>], vector<16xf32>,
        tpu.vector_store_idx %arg13[%shift_right_arithmetic3A_288, %and3A_336, %add3A_25], %gather3A_375 : memref<8x8x128xf32, #tpu.memory_space<vmem>>[vector<16xi32>, vector<16xi32>, vector<16xi32>], vector<16xf32>,
        %gather3A_376 = tpu.vector_load_idx %arg11[%add3A_25, %add3A_255] : memref<128x64xf32, #tpu.memory_space<vmem>>[vector<16xi32>, vector<16xi32>], vector<16xf32>,
        tpu.vector_store_idx %arg13[%shift_right_arithmetic3A_291, %and3A_339, %add3A_25], %gather3A_376 : memref<8x8x128xf32, #tpu.memory_space<vmem>>[vector<16xi32>, vector<16xi32>, vector<16xi32>], vector<16xf32>,
        %gather3A_377 = tpu.vector_load_idx %arg11[%add3A_25, %add3A_257] : memref<128x64xf32, #tpu.memory_space<vmem>>[vector<16xi32>, vector<16xi32>], vector<16xf32>,
        tpu.vector_store_idx %arg13[%shift_right_arithmetic3A_294, %and3A_342, %add3A_25], %gather3A_377 : memref<8x8x128xf32, #tpu.memory_space<vmem>>[vector<16xi32>, vector<16xi32>, vector<16xi32>], vector<16xf32>,
        %gather3A_378 = tpu.vector_load_idx %arg11[%add3A_25, %add3A_259] : memref<128x64xf32, #tpu.memory_space<vmem>>[vector<16xi32>, vector<16xi32>], vector<16xf32>,
        tpu.vector_store_idx %arg13[%shift_right_arithmetic3A_297, %and3A_345, %add3A_25], %gather3A_378 : memref<8x8x128xf32, #tpu.memory_space<vmem>>[vector<16xi32>, vector<16xi32>, vector<16xi32>], vector<16xf32>,
        %gather3A_379 = tpu.vector_load_idx %arg11[%add3A_25, %add3A_261] : memref<128x64xf32, #tpu.memory_space<vmem>>[vector<16xi32>, vector<16xi32>], vector<16xf32>,
        tpu.vector_store_idx %arg13[%shift_right_arithmetic3A_300, %and3A_348, %add3A_25], %gather3A_379 : memref<8x8x128xf32, #tpu.memory_space<vmem>>[vector<16xi32>, vector<16xi32>, vector<16xi32>], vector<16xf32>,
        %gather3A_380 = tpu.vector_load_idx %arg11[%add3A_25, %add3A_263] : memref<128x64xf32, #tpu.memory_space<vmem>>[vector<16xi32>, vector<16xi32>], vector<16xf32>,
        tpu.vector_store_idx %arg13[%shift_right_arithmetic3A_303, %and3A_351, %add3A_25], %gather3A_380 : memref<8x8x128xf32, #tpu.memory_space<vmem>>[vector<16xi32>, vector<16xi32>, vector<16xi32>], vector<16xf32>,
        %gather3A_381 = tpu.vector_load_idx %arg11[%add3A_25, %add3A_265] : memref<128x64xf32, #tpu.memory_space<vmem>>[vector<16xi32>, vector<16xi32>], vector<16xf32>,
        tpu.vector_store_idx %arg13[%shift_right_arithmetic3A_306, %and3A_354, %add3A_25], %gather3A_381 : memref<8x8x128xf32, #tpu.memory_space<vmem>>[vector<16xi32>, vector<16xi32>, vector<16xi32>], vector<16xf32>,
        %gather3A_382 = tpu.vector_load_idx %arg11[%add3A_25, %add3A_267] : memref<128x64xf32, #tpu.memory_space<vmem>>[vector<16xi32>, vector<16xi32>], vector<16xf32>,
        tpu.vector_store_idx %arg13[%shift_right_arithmetic3A_309, %and3A_357, %add3A_25], %gather3A_382 : memref<8x8x128xf32, #tpu.memory_space<vmem>>[vector<16xi32>, vector<16xi32>, vector<16xi32>], vector<16xf32>,
        %gather3A_383 = tpu.vector_load_idx %arg11[%add3A_25, %add3A_269] : memref<128x64xf32, #tpu.memory_space<vmem>>[vector<16xi32>, vector<16xi32>], vector<16xf32>,
        tpu.vector_store_idx %arg13[%shift_right_arithmetic3A_312, %and3A_360, %add3A_25], %gather3A_383 : memref<8x8x128xf32, #tpu.memory_space<vmem>>[vector<16xi32>, vector<16xi32>, vector<16xi32>], vector<16xf32>,
        %gather3A_384 = tpu.vector_load_idx %arg11[%add3A_25, %add3A_271] : memref<128x64xf32, #tpu.memory_space<vmem>>[vector<16xi32>, vector<16xi32>], vector<16xf32>,
        tpu.vector_store_idx %arg13[%shift_right_arithmetic3A_315, %and3A_363, %add3A_25], %gather3A_384 : memref<8x8x128xf32, #tpu.memory_space<vmem>>[vector<16xi32>, vector<16xi32>, vector<16xi32>], vector<16xf32>,
        %gather3A_385 = tpu.vector_load_idx %arg11[%add3A_25, %add3A_273] : memref<128x64xf32, #tpu.memory_space<vmem>>[vector<16xi32>, vector<16xi32>], vector<16xf32>,
        tpu.vector_store_idx %arg13[%shift_right_arithmetic3A_318, %and3A_366, %add3A_25], %gather3A_385 : memref<8x8x128xf32, #tpu.memory_space<vmem>>[vector<16xi32>, vector<16xi32>, vector<16xi32>], vector<16xf32>,
        %gather3A_386 = tpu.vector_load_idx %arg11[%add3A_25, %add3A_275] : memref<128x64xf32, #tpu.memory_space<vmem>>[vector<16xi32>, vector<16xi32>], vector<16xf32>,
        tpu.vector_store_idx %arg13[%shift_right_arithmetic3A_321, %and3A_369, %add3A_25], %gather3A_386 : memref<8x8x128xf32, #tpu.memory_space<vmem>>[vector<16xi32>, vector<16xi32>, vector<16xi32>], vector<16xf32>,
        %gather3A_387 = tpu.vector_load_idx %arg11[%add3A_25, %add3A_277] : memref<128x64xf32, #tpu.memory_space<vmem>>[vector<16xi32>, vector<16xi32>], vector<16xf32>,
        tpu.vector_store_idx %arg13[%shift_right_arithmetic3A_324, %and3A_372, %add3A_25], %gather3A_387 : memref<8x8x128xf32, #tpu.memory_space<vmem>>[vector<16xi32>, vector<16xi32>, vector<16xi32>], vector<16xf32>,
        %gather3A_388 = tpu.vector_load_idx %arg11[%add3A_28, %add3A_247] : memref<128x64xf32, #tpu.memory_space<vmem>>[vector<16xi32>, vector<16xi32>], vector<16xf32>,
        tpu.vector_store_idx %arg13[%shift_right_arithmetic3A_279, %and3A_327, %add3A_28], %gather3A_388 : memref<8x8x128xf32, #tpu.memory_space<vmem>>[vector<16xi32>, vector<16xi32>, vector<16xi32>], vector<16xf32>,
        %gather3A_389 = tpu.vector_load_idx %arg11[%add3A_28, %add3A_249] : memref<128x64xf32, #tpu.memory_space<vmem>>[vector<16xi32>, vector<16xi32>], vector<16xf32>,
        tpu.vector_store_idx %arg13[%shift_right_arithmetic3A_282, %and3A_330, %add3A_28], %gather3A_389 : memref<8x8x128xf32, #tpu.memory_space<vmem>>[vector<16xi32>, vector<16xi32>, vector<16xi32>], vector<16xf32>,
        %gather3A_390 = tpu.vector_load_idx %arg11[%add3A_28, %add3A_251] : memref<128x64xf32, #tpu.memory_space<vmem>>[vector<16xi32>, vector<16xi32>], vector<16xf32>,
        tpu.vector_store_idx %arg13[%shift_right_arithmetic3A_285, %and3A_333, %add3A_28], %gather3A_390 : memref<8x8x128xf32, #tpu.memory_space<vmem>>[vector<16xi32>, vector<16xi32>, vector<16xi32>], vector<16xf32>,
        %gather3A_391 = tpu.vector_load_idx %arg11[%add3A_28, %add3A_253] : memref<128x64xf32, #tpu.memory_space<vmem>>[vector<16xi32>, vector<16xi32>], vector<16xf32>,
        tpu.vector_store_idx %arg13[%shift_right_arithmetic3A_288, %and3A_336, %add3A_28], %gather3A_391 : memref<8x8x128xf32, #tpu.memory_space<vmem>>[vector<16xi32>, vector<16xi32>, vector<16xi32>], vector<16xf32>,
        %gather3A_392 = tpu.vector_load_idx %arg11[%add3A_28, %add3A_255] : memref<128x64xf32, #tpu.memory_space<vmem>>[vector<16xi32>, vector<16xi32>], vector<16xf32>,
        tpu.vector_store_idx %arg13[%shift_right_arithmetic3A_291, %and3A_339, %add3A_28], %gather3A_392 : memref<8x8x128xf32, #tpu.memory_space<vmem>>[vector<16xi32>, vector<16xi32>, vector<16xi32>], vector<16xf32>,
        %gather3A_393 = tpu.vector_load_idx %arg11[%add3A_28, %add3A_257] : memref<128x64xf32, #tpu.memory_space<vmem>>[vector<16xi32>, vector<16xi32>], vector<16xf32>,
        tpu.vector_store_idx %arg13[%shift_right_arithmetic3A_294, %and3A_342, %add3A_28], %gather3A_393 : memref<8x8x128xf32, #tpu.memory_space<vmem>>[vector<16xi32>, vector<16xi32>, vector<16xi32>], vector<16xf32>,
        %gather3A_394 = tpu.vector_load_idx %arg11[%add3A_28, %add3A_259] : memref<128x64xf32, #tpu.memory_space<vmem>>[vector<16xi32>, vector<16xi32>], vector<16xf32>,
        tpu.vector_store_idx %arg13[%shift_right_arithmetic3A_297, %and3A_345, %add3A_28], %gather3A_394 : memref<8x8x128xf32, #tpu.memory_space<vmem>>[vector<16xi32>, vector<16xi32>, vector<16xi32>], vector<16xf32>,
        %gather3A_395 = tpu.vector_load_idx %arg11[%add3A_28, %add3A_261] : memref<128x64xf32, #tpu.memory_space<vmem>>[vector<16xi32>, vector<16xi32>], vector<16xf32>,
        tpu.vector_store_idx %arg13[%shift_right_arithmetic3A_300, %and3A_348, %add3A_28], %gather3A_395 : memref<8x8x128xf32, #tpu.memory_space<vmem>>[vector<16xi32>, vector<16xi32>, vector<16xi32>], vector<16xf32>,
        %gather3A_396 = tpu.vector_load_idx %arg11[%add3A_28, %add3A_263] : memref<128x64xf32, #tpu.memory_space<vmem>>[vector<16xi32>, vector<16xi32>], vector<16xf32>,
        tpu.vector_store_idx %arg13[%shift_right_arithmetic3A_303, %and3A_351, %add3A_28], %gather3A_396 : memref<8x8x128xf32, #tpu.memory_space<vmem>>[vector<16xi32>, vector<16xi32>, vector<16xi32>], vector<16xf32>,
        %gather3A_397 = tpu.vector_load_idx %arg11[%add3A_28, %add3A_265] : memref<128x64xf32, #tpu.memory_space<vmem>>[vector<16xi32>, vector<16xi32>], vector<16xf32>,
        tpu.vector_store_idx %arg13[%shift_right_arithmetic3A_306, %and3A_354, %add3A_28], %gather3A_397 : memref<8x8x128xf32, #tpu.memory_space<vmem>>[vector<16xi32>, vector<16xi32>, vector<16xi32>], vector<16xf32>,
        %gather3A_398 = tpu.vector_load_idx %arg11[%add3A_28, %add3A_267] : memref<128x64xf32, #tpu.memory_space<vmem>>[vector<16xi32>, vector<16xi32>], vector<16xf32>,
        tpu.vector_store_idx %arg13[%shift_right_arithmetic3A_309, %and3A_357, %add3A_28], %gather3A_398 : memref<8x8x128xf32, #tpu.memory_space<vmem>>[vector<16xi32>, vector<16xi32>, vector<16xi32>], vector<16xf32>,
        %gather3A_399 = tpu.vector_load_idx %arg11[%add3A_28, %add3A_269] : memref<128x64xf32, #tpu.memory_space<vmem>>[vector<16xi32>, vector<16xi32>], vector<16xf32>,
        tpu.vector_store_idx %arg13[%shift_right_arithmetic3A_312, %and3A_360, %add3A_28], %gather3A_399 : memref<8x8x128xf32, #tpu.memory_space<vmem>>[vector<16xi32>, vector<16xi32>, vector<16xi32>], vector<16xf32>,
        %gather3A_400 = tpu.vector_load_idx %arg11[%add3A_28, %add3A_271] : memref<128x64xf32, #tpu.memory_space<vmem>>[vector<16xi32>, vector<16xi32>], vector<16xf32>,
        tpu.vector_store_idx %arg13[%shift_right_arithmetic3A_315, %and3A_363, %add3A_28], %gather3A_400 : memref<8x8x128xf32, #tpu.memory_space<vmem>>[vector<16xi32>, vector<16xi32>, vector<16xi32>], vector<16xf32>,
        %gather3A_401 = tpu.vector_load_idx %arg11[%add3A_28, %add3A_273] : memref<128x64xf32, #tpu.memory_space<vmem>>[vector<16xi32>, vector<16xi32>], vector<16xf32>,
        tpu.vector_store_idx %arg13[%shift_right_arithmetic3A_318, %and3A_366, %add3A_28], %gather3A_401 : memref<8x8x128xf32, #tpu.memory_space<vmem>>[vector<16xi32>, vector<16xi32>, vector<16xi32>], vector<16xf32>,
        %gather3A_402 = tpu.vector_load_idx %arg11[%add3A_28, %add3A_275] : memref<128x64xf32, #tpu.memory_space<vmem>>[vector<16xi32>, vector<16xi32>], vector<16xf32>,
        tpu.vector_store_idx %arg13[%shift_right_arithmetic3A_321, %and3A_369, %add3A_28], %gather3A_402 : memref<8x8x128xf32, #tpu.memory_space<vmem>>[vector<16xi32>, vector<16xi32>, vector<16xi32>], vector<16xf32>,
        %gather3A_403 = tpu.vector_load_idx %arg11[%add3A_28, %add3A_277] : memref<128x64xf32, #tpu.memory_space<vmem>>[vector<16xi32>, vector<16xi32>], vector<16xf32>,
        tpu.vector_store_idx %arg13[%shift_right_arithmetic3A_324, %and3A_372, %add3A_28], %gather3A_403 : memref<8x8x128xf32, #tpu.memory_space<vmem>>[vector<16xi32>, vector<16xi32>, vector<16xi32>], vector<16xf32>,
        %gather3A_404 = tpu.vector_load_idx %arg11[%add3A_31, %add3A_247] : memref<128x64xf32, #tpu.memory_space<vmem>>[vector<16xi32>, vector<16xi32>], vector<16xf32>,
        tpu.vector_store_idx %arg13[%shift_right_arithmetic3A_279, %and3A_327, %add3A_31], %gather3A_404 : memref<8x8x128xf32, #tpu.memory_space<vmem>>[vector<16xi32>, vector<16xi32>, vector<16xi32>], vector<16xf32>,
        %gather3A_405 = tpu.vector_load_idx %arg11[%add3A_31, %add3A_249] : memref<128x64xf32, #tpu.memory_space<vmem>>[vector<16xi32>, vector<16xi32>], vector<16xf32>,
        tpu.vector_store_idx %arg13[%shift_right_arithmetic3A_282, %and3A_330, %add3A_31], %gather3A_405 : memref<8x8x128xf32, #tpu.memory_space<vmem>>[vector<16xi32>, vector<16xi32>, vector<16xi32>], vector<16xf32>,
        %gather3A_406 = tpu.vector_load_idx %arg11[%add3A_31, %add3A_251] : memref<128x64xf32, #tpu.memory_space<vmem>>[vector<16xi32>, vector<16xi32>], vector<16xf32>,
        tpu.vector_store_idx %arg13[%shift_right_arithmetic3A_285, %and3A_333, %add3A_31], %gather3A_406 : memref<8x8x128xf32, #tpu.memory_space<vmem>>[vector<16xi32>, vector<16xi32>, vector<16xi32>], vector<16xf32>,
        %gather3A_407 = tpu.vector_load_idx %arg11[%add3A_31, %add3A_253] : memref<128x64xf32, #tpu.memory_space<vmem>>[vector<16xi32>, vector<16xi32>], vector<16xf32>,
        tpu.vector_store_idx %arg13[%shift_right_arithmetic3A_288, %and3A_336, %add3A_31], %gather3A_407 : memref<8x8x128xf32, #tpu.memory_space<vmem>>[vector<16xi32>, vector<16xi32>, vector<16xi32>], vector<16xf32>,
        %gather3A_408 = tpu.vector_load_idx %arg11[%add3A_31, %add3A_255] : memref<128x64xf32, #tpu.memory_space<vmem>>[vector<16xi32>, vector<16xi32>], vector<16xf32>,
        tpu.vector_store_idx %arg13[%shift_right_arithmetic3A_291, %and3A_339, %add3A_31], %gather3A_408 : memref<8x8x128xf32, #tpu.memory_space<vmem>>[vector<16xi32>, vector<16xi32>, vector<16xi32>], vector<16xf32>,
        %gather3A_409 = tpu.vector_load_idx %arg11[%add3A_31, %add3A_257] : memref<128x64xf32, #tpu.memory_space<vmem>>[vector<16xi32>, vector<16xi32>], vector<16xf32>,
        tpu.vector_store_idx %arg13[%shift_right_arithmetic3A_294, %and3A_342, %add3A_31], %gather3A_409 : memref<8x8x128xf32, #tpu.memory_space<vmem>>[vector<16xi32>, vector<16xi32>, vector<16xi32>], vector<16xf32>,
        %gather3A_410 = tpu.vector_load_idx %arg11[%add3A_31, %add3A_259] : memref<128x64xf32, #tpu.memory_space<vmem>>[vector<16xi32>, vector<16xi32>], vector<16xf32>,
        tpu.vector_store_idx %arg13[%shift_right_arithmetic3A_297, %and3A_345, %add3A_31], %gather3A_410 : memref<8x8x128xf32, #tpu.memory_space<vmem>>[vector<16xi32>, vector<16xi32>, vector<16xi32>], vector<16xf32>,
        %gather3A_411 = tpu.vector_load_idx %arg11[%add3A_31, %add3A_261] : memref<128x64xf32, #tpu.memory_space<vmem>>[vector<16xi32>, vector<16xi32>], vector<16xf32>,
        tpu.vector_store_idx %arg13[%shift_right_arithmetic3A_300, %and3A_348, %add3A_31], %gather3A_411 : memref<8x8x128xf32, #tpu.memory_space<vmem>>[vector<16xi32>, vector<16xi32>, vector<16xi32>], vector<16xf32>,
        %gather3A_412 = tpu.vector_load_idx %arg11[%add3A_31, %add3A_263] : memref<128x64xf32, #tpu.memory_space<vmem>>[vector<16xi32>, vector<16xi32>], vector<16xf32>,
        tpu.vector_store_idx %arg13[%shift_right_arithmetic3A_303, %and3A_351, %add3A_31], %gather3A_412 : memref<8x8x128xf32, #tpu.memory_space<vmem>>[vector<16xi32>, vector<16xi32>, vector<16xi32>], vector<16xf32>,
        %gather3A_413 = tpu.vector_load_idx %arg11[%add3A_31, %add3A_265] : memref<128x64xf32, #tpu.memory_space<vmem>>[vector<16xi32>, vector<16xi32>], vector<16xf32>,
        tpu.vector_store_idx %arg13[%shift_right_arithmetic3A_306, %and3A_354, %add3A_31], %gather3A_413 : memref<8x8x128xf32, #tpu.memory_space<vmem>>[vector<16xi32>, vector<16xi32>, vector<16xi32>], vector<16xf32>,
        %gather3A_414 = tpu.vector_load_idx %arg11[%add3A_31, %add3A_267] : memref<128x64xf32, #tpu.memory_space<vmem>>[vector<16xi32>, vector<16xi32>], vector<16xf32>,
        tpu.vector_store_idx %arg13[%shift_right_arithmetic3A_309, %and3A_357, %add3A_31], %gather3A_414 : memref<8x8x128xf32, #tpu.memory_space<vmem>>[vector<16xi32>, vector<16xi32>, vector<16xi32>], vector<16xf32>,
        %gather3A_415 = tpu.vector_load_idx %arg11[%add3A_31, %add3A_269] : memref<128x64xf32, #tpu.memory_space<vmem>>[vector<16xi32>, vector<16xi32>], vector<16xf32>,
        tpu.vector_store_idx %arg13[%shift_right_arithmetic3A_312, %and3A_360, %add3A_31], %gather3A_415 : memref<8x8x128xf32, #tpu.memory_space<vmem>>[vector<16xi32>, vector<16xi32>, vector<16xi32>], vector<16xf32>,
        %gather3A_416 = tpu.vector_load_idx %arg11[%add3A_31, %add3A_271] : memref<128x64xf32, #tpu.memory_space<vmem>>[vector<16xi32>, vector<16xi32>], vector<16xf32>,
        tpu.vector_store_idx %arg13[%shift_right_arithmetic3A_315, %and3A_363, %add3A_31], %gather3A_416 : memref<8x8x128xf32, #tpu.memory_space<vmem>>[vector<16xi32>, vector<16xi32>, vector<16xi32>], vector<16xf32>,
        %gather3A_417 = tpu.vector_load_idx %arg11[%add3A_31, %add3A_273] : memref<128x64xf32, #tpu.memory_space<vmem>>[vector<16xi32>, vector<16xi32>], vector<16xf32>,
        tpu.vector_store_idx %arg13[%shift_right_arithmetic3A_318, %and3A_366, %add3A_31], %gather3A_417 : memref<8x8x128xf32, #tpu.memory_space<vmem>>[vector<16xi32>, vector<16xi32>, vector<16xi32>], vector<16xf32>,
        %gather3A_418 = tpu.vector_load_idx %arg11[%add3A_31, %add3A_275] : memref<128x64xf32, #tpu.memory_space<vmem>>[vector<16xi32>, vector<16xi32>], vector<16xf32>,
        tpu.vector_store_idx %arg13[%shift_right_arithmetic3A_321, %and3A_369, %add3A_31], %gather3A_418 : memref<8x8x128xf32, #tpu.memory_space<vmem>>[vector<16xi32>, vector<16xi32>, vector<16xi32>], vector<16xf32>,
        %gather3A_419 = tpu.vector_load_idx %arg11[%add3A_31, %add3A_277] : memref<128x64xf32, #tpu.memory_space<vmem>>[vector<16xi32>, vector<16xi32>], vector<16xf32>,
        tpu.vector_store_idx %arg13[%shift_right_arithmetic3A_324, %and3A_372, %add3A_31], %gather3A_419 : memref<8x8x128xf32, #tpu.memory_space<vmem>>[vector<16xi32>, vector<16xi32>, vector<16xi32>], vector<16xf32>,
        %gather3A_420 = tpu.vector_load_idx %arg11[%add3A_34, %add3A_247] : memref<128x64xf32, #tpu.memory_space<vmem>>[vector<16xi32>, vector<16xi32>], vector<16xf32>,
        tpu.vector_store_idx %arg13[%shift_right_arithmetic3A_279, %and3A_327, %add3A_34], %gather3A_420 : memref<8x8x128xf32, #tpu.memory_space<vmem>>[vector<16xi32>, vector<16xi32>, vector<16xi32>], vector<16xf32>,
        %gather3A_421 = tpu.vector_load_idx %arg11[%add3A_34, %add3A_249] : memref<128x64xf32, #tpu.memory_space<vmem>>[vector<16xi32>, vector<16xi32>], vector<16xf32>,
        tpu.vector_store_idx %arg13[%shift_right_arithmetic3A_282, %and3A_330, %add3A_34], %gather3A_421 : memref<8x8x128xf32, #tpu.memory_space<vmem>>[vector<16xi32>, vector<16xi32>, vector<16xi32>], vector<16xf32>,
        %gather3A_422 = tpu.vector_load_idx %arg11[%add3A_34, %add3A_251] : memref<128x64xf32, #tpu.memory_space<vmem>>[vector<16xi32>, vector<16xi32>], vector<16xf32>,
        tpu.vector_store_idx %arg13[%shift_right_arithmetic3A_285, %and3A_333, %add3A_34], %gather3A_422 : memref<8x8x128xf32, #tpu.memory_space<vmem>>[vector<16xi32>, vector<16xi32>, vector<16xi32>], vector<16xf32>,
        %gather3A_423 = tpu.vector_load_idx %arg11[%add3A_34, %add3A_253] : memref<128x64xf32, #tpu.memory_space<vmem>>[vector<16xi32>, vector<16xi32>], vector<16xf32>,
        tpu.vector_store_idx %arg13[%shift_right_arithmetic3A_288, %and3A_336, %add3A_34], %gather3A_423 : memref<8x8x128xf32, #tpu.memory_space<vmem>>[vector<16xi32>, vector<16xi32>, vector<16xi32>], vector<16xf32>,
        %gather3A_424 = tpu.vector_load_idx %arg11[%add3A_34, %add3A_255] : memref<128x64xf32, #tpu.memory_space<vmem>>[vector<16xi32>, vector<16xi32>], vector<16xf32>,
        tpu.vector_store_idx %arg13[%shift_right_arithmetic3A_291, %and3A_339, %add3A_34], %gather3A_424 : memref<8x8x128xf32, #tpu.memory_space<vmem>>[vector<16xi32>, vector<16xi32>, vector<16xi32>], vector<16xf32>,
        %gather3A_425 = tpu.vector_load_idx %arg11[%add3A_34, %add3A_257] : memref<128x64xf32, #tpu.memory_space<vmem>>[vector<16xi32>, vector<16xi32>], vector<16xf32>,
        tpu.vector_store_idx %arg13[%shift_right_arithmetic3A_294, %and3A_342, %add3A_34], %gather3A_425 : memref<8x8x128xf32, #tpu.memory_space<vmem>>[vector<16xi32>, vector<16xi32>, vector<16xi32>], vector<16xf32>,
        %gather3A_426 = tpu.vector_load_idx %arg11[%add3A_34, %add3A_259] : memref<128x64xf32, #tpu.memory_space<vmem>>[vector<16xi32>, vector<16xi32>], vector<16xf32>,
        tpu.vector_store_idx %arg13[%shift_right_arithmetic3A_297, %and3A_345, %add3A_34], %gather3A_426 : memref<8x8x128xf32, #tpu.memory_space<vmem>>[vector<16xi32>, vector<16xi32>, vector<16xi32>], vector<16xf32>,
        %gather3A_427 = tpu.vector_load_idx %arg11[%add3A_34, %add3A_261] : memref<128x64xf32, #tpu.memory_space<vmem>>[vector<16xi32>, vector<16xi32>], vector<16xf32>,
        tpu.vector_store_idx %arg13[%shift_right_arithmetic3A_300, %and3A_348, %add3A_34], %gather3A_427 : memref<8x8x128xf32, #tpu.memory_space<vmem>>[vector<16xi32>, vector<16xi32>, vector<16xi32>], vector<16xf32>,
        %gather3A_428 = tpu.vector_load_idx %arg11[%add3A_34, %add3A_263] : memref<128x64xf32, #tpu.memory_space<vmem>>[vector<16xi32>, vector<16xi32>], vector<16xf32>,
        tpu.vector_store_idx %arg13[%shift_right_arithmetic3A_303, %and3A_351, %add3A_34], %gather3A_428 : memref<8x8x128xf32, #tpu.memory_space<vmem>>[vector<16xi32>, vector<16xi32>, vector<16xi32>], vector<16xf32>,
        %gather3A_429 = tpu.vector_load_idx %arg11[%add3A_34, %add3A_265] : memref<128x64xf32, #tpu.memory_space<vmem>>[vector<16xi32>, vector<16xi32>], vector<16xf32>,
        tpu.vector_store_idx %arg13[%shift_right_arithmetic3A_306, %and3A_354, %add3A_34], %gather3A_429 : memref<8x8x128xf32, #tpu.memory_space<vmem>>[vector<16xi32>, vector<16xi32>, vector<16xi32>], vector<16xf32>,
        %gather3A_430 = tpu.vector_load_idx %arg11[%add3A_34, %add3A_267] : memref<128x64xf32, #tpu.memory_space<vmem>>[vector<16xi32>, vector<16xi32>], vector<16xf32>,
        tpu.vector_store_idx %arg13[%shift_right_arithmetic3A_309, %and3A_357, %add3A_34], %gather3A_430 : memref<8x8x128xf32, #tpu.memory_space<vmem>>[vector<16xi32>, vector<16xi32>, vector<16xi32>], vector<16xf32>,
        %gather3A_431 = tpu.vector_load_idx %arg11[%add3A_34, %add3A_269] : memref<128x64xf32, #tpu.memory_space<vmem>>[vector<16xi32>, vector<16xi32>], vector<16xf32>,
        tpu.vector_store_idx %arg13[%shift_right_arithmetic3A_312, %and3A_360, %add3A_34], %gather3A_431 : memref<8x8x128xf32, #tpu.memory_space<vmem>>[vector<16xi32>, vector<16xi32>, vector<16xi32>], vector<16xf32>,
        %gather3A_432 = tpu.vector_load_idx %arg11[%add3A_34, %add3A_271] : memref<128x64xf32, #tpu.memory_space<vmem>>[vector<16xi32>, vector<16xi32>], vector<16xf32>,
        tpu.vector_store_idx %arg13[%shift_right_arithmetic3A_315, %and3A_363, %add3A_34], %gather3A_432 : memref<8x8x128xf32, #tpu.memory_space<vmem>>[vector<16xi32>, vector<16xi32>, vector<16xi32>], vector<16xf32>,
        %gather3A_433 = tpu.vector_load_idx %arg11[%add3A_34, %add3A_273] : memref<128x64xf32, #tpu.memory_space<vmem>>[vector<16xi32>, vector<16xi32>], vector<16xf32>,
        tpu.vector_store_idx %arg13[%shift_right_arithmetic3A_318, %and3A_366, %add3A_34], %gather3A_433 : memref<8x8x128xf32, #tpu.memory_space<vmem>>[vector<16xi32>, vector<16xi32>, vector<16xi32>], vector<16xf32>,
        %gather3A_434 = tpu.vector_load_idx %arg11[%add3A_34, %add3A_275] : memref<128x64xf32, #tpu.memory_space<vmem>>[vector<16xi32>, vector<16xi32>], vector<16xf32>,
        tpu.vector_store_idx %arg13[%shift_right_arithmetic3A_321, %and3A_369, %add3A_34], %gather3A_434 : memref<8x8x128xf32, #tpu.memory_space<vmem>>[vector<16xi32>, vector<16xi32>, vector<16xi32>], vector<16xf32>,
        %gather3A_435 = tpu.vector_load_idx %arg11[%add3A_34, %add3A_277] : memref<128x64xf32, #tpu.memory_space<vmem>>[vector<16xi32>, vector<16xi32>], vector<16xf32>,
        tpu.vector_store_idx %arg13[%shift_right_arithmetic3A_324, %and3A_372, %add3A_34], %gather3A_435 : memref<8x8x128xf32, #tpu.memory_space<vmem>>[vector<16xi32>, vector<16xi32>, vector<16xi32>], vector<16xf32>,
        %gather3A_436 = tpu.vector_load_idx %arg11[%add3A_37, %add3A_247] : memref<128x64xf32, #tpu.memory_space<vmem>>[vector<16xi32>, vector<16xi32>], vector<16xf32>,
        tpu.vector_store_idx %arg13[%shift_right_arithmetic3A_279, %and3A_327, %add3A_37], %gather3A_436 : memref<8x8x128xf32, #tpu.memory_space<vmem>>[vector<16xi32>, vector<16xi32>, vector<16xi32>], vector<16xf32>,
        %gather3A_437 = tpu.vector_load_idx %arg11[%add3A_37, %add3A_249] : memref<128x64xf32, #tpu.memory_space<vmem>>[vector<16xi32>, vector<16xi32>], vector<16xf32>,
        tpu.vector_store_idx %arg13[%shift_right_arithmetic3A_282, %and3A_330, %add3A_37], %gather3A_437 : memref<8x8x128xf32, #tpu.memory_space<vmem>>[vector<16xi32>, vector<16xi32>, vector<16xi32>], vector<16xf32>,
        %gather3A_438 = tpu.vector_load_idx %arg11[%add3A_37, %add3A_251] : memref<128x64xf32, #tpu.memory_space<vmem>>[vector<16xi32>, vector<16xi32>], vector<16xf32>,
        tpu.vector_store_idx %arg13[%shift_right_arithmetic3A_285, %and3A_333, %add3A_37], %gather3A_438 : memref<8x8x128xf32, #tpu.memory_space<vmem>>[vector<16xi32>, vector<16xi32>, vector<16xi32>], vector<16xf32>,
        %gather3A_439 = tpu.vector_load_idx %arg11[%add3A_37, %add3A_253] : memref<128x64xf32, #tpu.memory_space<vmem>>[vector<16xi32>, vector<16xi32>], vector<16xf32>,
        tpu.vector_store_idx %arg13[%shift_right_arithmetic3A_288, %and3A_336, %add3A_37], %gather3A_439 : memref<8x8x128xf32, #tpu.memory_space<vmem>>[vector<16xi32>, vector<16xi32>, vector<16xi32>], vector<16xf32>,
        %gather3A_440 = tpu.vector_load_idx %arg11[%add3A_37, %add3A_255] : memref<128x64xf32, #tpu.memory_space<vmem>>[vector<16xi32>, vector<16xi32>], vector<16xf32>,
        tpu.vector_store_idx %arg13[%shift_right_arithmetic3A_291, %and3A_339, %add3A_37], %gather3A_440 : memref<8x8x128xf32, #tpu.memory_space<vmem>>[vector<16xi32>, vector<16xi32>, vector<16xi32>], vector<16xf32>,
        %gather3A_441 = tpu.vector_load_idx %arg11[%add3A_37, %add3A_257] : memref<128x64xf32, #tpu.memory_space<vmem>>[vector<16xi32>, vector<16xi32>], vector<16xf32>,
        tpu.vector_store_idx %arg13[%shift_right_arithmetic3A_294, %and3A_342, %add3A_37], %gather3A_441 : memref<8x8x128xf32, #tpu.memory_space<vmem>>[vector<16xi32>, vector<16xi32>, vector<16xi32>], vector<16xf32>,
        %gather3A_442 = tpu.vector_load_idx %arg11[%add3A_37, %add3A_259] : memref<128x64xf32, #tpu.memory_space<vmem>>[vector<16xi32>, vector<16xi32>], vector<16xf32>,
        tpu.vector_store_idx %arg13[%shift_right_arithmetic3A_297, %and3A_345, %add3A_37], %gather3A_442 : memref<8x8x128xf32, #tpu.memory_space<vmem>>[vector<16xi32>, vector<16xi32>, vector<16xi32>], vector<16xf32>,
        %gather3A_443 = tpu.vector_load_idx %arg11[%add3A_37, %add3A_261] : memref<128x64xf32, #tpu.memory_space<vmem>>[vector<16xi32>, vector<16xi32>], vector<16xf32>,
        tpu.vector_store_idx %arg13[%shift_right_arithmetic3A_300, %and3A_348, %add3A_37], %gather3A_443 : memref<8x8x128xf32, #tpu.memory_space<vmem>>[vector<16xi32>, vector<16xi32>, vector<16xi32>], vector<16xf32>,
        %gather3A_444 = tpu.vector_load_idx %arg11[%add3A_37, %add3A_263] : memref<128x64xf32, #tpu.memory_space<vmem>>[vector<16xi32>, vector<16xi32>], vector<16xf32>,
        tpu.vector_store_idx %arg13[%shift_right_arithmetic3A_303, %and3A_351, %add3A_37], %gather3A_444 : memref<8x8x128xf32, #tpu.memory_space<vmem>>[vector<16xi32>, vector<16xi32>, vector<16xi32>], vector<16xf32>,
        %gather3A_445 = tpu.vector_load_idx %arg11[%add3A_37, %add3A_265] : memref<128x64xf32, #tpu.memory_space<vmem>>[vector<16xi32>, vector<16xi32>], vector<16xf32>,
        tpu.vector_store_idx %arg13[%shift_right_arithmetic3A_306, %and3A_354, %add3A_37], %gather3A_445 : memref<8x8x128xf32, #tpu.memory_space<vmem>>[vector<16xi32>, vector<16xi32>, vector<16xi32>], vector<16xf32>,
        %gather3A_446 = tpu.vector_load_idx %arg11[%add3A_37, %add3A_267] : memref<128x64xf32, #tpu.memory_space<vmem>>[vector<16xi32>, vector<16xi32>], vector<16xf32>,
        tpu.vector_store_idx %arg13[%shift_right_arithmetic3A_309, %and3A_357, %add3A_37], %gather3A_446 : memref<8x8x128xf32, #tpu.memory_space<vmem>>[vector<16xi32>, vector<16xi32>, vector<16xi32>], vector<16xf32>,
        %gather3A_447 = tpu.vector_load_idx %arg11[%add3A_37, %add3A_269] : memref<128x64xf32, #tpu.memory_space<vmem>>[vector<16xi32>, vector<16xi32>], vector<16xf32>,
        tpu.vector_store_idx %arg13[%shift_right_arithmetic3A_312, %and3A_360, %add3A_37], %gather3A_447 : memref<8x8x128xf32, #tpu.memory_space<vmem>>[vector<16xi32>, vector<16xi32>, vector<16xi32>], vector<16xf32>,
        %gather3A_448 = tpu.vector_load_idx %arg11[%add3A_37, %add3A_271] : memref<128x64xf32, #tpu.memory_space<vmem>>[vector<16xi32>, vector<16xi32>], vector<16xf32>,
        tpu.vector_store_idx %arg13[%shift_right_arithmetic3A_315, %and3A_363, %add3A_37], %gather3A_448 : memref<8x8x128xf32, #tpu.memory_space<vmem>>[vector<16xi32>, vector<16xi32>, vector<16xi32>], vector<16xf32>,
        %gather3A_449 = tpu.vector_load_idx %arg11[%add3A_37, %add3A_273] : memref<128x64xf32, #tpu.memory_space<vmem>>[vector<16xi32>, vector<16xi32>], vector<16xf32>,
        tpu.vector_store_idx %arg13[%shift_right_arithmetic3A_318, %and3A_366, %add3A_37], %gather3A_449 : memref<8x8x128xf32, #tpu.memory_space<vmem>>[vector<16xi32>, vector<16xi32>, vector<16xi32>], vector<16xf32>,
        %gather3A_450 = tpu.vector_load_idx %arg11[%add3A_37, %add3A_275] : memref<128x64xf32, #tpu.memory_space<vmem>>[vector<16xi32>, vector<16xi32>], vector<16xf32>,
        tpu.vector_store_idx %arg13[%shift_right_arithmetic3A_321, %and3A_369, %add3A_37], %gather3A_450 : memref<8x8x128xf32, #tpu.memory_space<vmem>>[vector<16xi32>, vector<16xi32>, vector<16xi32>], vector<16xf32>,
        %gather3A_451 = tpu.vector_load_idx %arg11[%add3A_37, %add3A_277] : memref<128x64xf32, #tpu.memory_space<vmem>>[vector<16xi32>, vector<16xi32>], vector<16xf32>,
        tpu.vector_store_idx %arg13[%shift_right_arithmetic3A_324, %and3A_372, %add3A_37], %gather3A_451 : memref<8x8x128xf32, #tpu.memory_space<vmem>>[vector<16xi32>, vector<16xi32>, vector<16xi32>], vector<16xf32>,
        %gather3A_452 = tpu.vector_load_idx %arg11[%add3A_40, %add3A_247] : memref<128x64xf32, #tpu.memory_space<vmem>>[vector<16xi32>, vector<16xi32>], vector<16xf32>,
        tpu.vector_store_idx %arg13[%shift_right_arithmetic3A_279, %and3A_327, %add3A_40], %gather3A_452 : memref<8x8x128xf32, #tpu.memory_space<vmem>>[vector<16xi32>, vector<16xi32>, vector<16xi32>], vector<16xf32>,
        %gather3A_453 = tpu.vector_load_idx %arg11[%add3A_40, %add3A_249] : memref<128x64xf32, #tpu.memory_space<vmem>>[vector<16xi32>, vector<16xi32>], vector<16xf32>,
        tpu.vector_store_idx %arg13[%shift_right_arithmetic3A_282, %and3A_330, %add3A_40], %gather3A_453 : memref<8x8x128xf32, #tpu.memory_space<vmem>>[vector<16xi32>, vector<16xi32>, vector<16xi32>], vector<16xf32>,
        %gather3A_454 = tpu.vector_load_idx %arg11[%add3A_40, %add3A_251] : memref<128x64xf32, #tpu.memory_space<vmem>>[vector<16xi32>, vector<16xi32>], vector<16xf32>,
        tpu.vector_store_idx %arg13[%shift_right_arithmetic3A_285, %and3A_333, %add3A_40], %gather3A_454 : memref<8x8x128xf32, #tpu.memory_space<vmem>>[vector<16xi32>, vector<16xi32>, vector<16xi32>], vector<16xf32>,
        %gather3A_455 = tpu.vector_load_idx %arg11[%add3A_40, %add3A_253] : memref<128x64xf32, #tpu.memory_space<vmem>>[vector<16xi32>, vector<16xi32>], vector<16xf32>,
        tpu.vector_store_idx %arg13[%shift_right_arithmetic3A_288, %and3A_336, %add3A_40], %gather3A_455 : memref<8x8x128xf32, #tpu.memory_space<vmem>>[vector<16xi32>, vector<16xi32>, vector<16xi32>], vector<16xf32>,
        %gather3A_456 = tpu.vector_load_idx %arg11[%add3A_40, %add3A_255] : memref<128x64xf32, #tpu.memory_space<vmem>>[vector<16xi32>, vector<16xi32>], vector<16xf32>,
        tpu.vector_store_idx %arg13[%shift_right_arithmetic3A_291, %and3A_339, %add3A_40], %gather3A_456 : memref<8x8x128xf32, #tpu.memory_space<vmem>>[vector<16xi32>, vector<16xi32>, vector<16xi32>], vector<16xf32>,
        %gather3A_457 = tpu.vector_load_idx %arg11[%add3A_40, %add3A_257] : memref<128x64xf32, #tpu.memory_space<vmem>>[vector<16xi32>, vector<16xi32>], vector<16xf32>,
        tpu.vector_store_idx %arg13[%shift_right_arithmetic3A_294, %and3A_342, %add3A_40], %gather3A_457 : memref<8x8x128xf32, #tpu.memory_space<vmem>>[vector<16xi32>, vector<16xi32>, vector<16xi32>], vector<16xf32>,
        %gather3A_458 = tpu.vector_load_idx %arg11[%add3A_40, %add3A_259] : memref<128x64xf32, #tpu.memory_space<vmem>>[vector<16xi32>, vector<16xi32>], vector<16xf32>,
        tpu.vector_store_idx %arg13[%shift_right_arithmetic3A_297, %and3A_345, %add3A_40], %gather3A_458 : memref<8x8x128xf32, #tpu.memory_space<vmem>>[vector<16xi32>, vector<16xi32>, vector<16xi32>], vector<16xf32>,
        %gather3A_459 = tpu.vector_load_idx %arg11[%add3A_40, %add3A_261] : memref<128x64xf32, #tpu.memory_space<vmem>>[vector<16xi32>, vector<16xi32>], vector<16xf32>,
        tpu.vector_store_idx %arg13[%shift_right_arithmetic3A_300, %and3A_348, %add3A_40], %gather3A_459 : memref<8x8x128xf32, #tpu.memory_space<vmem>>[vector<16xi32>, vector<16xi32>, vector<16xi32>], vector<16xf32>,
        %gather3A_460 = tpu.vector_load_idx %arg11[%add3A_40, %add3A_263] : memref<128x64xf32, #tpu.memory_space<vmem>>[vector<16xi32>, vector<16xi32>], vector<16xf32>,
        tpu.vector_store_idx %arg13[%shift_right_arithmetic3A_303, %and3A_351, %add3A_40], %gather3A_460 : memref<8x8x128xf32, #tpu.memory_space<vmem>>[vector<16xi32>, vector<16xi32>, vector<16xi32>], vector<16xf32>,
        %gather3A_461 = tpu.vector_load_idx %arg11[%add3A_40, %add3A_265] : memref<128x64xf32, #tpu.memory_space<vmem>>[vector<16xi32>, vector<16xi32>], vector<16xf32>,
        tpu.vector_store_idx %arg13[%shift_right_arithmetic3A_306, %and3A_354, %add3A_40], %gather3A_461 : memref<8x8x128xf32, #tpu.memory_space<vmem>>[vector<16xi32>, vector<16xi32>, vector<16xi32>], vector<16xf32>,
        %gather3A_462 = tpu.vector_load_idx %arg11[%add3A_40, %add3A_267] : memref<128x64xf32, #tpu.memory_space<vmem>>[vector<16xi32>, vector<16xi32>], vector<16xf32>,
        tpu.vector_store_idx %arg13[%shift_right_arithmetic3A_309, %and3A_357, %add3A_40], %gather3A_462 : memref<8x8x128xf32, #tpu.memory_space<vmem>>[vector<16xi32>, vector<16xi32>, vector<16xi32>], vector<16xf32>,
        %gather3A_463 = tpu.vector_load_idx %arg11[%add3A_40, %add3A_269] : memref<128x64xf32, #tpu.memory_space<vmem>>[vector<16xi32>, vector<16xi32>], vector<16xf32>,
        tpu.vector_store_idx %arg13[%shift_right_arithmetic3A_312, %and3A_360, %add3A_40], %gather3A_463 : memref<8x8x128xf32, #tpu.memory_space<vmem>>[vector<16xi32>, vector<16xi32>, vector<16xi32>], vector<16xf32>,
        %gather3A_464 = tpu.vector_load_idx %arg11[%add3A_40, %add3A_271] : memref<128x64xf32, #tpu.memory_space<vmem>>[vector<16xi32>, vector<16xi32>], vector<16xf32>,
        tpu.vector_store_idx %arg13[%shift_right_arithmetic3A_315, %and3A_363, %add3A_40], %gather3A_464 : memref<8x8x128xf32, #tpu.memory_space<vmem>>[vector<16xi32>, vector<16xi32>, vector<16xi32>], vector<16xf32>,
        %gather3A_465 = tpu.vector_load_idx %arg11[%add3A_40, %add3A_273] : memref<128x64xf32, #tpu.memory_space<vmem>>[vector<16xi32>, vector<16xi32>], vector<16xf32>,
        tpu.vector_store_idx %arg13[%shift_right_arithmetic3A_318, %and3A_366, %add3A_40], %gather3A_465 : memref<8x8x128xf32, #tpu.memory_space<vmem>>[vector<16xi32>, vector<16xi32>, vector<16xi32>], vector<16xf32>,
        %gather3A_466 = tpu.vector_load_idx %arg11[%add3A_40, %add3A_275] : memref<128x64xf32, #tpu.memory_space<vmem>>[vector<16xi32>, vector<16xi32>], vector<16xf32>,
        tpu.vector_store_idx %arg13[%shift_right_arithmetic3A_321, %and3A_369, %add3A_40], %gather3A_466 : memref<8x8x128xf32, #tpu.memory_space<vmem>>[vector<16xi32>, vector<16xi32>, vector<16xi32>], vector<16xf32>,
        %gather3A_467 = tpu.vector_load_idx %arg11[%add3A_40, %add3A_277] : memref<128x64xf32, #tpu.memory_space<vmem>>[vector<16xi32>, vector<16xi32>], vector<16xf32>,
        tpu.vector_store_idx %arg13[%shift_right_arithmetic3A_324, %and3A_372, %add3A_40], %gather3A_467 : memref<8x8x128xf32, #tpu.memory_space<vmem>>[vector<16xi32>, vector<16xi32>, vector<16xi32>], vector<16xf32>,
        %gather3A_468 = tpu.vector_load_idx %arg11[%add3A_43, %add3A_247] : memref<128x64xf32, #tpu.memory_space<vmem>>[vector<16xi32>, vector<16xi32>], vector<16xf32>,
        tpu.vector_store_idx %arg13[%shift_right_arithmetic3A_279, %and3A_327, %add3A_43], %gather3A_468 : memref<8x8x128xf32, #tpu.memory_space<vmem>>[vector<16xi32>, vector<16xi32>, vector<16xi32>], vector<16xf32>,
        %gather3A_469 = tpu.vector_load_idx %arg11[%add3A_43, %add3A_249] : memref<128x64xf32, #tpu.memory_space<vmem>>[vector<16xi32>, vector<16xi32>], vector<16xf32>,
        tpu.vector_store_idx %arg13[%shift_right_arithmetic3A_282, %and3A_330, %add3A_43], %gather3A_469 : memref<8x8x128xf32, #tpu.memory_space<vmem>>[vector<16xi32>, vector<16xi32>, vector<16xi32>], vector<16xf32>,
        %gather3A_470 = tpu.vector_load_idx %arg11[%add3A_43, %add3A_251] : memref<128x64xf32, #tpu.memory_space<vmem>>[vector<16xi32>, vector<16xi32>], vector<16xf32>,
        tpu.vector_store_idx %arg13[%shift_right_arithmetic3A_285, %and3A_333, %add3A_43], %gather3A_470 : memref<8x8x128xf32, #tpu.memory_space<vmem>>[vector<16xi32>, vector<16xi32>, vector<16xi32>], vector<16xf32>,
        %gather3A_471 = tpu.vector_load_idx %arg11[%add3A_43, %add3A_253] : memref<128x64xf32, #tpu.memory_space<vmem>>[vector<16xi32>, vector<16xi32>], vector<16xf32>,
        tpu.vector_store_idx %arg13[%shift_right_arithmetic3A_288, %and3A_336, %add3A_43], %gather3A_471 : memref<8x8x128xf32, #tpu.memory_space<vmem>>[vector<16xi32>, vector<16xi32>, vector<16xi32>], vector<16xf32>,
        %gather3A_472 = tpu.vector_load_idx %arg11[%add3A_43, %add3A_255] : memref<128x64xf32, #tpu.memory_space<vmem>>[vector<16xi32>, vector<16xi32>], vector<16xf32>,
        tpu.vector_store_idx %arg13[%shift_right_arithmetic3A_291, %and3A_339, %add3A_43], %gather3A_472 : memref<8x8x128xf32, #tpu.memory_space<vmem>>[vector<16xi32>, vector<16xi32>, vector<16xi32>], vector<16xf32>,
        %gather3A_473 = tpu.vector_load_idx %arg11[%add3A_43, %add3A_257] : memref<128x64xf32, #tpu.memory_space<vmem>>[vector<16xi32>, vector<16xi32>], vector<16xf32>,
        tpu.vector_store_idx %arg13[%shift_right_arithmetic3A_294, %and3A_342, %add3A_43], %gather3A_473 : memref<8x8x128xf32, #tpu.memory_space<vmem>>[vector<16xi32>, vector<16xi32>, vector<16xi32>], vector<16xf32>,
        %gather3A_474 = tpu.vector_load_idx %arg11[%add3A_43, %add3A_259] : memref<128x64xf32, #tpu.memory_space<vmem>>[vector<16xi32>, vector<16xi32>], vector<16xf32>,
        tpu.vector_store_idx %arg13[%shift_right_arithmetic3A_297, %and3A_345, %add3A_43], %gather3A_474 : memref<8x8x128xf32, #tpu.memory_space<vmem>>[vector<16xi32>, vector<16xi32>, vector<16xi32>], vector<16xf32>,
        %gather3A_475 = tpu.vector_load_idx %arg11[%add3A_43, %add3A_261] : memref<128x64xf32, #tpu.memory_space<vmem>>[vector<16xi32>, vector<16xi32>], vector<16xf32>,
        tpu.vector_store_idx %arg13[%shift_right_arithmetic3A_300, %and3A_348, %add3A_43], %gather3A_475 : memref<8x8x128xf32, #tpu.memory_space<vmem>>[vector<16xi32>, vector<16xi32>, vector<16xi32>], vector<16xf32>,
        %gather3A_476 = tpu.vector_load_idx %arg11[%add3A_43, %add3A_263] : memref<128x64xf32, #tpu.memory_space<vmem>>[vector<16xi32>, vector<16xi32>], vector<16xf32>,
        tpu.vector_store_idx %arg13[%shift_right_arithmetic3A_303, %and3A_351, %add3A_43], %gather3A_476 : memref<8x8x128xf32, #tpu.memory_space<vmem>>[vector<16xi32>, vector<16xi32>, vector<16xi32>], vector<16xf32>,
        %gather3A_477 = tpu.vector_load_idx %arg11[%add3A_43, %add3A_265] : memref<128x64xf32, #tpu.memory_space<vmem>>[vector<16xi32>, vector<16xi32>], vector<16xf32>,
        tpu.vector_store_idx %arg13[%shift_right_arithmetic3A_306, %and3A_354, %add3A_43], %gather3A_477 : memref<8x8x128xf32, #tpu.memory_space<vmem>>[vector<16xi32>, vector<16xi32>, vector<16xi32>], vector<16xf32>,
        %gather3A_478 = tpu.vector_load_idx %arg11[%add3A_43, %add3A_267] : memref<128x64xf32, #tpu.memory_space<vmem>>[vector<16xi32>, vector<16xi32>], vector<16xf32>,
        tpu.vector_store_idx %arg13[%shift_right_arithmetic3A_309, %and3A_357, %add3A_43], %gather3A_478 : memref<8x8x128xf32, #tpu.memory_space<vmem>>[vector<16xi32>, vector<16xi32>, vector<16xi32>], vector<16xf32>,
        %gather3A_479 = tpu.vector_load_idx %arg11[%add3A_43, %add3A_269] : memref<128x64xf32, #tpu.memory_space<vmem>>[vector<16xi32>, vector<16xi32>], vector<16xf32>,
        tpu.vector_store_idx %arg13[%shift_right_arithmetic3A_312, %and3A_360, %add3A_43], %gather3A_479 : memref<8x8x128xf32, #tpu.memory_space<vmem>>[vector<16xi32>, vector<16xi32>, vector<16xi32>], vector<16xf32>,
        %gather3A_480 = tpu.vector_load_idx %arg11[%add3A_43, %add3A_271] : memref<128x64xf32, #tpu.memory_space<vmem>>[vector<16xi32>, vector<16xi32>], vector<16xf32>,
        tpu.vector_store_idx %arg13[%shift_right_arithmetic3A_315, %and3A_363, %add3A_43], %gather3A_480 : memref<8x8x128xf32, #tpu.memory_space<vmem>>[vector<16xi32>, vector<16xi32>, vector<16xi32>], vector<16xf32>,
        %gather3A_481 = tpu.vector_load_idx %arg11[%add3A_43, %add3A_273] : memref<128x64xf32, #tpu.memory_space<vmem>>[vector<16xi32>, vector<16xi32>], vector<16xf32>,
        tpu.vector_store_idx %arg13[%shift_right_arithmetic3A_318, %and3A_366, %add3A_43], %gather3A_481 : memref<8x8x128xf32, #tpu.memory_space<vmem>>[vector<16xi32>, vector<16xi32>, vector<16xi32>], vector<16xf32>,
        %gather3A_482 = tpu.vector_load_idx %arg11[%add3A_43, %add3A_275] : memref<128x64xf32, #tpu.memory_space<vmem>>[vector<16xi32>, vector<16xi32>], vector<16xf32>,
        tpu.vector_store_idx %arg13[%shift_right_arithmetic3A_321, %and3A_369, %add3A_43], %gather3A_482 : memref<8x8x128xf32, #tpu.memory_space<vmem>>[vector<16xi32>, vector<16xi32>, vector<16xi32>], vector<16xf32>,
        %gather3A_483 = tpu.vector_load_idx %arg11[%add3A_43, %add3A_277] : memref<128x64xf32, #tpu.memory_space<vmem>>[vector<16xi32>, vector<16xi32>], vector<16xf32>,
        tpu.vector_store_idx %arg13[%shift_right_arithmetic3A_324, %and3A_372, %add3A_43], %gather3A_483 : memref<8x8x128xf32, #tpu.memory_space<vmem>>[vector<16xi32>, vector<16xi32>, vector<16xi32>], vector<16xf32>,
        %gather3A_484 = tpu.vector_load_idx %arg11[%add3A_46, %add3A_247] : memref<128x64xf32, #tpu.memory_space<vmem>>[vector<16xi32>, vector<16xi32>], vector<16xf32>,
        tpu.vector_store_idx %arg13[%shift_right_arithmetic3A_279, %and3A_327, %add3A_46], %gather3A_484 : memref<8x8x128xf32, #tpu.memory_space<vmem>>[vector<16xi32>, vector<16xi32>, vector<16xi32>], vector<16xf32>,
        %gather3A_485 = tpu.vector_load_idx %arg11[%add3A_46, %add3A_249] : memref<128x64xf32, #tpu.memory_space<vmem>>[vector<16xi32>, vector<16xi32>], vector<16xf32>,
        tpu.vector_store_idx %arg13[%shift_right_arithmetic3A_282, %and3A_330, %add3A_46], %gather3A_485 : memref<8x8x128xf32, #tpu.memory_space<vmem>>[vector<16xi32>, vector<16xi32>, vector<16xi32>], vector<16xf32>,
        %gather3A_486 = tpu.vector_load_idx %arg11[%add3A_46, %add3A_251] : memref<128x64xf32, #tpu.memory_space<vmem>>[vector<16xi32>, vector<16xi32>], vector<16xf32>,
        tpu.vector_store_idx %arg13[%shift_right_arithmetic3A_285, %and3A_333, %add3A_46], %gather3A_486 : memref<8x8x128xf32, #tpu.memory_space<vmem>>[vector<16xi32>, vector<16xi32>, vector<16xi32>], vector<16xf32>,
        %gather3A_487 = tpu.vector_load_idx %arg11[%add3A_46, %add3A_253] : memref<128x64xf32, #tpu.memory_space<vmem>>[vector<16xi32>, vector<16xi32>], vector<16xf32>,
        tpu.vector_store_idx %arg13[%shift_right_arithmetic3A_288, %and3A_336, %add3A_46], %gather3A_487 : memref<8x8x128xf32, #tpu.memory_space<vmem>>[vector<16xi32>, vector<16xi32>, vector<16xi32>], vector<16xf32>,
        %gather3A_488 = tpu.vector_load_idx %arg11[%add3A_46, %add3A_255] : memref<128x64xf32, #tpu.memory_space<vmem>>[vector<16xi32>, vector<16xi32>], vector<16xf32>,
        tpu.vector_store_idx %arg13[%shift_right_arithmetic3A_291, %and3A_339, %add3A_46], %gather3A_488 : memref<8x8x128xf32, #tpu.memory_space<vmem>>[vector<16xi32>, vector<16xi32>, vector<16xi32>], vector<16xf32>,
        %gather3A_489 = tpu.vector_load_idx %arg11[%add3A_46, %add3A_257] : memref<128x64xf32, #tpu.memory_space<vmem>>[vector<16xi32>, vector<16xi32>], vector<16xf32>,
        tpu.vector_store_idx %arg13[%shift_right_arithmetic3A_294, %and3A_342, %add3A_46], %gather3A_489 : memref<8x8x128xf32, #tpu.memory_space<vmem>>[vector<16xi32>, vector<16xi32>, vector<16xi32>], vector<16xf32>,
        %gather3A_490 = tpu.vector_load_idx %arg11[%add3A_46, %add3A_259] : memref<128x64xf32, #tpu.memory_space<vmem>>[vector<16xi32>, vector<16xi32>], vector<16xf32>,
        tpu.vector_store_idx %arg13[%shift_right_arithmetic3A_297, %and3A_345, %add3A_46], %gather3A_490 : memref<8x8x128xf32, #tpu.memory_space<vmem>>[vector<16xi32>, vector<16xi32>, vector<16xi32>], vector<16xf32>,
        %gather3A_491 = tpu.vector_load_idx %arg11[%add3A_46, %add3A_261] : memref<128x64xf32, #tpu.memory_space<vmem>>[vector<16xi32>, vector<16xi32>], vector<16xf32>,
        tpu.vector_store_idx %arg13[%shift_right_arithmetic3A_300, %and3A_348, %add3A_46], %gather3A_491 : memref<8x8x128xf32, #tpu.memory_space<vmem>>[vector<16xi32>, vector<16xi32>, vector<16xi32>], vector<16xf32>,
        %gather3A_492 = tpu.vector_load_idx %arg11[%add3A_46, %add3A_263] : memref<128x64xf32, #tpu.memory_space<vmem>>[vector<16xi32>, vector<16xi32>], vector<16xf32>,
        tpu.vector_store_idx %arg13[%shift_right_arithmetic3A_303, %and3A_351, %add3A_46], %gather3A_492 : memref<8x8x128xf32, #tpu.memory_space<vmem>>[vector<16xi32>, vector<16xi32>, vector<16xi32>], vector<16xf32>,
        %gather3A_493 = tpu.vector_load_idx %arg11[%add3A_46, %add3A_265] : memref<128x64xf32, #tpu.memory_space<vmem>>[vector<16xi32>, vector<16xi32>], vector<16xf32>,
        tpu.vector_store_idx %arg13[%shift_right_arithmetic3A_306, %and3A_354, %add3A_46], %gather3A_493 : memref<8x8x128xf32, #tpu.memory_space<vmem>>[vector<16xi32>, vector<16xi32>, vector<16xi32>], vector<16xf32>,
        %gather3A_494 = tpu.vector_load_idx %arg11[%add3A_46, %add3A_267] : memref<128x64xf32, #tpu.memory_space<vmem>>[vector<16xi32>, vector<16xi32>], vector<16xf32>,
        tpu.vector_store_idx %arg13[%shift_right_arithmetic3A_309, %and3A_357, %add3A_46], %gather3A_494 : memref<8x8x128xf32, #tpu.memory_space<vmem>>[vector<16xi32>, vector<16xi32>, vector<16xi32>], vector<16xf32>,
        %gather3A_495 = tpu.vector_load_idx %arg11[%add3A_46, %add3A_269] : memref<128x64xf32, #tpu.memory_space<vmem>>[vector<16xi32>, vector<16xi32>], vector<16xf32>,
        tpu.vector_store_idx %arg13[%shift_right_arithmetic3A_312, %and3A_360, %add3A_46], %gather3A_495 : memref<8x8x128xf32, #tpu.memory_space<vmem>>[vector<16xi32>, vector<16xi32>, vector<16xi32>], vector<16xf32>,
        %gather3A_496 = tpu.vector_load_idx %arg11[%add3A_46, %add3A_271] : memref<128x64xf32, #tpu.memory_space<vmem>>[vector<16xi32>, vector<16xi32>], vector<16xf32>,
        tpu.vector_store_idx %arg13[%shift_right_arithmetic3A_315, %and3A_363, %add3A_46], %gather3A_496 : memref<8x8x128xf32, #tpu.memory_space<vmem>>[vector<16xi32>, vector<16xi32>, vector<16xi32>], vector<16xf32>,
        %gather3A_497 = tpu.vector_load_idx %arg11[%add3A_46, %add3A_273] : memref<128x64xf32, #tpu.memory_space<vmem>>[vector<16xi32>, vector<16xi32>], vector<16xf32>,
        tpu.vector_store_idx %arg13[%shift_right_arithmetic3A_318, %and3A_366, %add3A_46], %gather3A_497 : memref<8x8x128xf32, #tpu.memory_space<vmem>>[vector<16xi32>, vector<16xi32>, vector<16xi32>], vector<16xf32>,
        %gather3A_498 = tpu.vector_load_idx %arg11[%add3A_46, %add3A_275] : memref<128x64xf32, #tpu.memory_space<vmem>>[vector<16xi32>, vector<16xi32>], vector<16xf32>,
        tpu.vector_store_idx %arg13[%shift_right_arithmetic3A_321, %and3A_369, %add3A_46], %gather3A_498 : memref<8x8x128xf32, #tpu.memory_space<vmem>>[vector<16xi32>, vector<16xi32>, vector<16xi32>], vector<16xf32>,
        %gather3A_499 = tpu.vector_load_idx %arg11[%add3A_46, %add3A_277] : memref<128x64xf32, #tpu.memory_space<vmem>>[vector<16xi32>, vector<16xi32>], vector<16xf32>,
        tpu.vector_store_idx %arg13[%shift_right_arithmetic3A_324, %and3A_372, %add3A_46], %gather3A_499 : memref<8x8x128xf32, #tpu.memory_space<vmem>>[vector<16xi32>, vector<16xi32>, vector<16xi32>], vector<16xf32>,
      }
      %scan3A_221 = arith.constant 4 : i32
      %dma_start3A_222 = arith.constant 0 : i32
      %dma_start3A_223 = arith.constant 0 : i32
      %dma_start3A_224 = arith.constant 0 : i32
      %dma_start3A_225 = tpu.memref_slice %arg6[%add3A_205, %dma_start3A_222, %add3A, %dma_start3A_223, %dma_start3A_224] : memref<200x8x32x8x128xf32, #tpu.memory_space<hbm>> -> memref<1x8x1x8x128xf32, #tpu.memory_space<hbm>>
      %dma_start3A_226 = tpu.memref_squeeze %dma_start3A_225 : memref<1x8x1x8x128xf32, #tpu.memory_space<hbm>> -> memref<8x8x128xf32, #tpu.memory_space<hbm>>
      %dma_start3A_227 = arith.constant 0 : i32
      %dma_start3A_228 = arith.constant 0 : i32
      %dma_start3A_229 = arith.constant 0 : i32
      %dma_start3A_230 = tpu.memref_slice %arg6[%add3A_205, %dma_start3A_227, %add3A, %dma_start3A_228, %dma_start3A_229] : memref<200x8x32x8x128xf32, #tpu.memory_space<hbm>> -> memref<1x8x1x8x128xf32, #tpu.memory_space<hbm>>
      %dma_start3A_231 = tpu.memref_squeeze %dma_start3A_230 : memref<1x8x1x8x128xf32, #tpu.memory_space<hbm>> -> memref<8x8x128xf32, #tpu.memory_space<hbm>>
      tpu.enqueue_dma source(%arg13 : memref<8x8x128xf32, #tpu.memory_space<vmem>>) target(%dma_start3A_231 : memref<8x8x128xf32, #tpu.memory_space<hbm>>) target_semaphore(%arg17 : memref<!tpu.dma_semaphore, #tpu.memory_space<semaphore_mem>>)
      %add3A_232 = arith.constant 2 : i32
      %add3A_233 = arith.addi %add3A_205, %add3A_232 : i32
      %lt3A_234 = arith.constant 200 : i32
      %lt3A_235 = arith.cmpi slt, %add3A_233, %lt3A_234 : i32
      %convert_element_type3A_236 = arith.extui %lt3A_235 : i1 to i32
      %cond3A_237 = arith.constant 0 : i32
      %cond3A_238 = arith.cmpi ne, %convert_element_type3A_236, %cond3A_237 : i32
      scf.if %cond3A_238 {
        %add3A_239 = arith.constant 2 : i32
        %add3A_240 = arith.addi %add3A_205, %add3A_239 : i32
        %dma_start3A_241 = arith.constant 0 : i32
        %dma_start3A_242 = tpu.memref_slice %arg9[%add3A_240, %dma_start3A_241] : memref<200x128xi32, #tpu.memory_space<vmem>> -> memref<1x128xi32, #tpu.memory_space<vmem>>
        %dma_start3A_243 = tpu.memref_squeeze %dma_start3A_242 : memref<1x128xi32, #tpu.memory_space<vmem>> -> memref<128xi32, #tpu.memory_space<vmem>>
        %dma_start3A_244 = arith.constant 0 : i32
        %dma_start3A_245 = arith.constant 0 : i32
        %dma_start3A_246 = tpu.memref_slice %arg4[%dma_start3A_244, %dma_start3A_245] : memref<100000x64xf32, #tpu.memory_space<hbm>> -> memref<100000x64xf32, #tpu.memory_space<hbm>>
        tpu.enqueue_indirect_dma source(%dma_start3A_246 : memref<100000x64xf32, #tpu.memory_space<hbm>>) target(%arg11 : memref<128x64xf32, #tpu.memory_space<vmem>>) offsets(%dma_start3A_243 : memref<128xi32, #tpu.memory_space<vmem>>) semaphore(%arg15 : memref<!tpu.dma_semaphore, #tpu.memory_space<semaphore_mem>>)
      } else {
      }
    }
    %scan3A_145 = arith.constant 100 : i32
    %dma_wait3A_146 = arith.constant 198 : i32
    %dma_wait3A_147 = arith.constant 0 : i32
    %dma_wait3A_148 = arith.constant 0 : i32
    %dma_wait3A_149 = arith.constant 0 : i32
    %dma_wait3A_150 = tpu.memref_slice %arg6[%dma_wait3A_146, %dma_wait3A_147, %add3A, %dma_wait3A_148, %dma_wait3A_149] : memref<200x8x32x8x128xf32, #tpu.memory_space<hbm>> -> memref<1x8x1x8x128xf32, #tpu.memory_space<hbm>>
    %dma_wait3A_151 = tpu.memref_squeeze %dma_wait3A_150 : memref<1x8x1x8x128xf32, #tpu.memory_space<hbm>> -> memref<8x8x128xf32, #tpu.memory_space<hbm>>
    %dma_wait3A_152 = arith.constant 0 : i32
    %dma_wait3A_153 = arith.constant 0 : i32
    %dma_wait3A_154 = arith.constant 0 : i32
    %dma_wait3A_155 = tpu.memref_slice %arg6[%dma_wait3A_146, %dma_wait3A_152, %add3A, %dma_wait3A_153, %dma_wait3A_154] : memref<200x8x32x8x128xf32, #tpu.memory_space<hbm>> -> memref<1x8x1x8x128xf32, #tpu.memory_space<hbm>>
    %dma_wait3A_156 = tpu.memref_squeeze %dma_wait3A_155 : memref<1x8x1x8x128xf32, #tpu.memory_space<hbm>> -> memref<8x8x128xf32, #tpu.memory_space<hbm>>
    tpu.wait_dma2 semaphore(%arg16 : memref<!tpu.dma_semaphore, #tpu.memory_space<semaphore_mem>>) src(%arg12 : memref<8x8x128xf32, #tpu.memory_space<vmem>>) dst(%dma_wait3A_156 : memref<8x8x128xf32, #tpu.memory_space<hbm>>)
    %dma_wait3A_157 = arith.constant 199 : i32
    %dma_wait3A_158 = arith.constant 0 : i32
    %dma_wait3A_159 = arith.constant 0 : i32
    %dma_wait3A_160 = arith.constant 0 : i32
    %dma_wait3A_161 = tpu.memref_slice %arg6[%dma_wait3A_157, %dma_wait3A_158, %add3A, %dma_wait3A_159, %dma_wait3A_160] : memref<200x8x32x8x128xf32, #tpu.memory_space<hbm>> -> memref<1x8x1x8x128xf32, #tpu.memory_space<hbm>>
    %dma_wait3A_162 = tpu.memref_squeeze %dma_wait3A_161 : memref<1x8x1x8x128xf32, #tpu.memory_space<hbm>> -> memref<8x8x128xf32, #tpu.memory_space<hbm>>
    %dma_wait3A_163 = arith.constant 0 : i32
    %dma_wait3A_164 = arith.constant 0 : i32
    %dma_wait3A_165 = arith.constant 0 : i32
    %dma_wait3A_166 = tpu.memref_slice %arg6[%dma_wait3A_157, %dma_wait3A_163, %add3A, %dma_wait3A_164, %dma_wait3A_165] : memref<200x8x32x8x128xf32, #tpu.memory_space<hbm>> -> memref<1x8x1x8x128xf32, #tpu.memory_space<hbm>>
    %dma_wait3A_167 = tpu.memref_squeeze %dma_wait3A_166 : memref<1x8x1x8x128xf32, #tpu.memory_space<hbm>> -> memref<8x8x128xf32, #tpu.memory_space<hbm>>
    tpu.wait_dma2 semaphore(%arg17 : memref<!tpu.dma_semaphore, #tpu.memory_space<semaphore_mem>>) src(%arg13 : memref<8x8x128xf32, #tpu.memory_space<vmem>>) dst(%dma_wait3A_167 : memref<8x8x128xf32, #tpu.memory_space<hbm>>)
    return
  }
}

</mosaic_0001>

<sc_bundles>
// kernel: kernel.3.cloned.1.call-start
scs
__scs_entry_jumppad:
0x0: {  	(pc) =	sbr.rel $0x88, $3  }
0x1: {  	(tag) =	ssettag $0x0;
	lr =	simm.s32 $0x1  }
0x2: {  	[smem:$0x3F9D] =	sst lr;
	_ =	strace $0xD0000000  }
0x3: {  	_ = 	snop  }
0x4: {  	_ = 	snop  }
0x5: {  	_ = 	snop  }
0x6: {  	_ = 	snop  }
0x7: {  	_ = 	snop  }
__scs_overlays_trampoline_lowered:
0x8: {  	[smem:$0x3FAC] =	sst s0  }
0x9: {  	[smem:$0x3FAD] =	sst s1  }
0xa: {  	[smem:$0x3FAE] =	sst s2  }
0xb: {  	[smem:$0x3FAF] =	sst s3  }
0xc: {  	[smem:$0x3FB0] =	sst s4  }
0xd: {  	[smem:$0x3FB1] =	sst s5  }
0xe: {  	[smem:$0x3FB2] =	sst s6  }
0xf: {  	[smem:$0x3FB3] =	sst s7  }
0x10: {  	[smem:$0x3FB4] =	sst s8  }
0x11: {  	[smem:$0x3FB5] =	sst s9;
	s0 =	simm.s32 @!p0 $0x0  }
0x12: {  	s1 =	sld [smem:$0x3F9B];
	s0 =	simm.s32 @p0 $0x1  }
0x13: {  	[smem:$0x3FB6] =	sst s0;
	s0 =	simm.s32 @!p1 $0x0  }
0x14: {  	s2 =	sld [smem:$0x3F9A];
	s0 =	simm.s32 @p1 $0x1  }
0x15: {  	[smem:$0x3FB7] =	sst s0;
	s0 =	simm.s32 @!p2 $0x0  }
0x16: {  	s3 =	sld [smem:$0x3FDB];
	s0 =	simm.s32 @p2 $0x1  }
0x17: {  	s4 =	simm.s32 $0x1BF5;
	[smem:$0x3FB9] =	sst s0  }
0x18: {  	s0 =	sld [smem:$0x3F9C];
	_ =	swait.ge [sflag:s4], $0x0  }
0x19: {  	s7 =	sld [smem:$0x3F9D]  }
0x1a: {  	s8 =	sadd.s32 $0xFFFFE003, lr  }
0x1b: {  	s9 =	sadd.s32 $0xFFFFFEF7, lr;
	s5 =	simm.s32 $0xFFFFFFFF;
	p2 =	slt.u32 s8, $0xFFFFF086  }
0x1c: {  	p1 =	slt.u32 s9, $0xF7A;
	s5 =	simm.s32 @!p2 $0x0  }
0x1d: {  	s5 =	simm.s32 @p1 $0x1;
	p0 =	seq.s32 s7, s2  }
0x1e: {  	s7 =	smul.u32 @!p0 $0xF7A, s2;
	p2 =	seq.s32 @!p0 s5, $0x0  }
0x1f: {  	s9 =	smul.u32 $0xF7A, s1;
	s8 =	simm.s32 @!p0 $0x1BF5;
	p2 =	por !p2, p0  }
0x20: {  	[sflag:s8] =	ssyncset.s32 @!p0 $0xFFFFF086;
	s6 =	sadd.s32 @!p0 s3, s7;
	s7 =	simm.s32 @!p0 $0x108  }
0x21: {  	s3 =	sadd.s32 s3, s9;
	s6 =	sadd.s32 @!p0 $0x88, s6;
	s7 =	simm.s32 @p2 $0x1082  }
0x22: {  	[simem:s7], [sflag:s8] =	dma.local @!p0 [hbm:s6], $0xF7A  }
0x23: {  	s9 =	sor.u32 $0xD0000000, s2;
	s6 =	simm.s32 $0x108;
	_ =	swait.ge @!p0 [sflag:s8], $0x0  }
0x24: {  	s3 =	sadd.s32 $0x88, s3;
	s6 =	simm.s32 @!p1 $0x1082;
	[sflag:s4] =	ssyncset.s32 $0xFFFFF086  }
0x25: {  	[simem:s6], [sflag:s4] =	dma.local [hbm:s3], $0xF7A  }
0x26: {  	[smem:$0x3F9D] =	sst s1;
	(tag) =	ssettag s2;
	_ =	strace s9  }
0x27: {  	s1 =	sld [smem:$0x3FAD]  }
0x28: {  	s2 =	sld [smem:$0x3FAE]  }
0x29: {  	s4 =	sld [smem:$0x3FB0]  }
0x2a: {  	p0 =	seq.s32 s5, $0x0;
	s5 =	sld [smem:$0x3FB1]  }
0x2b: {  	s6 =	sld [smem:$0x3FB2]  }
0x2c: {  	s7 =	sld [smem:$0x3FB3]  }
0x2d: {  	s3 =	simm.s32 $0x108;
	s8 =	sld [smem:$0x3FB4]  }
0x2e: {  	s3 =	simm.s32 @!p0 $0x1082;
	s9 =	sld [smem:$0x3FB5]  }
0x2f: {  	lr =	sadd.s32 s0, s3;
	s0 =	sld [smem:$0x3FAC]  }
0x30: {  	s3 =	sld [smem:$0x3FAF]  }
0x31: {  	[smem:$0x3FB8] =	sst s10  }
0x32: {  	s10 =	sld [smem:$0x3FB6];
	_ =	sdelay $0x3  }
0x33: {  	p0 =	seq.s32 s10, $0x1;
	s10 =	sld [smem:$0x3FB8];
	_ =	sdelay $0x3  }
0x34: {  	[smem:$0x3FB8] =	sst s10  }
0x35: {  	s10 =	sld [smem:$0x3FB7];
	_ =	sdelay $0x3  }
0x36: {  	p1 =	seq.s32 s10, $0x1;
	s10 =	sld [smem:$0x3FB8];
	_ =	sdelay $0x3  }
0x37: {  	[smem:$0x3FB8] =	sst s10  }
0x38: {  	s10 =	sld [smem:$0x3FB9]  }
0x39: {  	_ = 	snop;
	(pc) =	sbr.ind lr, $3  }
0x3a: {  	_ = 	snop  }
0x3b: {  	_ = 	snop  }
0x3c: {  	p2 =	seq.s32 s10, $0x1;
	s10 =	sld [smem:$0x3FB8]  }
0x3d: {  	_ =	shalt  }
0x3e: {  	_ =	shalt  }
0x3f: {  	_ =	shalt  }
0x40: {  	_ =	shalt  }
0x41: {  	_ =	shalt  }
0x42: {  	_ =	shalt  }
0x43: {  	_ =	shalt  }
0x44: {  	_ =	shalt  }
0x45: {  	_ =	shalt  }
0x46: {  	_ =	shalt  }
0x47: {  	_ =	shalt  }
0x48: {  	_ =	shalt  }
0x49: {  	_ =	shalt  }
0x4a: {  	_ =	shalt  }
0x4b: {  	_ =	shalt  }
0x4c: {  	_ =	shalt  }
0x4d: {  	_ =	shalt  }
0x4e: {  	_ =	shalt  }
0x4f: {  	_ =	shalt  }
0x50: {  	_ =	shalt  }
0x51: {  	_ =	shalt  }
0x52: {  	_ =	shalt  }
0x53: {  	_ =	shalt  }
0x54: {  	_ =	shalt  }
0x55: {  	_ =	shalt  }
0x56: {  	_ =	shalt  }
0x57: {  	_ =	shalt  }
0x58: {  	_ =	shalt  }
0x59: {  	_ =	shalt  }
0x5a: {  	_ =	shalt  }
0x5b: {  	_ =	shalt  }
0x5c: {  	_ =	shalt  }
0x5d: {  	_ =	shalt  }
0x5e: {  	_ =	shalt  }
0x5f: {  	_ =	shalt  }
0x60: {  	_ =	shalt  }
0x61: {  	_ =	shalt  }
0x62: {  	_ =	shalt  }
0x63: {  	_ =	shalt  }
0x64: {  	_ =	shalt  }
0x65: {  	_ =	shalt  }
0x66: {  	_ =	shalt  }
0x67: {  	_ =	shalt  }
0x68: {  	_ =	shalt  }
0x69: {  	_ =	shalt  }
0x6a: {  	_ =	shalt  }
0x6b: {  	_ =	shalt  }
0x6c: {  	_ =	shalt  }
0x6d: {  	_ =	shalt  }
0x6e: {  	_ =	shalt  }
0x6f: {  	_ =	shalt  }
0x70: {  	_ =	shalt  }
0x71: {  	_ =	shalt  }
0x72: {  	_ =	shalt  }
0x73: {  	_ =	shalt  }
0x74: {  	_ =	shalt  }
0x75: {  	_ =	shalt  }
0x76: {  	_ =	shalt  }
0x77: {  	_ =	shalt  }
0x78: {  	_ =	shalt  }
0x79: {  	_ =	shalt  }
0x7a: {  	_ =	shalt  }
0x7b: {  	_ =	shalt  }
0x7c: {  	_ =	shalt  }
0x7d: {  	_ =	shalt  }
0x7e: {  	_ =	shalt  }
0x7f: {  	_ =	shalt  }
0x80: {  	_ =	shalt  }
0x81: {  	_ =	shalt  }
0x82: {  	_ =	shalt  }
0x83: {  	_ =	shalt  }
0x84: {  	_ =	shalt  }
0x85: {  	_ =	shalt  }
0x86: {  	_ =	shalt  }
0x87: {  	_ =	shalt  }
.Lfunc_end0:
.L_simem_size_0:
called_computation_lowered:
.L_overlay_start_0:
0x88: {  	s2 =	sld [smem:$0x3FD9]  }
0x89: {  	s3 =	sld [smem:$0x3FFE];
	_ =	sdelay $0x1  }
0x8a: {  	s1 =	srdreg.scid  }
0x8b: {  	s0 =	sand.u32 $0x1, s1  }
0x8c: {  	s14 =	sshll.u32 s0, $0xA;
	s2 =	sadd.s32 s3, s2  }
0x8d: {  	s2 =	sadd.s32 s2, s14  }
0x8e: {  	[smem:$0x3FC4] =	sst s2  }
0x8f: {  	_ = 	snop  }
0x90: {  	s2 =	sld [smem:$0x3FD0];
	_ =	sdelay $0x2  }
0x91: {  	s4 =	simm.s32 $0xA;
	s5 =	simm.s32 $0x10;
	s15 =	sld [smem:$0x3FC8]  }
0x92: {  	[smem:s5], [sflag:s4] =	dma.local [hbm:s2], $0x1  }
0x93: {  	_ =	swait.eq [sflag:s4], $0x1  }
0x94: {  	[sflag:s4] =	ssyncset.done $0x0  }
0x95: {  	s16 =	sld [smem:$0x11];
	[sflag:s4] =	ssyncadd.s32 $0xFFFFFFFF  }
0x96: {  	s17 =	sld [smem:$0x12];
	(tm) =	ssettm $0x1  }
0x97: {  	s18 =	sld [smem:$0x3FFB];
	_ =	sdelay $0x3  }
0x98: {  	_ =	strace s18  }
0x99: {  	s5 =	sld [smem:$0x3FFC];
	_ =	sdelay $0x3  }
0x9a: {  	_ =	strace s5  }
0x9b: {  	s5 =	sld [smem:$0x3FFD];
	_ =	sdelay $0x3  }
0x9c: {  	_ =	strace s5  }
0x9d: {  	_ =	strace $0x8FFFFFFF  }
0x9e: {  	s19 =	sld [smem:$0x3FDB];
	_ =	sdelay $0x1  }
0x9f: {  	s6 =	simm.s32 $_scs_section_size  }
0xa0: {  	s7 =	simm.s32 $_size__tile_overlayer_lowered;
	s8 =	simm.s32 $_tile_overlayer_lowered  }
0xa1: {  	s22 =	simm.s32 $0x1BFF;
	s21 =	sshll.u32 s8, $0x1;
	s5 =	sadd.s32 s6, s19  }
0xa2: {  	s9 =	simm.s32 $0x0;
	s20 =	sshll.u32 s7, $0x1;
	s7 =	sadd.s32 s21, s5  }
0xa3: {  	[timem:s9], [sflag:s22] =	dma.local [hbm:s7], s20  }
0xa4: {  	_ =	swait.ge [sflag:s22], s20  }
0xa5: {  	s6 =	ssub.s32 $0x0, s20;
	[sflag:s22] =	ssyncset.done $0x0  }
0xa6: {  	[sflag:s22] =	ssyncadd.s32 s6;
	_ =	sdelay $0x1  }
0xa7: {  	s23 =	simm.s32 $0x1B8B  }
0xa8: {  	_ =	swait.ge [sflag:s23], $0x1  }
0xa9: {  	[sflag:s23] =	ssyncset.done $0x0  }
0xaa: {  	s25 =	simm.s32 $0x1B8E;
	s24 =	sld [smem:$0x3FFE];
	[sflag:s23] =	ssyncadd.s32 $0xFFFFFFFF  }
0xab: {  	s26 =	simm.s32 $execute0_lowered;
	[smem:$0x3FD2] =	sst s25  }
0xac: {  	s7 =	sshll.u32 s26, $0x1;
	_ =	strace $0x80000046;
	[dreg:$0x1] =	wrdreg $0xFFFFFFFF  }
0xad: {  	s28 =	simm.s32 $_size_execute0_lowered;
	s5 =	sadd.s32 s5, s7;
	[dreg:$0x0] =	wrdreg $0x0  }
0xae: {  	s7 =	sshll.u32 s28, $0x1;
	[dreg:$0x2] =	wrdreg s5  }
0xaf: {  	[dreg:$0x3] =	wrdreg s7  }
0xb0: {  	[dreg:$0x4] =	wrdreg $0xC0  }
0xb1: {  	_ =	task [dreg:s9], $0x5FFFF  }
0xb2: {  	[dreg:$0x1] =	wrdreg $0xFFFFFFFF  }
0xb3: {  	[dreg:$0x0] =	wrdreg $0x60  }
0xb4: {  	[dreg:$0x2] =	wrdreg s15  }
0xb5: {  	[dreg:$0x3] =	wrdreg s24  }
0xb6: {  	[dreg:$0x4] =	wrdreg s16  }
0xb7: {  	[dreg:$0x5] =	wrdreg s17  }
0xb8: {  	[dreg:$0x6] =	wrdreg $0x9  }
0xb9: {  	_ =	task.clear_ibuf [dreg:s9], $0x7FFFF;
	_ =	strace $0x90000046  }
0xba: {  	s29 =	simm.s32 $0x9;
	_ =	strace $0x80000048  }
0xbb: {  	_ =	swait.ge [sflag:s29], $0x1  }
0xbc: {  	[sflag:s29] =	ssyncadd.s32 $0xFFFFFFFF  }
0xbd: {  	_ =	strace $0x90000048  }
0xbe: {  	_ =	sfence  }
0xbf: {  	s30 =	sld [smem:$0x0];
	_ =	sdelay $0x2  }
0xc0: {  	s31 =	sshll.u32 s1, $0xD;
	s1 =	sshrl.u32 s1, $0x2  }
0xc1: {  	s3 =	sand.u32 $0x4000, s31;
	s1 =	sadd.s32 s1, s30  }
0xc2: {  	s0 =	sor.u32 s3, s0;
	s1 =	sshll.u32 s1, $0x11  }
0xc3: {  	s0 =	sor.u32 s1, s0  }
0xc4: {  	s0 =	sadd.s32 $0x8F2B, s0  }
0xc5: {  	[sflag:s0] =	ssyncadd.remote.s32 $0x1  }
0xc6: {  	_ =	sfence.sel $0xFFFF  }
0xc7: {  	[dreg:$0x0] =	wrdreg $0xFFFFFFFF;
	(pc) =	sbr.abs _section_cstart, $3  }
0xc8: {  	[dreg:$0x1] =	wrdreg $0xFFFFFFFF  }
0xc9: {  	_ =	task.clear_ibuf [dreg:s9], $0x2FFFF;
	_ =	strace $0x9FFFFFFF  }
0xca: {  	(tm) =	ssettm $0x7FFFFFFF  }
0xcb: {  	_ =	shalt  }
tec
execute0_lowered:
.L_overlay_start_1:
0x0: {  	(tag) =	ssettag $0x1  }
0x1: {  	v0 =	vimm.s32 $0xFEDCBA9;
	v1 =	vimm.s32 $0x87654321  }
0x2: {  	v2 =	vimm.s32 $0x10FEDCBA;
	v3 =	vimm.s32 $0x98765432;
	v4 =	vimm.s32 $0x210FEDCB  }
0x3: {  	v5 =	vimm.s32 $0xA9876543;
	v7 =	vimm.s32 $0xBA987654;
	v8 =	vimm.s32 $0x43210FED  }
0x4: {  	v9 =	vimm.s32 $0xCBA98765;
	v11 =	vimm.s32 $0xDCBA9876;
	v12 =	vimm.s32 $0x6543210F  }
0x5: {  	v13 =	vimm.s32 $0xEDCBA987;
	v14 =	vimm.s32 $0xFEDCBA98;
	v15 =	vimm.s32 $0x76543210  }
0x6: {  	v50 =	vimm.s32 $0xC3824100;
	v55 =	vimm.s32 $0xC4834201;
	vm1 =	vcmask $0xF00  }
0x7: {  	v58 =	vimm.s32 $0x38F;
	vm0 =	vcmask $0x300;
	v60 =	vimm.s32 $0xC5844302  }
0x8: {  	v61 =	vimm.s32 $0xF;
	v62 =	vimm.s32 $0xC6854403;
	v32 =	vimm.s32 $0xC7864504  }
0x9: {  	v33 =	vimm.s32 $0x8F;
	v35 =	vimm.s32 $0x10F;
	v38 =	vimm.s32 $0xC0874605  }
0xa: {  	v39 =	vimm.s32 $0x18F;
	v40 =	vimm.s32 $0xC1804706;
	v42 =	vimm.s32 $0xC2814007  }
0xb: {  	v43 =	vimm.s32 $0x20F;
	v45 =	vimm.s32 $0x28F;
	v48 =	vimm.s32 $0x30F  }
0xc: {  	v49 =	vimm.s32 $0x7C7;
	v0 =	vunpack.c.l.s4.s8 v0;
	v1 =	vunpack.c.l.s4.s8 v1  }
0xd: {  	v2 =	vunpack.c.l.s4.s8 v2;
	v3 =	vunpack.c.l.s4.s8 v3;
	v4 =	vunpack.c.l.s4.s8 v4  }
0xe: {  	v5 =	vunpack.c.l.s4.s8 v5;
	v7 =	vunpack.c.l.s4.s8 v7;
	v8 =	vunpack.c.l.s4.s8 v8  }
0xf: {  	v9 =	vunpack.c.l.s4.s8 v9;
	v11 =	vunpack.c.l.s4.s8 v11;
	v12 =	vunpack.c.l.s4.s8 v12  }
0x10: {  	v13 =	vunpack.c.l.s4.s8 v13;
	v14 =	vunpack.c.l.s4.s8 v14;
	v15 =	vunpack.c.l.s4.s8 v15  }
0x11: {  	v63 =	vunpack.c.0.s8.s32 v62;
	v41 =	vunpack.c.0.s8.s32 v40;
	v62 =	vimm.s32 $0x29F  }
0x12: {  	v40 =	vimm.s32 $0x12F;
	v25 =	vsel vm0, $0x310, v62;
	v62 =	vimm.s32 $0x2BF  }
0x13: {  	v0 =	vunpack.c.0.s8.s32 v0;
	v1 =	vunpack.c.0.s8.s32 v1;
	v2 =	vunpack.c.0.s8.s32 v2  }
0x14: {  	v3 =	vunpack.c.0.s8.s32 v3;
	v4 =	vunpack.c.0.s8.s32 v4;
	v5 =	vunpack.c.0.s8.s32 v5  }
0x15: {  	v7 =	vunpack.c.0.s8.s32 v7;
	v8 =	vunpack.c.0.s8.s32 v8;
	v9 =	vunpack.c.0.s8.s32 v9  }
0x16: {  	v11 =	vunpack.c.0.s8.s32 v11;
	v12 =	vunpack.c.0.s8.s32 v12;
	v13 =	vunpack.c.0.s8.s32 v13  }
0x17: {  	v14 =	vunpack.c.0.s8.s32 v14;
	v15 =	vunpack.c.0.s8.s32 v15;
	v34 =	vand.u32 $0xFF, v63  }
0x18: {  	v44 =	vand.u32 $0xFF, v41;
	v63 =	vimm.s32 $0x7C6;
	v41 =	vimm.s32 $0xBC3  }
0x19: {  	v26 =	vsel vm0, $0x407, v63;
	v6 =	vcombine.low v1, v0;
	v10 =	vcombine.low v3, v2  }
0x1a: {  	v63 =	vimm.s32 $0xFC6;
	v0 =	vcombine.low v0, v1;
	v51 =	vcombine.low v2, v3  }
0x1b: {  	v14 =	vand.u32 $0xF, v14;
	v52 =	vcombine.low v4, v5;
	v54 =	vcombine.low v8, v9  }
0x1c: {  	v1 =	vunpack.c.0.s8.s32 v55;
	v57 =	vcombine.low v12, v13;
	v2 =	vunpack.c.0.s8.s32 v32  }
0x1d: {  	v55 =	vimm.s32 $0x7C2;
	v32 =	vimm.s32 $0x31F;
	v14 =	vcombine.low v14, v15;
	[tilespmem:$0x1FD60] =	vst v6  }
0x1e: {  	v18 =	vsel vm0, $0x403, v55;
	v27 =	vsel vm0, $0x390, v32;
	v55 =	vimm.s32 $0xFC2;
	[tilespmem:$0x1FD70] =	vst v10  }
0x1f: {  	v6 =	vimm.s32 $0x3210FEDC;
	v10 =	vcombine.low v5, v4;
	[tilespmem:$0x1FDE0] =	vst v0;
	v0 =	vunpack.c.0.s8.s32 v50  }
0x20: {  	[tilespmem:$0x1FE00] =	vst v51;
	v1 =	vand.u32 $0xFF, v1;
	v4 =	vsel vm0, $0x0, v58;
	v5 =	vsel vm0, $0x80, v61  }
0x21: {  	[tilespmem:$0x1FE20] =	vst v52;
	v36 =	vand.u32 $0xFF, v2;
	v2 =	vunpack.c.0.s8.s32 v42;
	v50 =	vimm.s32 $0x39F  }
0x22: {  	[tilespmem:$0x1FE60] =	vst v54;
	v51 =	vimm.s32 $0x7C0;
	v52 =	vimm.s32 $0x1F;
	v54 =	vimm.s32 $0x9F  }
0x23: {  	[tilespmem:$0x1FEA0] =	vst v57;
	v57 =	vimm.s32 $0x7C3;
	v58 =	vimm.s32 $0x19F;
	v61 =	vimm.s32 $0x7C5  }
0x24: {  	v42 =	vimm.s32 $0x1AF;
	v6 =	vunpack.c.l.s4.s8 v6;
	v59 =	vnsel vm1, $0x3C0, v1  }
0x25: {  	[tilespmem:$0x1B9D0] =	vst v14;
	v37 =	vnsel vm1, $0x3C3, v36;
	v14 =	vsel vm0, $0x401, v51;
	v15 =	vsel vm0, $0x90, v52  }
0x26: {  	v17 =	vsel vm0, $0x110, v54;
	v20 =	vsel vm0, $0x404, v57;
	v21 =	vsel vm0, $0x210, v58  }
0x27: {  	v24 =	vsel vm0, $0x406, v61;
	v36 =	vimm.s32 $0x2F;
	v51 =	vimm.s32 $0xFC0  }
0x28: {  	v52 =	vimm.s32 $0x3F;
	v54 =	vimm.s32 $0xBF;
	v57 =	vimm.s32 $0xFC3  }
0x29: {  	v58 =	vimm.s32 $0x1BF;
	v61 =	vimm.s32 $0xFC5;
	[tilespmem:$0x1FD80] =	vst v10;
	v10 =	vimm.s32 $0x543210FE  }
0x2a: {  	v0 =	vand.u32 $0xFF, v0;
	[tilespmem:$0x1C520] =	vst v59;
	v46 =	vand.u32 $0xFF, v2;
	v59 =	vimm.s32 $0x7C4  }
0x2b: {  	[tilespmem:$0x1C550] =	vst v37;
	v31 =	vsel vm0, $0xA0, v36;
	v37 =	vimm.s32 $0xBC1;
	v36 =	vsel vm0, $0x804, v41  }
0x2c: {  	v6 =	vunpack.c.0.s8.s32 v6;
	v10 =	vunpack.c.l.s4.s8 v10;
	v0 =	vnsel vm1, $0x3C7, v0  }
0x2d: {  	v47 =	vnsel vm1, $0x3C6, v46;
	v22 =	vsel vm0, $0x405, v59;
	v32 =	vsel vm0, $0x802, v37  }
0x2e: {  	v37 =	vsel vm0, $0x220, v42;
	v46 =	vimm.s32 $0x2AF;
	v59 =	vimm.s32 $0xFC4  }
0x2f: {  	[tilespmem:$0x1C500] =	vst v0;
	v0 =	vunpack.c.0.s8.s32 v60;
	v60 =	vimm.s32 $0x21F;
	v41 =	vsel vm0, $0x320, v46  }
0x30: {  	[tilespmem:$0x1C580] =	vst v47;
	v47 =	vimm.s32 $0xBC6;
	v46 =	vsel vm0, $0xC01, v51;
	v10 =	vunpack.c.0.s8.s32 v10  }
0x31: {  	v16 =	vcombine.low v7, v6;
	v53 =	vcombine.low v6, v7;
	v6 =	vsel vm0, $0x100, v33  }
0x32: {  	v7 =	vsel vm0, $0x180, v35;
	v23 =	vsel vm0, $0x290, v60;
	v33 =	vimm.s32 $0xBC7  }
0x33: {  	v35 =	vimm.s32 $0xBC0;
	v42 =	vsel vm0, $0x807, v47;
	v47 =	vsel vm0, $0xB0, v52  }
0x34: {  	v52 =	vsel vm0, $0xC04, v57;
	v60 =	vimm.s32 $0x23F;
	v57 =	vsel vm0, $0xC06, v61  }
0x35: {  	v0 =	vand.u32 $0xFF, v0;
	v28 =	vsel vm0, $0x800, v33;
	v30 =	vsel vm0, $0x801, v35  }
0x36: {  	v35 =	vsel vm0, $0x1A0, v40;
	[tilespmem:$0x1FD90] =	vst v16;
	v16 =	vcombine.low v9, v8;
	v56 =	vcombine.low v10, v11  }
0x37: {  	[tilespmem:$0x1FE40] =	vst v53;
	v0 =	vnsel vm1, $0x3C1, v0;
	v8 =	vsel vm0, $0x200, v39;
	v9 =	vsel vm0, $0x280, v43  }
0x38: {  	v53 =	vimm.s32 $0x7C1;
	v39 =	vimm.s32 $0xBC2;
	v43 =	vimm.s32 $0xBC4;
	[tilespmem:$0x1C530] =	vst v0  }
0x39: {  	v0 =	vnsel vm1, $0x3C2, v34;
	v34 =	vimm.s32 $0x3AF;
	[tilespmem:$0x1FDA0] =	vst v16;
	v16 =	vcombine.low v11, v10  }
0x3a: {  	[tilespmem:$0x1C540] =	vst v0;
	v0 =	vunpack.c.0.s8.s32 v38;
	v10 =	vsel vm0, $0x300, v45;
	v11 =	vsel vm0, $0x380, v48  }
0x3b: {  	[tilespmem:$0x1FE80] =	vst v56;
	v56 =	vimm.s32 $0x11F;
	v29 =	vsel vm0, $0x20, v34;
	v38 =	vimm.s32 $0xAF  }
0x3c: {  	v34 =	vsel vm0, $0x803, v39;
	v45 =	vimm.s32 $0xBC5;
	v48 =	vimm.s32 $0x32F  }
0x3d: {  	v19 =	vsel vm0, $0x190, v56;
	v33 =	vsel vm0, $0x120, v38;
	v38 =	vsel vm0, $0x805, v43  }
0x3e: {  	v40 =	vsel vm0, $0x806, v45;
	v43 =	vsel vm0, $0x3A0, v48;
	v56 =	vimm.s32 $0x13F  }
0x3f: {  	[tilespmem:$0x1FDB0] =	vst v16;
	v16 =	vcombine.low v13, v12;
	v0 =	vand.u32 $0xFF, v0;
	v12 =	vsel vm0, $0x400, v49  }
0x40: {  	v13 =	vsel vm0, $0x10, v50;
	v49 =	vimm.s32 $0xFC7;
	v50 =	vimm.s32 $0x3BF  }
0x41: {  	v51 =	vsel vm0, $0x1B0, v56;
	v56 =	vimm.s32 $0x33F;
	v0 =	vnsel vm1, $0x3C4, v0  }
0x42: {  	v45 =	vsel vm0, $0x30, v50;
	v50 =	vsel vm0, $0xC03, v55;
	v55 =	vsel vm0, $0x2B0, v60  }
0x43: {  	v60 =	vsel vm0, $0xC07, v63;
	[tilespmem:$0x1C560] =	vst v0;
	v0 =	vnsel vm1, $0x3C5, v44;
	v44 =	vimm.s32 $0x22F  }
0x44: {  	[tilespmem:$0x1FDC0] =	vst v16;
	v16 =	vsel vm0, $0x402, v53;
	v53 =	vimm.s32 $0xFC1;
	v39 =	vsel vm0, $0x2A0, v44  }
0x45: {  	v44 =	vsel vm0, $0xC00, v49;
	v48 =	vsel vm0, $0xC02, v53;
	v49 =	vsel vm0, $0x130, v54  }
0x46: {  	v53 =	vsel vm0, $0x230, v58;
	v54 =	vsel vm0, $0xC05, v59;
	v59 =	vimm.s32 $0x13C7  }
0x47: {  	[tilespmem:$0x1C570] =	vst v0;
	v58 =	vsel vm0, $0x330, v62;
	v62 =	vimm.s32 $0x3CF;
	v0 =	vsel vm0, $0x1000, v59  }
0x48: {  	v61 =	vsel vm0, $0x3B0, v56;
	v56 =	vimm.s32 $0x13C0;
	v63 =	vsel vm0, $0x40, v62;
	[tilespmem:$0x1B9E0] =	vst v0  }
0x49: {  	v62 =	vimm.s32 $0x13C1;
	[tilespmem:$0x1B9F0] =	vst v63;
	v0 =	vsel vm0, $0x1001, v56  }
0x4a: {  	v59 =	vimm.s32 $0x4F;
	v63 =	vsel vm0, $0x1002, v62;
	[tilespmem:$0x1BA00] =	vst v0  }
0x4b: {  	v62 =	vimm.s32 $0x14F;
	v0 =	vsel vm0, $0xC0, v59;
	[tilespmem:$0x1BA20] =	vst v63  }
0x4c: {  	v56 =	vimm.s32 $0xCF;
	v63 =	vsel vm0, $0x1C0, v62;
	[tilespmem:$0x1BA10] =	vst v0  }
0x4d: {  	v59 =	vimm.s32 $0x13C2;
	v0 =	vsel vm0, $0x140, v56;
	[tilespmem:$0x1BA50] =	vst v63  }
0x4e: {  	v56 =	vimm.s32 $0x13C3;
	[tilespmem:$0x1BA30] =	vst v0;
	v0 =	vsel vm0, $0x1003, v59  }
0x4f: {  	v59 =	vimm.s32 $0x1CF;
	[tilespmem:$0x1BA40] =	vst v0;
	v0 =	vsel vm0, $0x1004, v56  }
0x50: {  	v56 =	vimm.s32 $0x24F;
	[tilespmem:$0x1BA60] =	vst v0;
	v0 =	vsel vm0, $0x240, v59  }
0x51: {  	v59 =	vimm.s32 $0x13C5;
	[tilespmem:$0x1BA70] =	vst v0;
	v0 =	vsel vm0, $0x2C0, v56  }
0x52: {  	v56 =	vimm.s32 $0x13C6;
	[tilespmem:$0x1BA90] =	vst v0;
	v0 =	vsel vm0, $0x1006, v59  }
0x53: {  	v59 =	vimm.s32 $0x34F;
	[tilespmem:$0x1BAA0] =	vst v0;
	v0 =	vsel vm0, $0x1007, v56  }
0x54: {  	v56 =	vimm.s32 $0x3DF;
	[tilespmem:$0x1BAC0] =	vst v0;
	v0 =	vsel vm0, $0x3C0, v59  }
0x55: {  	v59 =	vimm.s32 $0x17C0;
	[tilespmem:$0x1BAD0] =	vst v0;
	v0 =	vsel vm0, $0x50, v56  }
0x56: {  	v56 =	vimm.s32 $0x17C1;
	[tilespmem:$0x1BAF0] =	vst v0;
	v0 =	vsel vm0, $0x1401, v59  }
0x57: {  	v59 =	vimm.s32 $0xDF;
	[tilespmem:$0x1BB00] =	vst v0;
	v0 =	vsel vm0, $0x1402, v56  }
0x58: {  	v56 =	vimm.s32 $0x15F;
	[tilespmem:$0x1BB20] =	vst v0;
	v0 =	vsel vm0, $0x150, v59  }
0x59: {  	v59 =	vimm.s32 $0x17C3;
	[tilespmem:$0x1BB30] =	vst v0;
	v0 =	vsel vm0, $0x1D0, v56  }
0x5a: {  	v56 =	vimm.s32 $0x17C4;
	[tilespmem:$0x1BB50] =	vst v0;
	v0 =	vsel vm0, $0x1404, v59  }
0x5b: {  	v59 =	vimm.s32 $0x25F;
	[tilespmem:$0x1BB60] =	vst v0;
	v0 =	vsel vm0, $0x1405, v56  }
0x5c: {  	v56 =	vimm.s32 $0x2DF;
	[tilespmem:$0x1BB80] =	vst v0;
	v0 =	vsel vm0, $0x2D0, v59  }
0x5d: {  	v59 =	vimm.s32 $0x17C6;
	[tilespmem:$0x1BB90] =	vst v0;
	v0 =	vsel vm0, $0x350, v56  }
0x5e: {  	v56 =	vimm.s32 $0x1BC7;
	[tilespmem:$0x1BBB0] =	vst v0;
	v0 =	vsel vm0, $0x1407, v59  }
0x5f: {  	v59 =	vimm.s32 $0x3EF;
	[tilespmem:$0x1BBC0] =	vst v0;
	v0 =	vsel vm0, $0x1800, v56  }
0x60: {  	v56 =	vimm.s32 $0x6F;
	[tilespmem:$0x1BBE0] =	vst v0;
	v0 =	vsel vm0, $0x60, v59  }
0x61: {  	v59 =	vimm.s32 $0x1BC1;
	[tilespmem:$0x1BBF0] =	vst v0;
	v0 =	vsel vm0, $0xE0, v56  }
0x62: {  	v56 =	vimm.s32 $0x1BC2;
	[tilespmem:$0x1BC10] =	vst v0;
	v0 =	vsel vm0, $0x1802, v59  }
0x63: {  	v59 =	vimm.s32 $0x16F;
	[tilespmem:$0x1BC20] =	vst v0;
	v0 =	vsel vm0, $0x1803, v56  }
0x64: {  	v56 =	vimm.s32 $0x1EF;
	[tilespmem:$0x1BC40] =	vst v0;
	v0 =	vsel vm0, $0x1E0, v59  }
0x65: {  	v59 =	vimm.s32 $0x1BC4;
	[tilespmem:$0x1BC50] =	vst v0;
	v0 =	vsel vm0, $0x260, v56  }
0x66: {  	v56 =	vimm.s32 $0x1BC5;
	[tilespmem:$0x1BC70] =	vst v0;
	v0 =	vsel vm0, $0x1805, v59  }
0x67: {  	v59 =	vimm.s32 $0x2EF;
	[tilespmem:$0x1BC80] =	vst v0;
	v0 =	vsel vm0, $0x1806, v56  }
0x68: {  	v56 =	vimm.s32 $0x36F;
	[tilespmem:$0x1BCA0] =	vst v0;
	v0 =	vsel vm0, $0x360, v59  }
0x69: {  	v59 =	vimm.s32 $0x1FC7;
	[tilespmem:$0x1BCB0] =	vst v0;
	v0 =	vsel vm0, $0x3E0, v56  }
0x6a: {  	v56 =	vimm.s32 $0x1FC0;
	[tilespmem:$0x1BCD0] =	vst v0;
	v0 =	vsel vm0, $0x1C00, v59  }
0x6b: {  	v59 =	vimm.s32 $0x7F;
	[tilespmem:$0x1BCE0] =	vst v0;
	v0 =	vsel vm0, $0x1C01, v56  }
0x6c: {  	v56 =	vimm.s32 $0xFF;
	[tilespmem:$0x1BD00] =	vst v0;
	v0 =	vsel vm0, $0xF0, v59  }
0x6d: {  	v59 =	vimm.s32 $0x1FC2;
	[tilespmem:$0x1BD10] =	vst v0;
	v0 =	vsel vm0, $0x170, v56  }
0x6e: {  	v56 =	vimm.s32 $0x1FC3;
	[tilespmem:$0x1BD30] =	vst v0;
	v0 =	vsel vm0, $0x1C03, v59;
	v59 =	vimm.s32 $0x1FF  }
0x6f: {  	v56 =	vsel vm0, $0x1C04, v56;
	[tilespmem:$0x1BD40] =	vst v0;
	v0 =	vsel vm0, $0x270, v59;
	v59 =	vimm.s32 $0x27F  }
0x70: {  	[tilespmem:$0x1BD60] =	vst v56;
	v56 =	vsel vm0, $0x2F0, v59;
	v59 =	vimm.s32 $0x1FC5  }
0x71: {  	[tilespmem:$0x1BD70] =	vst v0;
	v0 =	vsel vm0, $0x1C06, v59  }
0x72: {  	[tilespmem:$0x1BDA0] =	vst v0;
	v0 =	vld [tilespmem:$0x1BA50];
	_ =	sdelay $0x3  }
0x73: {  	vm14 =	vcmask $0x704  }
0x74: {  	v0 =	vsel vm14, $0x241, v0  }
0x75: {  	[tilespmem:$0x1BDF0] =	vst v0;
	v0 =	vld [tilespmem:$0x1BA60];
	_ =	sdelay $0x4  }
0x76: {  	v0 =	vsel vm14, $0x1045, v0  }
0x77: {  	[tilespmem:$0x1BE00] =	vst v0;
	v0 =	vld [tilespmem:$0x1BA70];
	_ =	sdelay $0x2  }
0x78: {  	v62 =	vimm.s32 $0x13C4  }
0x79: {  	v63 =	vsel vm0, $0x1005, v62  }
0x7a: {  	[tilespmem:$0x1BA80] =	vst v63;
	v0 =	vsel vm14, $0x2C1, v0  }
0x7b: {  	[tilespmem:$0x1BE10] =	vst v0;
	v0 =	vld [tilespmem:$0x1BA80];
	_ =	sdelay $0x4  }
0x7c: {  	v0 =	vsel vm14, $0x1046, v0  }
0x7d: {  	[tilespmem:$0x1BE20] =	vst v0;
	v0 =	vld [tilespmem:$0x1BA90];
	_ =	sdelay $0x4  }
0x7e: {  	v0 =	vsel vm14, $0x341, v0  }
0x7f: {  	[tilespmem:$0x1BE30] =	vst v0;
	v0 =	vld [tilespmem:$0x1BAA0];
	_ =	sdelay $0x2  }
0x80: {  	v62 =	vimm.s32 $0x2CF  }
0x81: {  	v63 =	vsel vm0, $0x340, v62  }
0x82: {  	[tilespmem:$0x1BAB0] =	vst v63;
	v0 =	vsel vm14, $0x1047, v0  }
0x83: {  	[tilespmem:$0x1BE40] =	vst v0;
	v0 =	vld [tilespmem:$0x1BAB0];
	_ =	sdelay $0x4  }
0x84: {  	v0 =	vsel vm14, $0x3C1, v0  }
0x85: {  	[tilespmem:$0x1BE50] =	vst v0;
	v0 =	vld [tilespmem:$0x1BAC0];
	_ =	sdelay $0x1  }
0x86: {  	v2 =	vsel vm14, $0x181, v6;
	v3 =	vsel vm14, $0x201, v7  }
0x87: {  	v6 =	vsel vm14, $0x381, v10;
	v7 =	vsel vm14, $0x1, v11;
	v62 =	vimm.s32 $0x17C7  }
0x88: {  	v10 =	vsel vm14, $0x442, v14;
	v11 =	vsel vm14, $0x111, v15;
	v63 =	vsel vm0, $0x1400, v62  }
0x89: {  	v14 =	vsel vm14, $0x444, v18;
	v62 =	vimm.s32 $0x5F;
	[tilespmem:$0x1BAE0] =	vst v63;
	v0 =	vsel vm14, $0x1040, v0  }
0x8a: {  	v18 =	vsel vm14, $0x446, v22;
	v63 =	vsel vm0, $0xD0, v62;
	v62 =	vimm.s32 $0x17C2;
	[tilespmem:$0x1BE60] =	vst v0;
	v0 =	vld [tilespmem:$0x1BAD0]  }
0x8b: {  	v22 =	vsel vm14, $0x440, v26;
	[tilespmem:$0x1BB10] =	vst v63;
	v63 =	vsel vm0, $0x1403, v62;
	v62 =	vimm.s32 $0x1DF  }
0x8c: {  	v26 =	vsel vm14, $0x842, v30;
	[tilespmem:$0x1BB40] =	vst v63;
	v63 =	vsel vm0, $0x250, v62;
	v62 =	vimm.s32 $0x17C5  }
0x8d: {  	v30 =	vsel vm14, $0x844, v34;
	[tilespmem:$0x1BB70] =	vst v63;
	v63 =	vsel vm0, $0x1406, v62;
	v62 =	vimm.s32 $0x35F  }
0x8e: {  	v15 =	vsel vm14, $0x211, v19;
	v19 =	vsel vm14, $0x311, v23;
	[tilespmem:$0x1BBA0] =	vst v63;
	v63 =	vsel vm0, $0x3D0, v62  }
0x8f: {  	v23 =	vsel vm14, $0x11, v27;
	v62 =	vimm.s32 $0x1BC0;
	[tilespmem:$0x1BBD0] =	vst v63;
	v0 =	vsel vm14, $0x41, v0  }
0x90: {  	v27 =	vsel vm14, $0x121, v31;
	v63 =	vsel vm0, $0x1801, v62;
	v62 =	vimm.s32 $0xEF;
	[tilespmem:$0x1BE70] =	vst v0;
	v0 =	vld [tilespmem:$0x1BAE0]  }
0x91: {  	v31 =	vsel vm14, $0x221, v35;
	[tilespmem:$0x1BC00] =	vst v63;
	v63 =	vsel vm0, $0x160, v62;
	v62 =	vimm.s32 $0x1BC3  }
0x92: {  	v34 =	vsel vm14, $0x846, v38;
	[tilespmem:$0x1BC30] =	vst v63;
	v63 =	vsel vm0, $0x1804, v62;
	v62 =	vimm.s32 $0x26F  }
0x93: {  	v38 =	vsel vm14, $0x840, v42;
	[tilespmem:$0x1BC60] =	vst v63;
	v63 =	vsel vm0, $0x2E0, v62;
	v62 =	vimm.s32 $0x1BC6  }
0x94: {  	v42 =	vsel vm14, $0xC42, v46;
	v46 =	vsel vm14, $0xC44, v50;
	[tilespmem:$0x1BC90] =	vst v63;
	v63 =	vsel vm0, $0x1807, v62  }
0x95: {  	v35 =	vsel vm14, $0x321, v39;
	v62 =	vimm.s32 $0x3FF;
	[tilespmem:$0x1BCC0] =	vst v63;
	v0 =	vsel vm14, $0x1441, v0  }
0x96: {  	v39 =	vsel vm14, $0x21, v43;
	v63 =	vsel vm0, $0x70, v62;
	v62 =	vimm.s32 $0x1FC1;
	[tilespmem:$0x1BE80] =	vst v0;
	v0 =	vld [tilespmem:$0x1BAF0]  }
0x97: {  	v43 =	vsel vm14, $0x131, v47;
	[tilespmem:$0x1BCF0] =	vst v63;
	v63 =	vsel vm0, $0x1C02, v62;
	v62 =	vimm.s32 $0x17F  }
0x98: {  	v47 =	vsel vm14, $0x231, v51;
	[tilespmem:$0x1BD20] =	vst v63;
	v63 =	vsel vm0, $0x1F0, v62;
	v62 =	vimm.s32 $0x1FC4  }
0x99: {  	v50 =	vsel vm14, $0xC46, v54;
	v51 =	vsel vm14, $0x331, v55;
	[tilespmem:$0x1BD50] =	vst v63;
	v63 =	vsel vm0, $0x1C05, v62  }
0x9a: {  	v54 =	vsel vm14, $0xC40, v60;
	v55 =	vsel vm14, $0x31, v61;
	v62 =	vimm.s32 $0x2FF;
	[tilespmem:$0x1BD80] =	vst v63  }
0x9b: {  	v63 =	vsel vm0, $0x370, v62;
	v62 =	vimm.s32 $0x1FC6;
	[tilespmem:$0x1BD90] =	vst v56;
	v0 =	vsel vm14, $0xD1, v0  }
0x9c: {  	v56 =	vsel vm0, $0x1C07, v62;
	v59 =	vsel vm14, $0x81, v4;
	v62 =	vsel vm14, $0x101, v5;
	[tilespmem:$0x1BE90] =	vst v0;
	v0 =	vld [tilespmem:$0x1BB00]  }
0x9d: {  	v4 =	vsel vm14, $0x281, v8;
	v5 =	vsel vm14, $0x301, v9;
	v8 =	vsel vm14, $0x441, v12  }
0x9e: {  	v9 =	vsel vm14, $0x91, v13;
	v12 =	vsel vm14, $0x443, v16;
	v13 =	vsel vm14, $0x191, v17  }
0x9f: {  	v16 =	vsel vm14, $0x445, v20;
	v17 =	vsel vm14, $0x291, v21;
	v20 =	vsel vm14, $0x447, v24  }
0xa0: {  	v21 =	vsel vm14, $0x391, v25;
	v24 =	vsel vm14, $0x841, v28;
	v25 =	vsel vm14, $0xA1, v29  }
0xa1: {  	v60 =	vld [tilespmem:$0x1BA20];
	v28 =	vsel vm14, $0x843, v32;
	v29 =	vsel vm14, $0x1A1, v33;
	v0 =	vsel vm14, $0x1442, v0  }
0xa2: {  	v32 =	vsel vm14, $0x845, v36;
	v33 =	vsel vm14, $0x2A1, v37;
	v36 =	vsel vm14, $0x847, v40;
	[tilespmem:$0x1BEA0] =	vst v0;
	v0 =	vld [tilespmem:$0x1BB10]  }
0xa3: {  	v61 =	vld [tilespmem:$0x1BA30];
	v37 =	vsel vm14, $0x3A1, v41;
	v40 =	vsel vm14, $0xC41, v44;
	v41 =	vsel vm14, $0xB1, v45  }
0xa4: {  	[tilespmem:$0x1BDB0] =	vst v63;
	v44 =	vsel vm14, $0xC43, v48;
	v48 =	vsel vm14, $0xC45, v52;
	v52 =	vsel vm14, $0xC47, v57;
	v57 =	vld [tilespmem:$0x1B9F0]  }
0xa5: {  	v45 =	vsel vm14, $0x1B1, v49;
	v49 =	vsel vm14, $0x2B1, v53;
	v53 =	vsel vm14, $0x3B1, v58;
	v58 =	vld [tilespmem:$0x1BA00];
	[tilespmem:$0x1BDC0] =	vst v56  }
0xa6: {  	[tilespmem:$0x1BDD0] =	vst v59;
	v56 =	vld [tilespmem:$0x1B9E0]  }
0xa7: {  	[tilespmem:$0x1BDE0] =	vst v62;
	v59 =	vld [tilespmem:$0x1BA10];
	v0 =	vsel vm14, $0x151, v0  }
0xa8: {  	v62 =	vld [tilespmem:$0x1BA40];
	[tilespmem:$0x1BEB0] =	vst v0  }
0xa9: {  	v0 =	vld [tilespmem:$0x1BB20]  }
0xaa: {  	v1 =	vld [tilespmem:$0x1BDD0];
	_ =	sdelay $0x3  }
0xab: {  	vm15 =	vcmask $0xB08  }
0xac: {  	v1 =	vsel vm15, $0x102, v1  }
0xad: {  	[tilespmem:$0x1C160] =	vst v1;
	v1 =	vld [tilespmem:$0x1BDE0];
	_ =	sdelay $0x4  }
0xae: {  	v1 =	vsel vm15, $0x182, v1  }
0xaf: {  	[tilespmem:$0x1C170] =	vst v1;
	v1 =	vld [tilespmem:$0x1BDF0];
	_ =	sdelay $0x4  }
0xb0: {  	v1 =	vsel vm15, $0x2C2, v1  }
0xb1: {  	[tilespmem:$0x1C180] =	vst v1;
	v1 =	vld [tilespmem:$0x1BE00];
	_ =	sdelay $0x4  }
0xb2: {  	v1 =	vsel vm15, $0x1086, v1  }
0xb3: {  	[tilespmem:$0x1C190] =	vst v1;
	v1 =	vld [tilespmem:$0x1BE10];
	_ =	sdelay $0x4  }
0xb4: {  	v1 =	vsel vm15, $0x342, v1  }
0xb5: {  	[tilespmem:$0x1C1A0] =	vst v1;
	v1 =	vld [tilespmem:$0x1BE20];
	_ =	sdelay $0x4  }
0xb6: {  	v1 =	vsel vm15, $0x1087, v1  }
0xb7: {  	[tilespmem:$0x1C1B0] =	vst v1;
	v1 =	vld [tilespmem:$0x1BE30];
	_ =	sdelay $0x4  }
0xb8: {  	v1 =	vsel vm15, $0x3C2, v1  }
0xb9: {  	[tilespmem:$0x1C1C0] =	vst v1;
	v1 =	vld [tilespmem:$0x1BE40];
	_ =	sdelay $0x4  }
0xba: {  	v1 =	vsel vm15, $0x1080, v1  }
0xbb: {  	[tilespmem:$0x1C1D0] =	vst v1;
	v1 =	vld [tilespmem:$0x1BE50];
	_ =	sdelay $0x4  }
0xbc: {  	v1 =	vsel vm15, $0x42, v1  }
0xbd: {  	[tilespmem:$0x1C1E0] =	vst v1;
	v1 =	vld [tilespmem:$0x1BE60];
	_ =	sdelay $0x4  }
0xbe: {  	v1 =	vsel vm15, $0x1081, v1  }
0xbf: {  	[tilespmem:$0x1C1F0] =	vst v1;
	v1 =	vld [tilespmem:$0x1BE70];
	_ =	sdelay $0x4  }
0xc0: {  	v1 =	vsel vm15, $0xC2, v1  }
0xc1: {  	[tilespmem:$0x1C200] =	vst v1;
	v1 =	vld [tilespmem:$0x1BE80];
	_ =	sdelay $0x4  }
0xc2: {  	v1 =	vsel vm15, $0x1482, v1  }
0xc3: {  	[tilespmem:$0x1C210] =	vst v1;
	v1 =	vld [tilespmem:$0x1BE90];
	_ =	sdelay $0x4  }
0xc4: {  	v1 =	vsel vm15, $0x152, v1  }
0xc5: {  	[tilespmem:$0x1C220] =	vst v1;
	v1 =	vld [tilespmem:$0x1BEA0];
	_ =	sdelay $0x4  }
0xc6: {  	v1 =	vsel vm15, $0x1483, v1  }
0xc7: {  	[tilespmem:$0x1C230] =	vst v1;
	v1 =	vld [tilespmem:$0x1BEB0];
	_ =	sdelay $0x3  }
0xc8: {  	v0 =	vsel vm14, $0x1443, v0  }
0xc9: {  	[tilespmem:$0x1BEC0] =	vst v0;
	v0 =	vld [tilespmem:$0x1BB30];
	v1 =	vsel vm15, $0x1D2, v1  }
0xca: {  	[tilespmem:$0x1C240] =	vst v1;
	v1 =	vld [tilespmem:$0x1BEC0];
	_ =	sdelay $0x3  }
0xcb: {  	v0 =	vsel vm14, $0x1D1, v0  }
0xcc: {  	[tilespmem:$0x1BED0] =	vst v0;
	v0 =	vld [tilespmem:$0x1BB40];
	v1 =	vsel vm15, $0x1484, v1  }
0xcd: {  	[tilespmem:$0x1C250] =	vst v1;
	v1 =	vld [tilespmem:$0x1BED0];
	_ =	sdelay $0x3  }
0xce: {  	v0 =	vsel vm14, $0x1444, v0  }
0xcf: {  	[tilespmem:$0x1BEE0] =	vst v0;
	v0 =	vld [tilespmem:$0x1BB50];
	v1 =	vsel vm15, $0x252, v1  }
0xd0: {  	[tilespmem:$0x1C260] =	vst v1;
	v1 =	vld [tilespmem:$0x1BEE0];
	_ =	sdelay $0x3  }
0xd1: {  	v0 =	vsel vm14, $0x251, v0  }
0xd2: {  	[tilespmem:$0x1BEF0] =	vst v0;
	v0 =	vld [tilespmem:$0x1BB60];
	v1 =	vsel vm15, $0x1485, v1  }
0xd3: {  	[tilespmem:$0x1C270] =	vst v1;
	v1 =	vld [tilespmem:$0x1BEF0];
	_ =	sdelay $0x3  }
0xd4: {  	v0 =	vsel vm14, $0x1445, v0  }
0xd5: {  	[tilespmem:$0x1BF00] =	vst v0;
	v0 =	vld [tilespmem:$0x1BB70];
	v1 =	vsel vm15, $0x2D2, v1  }
0xd6: {  	[tilespmem:$0x1C280] =	vst v1;
	v1 =	vld [tilespmem:$0x1BF00];
	_ =	sdelay $0x3  }
0xd7: {  	v0 =	vsel vm14, $0x2D1, v0  }
0xd8: {  	vm4 =	vcmask $0xF0C;
	v7 =	vsel vm15, $0x82, v7;
	[tilespmem:$0x1BF10] =	vst v0;
	v0 =	vld [tilespmem:$0x1BB80];
	v1 =	vsel vm15, $0x1486, v1  }
0xd9: {  	v7 =	vsel vm4, $0x103, v7;
	v8 =	vsel vm15, $0x482, v8;
	[tilespmem:$0x1C290] =	vst v1;
	v1 =	vld [tilespmem:$0x1BF10]  }
0xda: {  	v9 =	vsel vm15, $0x112, v9;
	[tilespmem:$0x1C590] =	vst v7;
	v7 =	vsel vm4, $0x4C3, v8  }
0xdb: {  	v10 =	vsel vm15, $0x483, v10;
	[tilespmem:$0x1C5A0] =	vst v7;
	v7 =	vsel vm4, $0x193, v9  }
0xdc: {  	[tilespmem:$0x1C5B0] =	vst v7;
	v7 =	vsel vm4, $0x4C4, v10  }
0xdd: {  	[tilespmem:$0x1C5C0] =	vst v7;
	v0 =	vsel vm14, $0x1446, v0  }
0xde: {  	v11 =	vsel vm15, $0x192, v11;
	[tilespmem:$0x1BF20] =	vst v0;
	v0 =	vld [tilespmem:$0x1BB90];
	v1 =	vsel vm15, $0x352, v1  }
0xdf: {  	v12 =	vsel vm15, $0x484, v12;
	v7 =	vsel vm4, $0x213, v11;
	[tilespmem:$0x1C2A0] =	vst v1;
	v1 =	vld [tilespmem:$0x1BF20]  }
0xe0: {  	v13 =	vsel vm15, $0x212, v13;
	[tilespmem:$0x1C5D0] =	vst v7;
	v7 =	vsel vm4, $0x4C5, v12  }
0xe1: {  	v14 =	vsel vm15, $0x485, v14;
	[tilespmem:$0x1C5E0] =	vst v7;
	v7 =	vsel vm4, $0x293, v13  }
0xe2: {  	[tilespmem:$0x1C5F0] =	vst v7;
	v7 =	vsel vm4, $0x4C6, v14  }
0xe3: {  	[tilespmem:$0x1C600] =	vst v7;
	v0 =	vsel vm14, $0x351, v0  }
0xe4: {  	v15 =	vsel vm15, $0x292, v15;
	[tilespmem:$0x1BF30] =	vst v0;
	v0 =	vld [tilespmem:$0x1BBA0];
	v1 =	vsel vm15, $0x1487, v1  }
0xe5: {  	v16 =	vsel vm15, $0x486, v16;
	v7 =	vsel vm4, $0x313, v15;
	[tilespmem:$0x1C2B0] =	vst v1;
	v1 =	vld [tilespmem:$0x1BF30]  }
0xe6: {  	v17 =	vsel vm15, $0x312, v17;
	[tilespmem:$0x1C610] =	vst v7;
	v7 =	vsel vm4, $0x4C7, v16  }
0xe7: {  	v18 =	vsel vm15, $0x487, v18;
	[tilespmem:$0x1C620] =	vst v7;
	v7 =	vsel vm4, $0x393, v17  }
0xe8: {  	[tilespmem:$0x1C630] =	vst v7;
	v7 =	vsel vm4, $0x4C0, v18  }
0xe9: {  	[tilespmem:$0x1C640] =	vst v7;
	v0 =	vsel vm14, $0x1447, v0  }
0xea: {  	v19 =	vsel vm15, $0x392, v19;
	[tilespmem:$0x1BF40] =	vst v0;
	v0 =	vld [tilespmem:$0x1BBB0];
	v1 =	vsel vm15, $0x3D2, v1  }
0xeb: {  	v20 =	vsel vm15, $0x480, v20;
	v7 =	vsel vm4, $0x13, v19;
	[tilespmem:$0x1C2C0] =	vst v1;
	v1 =	vld [tilespmem:$0x1BF40]  }
0xec: {  	v21 =	vsel vm15, $0x12, v21;
	[tilespmem:$0x1C650] =	vst v7;
	v7 =	vsel vm4, $0x4C1, v20  }
0xed: {  	v22 =	vsel vm15, $0x481, v22;
	[tilespmem:$0x1C660] =	vst v7;
	v7 =	vsel vm4, $0x93, v21  }
0xee: {  	[tilespmem:$0x1C670] =	vst v7;
	v7 =	vsel vm4, $0x4C2, v22  }
0xef: {  	[tilespmem:$0x1C680] =	vst v7;
	v0 =	vsel vm14, $0x3D1, v0  }
0xf0: {  	v23 =	vsel vm15, $0x92, v23;
	[tilespmem:$0x1BF50] =	vst v0;
	v0 =	vld [tilespmem:$0x1BBC0];
	v1 =	vsel vm15, $0x1480, v1  }
0xf1: {  	v24 =	vsel vm15, $0x882, v24;
	v7 =	vsel vm4, $0x113, v23;
	[tilespmem:$0x1C2D0] =	vst v1;
	v1 =	vld [tilespmem:$0x1BF50]  }
0xf2: {  	v25 =	vsel vm15, $0x122, v25;
	[tilespmem:$0x1C690] =	vst v7;
	v7 =	vsel vm4, $0x8C3, v24  }
0xf3: {  	v26 =	vsel vm15, $0x883, v26;
	[tilespmem:$0x1C6A0] =	vst v7;
	v7 =	vsel vm4, $0x1A3, v25  }
0xf4: {  	[tilespmem:$0x1C6B0] =	vst v7;
	v7 =	vsel vm4, $0x8C4, v26  }
0xf5: {  	[tilespmem:$0x1C6C0] =	vst v7;
	v0 =	vsel vm14, $0x1440, v0  }
0xf6: {  	v27 =	vsel vm15, $0x1A2, v27;
	[tilespmem:$0x1BF60] =	vst v0;
	v0 =	vld [tilespmem:$0x1BBD0];
	v1 =	vsel vm15, $0x52, v1  }
0xf7: {  	v28 =	vsel vm15, $0x884, v28;
	v7 =	vsel vm4, $0x223, v27;
	[tilespmem:$0x1C2E0] =	vst v1;
	v1 =	vld [tilespmem:$0x1BF60]  }
0xf8: {  	v29 =	vsel vm15, $0x222, v29;
	[tilespmem:$0x1C6D0] =	vst v7;
	v7 =	vsel vm4, $0x8C5, v28  }
0xf9: {  	v30 =	vsel vm15, $0x885, v30;
	[tilespmem:$0x1C6E0] =	vst v7;
	v7 =	vsel vm4, $0x2A3, v29  }
0xfa: {  	[tilespmem:$0x1C6F0] =	vst v7;
	v7 =	vsel vm4, $0x8C6, v30  }
0xfb: {  	[tilespmem:$0x1C700] =	vst v7;
	v0 =	vsel vm14, $0x51, v0  }
0xfc: {  	v31 =	vsel vm15, $0x2A2, v31;
	[tilespmem:$0x1BF70] =	vst v0;
	v0 =	vld [tilespmem:$0x1BBE0];
	v1 =	vsel vm15, $0x1481, v1  }
0xfd: {  	v32 =	vsel vm15, $0x886, v32;
	v7 =	vsel vm4, $0x323, v31;
	[tilespmem:$0x1C2F0] =	vst v1;
	v1 =	vld [tilespmem:$0x1BF70]  }
0xfe: {  	v33 =	vsel vm15, $0x322, v33;
	[tilespmem:$0x1C710] =	vst v7;
	v7 =	vsel vm4, $0x8C7, v32  }
0xff: {  	v34 =	vsel vm15, $0x887, v34;
	[tilespmem:$0x1C720] =	vst v7;
	v7 =	vsel vm4, $0x3A3, v33  }
0x100: {  	[tilespmem:$0x1C730] =	vst v7;
	v7 =	vsel vm4, $0x8C0, v34  }
0x101: {  	[tilespmem:$0x1C740] =	vst v7;
	v0 =	vsel vm14, $0x1841, v0  }
0x102: {  	v35 =	vsel vm15, $0x3A2, v35;
	[tilespmem:$0x1BF80] =	vst v0;
	v0 =	vld [tilespmem:$0x1BBF0];
	v1 =	vsel vm15, $0xD2, v1  }
0x103: {  	v36 =	vsel vm15, $0x880, v36;
	v7 =	vsel vm4, $0x23, v35;
	[tilespmem:$0x1C300] =	vst v1;
	v1 =	vld [tilespmem:$0x1BF80]  }
0x104: {  	v37 =	vsel vm15, $0x22, v37;
	[tilespmem:$0x1C750] =	vst v7;
	v7 =	vsel vm4, $0x8C1, v36  }
0x105: {  	v38 =	vsel vm15, $0x881, v38;
	[tilespmem:$0x1C760] =	vst v7;
	v7 =	vsel vm4, $0xA3, v37  }
0x106: {  	[tilespmem:$0x1C770] =	vst v7;
	v7 =	vsel vm4, $0x8C2, v38  }
0x107: {  	[tilespmem:$0x1C780] =	vst v7;
	v0 =	vsel vm14, $0xE1, v0  }
0x108: {  	v39 =	vsel vm15, $0xA2, v39;
	[tilespmem:$0x1BF90] =	vst v0;
	v0 =	vld [tilespmem:$0x1BC00];
	v1 =	vsel vm15, $0x1882, v1  }
0x109: {  	v40 =	vsel vm15, $0xC82, v40;
	v7 =	vsel vm4, $0x123, v39;
	[tilespmem:$0x1C310] =	vst v1;
	v1 =	vld [tilespmem:$0x1BF90]  }
0x10a: {  	v41 =	vsel vm15, $0x132, v41;
	[tilespmem:$0x1C790] =	vst v7;
	v7 =	vsel vm4, $0xCC3, v40  }
0x10b: {  	v42 =	vsel vm15, $0xC83, v42;
	[tilespmem:$0x1C7A0] =	vst v7;
	v7 =	vsel vm4, $0x1B3, v41  }
0x10c: {  	[tilespmem:$0x1C7B0] =	vst v7;
	v7 =	vsel vm4, $0xCC4, v42  }
0x10d: {  	[tilespmem:$0x1C7C0] =	vst v7;
	v0 =	vsel vm14, $0x1842, v0  }
0x10e: {  	v43 =	vsel vm15, $0x1B2, v43;
	[tilespmem:$0x1BFA0] =	vst v0;
	v0 =	vld [tilespmem:$0x1BC10];
	v1 =	vsel vm15, $0x162, v1  }
0x10f: {  	v44 =	vsel vm15, $0xC84, v44;
	v7 =	vsel vm4, $0x233, v43;
	[tilespmem:$0x1C320] =	vst v1;
	v1 =	vld [tilespmem:$0x1BFA0]  }
0x110: {  	v45 =	vsel vm15, $0x232, v45;
	[tilespmem:$0x1C7D0] =	vst v7;
	v7 =	vsel vm4, $0xCC5, v44  }
0x111: {  	v46 =	vsel vm15, $0xC85, v46;
	[tilespmem:$0x1C7E0] =	vst v7;
	v7 =	vsel vm4, $0x2B3, v45  }
0x112: {  	[tilespmem:$0x1C7F0] =	vst v7;
	v7 =	vsel vm4, $0xCC6, v46  }
0x113: {  	[tilespmem:$0x1C800] =	vst v7;
	v0 =	vsel vm14, $0x161, v0  }
0x114: {  	v47 =	vsel vm15, $0x2B2, v47;
	[tilespmem:$0x1BFB0] =	vst v0;
	v0 =	vld [tilespmem:$0x1BC20];
	v1 =	vsel vm15, $0x1883, v1  }
0x115: {  	v48 =	vsel vm15, $0xC86, v48;
	v7 =	vsel vm4, $0x333, v47;
	[tilespmem:$0x1C330] =	vst v1;
	v1 =	vld [tilespmem:$0x1BFB0]  }
0x116: {  	v49 =	vsel vm15, $0x332, v49;
	[tilespmem:$0x1C810] =	vst v7;
	v7 =	vsel vm4, $0xCC7, v48  }
0x117: {  	v50 =	vsel vm15, $0xC87, v50;
	[tilespmem:$0x1C820] =	vst v7;
	v7 =	vsel vm4, $0x3B3, v49  }
0x118: {  	[tilespmem:$0x1C830] =	vst v7;
	v7 =	vsel vm4, $0xCC0, v50  }
0x119: {  	[tilespmem:$0x1C840] =	vst v7;
	v0 =	vsel vm14, $0x1843, v0  }
0x11a: {  	v51 =	vsel vm15, $0x3B2, v51;
	[tilespmem:$0x1BFC0] =	vst v0;
	v0 =	vld [tilespmem:$0x1BC30];
	v1 =	vsel vm15, $0x1E2, v1  }
0x11b: {  	v52 =	vsel vm15, $0xC80, v52;
	v7 =	vsel vm4, $0x33, v51;
	[tilespmem:$0x1C340] =	vst v1;
	v1 =	vld [tilespmem:$0x1BFC0]  }
0x11c: {  	v53 =	vsel vm15, $0x32, v53;
	[tilespmem:$0x1C850] =	vst v7;
	v7 =	vsel vm4, $0xCC1, v52  }
0x11d: {  	v54 =	vsel vm15, $0xC81, v54;
	[tilespmem:$0x1C860] =	vst v7;
	v7 =	vsel vm4, $0xB3, v53  }
0x11e: {  	[tilespmem:$0x1C870] =	vst v7;
	v7 =	vsel vm4, $0xCC2, v54  }
0x11f: {  	[tilespmem:$0x1C880] =	vst v7;
	v0 =	vsel vm14, $0x1E1, v0  }
0x120: {  	v55 =	vsel vm15, $0xB2, v55;
	v56 =	vsel vm14, $0x1041, v56;
	[tilespmem:$0x1BFD0] =	vst v0;
	v0 =	vld [tilespmem:$0x1BC40];
	v1 =	vsel vm15, $0x1884, v1  }
0x121: {  	v57 =	vsel vm14, $0xC1, v57;
	v56 =	vsel vm15, $0x1082, v56;
	v7 =	vsel vm4, $0x133, v55;
	[tilespmem:$0x1C350] =	vst v1;
	v1 =	vld [tilespmem:$0x1BFD0]  }
0x122: {  	v58 =	vsel vm14, $0x1042, v58;
	v57 =	vsel vm15, $0x142, v57;
	[tilespmem:$0x1C890] =	vst v7;
	v7 =	vsel vm4, $0x10C3, v56  }
0x123: {  	v58 =	vsel vm15, $0x1083, v58;
	[tilespmem:$0x1C8A0] =	vst v7;
	v7 =	vsel vm4, $0x1C3, v57  }
0x124: {  	[tilespmem:$0x1C8B0] =	vst v7;
	v7 =	vsel vm4, $0x10C4, v58  }
0x125: {  	v59 =	vsel vm14, $0x141, v59;
	[tilespmem:$0x1C8C0] =	vst v7;
	v0 =	vsel vm14, $0x1844, v0  }
0x126: {  	v60 =	vsel vm14, $0x1043, v60;
	v59 =	vsel vm15, $0x1C2, v59;
	[tilespmem:$0x1BFE0] =	vst v0;
	v0 =	vld [tilespmem:$0x1BC50];
	v1 =	vsel vm15, $0x262, v1  }
0x127: {  	v60 =	vsel vm15, $0x1084, v60;
	v61 =	vsel vm14, $0x1C1, v61;
	v7 =	vsel vm4, $0x243, v59;
	[tilespmem:$0x1C360] =	vst v1;
	v1 =	vld [tilespmem:$0x1BFE0]  }
0x128: {  	v61 =	vsel vm15, $0x242, v61;
	v62 =	vsel vm14, $0x1044, v62;
	[tilespmem:$0x1C8D0] =	vst v7;
	v7 =	vsel vm4, $0x10C5, v60  }
0x129: {  	v62 =	vsel vm15, $0x1085, v62;
	[tilespmem:$0x1C8E0] =	vst v7;
	v7 =	vsel vm4, $0x2C3, v61  }
0x12a: {  	[tilespmem:$0x1C8F0] =	vst v7;
	v7 =	vsel vm4, $0x10C6, v62  }
0x12b: {  	[tilespmem:$0x1C900] =	vst v7;
	v7 =	vld [tilespmem:$0x1C180];
	v0 =	vsel vm14, $0x261, v0  }
0x12c: {  	[tilespmem:$0x1BFF0] =	vst v0;
	v0 =	vld [tilespmem:$0x1BC60];
	v1 =	vsel vm15, $0x1885, v1  }
0x12d: {  	[tilespmem:$0x1C370] =	vst v1;
	v1 =	vld [tilespmem:$0x1BFF0];
	_ =	sdelay $0x2  }
0x12e: {  	v7 =	vsel vm4, $0x343, v7  }
0x12f: {  	[tilespmem:$0x1C910] =	vst v7;
	v7 =	vld [tilespmem:$0x1C190];
	v0 =	vsel vm14, $0x1845, v0  }
0x130: {  	[tilespmem:$0x1C000] =	vst v0;
	v0 =	vld [tilespmem:$0x1BC70];
	v1 =	vsel vm15, $0x2E2, v1  }
0x131: {  	[tilespmem:$0x1C380] =	vst v1;
	v1 =	vld [tilespmem:$0x1C000];
	_ =	sdelay $0x2  }
0x132: {  	v7 =	vsel vm4, $0x10C7, v7  }
0x133: {  	[tilespmem:$0x1C920] =	vst v7;
	v7 =	vld [tilespmem:$0x1C1A0];
	v0 =	vsel vm14, $0x2E1, v0  }
0x134: {  	[tilespmem:$0x1C010] =	vst v0;
	v0 =	vld [tilespmem:$0x1BC80];
	v1 =	vsel vm15, $0x1886, v1  }
0x135: {  	[tilespmem:$0x1C390] =	vst v1;
	v1 =	vld [tilespmem:$0x1C010];
	_ =	sdelay $0x2  }
0x136: {  	v7 =	vsel vm4, $0x3C3, v7  }
0x137: {  	[tilespmem:$0x1C930] =	vst v7;
	v7 =	vld [tilespmem:$0x1C1B0];
	v0 =	vsel vm14, $0x1846, v0  }
0x138: {  	[tilespmem:$0x1C020] =	vst v0;
	v0 =	vld [tilespmem:$0x1BC90];
	v1 =	vsel vm15, $0x362, v1  }
0x139: {  	[tilespmem:$0x1C3A0] =	vst v1;
	v1 =	vld [tilespmem:$0x1C020];
	_ =	sdelay $0x2  }
0x13a: {  	v7 =	vsel vm4, $0x10C0, v7  }
0x13b: {  	[tilespmem:$0x1C940] =	vst v7;
	v7 =	vld [tilespmem:$0x1C1C0];
	v0 =	vsel vm14, $0x361, v0  }
0x13c: {  	[tilespmem:$0x1C030] =	vst v0;
	v0 =	vld [tilespmem:$0x1BCA0];
	v1 =	vsel vm15, $0x1887, v1  }
0x13d: {  	[tilespmem:$0x1C3B0] =	vst v1;
	v1 =	vld [tilespmem:$0x1C030];
	_ =	sdelay $0x2  }
0x13e: {  	v7 =	vsel vm4, $0x43, v7  }
0x13f: {  	[tilespmem:$0x1C950] =	vst v7;
	v7 =	vld [tilespmem:$0x1C1D0];
	v0 =	vsel vm14, $0x1847, v0  }
0x140: {  	[tilespmem:$0x1C040] =	vst v0;
	v0 =	vld [tilespmem:$0x1BCB0];
	v1 =	vsel vm15, $0x3E2, v1  }
0x141: {  	[tilespmem:$0x1C3C0] =	vst v1;
	v1 =	vld [tilespmem:$0x1C040];
	_ =	sdelay $0x2  }
0x142: {  	v7 =	vsel vm4, $0x10C1, v7  }
0x143: {  	[tilespmem:$0x1C960] =	vst v7;
	v7 =	vld [tilespmem:$0x1C1E0];
	v0 =	vsel vm14, $0x3E1, v0  }
0x144: {  	[tilespmem:$0x1C050] =	vst v0;
	v0 =	vld [tilespmem:$0x1BCC0];
	v1 =	vsel vm15, $0x1880, v1  }
0x145: {  	[tilespmem:$0x1C3D0] =	vst v1;
	v1 =	vld [tilespmem:$0x1C050];
	_ =	sdelay $0x2  }
0x146: {  	v7 =	vsel vm4, $0xC3, v7  }
0x147: {  	[tilespmem:$0x1C970] =	vst v7;
	v7 =	vld [tilespmem:$0x1C1F0];
	v0 =	vsel vm14, $0x1840, v0  }
0x148: {  	[tilespmem:$0x1C060] =	vst v0;
	v0 =	vld [tilespmem:$0x1BCD0];
	v1 =	vsel vm15, $0x62, v1  }
0x149: {  	[tilespmem:$0x1C3E0] =	vst v1;
	v1 =	vld [tilespmem:$0x1C060];
	_ =	sdelay $0x2  }
0x14a: {  	v7 =	vsel vm4, $0x10C2, v7  }
0x14b: {  	[tilespmem:$0x1C980] =	vst v7;
	v7 =	vld [tilespmem:$0x1C200];
	v0 =	vsel vm14, $0x61, v0  }
0x14c: {  	[tilespmem:$0x1C070] =	vst v0;
	v0 =	vld [tilespmem:$0x1BCE0];
	v1 =	vsel vm15, $0x1881, v1  }
0x14d: {  	[tilespmem:$0x1C3F0] =	vst v1;
	v1 =	vld [tilespmem:$0x1C070];
	_ =	sdelay $0x2  }
0x14e: {  	v7 =	vsel vm4, $0x143, v7  }
0x14f: {  	[tilespmem:$0x1C990] =	vst v7;
	v7 =	vld [tilespmem:$0x1C210];
	v0 =	vsel vm14, $0x1C41, v0  }
0x150: {  	[tilespmem:$0x1C080] =	vst v0;
	v0 =	vld [tilespmem:$0x1BCF0];
	v1 =	vsel vm15, $0xE2, v1  }
0x151: {  	[tilespmem:$0x1C400] =	vst v1;
	v1 =	vld [tilespmem:$0x1C080];
	_ =	sdelay $0x2  }
0x152: {  	v7 =	vsel vm4, $0x14C3, v7  }
0x153: {  	[tilespmem:$0x1C9A0] =	vst v7;
	v7 =	vld [tilespmem:$0x1C220];
	v0 =	vsel vm14, $0xF1, v0  }
0x154: {  	[tilespmem:$0x1C090] =	vst v0;
	v0 =	vld [tilespmem:$0x1BD00];
	v1 =	vsel vm15, $0x1C82, v1  }
0x155: {  	[tilespmem:$0x1C410] =	vst v1;
	v1 =	vld [tilespmem:$0x1C090];
	_ =	sdelay $0x2  }
0x156: {  	v7 =	vsel vm4, $0x1D3, v7  }
0x157: {  	[tilespmem:$0x1C9B0] =	vst v7;
	v7 =	vld [tilespmem:$0x1C230];
	v0 =	vsel vm14, $0x1C42, v0  }
0x158: {  	[tilespmem:$0x1C0A0] =	vst v0;
	v0 =	vld [tilespmem:$0x1BD10];
	v1 =	vsel vm15, $0x172, v1  }
0x159: {  	[tilespmem:$0x1C420] =	vst v1;
	v1 =	vld [tilespmem:$0x1C0A0];
	_ =	sdelay $0x2  }
0x15a: {  	v7 =	vsel vm4, $0x14C4, v7  }
0x15b: {  	[tilespmem:$0x1C9C0] =	vst v7;
	v7 =	vld [tilespmem:$0x1C240];
	v0 =	vsel vm14, $0x171, v0  }
0x15c: {  	[tilespmem:$0x1C0B0] =	vst v0;
	v0 =	vld [tilespmem:$0x1BD20];
	v1 =	vsel vm15, $0x1C83, v1  }
0x15d: {  	[tilespmem:$0x1C430] =	vst v1;
	v1 =	vld [tilespmem:$0x1C0B0];
	_ =	sdelay $0x2  }
0x15e: {  	v7 =	vsel vm4, $0x253, v7  }
0x15f: {  	[tilespmem:$0x1C9D0] =	vst v7;
	v7 =	vld [tilespmem:$0x1C250];
	v0 =	vsel vm14, $0x1C43, v0  }
0x160: {  	[tilespmem:$0x1C0C0] =	vst v0;
	v0 =	vld [tilespmem:$0x1BD30];
	v1 =	vsel vm15, $0x1F2, v1  }
0x161: {  	[tilespmem:$0x1C440] =	vst v1;
	v1 =	vld [tilespmem:$0x1C0C0];
	_ =	sdelay $0x2  }
0x162: {  	v7 =	vsel vm4, $0x14C5, v7  }
0x163: {  	[tilespmem:$0x1C9E0] =	vst v7;
	v7 =	vld [tilespmem:$0x1C260];
	v0 =	vsel vm14, $0x1F1, v0  }
0x164: {  	[tilespmem:$0x1C0D0] =	vst v0;
	v0 =	vld [tilespmem:$0x1BD40];
	v1 =	vsel vm15, $0x1C84, v1  }
0x165: {  	[tilespmem:$0x1C450] =	vst v1;
	v1 =	vld [tilespmem:$0x1C0D0];
	_ =	sdelay $0x2  }
0x166: {  	v7 =	vsel vm4, $0x2D3, v7  }
0x167: {  	[tilespmem:$0x1C9F0] =	vst v7;
	v7 =	vld [tilespmem:$0x1C270];
	v0 =	vsel vm14, $0x1C44, v0  }
0x168: {  	[tilespmem:$0x1C0E0] =	vst v0;
	v0 =	vld [tilespmem:$0x1BD50];
	v1 =	vsel vm15, $0x272, v1  }
0x169: {  	[tilespmem:$0x1C460] =	vst v1;
	v1 =	vld [tilespmem:$0x1C0E0];
	_ =	sdelay $0x2  }
0x16a: {  	v7 =	vsel vm4, $0x14C6, v7  }
0x16b: {  	[tilespmem:$0x1CA00] =	vst v7;
	v7 =	vld [tilespmem:$0x1C280];
	v0 =	vsel vm14, $0x271, v0  }
0x16c: {  	[tilespmem:$0x1C0F0] =	vst v0;
	v0 =	vld [tilespmem:$0x1BD60];
	v1 =	vsel vm15, $0x1C85, v1  }
0x16d: {  	[tilespmem:$0x1C470] =	vst v1;
	v1 =	vld [tilespmem:$0x1C0F0];
	_ =	sdelay $0x2  }
0x16e: {  	v7 =	vsel vm4, $0x353, v7  }
0x16f: {  	[tilespmem:$0x1CA10] =	vst v7;
	v7 =	vld [tilespmem:$0x1C290];
	v0 =	vsel vm14, $0x1C45, v0  }
0x170: {  	[tilespmem:$0x1C100] =	vst v0;
	v0 =	vld [tilespmem:$0x1BD70];
	v1 =	vsel vm15, $0x2F2, v1  }
0x171: {  	[tilespmem:$0x1C480] =	vst v1;
	v1 =	vld [tilespmem:$0x1C100];
	_ =	sdelay $0x2  }
0x172: {  	v7 =	vsel vm4, $0x14C7, v7  }
0x173: {  	[tilespmem:$0x1CA20] =	vst v7;
	v7 =	vld [tilespmem:$0x1C2A0];
	v0 =	vsel vm14, $0x2F1, v0  }
0x174: {  	[tilespmem:$0x1C110] =	vst v0;
	v0 =	vld [tilespmem:$0x1BD80];
	v1 =	vsel vm15, $0x1C86, v1  }
0x175: {  	[tilespmem:$0x1C490] =	vst v1;
	v1 =	vld [tilespmem:$0x1C110];
	_ =	sdelay $0x2  }
0x176: {  	v7 =	vsel vm4, $0x3D3, v7  }
0x177: {  	[tilespmem:$0x1CA30] =	vst v7;
	v7 =	vld [tilespmem:$0x1C2B0];
	v0 =	vsel vm14, $0x1C46, v0  }
0x178: {  	[tilespmem:$0x1C120] =	vst v0;
	v0 =	vld [tilespmem:$0x1BD90];
	v1 =	vsel vm15, $0x372, v1  }
0x179: {  	[tilespmem:$0x1C4A0] =	vst v1;
	v1 =	vld [tilespmem:$0x1C120];
	_ =	sdelay $0x2  }
0x17a: {  	v7 =	vsel vm4, $0x14C0, v7  }
0x17b: {  	[tilespmem:$0x1CA40] =	vst v7;
	v7 =	vld [tilespmem:$0x1C2C0];
	v0 =	vsel vm14, $0x371, v0  }
0x17c: {  	[tilespmem:$0x1C130] =	vst v0;
	v0 =	vld [tilespmem:$0x1BDA0];
	v1 =	vsel vm15, $0x1C87, v1  }
0x17d: {  	[tilespmem:$0x1C4B0] =	vst v1;
	v1 =	vld [tilespmem:$0x1C130];
	_ =	sdelay $0x2  }
0x17e: {  	v7 =	vsel vm4, $0x53, v7  }
0x17f: {  	[tilespmem:$0x1CA50] =	vst v7;
	v7 =	vld [tilespmem:$0x1C2D0];
	v0 =	vsel vm14, $0x1C47, v0  }
0x180: {  	[tilespmem:$0x1C140] =	vst v0;
	v0 =	vld [tilespmem:$0x1BDB0];
	v1 =	vsel vm15, $0x3F2, v1  }
0x181: {  	[tilespmem:$0x1C4C0] =	vst v1;
	v1 =	vld [tilespmem:$0x1C140];
	_ =	sdelay $0x2  }
0x182: {  	v7 =	vsel vm4, $0x14C1, v7  }
0x183: {  	[tilespmem:$0x1CA60] =	vst v7;
	v0 =	vsel vm14, $0x3F1, v0  }
0x184: {  	v7 =	vld [tilespmem:$0x1C2E0];
	[tilespmem:$0x1C150] =	vst v0;
	v1 =	vsel vm15, $0x1C80, v1  }
0x185: {  	[tilespmem:$0x1C4D0] =	vst v1;
	v1 =	vld [tilespmem:$0x1C150];
	_ =	sdelay $0x3  }
0x186: {  	v7 =	vsel vm4, $0xD3, v7  }
0x187: {  	[tilespmem:$0x1CA70] =	vst v7;
	v7 =	vld [tilespmem:$0x1C2F0];
	v1 =	vsel vm15, $0x72, v1  }
0x188: {  	v63 =	vimm.s32 $0x37F;
	[tilespmem:$0x1C4E0] =	vst v1;
	v1 =	vld [tilespmem:$0x1C160]  }
0x189: {  	v63 =	vsel vm0, $0x3F0, v63  }
0x18a: {  	v63 =	vsel vm14, $0x71, v63  }
0x18b: {  	v63 =	vsel vm15, $0xF2, v63  }
0x18c: {  	[tilespmem:$0x1C4F0] =	vst v63;
	v7 =	vsel vm4, $0x14C2, v7  }
0x18d: {  	[tilespmem:$0x1CA80] =	vst v7;
	v7 =	vld [tilespmem:$0x1C300];
	v63 =	vsel vm4, $0x183, v1  }
0x18e: {  	[tilespmem:$0x1C510] =	vst v63;
	v63 =	vld [tilespmem:$0x1C170];
	_ =	sdelay $0x1  }
0x18f: {  	v40 =	vld [tilespmem:$0x1C530]  }
0x190: {  	v42 =	vld [tilespmem:$0x1C540];
	_ =	sdelay $0x1  }
0x191: {  	vm5 =	vcmask $0x1310;
	v7 =	vsel vm4, $0x153, v7;
	v1 =	vsel vm4, $0x203, v63  }
0x192: {  	[tilespmem:$0x1CA90] =	vst v7;
	v1 =	vsel vm5, $0x284, v1  }
0x193: {  	[tilespmem:$0x1CCC0] =	vst v1;
	v1 =	vsel vm5, $0x106, v40  }
0x194: {  	v7 =	vld [tilespmem:$0x1C310];
	[tilespmem:$0x1CCD0] =	vst v1;
	v1 =	vsel vm5, $0x107, v42  }
0x195: {  	[tilespmem:$0x1CCF0] =	vst v1;
	v1 =	vld [tilespmem:$0x1C8A0];
	_ =	sdelay $0x3  }
0x196: {  	v7 =	vsel vm4, $0x18C3, v7  }
0x197: {  	[tilespmem:$0x1CAA0] =	vst v7;
	v7 =	vld [tilespmem:$0x1C320];
	v1 =	vsel vm5, $0x1104, v1  }
0x198: {  	[tilespmem:$0x1CD00] =	vst v1;
	v1 =	vld [tilespmem:$0x1C8B0];
	_ =	sdelay $0x3  }
0x199: {  	v7 =	vsel vm4, $0x1E3, v7  }
0x19a: {  	[tilespmem:$0x1CAB0] =	vst v7;
	v7 =	vld [tilespmem:$0x1C330];
	v1 =	vsel vm5, $0x244, v1  }
0x19b: {  	[tilespmem:$0x1CD10] =	vst v1;
	v1 =	vld [tilespmem:$0x1C8C0];
	_ =	sdelay $0x3  }
0x19c: {  	v7 =	vsel vm4, $0x18C4, v7  }
0x19d: {  	[tilespmem:$0x1CAC0] =	vst v7;
	v7 =	vld [tilespmem:$0x1C340];
	v1 =	vsel vm5, $0x1105, v1  }
0x19e: {  	[tilespmem:$0x1CD20] =	vst v1;
	v1 =	vld [tilespmem:$0x1C8D0];
	_ =	sdelay $0x3  }
0x19f: {  	v7 =	vsel vm4, $0x263, v7  }
0x1a0: {  	[tilespmem:$0x1CAD0] =	vst v7;
	v7 =	vld [tilespmem:$0x1C350];
	v1 =	vsel vm5, $0x2C4, v1  }
0x1a1: {  	[tilespmem:$0x1CD30] =	vst v1;
	v1 =	vld [tilespmem:$0x1C8E0];
	_ =	sdelay $0x3  }
0x1a2: {  	v7 =	vsel vm4, $0x18C5, v7  }
0x1a3: {  	[tilespmem:$0x1CAE0] =	vst v7;
	v7 =	vld [tilespmem:$0x1C360];
	v1 =	vsel vm5, $0x1106, v1  }
0x1a4: {  	[tilespmem:$0x1CD40] =	vst v1;
	v1 =	vld [tilespmem:$0x1C8F0];
	_ =	sdelay $0x3  }
0x1a5: {  	v7 =	vsel vm4, $0x2E3, v7  }
0x1a6: {  	[tilespmem:$0x1CAF0] =	vst v7;
	v7 =	vld [tilespmem:$0x1C370];
	v1 =	vsel vm5, $0x344, v1  }
0x1a7: {  	[tilespmem:$0x1CD50] =	vst v1;
	v1 =	vld [tilespmem:$0x1C900];
	_ =	sdelay $0x3  }
0x1a8: {  	v7 =	vsel vm4, $0x18C6, v7  }
0x1a9: {  	[tilespmem:$0x1CB00] =	vst v7;
	v7 =	vld [tilespmem:$0x1C380];
	v1 =	vsel vm5, $0x1107, v1  }
0x1aa: {  	[tilespmem:$0x1CD60] =	vst v1;
	v1 =	vld [tilespmem:$0x1C910];
	_ =	sdelay $0x3  }
0x1ab: {  	v7 =	vsel vm4, $0x363, v7  }
0x1ac: {  	[tilespmem:$0x1CB10] =	vst v7;
	v7 =	vld [tilespmem:$0x1C390];
	v1 =	vsel vm5, $0x3C4, v1  }
0x1ad: {  	[tilespmem:$0x1CD70] =	vst v1;
	v1 =	vld [tilespmem:$0x1C920];
	_ =	sdelay $0x3  }
0x1ae: {  	v7 =	vsel vm4, $0x18C7, v7  }
0x1af: {  	[tilespmem:$0x1CB20] =	vst v7;
	v7 =	vld [tilespmem:$0x1C3A0];
	v1 =	vsel vm5, $0x1100, v1  }
0x1b0: {  	[tilespmem:$0x1CD80] =	vst v1;
	v1 =	vld [tilespmem:$0x1C930];
	_ =	sdelay $0x3  }
0x1b1: {  	v7 =	vsel vm4, $0x3E3, v7  }
0x1b2: {  	[tilespmem:$0x1CB30] =	vst v7;
	v7 =	vld [tilespmem:$0x1C3B0];
	v1 =	vsel vm5, $0x44, v1  }
0x1b3: {  	[tilespmem:$0x1CD90] =	vst v1;
	v1 =	vld [tilespmem:$0x1C940];
	_ =	sdelay $0x3  }
0x1b4: {  	v7 =	vsel vm4, $0x18C0, v7  }
0x1b5: {  	[tilespmem:$0x1CB40] =	vst v7;
	v7 =	vld [tilespmem:$0x1C3C0];
	v1 =	vsel vm5, $0x1101, v1  }
0x1b6: {  	[tilespmem:$0x1CDA0] =	vst v1;
	v1 =	vld [tilespmem:$0x1C950];
	_ =	sdelay $0x3  }
0x1b7: {  	v7 =	vsel vm4, $0x63, v7  }
0x1b8: {  	[tilespmem:$0x1CB50] =	vst v7;
	v7 =	vld [tilespmem:$0x1C3D0];
	v1 =	vsel vm5, $0xC4, v1  }
0x1b9: {  	[tilespmem:$0x1CDB0] =	vst v1;
	v1 =	vld [tilespmem:$0x1C960];
	_ =	sdelay $0x3  }
0x1ba: {  	v7 =	vsel vm4, $0x18C1, v7  }
0x1bb: {  	[tilespmem:$0x1CB60] =	vst v7;
	v7 =	vld [tilespmem:$0x1C3E0];
	v1 =	vsel vm5, $0x1102, v1  }
0x1bc: {  	[tilespmem:$0x1CDC0] =	vst v1;
	v1 =	vld [tilespmem:$0x1C970];
	_ =	sdelay $0x3  }
0x1bd: {  	v7 =	vsel vm4, $0xE3, v7  }
0x1be: {  	[tilespmem:$0x1CB70] =	vst v7;
	v7 =	vld [tilespmem:$0x1C3F0];
	v1 =	vsel vm5, $0x144, v1  }
0x1bf: {  	[tilespmem:$0x1CDD0] =	vst v1;
	v1 =	vld [tilespmem:$0x1C980];
	_ =	sdelay $0x3  }
0x1c0: {  	v7 =	vsel vm4, $0x18C2, v7  }
0x1c1: {  	[tilespmem:$0x1CB80] =	vst v7;
	v7 =	vld [tilespmem:$0x1C400];
	v1 =	vsel vm5, $0x1103, v1  }
0x1c2: {  	[tilespmem:$0x1CDE0] =	vst v1;
	v1 =	vld [tilespmem:$0x1C990];
	_ =	sdelay $0x3  }
0x1c3: {  	v7 =	vsel vm4, $0x163, v7  }
0x1c4: {  	[tilespmem:$0x1CB90] =	vst v7;
	v7 =	vld [tilespmem:$0x1C410];
	v1 =	vsel vm5, $0x1C4, v1  }
0x1c5: {  	[tilespmem:$0x1CDF0] =	vst v1;
	v1 =	vld [tilespmem:$0x1C9A0];
	_ =	sdelay $0x3  }
0x1c6: {  	v7 =	vsel vm4, $0x1CC3, v7  }
0x1c7: {  	[tilespmem:$0x1CBA0] =	vst v7;
	v7 =	vld [tilespmem:$0x1C420];
	v1 =	vsel vm5, $0x1504, v1  }
0x1c8: {  	[tilespmem:$0x1CE00] =	vst v1;
	v1 =	vld [tilespmem:$0x1C9B0];
	_ =	sdelay $0x3  }
0x1c9: {  	v7 =	vsel vm4, $0x1F3, v7  }
0x1ca: {  	[tilespmem:$0x1CBB0] =	vst v7;
	v7 =	vld [tilespmem:$0x1C430];
	v1 =	vsel vm5, $0x254, v1  }
0x1cb: {  	[tilespmem:$0x1CE10] =	vst v1;
	v1 =	vld [tilespmem:$0x1C9C0];
	_ =	sdelay $0x2  }
0x1cc: {  	v32 =	vld [tilespmem:$0x1C6A0]  }
0x1cd: {  	v33 =	vld [tilespmem:$0x1C6B0];
	v7 =	vsel vm4, $0x1CC4, v7  }
0x1ce: {  	[tilespmem:$0x1CBC0] =	vst v7;
	v7 =	vld [tilespmem:$0x1C440];
	v1 =	vsel vm5, $0x1505, v1  }
0x1cf: {  	[tilespmem:$0x1CE20] =	vst v1;
	v1 =	vld [tilespmem:$0x1C9D0]  }
0x1d0: {  	v34 =	vld [tilespmem:$0x1C6C0]  }
0x1d1: {  	v35 =	vld [tilespmem:$0x1C6D0]  }
0x1d2: {  	v36 =	vld [tilespmem:$0x1C6E0]  }
0x1d3: {  	v37 =	vld [tilespmem:$0x1C6F0];
	v7 =	vsel vm4, $0x273, v7  }
0x1d4: {  	[tilespmem:$0x1CBD0] =	vst v7;
	v7 =	vld [tilespmem:$0x1C450];
	v1 =	vsel vm5, $0x2D4, v1  }
0x1d5: {  	v2 =	vsel vm15, $0x202, v2;
	[tilespmem:$0x1CE30] =	vst v1;
	v1 =	vld [tilespmem:$0x1C9E0]  }
0x1d6: {  	v2 =	vsel vm4, $0x283, v2;
	v38 =	vld [tilespmem:$0x1C4F0]  }
0x1d7: {  	v39 =	vld [tilespmem:$0x1C500];
	v41 =	vsel vm5, $0x304, v2  }
0x1d8: {  	[tilespmem:$0x1CCE0] =	vst v41;
	v41 =	vld [tilespmem:$0x1C730]  }
0x1d9: {  	v43 =	vld [tilespmem:$0x1C550];
	v7 =	vsel vm4, $0x1CC5, v7  }
0x1da: {  	[tilespmem:$0x1CBE0] =	vst v7;
	v7 =	vld [tilespmem:$0x1C460];
	v1 =	vsel vm5, $0x1506, v1  }
0x1db: {  	[tilespmem:$0x1CE40] =	vst v1;
	v1 =	vld [tilespmem:$0x1C9F0]  }
0x1dc: {  	v44 =	vld [tilespmem:$0x1C560]  }
0x1dd: {  	v45 =	vld [tilespmem:$0x1C570]  }
0x1de: {  	v46 =	vld [tilespmem:$0x1C580]  }
0x1df: {  	v47 =	vld [tilespmem:$0x1C590];
	v7 =	vsel vm4, $0x2F3, v7  }
0x1e0: {  	[tilespmem:$0x1CBF0] =	vst v7;
	v7 =	vld [tilespmem:$0x1C470];
	v1 =	vsel vm5, $0x354, v1  }
0x1e1: {  	[tilespmem:$0x1CE50] =	vst v1;
	v1 =	vld [tilespmem:$0x1CA00]  }
0x1e2: {  	v48 =	vld [tilespmem:$0x1C5A0]  }
0x1e3: {  	v8 =	vsel vm5, $0x100, v43;
	v43 =	vld [tilespmem:$0x1C750]  }
0x1e4: {  	v49 =	vld [tilespmem:$0x1C5B0]  }
0x1e5: {  	v10 =	vsel vm5, $0x101, v44;
	v44 =	vld [tilespmem:$0x1C760];
	v7 =	vsel vm4, $0x1CC6, v7  }
0x1e6: {  	[tilespmem:$0x1CC00] =	vst v7;
	v7 =	vld [tilespmem:$0x1C480];
	v1 =	vsel vm5, $0x1507, v1  }
0x1e7: {  	[tilespmem:$0x1CE60] =	vst v1;
	v1 =	vld [tilespmem:$0x1CA10]  }
0x1e8: {  	v50 =	vld [tilespmem:$0x1C5C0]  }
0x1e9: {  	v12 =	vsel vm5, $0x102, v45;
	v45 =	vld [tilespmem:$0x1C770]  }
0x1ea: {  	v51 =	vld [tilespmem:$0x1C5D0]  }
0x1eb: {  	v14 =	vsel vm5, $0x103, v46;
	v46 =	vld [tilespmem:$0x1C780];
	v7 =	vsel vm4, $0x373, v7  }
0x1ec: {  	[tilespmem:$0x1CC10] =	vst v7;
	v7 =	vld [tilespmem:$0x1C490];
	v1 =	vsel vm5, $0x3D4, v1  }
0x1ed: {  	[tilespmem:$0x1CE70] =	vst v1;
	v1 =	vld [tilespmem:$0x1CA20]  }
0x1ee: {  	v52 =	vld [tilespmem:$0x1C5E0]  }
0x1ef: {  	v15 =	vsel vm5, $0x184, v47;
	v47 =	vld [tilespmem:$0x1C790]  }
0x1f0: {  	v53 =	vld [tilespmem:$0x1C5F0]  }
0x1f1: {  	v16 =	vsel vm5, $0x504, v48;
	v48 =	vld [tilespmem:$0x1C7A0];
	v7 =	vsel vm4, $0x1CC7, v7  }
0x1f2: {  	[tilespmem:$0x1CC20] =	vst v7;
	v7 =	vld [tilespmem:$0x1C4A0];
	v1 =	vsel vm5, $0x1500, v1  }
0x1f3: {  	[tilespmem:$0x1CE80] =	vst v1;
	v1 =	vld [tilespmem:$0x1CA30]  }
0x1f4: {  	v54 =	vld [tilespmem:$0x1C600]  }
0x1f5: {  	v17 =	vsel vm5, $0x214, v49;
	v49 =	vld [tilespmem:$0x1C7B0]  }
0x1f6: {  	v55 =	vld [tilespmem:$0x1C610]  }
0x1f7: {  	v18 =	vsel vm5, $0x505, v50;
	v50 =	vld [tilespmem:$0x1C7C0];
	v7 =	vsel vm4, $0x3F3, v7  }
0x1f8: {  	[tilespmem:$0x1CC30] =	vst v7;
	v7 =	vld [tilespmem:$0x1C4B0];
	v1 =	vsel vm5, $0x54, v1  }
0x1f9: {  	[tilespmem:$0x1CE90] =	vst v1;
	v1 =	vld [tilespmem:$0x1CA40]  }
0x1fa: {  	v56 =	vld [tilespmem:$0x1C620]  }
0x1fb: {  	v19 =	vsel vm5, $0x294, v51;
	v51 =	vld [tilespmem:$0x1C7D0]  }
0x1fc: {  	v57 =	vld [tilespmem:$0x1C630]  }
0x1fd: {  	v20 =	vsel vm5, $0x506, v52;
	v52 =	vld [tilespmem:$0x1C7E0];
	v7 =	vsel vm4, $0x1CC0, v7  }
0x1fe: {  	[tilespmem:$0x1CC40] =	vst v7;
	v7 =	vld [tilespmem:$0x1C4C0];
	v1 =	vsel vm5, $0x1501, v1  }
0x1ff: {  	[tilespmem:$0x1CEA0] =	vst v1;
	v1 =	vld [tilespmem:$0x1CA50]  }
0x200: {  	v58 =	vld [tilespmem:$0x1C640]  }
0x201: {  	v21 =	vsel vm5, $0x314, v53;
	v53 =	vld [tilespmem:$0x1C7F0]  }
0x202: {  	v59 =	vld [tilespmem:$0x1C650]  }
0x203: {  	v22 =	vsel vm5, $0x507, v54;
	v54 =	vld [tilespmem:$0x1C800];
	v7 =	vsel vm4, $0x73, v7  }
0x204: {  	[tilespmem:$0x1CC50] =	vst v7;
	v7 =	vld [tilespmem:$0x1C4D0];
	v1 =	vsel vm5, $0xD4, v1  }
0x205: {  	[tilespmem:$0x1CEB0] =	vst v1;
	v1 =	vld [tilespmem:$0x1CA60]  }
0x206: {  	v60 =	vld [tilespmem:$0x1C660]  }
0x207: {  	v23 =	vsel vm5, $0x394, v55;
	v55 =	vld [tilespmem:$0x1C810]  }
0x208: {  	v61 =	vld [tilespmem:$0x1C670]  }
0x209: {  	v24 =	vsel vm5, $0x500, v56;
	v56 =	vld [tilespmem:$0x1C820];
	v7 =	vsel vm4, $0x1CC1, v7  }
0x20a: {  	[tilespmem:$0x1CC60] =	vst v7;
	v7 =	vld [tilespmem:$0x1C4E0];
	v1 =	vsel vm5, $0x1502, v1  }
0x20b: {  	[tilespmem:$0x1CEC0] =	vst v1;
	v1 =	vld [tilespmem:$0x1CA70]  }
0x20c: {  	v62 =	vld [tilespmem:$0x1C680]  }
0x20d: {  	v25 =	vsel vm5, $0x14, v57;
	v57 =	vld [tilespmem:$0x1C830]  }
0x20e: {  	v26 =	vsel vm5, $0x501, v58;
	v58 =	vld [tilespmem:$0x1C840]  }
0x20f: {  	v0 =	vld [tilespmem:$0x1BDC0];
	v7 =	vsel vm4, $0xF3, v7  }
0x210: {  	[tilespmem:$0x1CC70] =	vst v7;
	v7 =	vld [tilespmem:$0x1C510];
	v1 =	vsel vm5, $0x154, v1  }
0x211: {  	[tilespmem:$0x1CED0] =	vst v1;
	v1 =	vld [tilespmem:$0x1CA80]  }
0x212: {  	v27 =	vsel vm5, $0x94, v59;
	v59 =	vld [tilespmem:$0x1C850]  }
0x213: {  	v28 =	vsel vm5, $0x502, v60;
	v60 =	vld [tilespmem:$0x1C860]  }
0x214: {  	v29 =	vsel vm5, $0x114, v61;
	v61 =	vld [tilespmem:$0x1C870]  }
0x215: {  	v30 =	vsel vm5, $0x503, v62;
	v62 =	vld [tilespmem:$0x1C880];
	v7 =	vsel vm5, $0x204, v7  }
0x216: {  	v0 =	vsel vm14, $0x1C40, v0;
	[tilespmem:$0x1CCA0] =	vst v7;
	v7 =	vld [tilespmem:$0x1C520];
	v1 =	vsel vm5, $0x1503, v1  }
0x217: {  	v0 =	vsel vm15, $0x1C81, v0;
	[tilespmem:$0x1CEE0] =	vst v1;
	v1 =	vld [tilespmem:$0x1CA90]  }
0x218: {  	v0 =	vsel vm4, $0x1CC2, v0;
	v63 =	vld [tilespmem:$0x1C690]  }
0x219: {  	[tilespmem:$0x1CC80] =	vst v0;
	v0 =	vsel vm4, $0x173, v38;
	v38 =	vld [tilespmem:$0x1C700]  }
0x21a: {  	[tilespmem:$0x1CC90] =	vst v0;
	v0 =	vsel vm5, $0x104, v39;
	v39 =	vld [tilespmem:$0x1C710]  }
0x21b: {  	v40 =	vld [tilespmem:$0x1C720];
	v7 =	vsel vm5, $0x105, v7  }
0x21c: {  	v42 =	vld [tilespmem:$0x1C740];
	[tilespmem:$0x1CCB0] =	vst v7;
	v1 =	vsel vm5, $0x1D4, v1  }
0x21d: {  	vm6 =	vcmask $0x1714;
	v31 =	vsel vm5, $0x194, v63;
	v63 =	vld [tilespmem:$0x1C890];
	[tilespmem:$0x1CEF0] =	vst v1  }
0x21e: {  	v0 =	vsel vm6, $0x145, v0;
	v1 =	vld [tilespmem:$0x1CAA0]  }
0x21f: {  	[tilespmem:$0x1D100] =	vst v0;
	v0 =	vld [tilespmem:$0x1CD00];
	_ =	sdelay $0x4  }
0x220: {  	v0 =	vsel vm6, $0x1145, v0  }
0x221: {  	[tilespmem:$0x1D110] =	vst v0;
	v0 =	vld [tilespmem:$0x1CD10];
	_ =	sdelay $0x4  }
0x222: {  	v0 =	vsel vm6, $0x2C5, v0  }
0x223: {  	[tilespmem:$0x1D120] =	vst v0;
	v0 =	vld [tilespmem:$0x1CD20];
	_ =	sdelay $0x4  }
0x224: {  	v0 =	vsel vm6, $0x1146, v0  }
0x225: {  	[tilespmem:$0x1D130] =	vst v0;
	v0 =	vld [tilespmem:$0x1CD30];
	_ =	sdelay $0x4  }
0x226: {  	v0 =	vsel vm6, $0x345, v0  }
0x227: {  	[tilespmem:$0x1D140] =	vst v0;
	v0 =	vld [tilespmem:$0x1CD40];
	_ =	sdelay $0x4  }
0x228: {  	v0 =	vsel vm6, $0x1147, v0  }
0x229: {  	[tilespmem:$0x1D150] =	vst v0;
	v0 =	vld [tilespmem:$0x1CD50];
	_ =	sdelay $0x4  }
0x22a: {  	v0 =	vsel vm6, $0x3C5, v0  }
0x22b: {  	[tilespmem:$0x1D160] =	vst v0;
	v0 =	vld [tilespmem:$0x1CD60];
	_ =	sdelay $0x4  }
0x22c: {  	v0 =	vsel vm6, $0x1140, v0  }
0x22d: {  	[tilespmem:$0x1D170] =	vst v0;
	v0 =	vld [tilespmem:$0x1CD70];
	_ =	sdelay $0x4  }
0x22e: {  	v0 =	vsel vm6, $0x45, v0  }
0x22f: {  	[tilespmem:$0x1D180] =	vst v0;
	v0 =	vld [tilespmem:$0x1CD80];
	_ =	sdelay $0x4  }
0x230: {  	v0 =	vsel vm6, $0x1141, v0  }
0x231: {  	[tilespmem:$0x1D190] =	vst v0;
	v0 =	vld [tilespmem:$0x1CD90];
	_ =	sdelay $0x4  }
0x232: {  	v0 =	vsel vm6, $0xC5, v0  }
0x233: {  	[tilespmem:$0x1D1A0] =	vst v0;
	v0 =	vld [tilespmem:$0x1CDA0];
	_ =	sdelay $0x4  }
0x234: {  	v0 =	vsel vm6, $0x1142, v0  }
0x235: {  	[tilespmem:$0x1D1B0] =	vst v0;
	v0 =	vld [tilespmem:$0x1CDB0];
	_ =	sdelay $0x4  }
0x236: {  	v0 =	vsel vm6, $0x145, v0  }
0x237: {  	[tilespmem:$0x1D1C0] =	vst v0;
	v0 =	vld [tilespmem:$0x1CDC0];
	_ =	sdelay $0x4  }
0x238: {  	v0 =	vsel vm6, $0x1143, v0  }
0x239: {  	[tilespmem:$0x1D1D0] =	vst v0;
	v0 =	vld [tilespmem:$0x1CDD0];
	_ =	sdelay $0x4  }
0x23a: {  	v0 =	vsel vm6, $0x1C5, v0  }
0x23b: {  	[tilespmem:$0x1D1E0] =	vst v0;
	v0 =	vld [tilespmem:$0x1CDE0];
	_ =	sdelay $0x4  }
0x23c: {  	v0 =	vsel vm6, $0x1144, v0  }
0x23d: {  	[tilespmem:$0x1D1F0] =	vst v0;
	v0 =	vld [tilespmem:$0x1CDF0];
	_ =	sdelay $0x4  }
0x23e: {  	v0 =	vsel vm6, $0x245, v0  }
0x23f: {  	[tilespmem:$0x1D200] =	vst v0;
	v0 =	vld [tilespmem:$0x1CE00];
	_ =	sdelay $0x4  }
0x240: {  	v0 =	vsel vm6, $0x1545, v0  }
0x241: {  	[tilespmem:$0x1D210] =	vst v0;
	v0 =	vld [tilespmem:$0x1CE10];
	_ =	sdelay $0x4  }
0x242: {  	v0 =	vsel vm6, $0x2D5, v0  }
0x243: {  	[tilespmem:$0x1D220] =	vst v0;
	v0 =	vld [tilespmem:$0x1CE20];
	_ =	sdelay $0x4  }
0x244: {  	v0 =	vsel vm6, $0x1546, v0  }
0x245: {  	[tilespmem:$0x1D230] =	vst v0;
	v0 =	vld [tilespmem:$0x1CE30];
	_ =	sdelay $0x4  }
0x246: {  	v0 =	vsel vm6, $0x355, v0  }
0x247: {  	[tilespmem:$0x1D240] =	vst v0;
	v0 =	vld [tilespmem:$0x1CE40];
	_ =	sdelay $0x4  }
0x248: {  	v0 =	vsel vm6, $0x1547, v0  }
0x249: {  	[tilespmem:$0x1D250] =	vst v0;
	v0 =	vld [tilespmem:$0x1CE50];
	_ =	sdelay $0x4  }
0x24a: {  	v0 =	vsel vm6, $0x3D5, v0  }
0x24b: {  	[tilespmem:$0x1D260] =	vst v0;
	v0 =	vld [tilespmem:$0x1CE60];
	_ =	sdelay $0x4  }
0x24c: {  	v0 =	vsel vm6, $0x1540, v0  }
0x24d: {  	[tilespmem:$0x1D270] =	vst v0;
	v0 =	vld [tilespmem:$0x1CE70];
	_ =	sdelay $0x4  }
0x24e: {  	v0 =	vsel vm6, $0x55, v0  }
0x24f: {  	[tilespmem:$0x1D280] =	vst v0;
	v0 =	vld [tilespmem:$0x1CE80];
	_ =	sdelay $0x4  }
0x250: {  	v0 =	vsel vm6, $0x1541, v0  }
0x251: {  	[tilespmem:$0x1D290] =	vst v0;
	v0 =	vld [tilespmem:$0x1CE90];
	_ =	sdelay $0x4  }
0x252: {  	v0 =	vsel vm6, $0xD5, v0  }
0x253: {  	[tilespmem:$0x1D2A0] =	vst v0;
	v0 =	vld [tilespmem:$0x1CEA0];
	_ =	sdelay $0x4  }
0x254: {  	v0 =	vsel vm6, $0x1542, v0  }
0x255: {  	[tilespmem:$0x1D2B0] =	vst v0;
	v0 =	vld [tilespmem:$0x1CEB0];
	_ =	sdelay $0x4  }
0x256: {  	v0 =	vsel vm6, $0x155, v0  }
0x257: {  	[tilespmem:$0x1D2C0] =	vst v0;
	v0 =	vld [tilespmem:$0x1CEC0];
	_ =	sdelay $0x4  }
0x258: {  	v0 =	vsel vm6, $0x1543, v0  }
0x259: {  	[tilespmem:$0x1D2D0] =	vst v0;
	v0 =	vld [tilespmem:$0x1CED0];
	_ =	sdelay $0x4  }
0x25a: {  	v0 =	vsel vm6, $0x1D5, v0  }
0x25b: {  	[tilespmem:$0x1D2E0] =	vst v0;
	v0 =	vld [tilespmem:$0x1CEE0];
	_ =	sdelay $0x4  }
0x25c: {  	v0 =	vsel vm6, $0x1544, v0  }
0x25d: {  	[tilespmem:$0x1D2F0] =	vst v0;
	v0 =	vld [tilespmem:$0x1CEF0];
	_ =	sdelay $0x3  }
0x25e: {  	v1 =	vsel vm5, $0x1904, v1  }
0x25f: {  	[tilespmem:$0x1CF00] =	vst v1;
	v1 =	vld [tilespmem:$0x1CAB0];
	v0 =	vsel vm6, $0x255, v0  }
0x260: {  	[tilespmem:$0x1D300] =	vst v0;
	v0 =	vld [tilespmem:$0x1CF00];
	_ =	sdelay $0x3  }
0x261: {  	v1 =	vsel vm5, $0x264, v1  }
0x262: {  	[tilespmem:$0x1CF10] =	vst v1;
	v1 =	vld [tilespmem:$0x1CAC0];
	v0 =	vsel vm6, $0x1945, v0  }
0x263: {  	[tilespmem:$0x1D310] =	vst v0;
	v0 =	vld [tilespmem:$0x1CF10];
	_ =	sdelay $0x3  }
0x264: {  	v1 =	vsel vm5, $0x1905, v1  }
0x265: {  	[tilespmem:$0x1CF20] =	vst v1;
	v1 =	vld [tilespmem:$0x1CAD0];
	v0 =	vsel vm6, $0x2E5, v0  }
0x266: {  	[tilespmem:$0x1D320] =	vst v0;
	v0 =	vld [tilespmem:$0x1CF20];
	_ =	sdelay $0x3  }
0x267: {  	v1 =	vsel vm5, $0x2E4, v1  }
0x268: {  	[tilespmem:$0x1CF30] =	vst v1;
	v1 =	vld [tilespmem:$0x1CAE0];
	v0 =	vsel vm6, $0x1946, v0  }
0x269: {  	[tilespmem:$0x1D330] =	vst v0;
	v0 =	vld [tilespmem:$0x1CF30];
	_ =	sdelay $0x3  }
0x26a: {  	v1 =	vsel vm5, $0x1906, v1  }
0x26b: {  	[tilespmem:$0x1CF40] =	vst v1;
	v1 =	vld [tilespmem:$0x1CAF0];
	v0 =	vsel vm6, $0x365, v0  }
0x26c: {  	[tilespmem:$0x1D340] =	vst v0;
	v0 =	vld [tilespmem:$0x1CF40];
	_ =	sdelay $0x3  }
0x26d: {  	v1 =	vsel vm5, $0x364, v1  }
0x26e: {  	[tilespmem:$0x1CF50] =	vst v1;
	v1 =	vld [tilespmem:$0x1CB00];
	v0 =	vsel vm6, $0x1947, v0  }
0x26f: {  	[tilespmem:$0x1D350] =	vst v0;
	v0 =	vld [tilespmem:$0x1CF50];
	_ =	sdelay $0x3  }
0x270: {  	v1 =	vsel vm5, $0x1907, v1  }
0x271: {  	[tilespmem:$0x1CF60] =	vst v1;
	v1 =	vld [tilespmem:$0x1CB10];
	v0 =	vsel vm6, $0x3E5, v0  }
0x272: {  	[tilespmem:$0x1D360] =	vst v0;
	v0 =	vld [tilespmem:$0x1CF60];
	_ =	sdelay $0x3  }
0x273: {  	v1 =	vsel vm5, $0x3E4, v1  }
0x274: {  	[tilespmem:$0x1CF70] =	vst v1;
	v1 =	vld [tilespmem:$0x1CB20];
	v0 =	vsel vm6, $0x1940, v0  }
0x275: {  	[tilespmem:$0x1D370] =	vst v0;
	v0 =	vld [tilespmem:$0x1CF70];
	_ =	sdelay $0x3  }
0x276: {  	v1 =	vsel vm5, $0x1900, v1  }
0x277: {  	[tilespmem:$0x1CF80] =	vst v1;
	v1 =	vld [tilespmem:$0x1CB30];
	v0 =	vsel vm6, $0x65, v0  }
0x278: {  	[tilespmem:$0x1D380] =	vst v0;
	v0 =	vld [tilespmem:$0x1CF80];
	_ =	sdelay $0x3  }
0x279: {  	v1 =	vsel vm5, $0x64, v1  }
0x27a: {  	[tilespmem:$0x1CF90] =	vst v1;
	v1 =	vld [tilespmem:$0x1CB40];
	v0 =	vsel vm6, $0x1941, v0  }
0x27b: {  	[tilespmem:$0x1D390] =	vst v0;
	v0 =	vld [tilespmem:$0x1CF90];
	_ =	sdelay $0x3  }
0x27c: {  	v1 =	vsel vm5, $0x1901, v1  }
0x27d: {  	[tilespmem:$0x1CFA0] =	vst v1;
	v1 =	vld [tilespmem:$0x1CB50];
	v0 =	vsel vm6, $0xE5, v0  }
0x27e: {  	[tilespmem:$0x1D3A0] =	vst v0;
	v0 =	vld [tilespmem:$0x1CFA0];
	_ =	sdelay $0x3  }
0x27f: {  	v1 =	vsel vm5, $0xE4, v1  }
0x280: {  	[tilespmem:$0x1CFB0] =	vst v1;
	v1 =	vld [tilespmem:$0x1CB60];
	v0 =	vsel vm6, $0x1942, v0  }
0x281: {  	[tilespmem:$0x1D3B0] =	vst v0;
	v0 =	vld [tilespmem:$0x1CFB0];
	_ =	sdelay $0x3  }
0x282: {  	v1 =	vsel vm5, $0x1902, v1  }
0x283: {  	[tilespmem:$0x1CFC0] =	vst v1;
	v1 =	vld [tilespmem:$0x1CB70];
	v0 =	vsel vm6, $0x165, v0  }
0x284: {  	[tilespmem:$0x1D3C0] =	vst v0;
	v0 =	vld [tilespmem:$0x1CFC0];
	_ =	sdelay $0x3  }
0x285: {  	v1 =	vsel vm5, $0x164, v1  }
0x286: {  	[tilespmem:$0x1CFD0] =	vst v1;
	v1 =	vld [tilespmem:$0x1CB80];
	v0 =	vsel vm6, $0x1943, v0  }
0x287: {  	[tilespmem:$0x1D3D0] =	vst v0;
	v0 =	vld [tilespmem:$0x1CFD0];
	_ =	sdelay $0x3  }
0x288: {  	v1 =	vsel vm5, $0x1903, v1  }
0x289: {  	[tilespmem:$0x1CFE0] =	vst v1;
	v1 =	vld [tilespmem:$0x1CB90];
	v0 =	vsel vm6, $0x1E5, v0  }
0x28a: {  	[tilespmem:$0x1D3E0] =	vst v0;
	v0 =	vld [tilespmem:$0x1CFE0];
	_ =	sdelay $0x3  }
0x28b: {  	v1 =	vsel vm5, $0x1E4, v1  }
0x28c: {  	[tilespmem:$0x1CFF0] =	vst v1;
	v1 =	vld [tilespmem:$0x1CBA0];
	v0 =	vsel vm6, $0x1944, v0  }
0x28d: {  	[tilespmem:$0x1D3F0] =	vst v0;
	v0 =	vld [tilespmem:$0x1CFF0];
	_ =	sdelay $0x3  }
0x28e: {  	v1 =	vsel vm5, $0x1D04, v1  }
0x28f: {  	[tilespmem:$0x1D000] =	vst v1;
	v1 =	vld [tilespmem:$0x1CBB0];
	v0 =	vsel vm6, $0x265, v0  }
0x290: {  	[tilespmem:$0x1D400] =	vst v0;
	v0 =	vld [tilespmem:$0x1D000];
	_ =	sdelay $0x3  }
0x291: {  	v1 =	vsel vm5, $0x274, v1  }
0x292: {  	[tilespmem:$0x1D010] =	vst v1;
	v1 =	vld [tilespmem:$0x1CBC0];
	v0 =	vsel vm6, $0x1D45, v0  }
0x293: {  	[tilespmem:$0x1D410] =	vst v0;
	v0 =	vld [tilespmem:$0x1D010];
	_ =	sdelay $0x3  }
0x294: {  	v1 =	vsel vm5, $0x1D05, v1  }
0x295: {  	[tilespmem:$0x1D020] =	vst v1;
	v1 =	vld [tilespmem:$0x1CBD0];
	v0 =	vsel vm6, $0x2F5, v0  }
0x296: {  	[tilespmem:$0x1D420] =	vst v0;
	v0 =	vld [tilespmem:$0x1D020];
	_ =	sdelay $0x3  }
0x297: {  	v1 =	vsel vm5, $0x2F4, v1  }
0x298: {  	[tilespmem:$0x1D030] =	vst v1;
	v1 =	vld [tilespmem:$0x1CBE0];
	v0 =	vsel vm6, $0x1D46, v0  }
0x299: {  	[tilespmem:$0x1D430] =	vst v0;
	v0 =	vld [tilespmem:$0x1D030];
	_ =	sdelay $0x3  }
0x29a: {  	v1 =	vsel vm5, $0x1D06, v1  }
0x29b: {  	[tilespmem:$0x1D040] =	vst v1;
	v1 =	vld [tilespmem:$0x1CBF0];
	v0 =	vsel vm6, $0x375, v0  }
0x29c: {  	[tilespmem:$0x1D440] =	vst v0;
	v0 =	vld [tilespmem:$0x1D040];
	_ =	sdelay $0x3  }
0x29d: {  	v1 =	vsel vm5, $0x374, v1  }
0x29e: {  	[tilespmem:$0x1D050] =	vst v1;
	v1 =	vld [tilespmem:$0x1CC00];
	v0 =	vsel vm6, $0x1D47, v0  }
0x29f: {  	[tilespmem:$0x1D450] =	vst v0;
	v0 =	vld [tilespmem:$0x1D050];
	_ =	sdelay $0x3  }
0x2a0: {  	v1 =	vsel vm5, $0x1D07, v1  }
0x2a1: {  	[tilespmem:$0x1D060] =	vst v1;
	v1 =	vld [tilespmem:$0x1CC10];
	v0 =	vsel vm6, $0x3F5, v0  }
0x2a2: {  	[tilespmem:$0x1D460] =	vst v0;
	v0 =	vld [tilespmem:$0x1D060];
	_ =	sdelay $0x3  }
0x2a3: {  	v1 =	vsel vm5, $0x3F4, v1  }
0x2a4: {  	[tilespmem:$0x1D070] =	vst v1;
	v1 =	vld [tilespmem:$0x1CC20];
	v0 =	vsel vm6, $0x1D40, v0  }
0x2a5: {  	[tilespmem:$0x1D470] =	vst v0;
	v0 =	vld [tilespmem:$0x1D070];
	_ =	sdelay $0x3  }
0x2a6: {  	v1 =	vsel vm5, $0x1D00, v1  }
0x2a7: {  	[tilespmem:$0x1D080] =	vst v1;
	v1 =	vld [tilespmem:$0x1CC30];
	v0 =	vsel vm6, $0x75, v0  }
0x2a8: {  	[tilespmem:$0x1D480] =	vst v0;
	v0 =	vld [tilespmem:$0x1D080];
	_ =	sdelay $0x3  }
0x2a9: {  	v1 =	vsel vm5, $0x74, v1  }
0x2aa: {  	[tilespmem:$0x1D090] =	vst v1;
	v1 =	vld [tilespmem:$0x1CC40];
	v0 =	vsel vm6, $0x1D41, v0  }
0x2ab: {  	[tilespmem:$0x1D490] =	vst v0;
	v0 =	vld [tilespmem:$0x1D090];
	_ =	sdelay $0x3  }
0x2ac: {  	v1 =	vsel vm5, $0x1D01, v1  }
0x2ad: {  	[tilespmem:$0x1D0A0] =	vst v1;
	v1 =	vld [tilespmem:$0x1CC50];
	v0 =	vsel vm6, $0xF5, v0  }
0x2ae: {  	[tilespmem:$0x1D4A0] =	vst v0;
	v0 =	vld [tilespmem:$0x1D0A0];
	_ =	sdelay $0x3  }
0x2af: {  	v1 =	vsel vm5, $0xF4, v1  }
0x2b0: {  	[tilespmem:$0x1D0B0] =	vst v1;
	v1 =	vld [tilespmem:$0x1CC60];
	v0 =	vsel vm6, $0x1D42, v0  }
0x2b1: {  	[tilespmem:$0x1D4B0] =	vst v0;
	v0 =	vld [tilespmem:$0x1D0B0];
	_ =	sdelay $0x3  }
0x2b2: {  	v1 =	vsel vm5, $0x1D02, v1  }
0x2b3: {  	[tilespmem:$0x1D0C0] =	vst v1;
	v1 =	vld [tilespmem:$0x1CC70];
	v0 =	vsel vm6, $0x175, v0  }
0x2b4: {  	[tilespmem:$0x1D4C0] =	vst v0;
	v0 =	vld [tilespmem:$0x1D0C0];
	_ =	sdelay $0x3  }
0x2b5: {  	v1 =	vsel vm5, $0x174, v1  }
0x2b6: {  	[tilespmem:$0x1D0D0] =	vst v1;
	v1 =	vld [tilespmem:$0x1CC80];
	v0 =	vsel vm6, $0x1D43, v0  }
0x2b7: {  	[tilespmem:$0x1D4D0] =	vst v0;
	v0 =	vld [tilespmem:$0x1D0D0];
	_ =	sdelay $0x3  }
0x2b8: {  	v1 =	vsel vm5, $0x1D03, v1  }
0x2b9: {  	[tilespmem:$0x1D0E0] =	vst v1;
	v1 =	vld [tilespmem:$0x1CC90];
	v0 =	vsel vm6, $0x1F5, v0  }
0x2ba: {  	[tilespmem:$0x1D4E0] =	vst v0;
	v0 =	vld [tilespmem:$0x1D0E0];
	_ =	sdelay $0x3  }
0x2bb: {  	v1 =	vsel vm5, $0x1F4, v1  }
0x2bc: {  	[tilespmem:$0x1D0F0] =	vst v1;
	v0 =	vsel vm6, $0x1D44, v0  }
0x2bd: {  	[tilespmem:$0x1D4F0] =	vst v0;
	v0 =	vld [tilespmem:$0x1D0F0];
	_ =	sdelay $0x4  }
0x2be: {  	v0 =	vsel vm6, $0x275, v0  }
0x2bf: {  	[tilespmem:$0x1D500] =	vst v0;
	v0 =	vld [tilespmem:$0x1D100];
	_ =	sdelay $0x3  }
0x2c0: {  	vm7 =	vcmask $0x1B18  }
0x2c1: {  	v0 =	vsel vm7, $0x186, v0  }
0x2c2: {  	[tilespmem:$0x1D510] =	vst v0;
	v0 =	vld [tilespmem:$0x1D110];
	_ =	sdelay $0x4  }
0x2c3: {  	v0 =	vsel vm7, $0x1186, v0  }
0x2c4: {  	[tilespmem:$0x1D520] =	vst v0;
	v0 =	vld [tilespmem:$0x1D120];
	_ =	sdelay $0x4  }
0x2c5: {  	v0 =	vsel vm7, $0x346, v0  }
0x2c6: {  	[tilespmem:$0x1D530] =	vst v0;
	v0 =	vld [tilespmem:$0x1D130];
	_ =	sdelay $0x4  }
0x2c7: {  	v0 =	vsel vm7, $0x1187, v0  }
0x2c8: {  	[tilespmem:$0x1D540] =	vst v0;
	v0 =	vld [tilespmem:$0x1D140];
	_ =	sdelay $0x4  }
0x2c9: {  	v0 =	vsel vm7, $0x3C6, v0  }
0x2ca: {  	[tilespmem:$0x1D550] =	vst v0;
	v0 =	vld [tilespmem:$0x1D150];
	_ =	sdelay $0x4  }
0x2cb: {  	v0 =	vsel vm7, $0x1180, v0  }
0x2cc: {  	[tilespmem:$0x1D560] =	vst v0;
	v0 =	vld [tilespmem:$0x1D160];
	_ =	sdelay $0x4  }
0x2cd: {  	v0 =	vsel vm7, $0x46, v0  }
0x2ce: {  	[tilespmem:$0x1D570] =	vst v0;
	v0 =	vld [tilespmem:$0x1D170];
	_ =	sdelay $0x4  }
0x2cf: {  	v0 =	vsel vm7, $0x1181, v0  }
0x2d0: {  	[tilespmem:$0x1D580] =	vst v0;
	v0 =	vld [tilespmem:$0x1D180];
	_ =	sdelay $0x4  }
0x2d1: {  	v0 =	vsel vm7, $0xC6, v0  }
0x2d2: {  	[tilespmem:$0x1D590] =	vst v0;
	v0 =	vld [tilespmem:$0x1D190];
	_ =	sdelay $0x4  }
0x2d3: {  	v0 =	vsel vm7, $0x1182, v0  }
0x2d4: {  	[tilespmem:$0x1D5A0] =	vst v0;
	v0 =	vld [tilespmem:$0x1D1A0];
	_ =	sdelay $0x4  }
0x2d5: {  	v0 =	vsel vm7, $0x146, v0  }
0x2d6: {  	[tilespmem:$0x1D5B0] =	vst v0;
	v0 =	vld [tilespmem:$0x1D1B0];
	_ =	sdelay $0x4  }
0x2d7: {  	v0 =	vsel vm7, $0x1183, v0  }
0x2d8: {  	[tilespmem:$0x1D5C0] =	vst v0;
	v0 =	vld [tilespmem:$0x1D1C0];
	_ =	sdelay $0x4  }
0x2d9: {  	v0 =	vsel vm7, $0x1C6, v0  }
0x2da: {  	[tilespmem:$0x1D5D0] =	vst v0;
	v0 =	vld [tilespmem:$0x1D1D0];
	_ =	sdelay $0x4  }
0x2db: {  	v0 =	vsel vm7, $0x1184, v0  }
0x2dc: {  	[tilespmem:$0x1D5E0] =	vst v0;
	v0 =	vld [tilespmem:$0x1D1E0];
	_ =	sdelay $0x4  }
0x2dd: {  	v0 =	vsel vm7, $0x246, v0  }
0x2de: {  	[tilespmem:$0x1D5F0] =	vst v0;
	v0 =	vld [tilespmem:$0x1D1F0];
	_ =	sdelay $0x4  }
0x2df: {  	v0 =	vsel vm7, $0x1185, v0  }
0x2e0: {  	[tilespmem:$0x1D600] =	vst v0;
	v0 =	vld [tilespmem:$0x1D200];
	_ =	sdelay $0x4  }
0x2e1: {  	v0 =	vsel vm7, $0x2C6, v0  }
0x2e2: {  	[tilespmem:$0x1D610] =	vst v0;
	v0 =	vld [tilespmem:$0x1D210];
	_ =	sdelay $0x4  }
0x2e3: {  	v0 =	vsel vm7, $0x1586, v0  }
0x2e4: {  	[tilespmem:$0x1D620] =	vst v0;
	v0 =	vld [tilespmem:$0x1D220];
	_ =	sdelay $0x4  }
0x2e5: {  	v0 =	vsel vm7, $0x356, v0  }
0x2e6: {  	[tilespmem:$0x1D630] =	vst v0;
	v0 =	vld [tilespmem:$0x1D230];
	_ =	sdelay $0x4  }
0x2e7: {  	v0 =	vsel vm7, $0x1587, v0  }
0x2e8: {  	[tilespmem:$0x1D640] =	vst v0;
	v0 =	vld [tilespmem:$0x1D240];
	_ =	sdelay $0x4  }
0x2e9: {  	v0 =	vsel vm7, $0x3D6, v0  }
0x2ea: {  	[tilespmem:$0x1D650] =	vst v0;
	v0 =	vld [tilespmem:$0x1D250];
	_ =	sdelay $0x4  }
0x2eb: {  	v0 =	vsel vm7, $0x1580, v0  }
0x2ec: {  	[tilespmem:$0x1D660] =	vst v0;
	v0 =	vld [tilespmem:$0x1D260];
	_ =	sdelay $0x4  }
0x2ed: {  	v0 =	vsel vm7, $0x56, v0  }
0x2ee: {  	[tilespmem:$0x1D670] =	vst v0;
	v0 =	vld [tilespmem:$0x1D270];
	_ =	sdelay $0x4  }
0x2ef: {  	v0 =	vsel vm7, $0x1581, v0  }
0x2f0: {  	[tilespmem:$0x1D680] =	vst v0;
	v0 =	vld [tilespmem:$0x1D280];
	_ =	sdelay $0x4  }
0x2f1: {  	v0 =	vsel vm7, $0xD6, v0  }
0x2f2: {  	[tilespmem:$0x1D690] =	vst v0;
	v0 =	vld [tilespmem:$0x1D290];
	_ =	sdelay $0x4  }
0x2f3: {  	v0 =	vsel vm7, $0x1582, v0  }
0x2f4: {  	[tilespmem:$0x1D6A0] =	vst v0;
	v0 =	vld [tilespmem:$0x1D2A0];
	_ =	sdelay $0x4  }
0x2f5: {  	v0 =	vsel vm7, $0x156, v0  }
0x2f6: {  	[tilespmem:$0x1D6B0] =	vst v0;
	v0 =	vld [tilespmem:$0x1D2B0];
	_ =	sdelay $0x4  }
0x2f7: {  	v0 =	vsel vm7, $0x1583, v0  }
0x2f8: {  	[tilespmem:$0x1D6C0] =	vst v0;
	v0 =	vld [tilespmem:$0x1D2C0];
	_ =	sdelay $0x4  }
0x2f9: {  	v0 =	vsel vm7, $0x1D6, v0  }
0x2fa: {  	[tilespmem:$0x1D6D0] =	vst v0;
	v0 =	vld [tilespmem:$0x1D2D0];
	_ =	sdelay $0x4  }
0x2fb: {  	v0 =	vsel vm7, $0x1584, v0  }
0x2fc: {  	[tilespmem:$0x1D6E0] =	vst v0;
	v0 =	vld [tilespmem:$0x1D2E0];
	_ =	sdelay $0x4  }
0x2fd: {  	v0 =	vsel vm7, $0x256, v0  }
0x2fe: {  	[tilespmem:$0x1D6F0] =	vst v0;
	v0 =	vld [tilespmem:$0x1D2F0];
	_ =	sdelay $0x4  }
0x2ff: {  	v0 =	vsel vm7, $0x1585, v0  }
0x300: {  	[tilespmem:$0x1D700] =	vst v0;
	v0 =	vld [tilespmem:$0x1D300];
	_ =	sdelay $0x4  }
0x301: {  	v0 =	vsel vm7, $0x2D6, v0  }
0x302: {  	[tilespmem:$0x1D710] =	vst v0;
	v0 =	vld [tilespmem:$0x1D310];
	_ =	sdelay $0x4  }
0x303: {  	v0 =	vsel vm7, $0x1986, v0  }
0x304: {  	[tilespmem:$0x1D720] =	vst v0;
	v0 =	vld [tilespmem:$0x1D320];
	_ =	sdelay $0x4  }
0x305: {  	v0 =	vsel vm7, $0x366, v0  }
0x306: {  	[tilespmem:$0x1D730] =	vst v0;
	v0 =	vld [tilespmem:$0x1D330];
	_ =	sdelay $0x4  }
0x307: {  	v0 =	vsel vm7, $0x1987, v0  }
0x308: {  	[tilespmem:$0x1D740] =	vst v0;
	v0 =	vld [tilespmem:$0x1D340];
	_ =	sdelay $0x4  }
0x309: {  	v0 =	vsel vm7, $0x3E6, v0  }
0x30a: {  	[tilespmem:$0x1D750] =	vst v0;
	v0 =	vld [tilespmem:$0x1D350];
	_ =	sdelay $0x4  }
0x30b: {  	v0 =	vsel vm7, $0x1980, v0  }
0x30c: {  	[tilespmem:$0x1D760] =	vst v0;
	v0 =	vld [tilespmem:$0x1D360];
	_ =	sdelay $0x4  }
0x30d: {  	v0 =	vsel vm7, $0x66, v0  }
0x30e: {  	[tilespmem:$0x1D770] =	vst v0;
	v0 =	vld [tilespmem:$0x1D370];
	_ =	sdelay $0x4  }
0x30f: {  	v0 =	vsel vm7, $0x1981, v0  }
0x310: {  	[tilespmem:$0x1D780] =	vst v0;
	v0 =	vld [tilespmem:$0x1D380];
	_ =	sdelay $0x4  }
0x311: {  	v0 =	vsel vm7, $0xE6, v0  }
0x312: {  	[tilespmem:$0x1D790] =	vst v0;
	v0 =	vld [tilespmem:$0x1D390];
	_ =	sdelay $0x4  }
0x313: {  	v0 =	vsel vm7, $0x1982, v0  }
0x314: {  	[tilespmem:$0x1D7A0] =	vst v0;
	v0 =	vld [tilespmem:$0x1D3A0];
	_ =	sdelay $0x4  }
0x315: {  	v0 =	vsel vm7, $0x166, v0  }
0x316: {  	[tilespmem:$0x1D7B0] =	vst v0;
	v0 =	vld [tilespmem:$0x1D3B0];
	_ =	sdelay $0x4  }
0x317: {  	v0 =	vsel vm7, $0x1983, v0  }
0x318: {  	[tilespmem:$0x1D7C0] =	vst v0;
	v0 =	vld [tilespmem:$0x1D3C0];
	_ =	sdelay $0x4  }
0x319: {  	v0 =	vsel vm7, $0x1E6, v0  }
0x31a: {  	[tilespmem:$0x1D7D0] =	vst v0;
	v0 =	vld [tilespmem:$0x1D3D0];
	_ =	sdelay $0x4  }
0x31b: {  	v0 =	vsel vm7, $0x1984, v0  }
0x31c: {  	[tilespmem:$0x1D7E0] =	vst v0;
	v0 =	vld [tilespmem:$0x1D3E0];
	_ =	sdelay $0x4  }
0x31d: {  	v0 =	vsel vm7, $0x266, v0  }
0x31e: {  	[tilespmem:$0x1D7F0] =	vst v0;
	v0 =	vld [tilespmem:$0x1D3F0];
	_ =	sdelay $0x4  }
0x31f: {  	v0 =	vsel vm7, $0x1985, v0  }
0x320: {  	[tilespmem:$0x1D800] =	vst v0;
	v0 =	vld [tilespmem:$0x1D400];
	_ =	sdelay $0x4  }
0x321: {  	v0 =	vsel vm7, $0x2E6, v0  }
0x322: {  	[tilespmem:$0x1D810] =	vst v0;
	v0 =	vld [tilespmem:$0x1D410];
	_ =	sdelay $0x4  }
0x323: {  	v0 =	vsel vm7, $0x1D86, v0  }
0x324: {  	[tilespmem:$0x1D820] =	vst v0;
	v0 =	vld [tilespmem:$0x1D420];
	_ =	sdelay $0x4  }
0x325: {  	v0 =	vsel vm7, $0x376, v0  }
0x326: {  	[tilespmem:$0x1D830] =	vst v0;
	v0 =	vld [tilespmem:$0x1D430];
	_ =	sdelay $0x4  }
0x327: {  	v0 =	vsel vm7, $0x1D87, v0  }
0x328: {  	[tilespmem:$0x1D840] =	vst v0;
	v0 =	vld [tilespmem:$0x1D440];
	_ =	sdelay $0x4  }
0x329: {  	v0 =	vsel vm7, $0x3F6, v0  }
0x32a: {  	[tilespmem:$0x1D850] =	vst v0;
	v0 =	vld [tilespmem:$0x1D450];
	_ =	sdelay $0x4  }
0x32b: {  	v0 =	vsel vm7, $0x1D80, v0  }
0x32c: {  	[tilespmem:$0x1D860] =	vst v0;
	v0 =	vld [tilespmem:$0x1D460];
	_ =	sdelay $0x4  }
0x32d: {  	v0 =	vsel vm7, $0x76, v0  }
0x32e: {  	[tilespmem:$0x1D870] =	vst v0;
	v0 =	vld [tilespmem:$0x1D470];
	_ =	sdelay $0x4  }
0x32f: {  	v0 =	vsel vm7, $0x1D81, v0  }
0x330: {  	[tilespmem:$0x1D880] =	vst v0;
	v0 =	vld [tilespmem:$0x1D480];
	_ =	sdelay $0x4  }
0x331: {  	v0 =	vsel vm7, $0xF6, v0  }
0x332: {  	[tilespmem:$0x1D890] =	vst v0;
	v0 =	vld [tilespmem:$0x1D490];
	_ =	sdelay $0x4  }
0x333: {  	v0 =	vsel vm7, $0x1D82, v0  }
0x334: {  	[tilespmem:$0x1D8A0] =	vst v0;
	v0 =	vld [tilespmem:$0x1D4A0];
	_ =	sdelay $0x4  }
0x335: {  	v0 =	vsel vm7, $0x176, v0  }
0x336: {  	[tilespmem:$0x1D8B0] =	vst v0;
	v0 =	vld [tilespmem:$0x1D4B0];
	_ =	sdelay $0x4  }
0x337: {  	v0 =	vsel vm7, $0x1D83, v0  }
0x338: {  	[tilespmem:$0x1D8C0] =	vst v0;
	v0 =	vld [tilespmem:$0x1D4C0];
	_ =	sdelay $0x4  }
0x339: {  	v0 =	vsel vm7, $0x1F6, v0  }
0x33a: {  	[tilespmem:$0x1D8D0] =	vst v0;
	v0 =	vld [tilespmem:$0x1D4D0];
	_ =	sdelay $0x4  }
0x33b: {  	v0 =	vsel vm7, $0x1D84, v0  }
0x33c: {  	[tilespmem:$0x1D8E0] =	vst v0;
	v0 =	vld [tilespmem:$0x1D4E0];
	_ =	sdelay $0x4  }
0x33d: {  	v0 =	vsel vm7, $0x276, v0  }
0x33e: {  	[tilespmem:$0x1D8F0] =	vst v0;
	v0 =	vld [tilespmem:$0x1D4F0];
	_ =	sdelay $0x4  }
0x33f: {  	v0 =	vsel vm7, $0x1D85, v0  }
0x340: {  	[tilespmem:$0x1D900] =	vst v0;
	v0 =	vld [tilespmem:$0x1D500];
	_ =	sdelay $0x4  }
0x341: {  	v0 =	vsel vm7, $0x2F6, v0  }
0x342: {  	[tilespmem:$0x1D910] =	vst v0;
	v0 =	vld [tilespmem:$0x1D510];
	_ =	sdelay $0x3  }
0x343: {  	vm8 =	vcmask $0x1F1C  }
0x344: {  	v0 =	vsel vm8, $0x1C7, v0  }
0x345: {  	[tilespmem:$0x1D920] =	vst v0;
	v0 =	vld [tilespmem:$0x1D520];
	_ =	sdelay $0x4  }
0x346: {  	v0 =	vsel vm8, $0x11C7, v0  }
0x347: {  	[tilespmem:$0x1D930] =	vst v0;
	v0 =	vld [tilespmem:$0x1D530];
	_ =	sdelay $0x4  }
0x348: {  	v0 =	vsel vm8, $0x3C7, v0  }
0x349: {  	[tilespmem:$0x1D940] =	vst v0;
	v0 =	vld [tilespmem:$0x1D540];
	_ =	sdelay $0x4  }
0x34a: {  	v0 =	vsel vm8, $0x11C0, v0  }
0x34b: {  	[tilespmem:$0x1D950] =	vst v0;
	v0 =	vld [tilespmem:$0x1D550];
	_ =	sdelay $0x4  }
0x34c: {  	v0 =	vsel vm8, $0x47, v0  }
0x34d: {  	[tilespmem:$0x1D960] =	vst v0;
	v0 =	vld [tilespmem:$0x1D560];
	_ =	sdelay $0x4  }
0x34e: {  	v0 =	vsel vm8, $0x11C1, v0  }
0x34f: {  	[tilespmem:$0x1D970] =	vst v0;
	v0 =	vld [tilespmem:$0x1D570];
	_ =	sdelay $0x4  }
0x350: {  	v0 =	vsel vm8, $0xC7, v0  }
0x351: {  	[tilespmem:$0x1D980] =	vst v0;
	v0 =	vld [tilespmem:$0x1D580];
	_ =	sdelay $0x4  }
0x352: {  	v0 =	vsel vm8, $0x11C2, v0  }
0x353: {  	[tilespmem:$0x1D990] =	vst v0;
	v0 =	vld [tilespmem:$0x1D590];
	_ =	sdelay $0x4  }
0x354: {  	v0 =	vsel vm8, $0x147, v0  }
0x355: {  	[tilespmem:$0x1D9A0] =	vst v0;
	v0 =	vld [tilespmem:$0x1D5A0];
	_ =	sdelay $0x4  }
0x356: {  	v0 =	vsel vm8, $0x11C3, v0  }
0x357: {  	[tilespmem:$0x1D9B0] =	vst v0;
	v0 =	vld [tilespmem:$0x1D5B0];
	_ =	sdelay $0x4  }
0x358: {  	v0 =	vsel vm8, $0x1C7, v0  }
0x359: {  	[tilespmem:$0x1D9C0] =	vst v0;
	v0 =	vld [tilespmem:$0x1D5C0];
	_ =	sdelay $0x4  }
0x35a: {  	v0 =	vsel vm8, $0x11C4, v0  }
0x35b: {  	[tilespmem:$0x1D9D0] =	vst v0;
	v0 =	vld [tilespmem:$0x1D5D0];
	_ =	sdelay $0x4  }
0x35c: {  	v0 =	vsel vm8, $0x247, v0  }
0x35d: {  	[tilespmem:$0x1D9E0] =	vst v0;
	v0 =	vld [tilespmem:$0x1D5E0];
	_ =	sdelay $0x4  }
0x35e: {  	v0 =	vsel vm8, $0x11C5, v0  }
0x35f: {  	[tilespmem:$0x1D9F0] =	vst v0;
	v0 =	vld [tilespmem:$0x1D5F0];
	_ =	sdelay $0x4  }
0x360: {  	v0 =	vsel vm8, $0x2C7, v0  }
0x361: {  	[tilespmem:$0x1DA00] =	vst v0;
	v0 =	vld [tilespmem:$0x1D600];
	_ =	sdelay $0x4  }
0x362: {  	v0 =	vsel vm8, $0x11C6, v0  }
0x363: {  	[tilespmem:$0x1DA10] =	vst v0;
	v0 =	vld [tilespmem:$0x1D610];
	_ =	sdelay $0x4  }
0x364: {  	v0 =	vsel vm8, $0x347, v0  }
0x365: {  	[tilespmem:$0x1DA20] =	vst v0;
	v0 =	vld [tilespmem:$0x1D620];
	_ =	sdelay $0x4  }
0x366: {  	v0 =	vsel vm8, $0x15C7, v0  }
0x367: {  	[tilespmem:$0x1DA30] =	vst v0;
	v0 =	vld [tilespmem:$0x1D630];
	_ =	sdelay $0x4  }
0x368: {  	v0 =	vsel vm8, $0x3D7, v0  }
0x369: {  	[tilespmem:$0x1DA40] =	vst v0;
	v0 =	vld [tilespmem:$0x1D640];
	_ =	sdelay $0x4  }
0x36a: {  	v0 =	vsel vm8, $0x15C0, v0  }
0x36b: {  	[tilespmem:$0x1DA50] =	vst v0;
	v0 =	vld [tilespmem:$0x1D650];
	_ =	sdelay $0x4  }
0x36c: {  	v0 =	vsel vm8, $0x57, v0  }
0x36d: {  	[tilespmem:$0x1DA60] =	vst v0;
	v0 =	vld [tilespmem:$0x1D660];
	_ =	sdelay $0x4  }
0x36e: {  	v0 =	vsel vm8, $0x15C1, v0  }
0x36f: {  	[tilespmem:$0x1DA70] =	vst v0;
	v0 =	vld [tilespmem:$0x1D670];
	_ =	sdelay $0x4  }
0x370: {  	v0 =	vsel vm8, $0xD7, v0  }
0x371: {  	[tilespmem:$0x1DA80] =	vst v0;
	v0 =	vld [tilespmem:$0x1D680];
	_ =	sdelay $0x4  }
0x372: {  	v0 =	vsel vm8, $0x15C2, v0  }
0x373: {  	[tilespmem:$0x1DA90] =	vst v0;
	v0 =	vld [tilespmem:$0x1D690];
	_ =	sdelay $0x4  }
0x374: {  	v0 =	vsel vm8, $0x157, v0  }
0x375: {  	[tilespmem:$0x1DAA0] =	vst v0;
	v0 =	vld [tilespmem:$0x1D6A0];
	_ =	sdelay $0x4  }
0x376: {  	v0 =	vsel vm8, $0x15C3, v0  }
0x377: {  	[tilespmem:$0x1DAB0] =	vst v0;
	v0 =	vld [tilespmem:$0x1D6B0];
	_ =	sdelay $0x4  }
0x378: {  	v0 =	vsel vm8, $0x1D7, v0  }
0x379: {  	[tilespmem:$0x1DAC0] =	vst v0;
	v0 =	vld [tilespmem:$0x1D6C0];
	_ =	sdelay $0x4  }
0x37a: {  	v0 =	vsel vm8, $0x15C4, v0  }
0x37b: {  	[tilespmem:$0x1DAD0] =	vst v0;
	v0 =	vld [tilespmem:$0x1D6D0];
	_ =	sdelay $0x4  }
0x37c: {  	v0 =	vsel vm8, $0x257, v0  }
0x37d: {  	[tilespmem:$0x1DAE0] =	vst v0;
	v0 =	vld [tilespmem:$0x1D6E0];
	_ =	sdelay $0x4  }
0x37e: {  	v0 =	vsel vm8, $0x15C5, v0  }
0x37f: {  	[tilespmem:$0x1DAF0] =	vst v0;
	v0 =	vld [tilespmem:$0x1D6F0];
	_ =	sdelay $0x4  }
0x380: {  	v0 =	vsel vm8, $0x2D7, v0  }
0x381: {  	[tilespmem:$0x1DB00] =	vst v0;
	v0 =	vld [tilespmem:$0x1D700];
	_ =	sdelay $0x4  }
0x382: {  	v0 =	vsel vm8, $0x15C6, v0  }
0x383: {  	[tilespmem:$0x1DB10] =	vst v0;
	v0 =	vld [tilespmem:$0x1D710];
	_ =	sdelay $0x4  }
0x384: {  	v0 =	vsel vm8, $0x357, v0  }
0x385: {  	[tilespmem:$0x1DB20] =	vst v0;
	v0 =	vld [tilespmem:$0x1D720];
	_ =	sdelay $0x4  }
0x386: {  	v0 =	vsel vm8, $0x19C7, v0  }
0x387: {  	[tilespmem:$0x1DB30] =	vst v0;
	v0 =	vld [tilespmem:$0x1D730];
	_ =	sdelay $0x4  }
0x388: {  	v0 =	vsel vm8, $0x3E7, v0  }
0x389: {  	[tilespmem:$0x1DB40] =	vst v0;
	v0 =	vld [tilespmem:$0x1D740];
	_ =	sdelay $0x4  }
0x38a: {  	v0 =	vsel vm8, $0x19C0, v0  }
0x38b: {  	[tilespmem:$0x1DB50] =	vst v0;
	v0 =	vld [tilespmem:$0x1D750];
	_ =	sdelay $0x4  }
0x38c: {  	v0 =	vsel vm8, $0x67, v0  }
0x38d: {  	[tilespmem:$0x1DB60] =	vst v0;
	v0 =	vld [tilespmem:$0x1D760];
	_ =	sdelay $0x4  }
0x38e: {  	v0 =	vsel vm8, $0x19C1, v0  }
0x38f: {  	[tilespmem:$0x1DB70] =	vst v0;
	v0 =	vld [tilespmem:$0x1D770];
	_ =	sdelay $0x4  }
0x390: {  	v0 =	vsel vm8, $0xE7, v0  }
0x391: {  	[tilespmem:$0x1DB80] =	vst v0;
	v0 =	vld [tilespmem:$0x1D780];
	_ =	sdelay $0x4  }
0x392: {  	v0 =	vsel vm8, $0x19C2, v0  }
0x393: {  	[tilespmem:$0x1DB90] =	vst v0;
	v0 =	vld [tilespmem:$0x1D790];
	_ =	sdelay $0x4  }
0x394: {  	v0 =	vsel vm8, $0x167, v0  }
0x395: {  	[tilespmem:$0x1DBA0] =	vst v0;
	v0 =	vld [tilespmem:$0x1D7A0];
	_ =	sdelay $0x4  }
0x396: {  	v0 =	vsel vm8, $0x19C3, v0  }
0x397: {  	[tilespmem:$0x1DBB0] =	vst v0;
	v0 =	vld [tilespmem:$0x1D7B0];
	_ =	sdelay $0x4  }
0x398: {  	v0 =	vsel vm8, $0x1E7, v0  }
0x399: {  	[tilespmem:$0x1DBC0] =	vst v0;
	v0 =	vld [tilespmem:$0x1D7C0];
	_ =	sdelay $0x4  }
0x39a: {  	v0 =	vsel vm8, $0x19C4, v0  }
0x39b: {  	[tilespmem:$0x1DBD0] =	vst v0;
	v0 =	vld [tilespmem:$0x1D7D0];
	_ =	sdelay $0x4  }
0x39c: {  	v0 =	vsel vm8, $0x267, v0  }
0x39d: {  	[tilespmem:$0x1DBE0] =	vst v0;
	v0 =	vld [tilespmem:$0x1D7E0];
	_ =	sdelay $0x4  }
0x39e: {  	v0 =	vsel vm8, $0x19C5, v0  }
0x39f: {  	[tilespmem:$0x1DBF0] =	vst v0;
	v0 =	vld [tilespmem:$0x1D7F0];
	_ =	sdelay $0x4  }
0x3a0: {  	v0 =	vsel vm8, $0x2E7, v0  }
0x3a1: {  	[tilespmem:$0x1DC00] =	vst v0;
	v0 =	vld [tilespmem:$0x1D800];
	_ =	sdelay $0x4  }
0x3a2: {  	v0 =	vsel vm8, $0x19C6, v0  }
0x3a3: {  	[tilespmem:$0x1DC10] =	vst v0;
	v0 =	vld [tilespmem:$0x1D810];
	_ =	sdelay $0x4  }
0x3a4: {  	v0 =	vsel vm8, $0x367, v0  }
0x3a5: {  	[tilespmem:$0x1DC20] =	vst v0;
	v0 =	vld [tilespmem:$0x1D820];
	_ =	sdelay $0x4  }
0x3a6: {  	v0 =	vsel vm8, $0x1DC7, v0  }
0x3a7: {  	[tilespmem:$0x1DC30] =	vst v0;
	v0 =	vld [tilespmem:$0x1D830];
	_ =	sdelay $0x4  }
0x3a8: {  	v0 =	vsel vm8, $0x3F7, v0  }
0x3a9: {  	[tilespmem:$0x1DC40] =	vst v0;
	v0 =	vld [tilespmem:$0x1D840];
	_ =	sdelay $0x4  }
0x3aa: {  	v0 =	vsel vm8, $0x1DC0, v0  }
0x3ab: {  	[tilespmem:$0x1DC50] =	vst v0;
	v0 =	vld [tilespmem:$0x1D850];
	_ =	sdelay $0x4  }
0x3ac: {  	v0 =	vsel vm8, $0x77, v0  }
0x3ad: {  	[tilespmem:$0x1DC60] =	vst v0;
	v0 =	vld [tilespmem:$0x1D860];
	_ =	sdelay $0x4  }
0x3ae: {  	v0 =	vsel vm8, $0x1DC1, v0  }
0x3af: {  	[tilespmem:$0x1DC70] =	vst v0;
	v0 =	vld [tilespmem:$0x1D870];
	_ =	sdelay $0x4  }
0x3b0: {  	v0 =	vsel vm8, $0xF7, v0  }
0x3b1: {  	[tilespmem:$0x1DC80] =	vst v0;
	v0 =	vld [tilespmem:$0x1D880];
	_ =	sdelay $0x4  }
0x3b2: {  	v0 =	vsel vm8, $0x1DC2, v0  }
0x3b3: {  	[tilespmem:$0x1DC90] =	vst v0;
	v0 =	vld [tilespmem:$0x1D890];
	_ =	sdelay $0x4  }
0x3b4: {  	v0 =	vsel vm8, $0x177, v0  }
0x3b5: {  	[tilespmem:$0x1DCA0] =	vst v0;
	v0 =	vld [tilespmem:$0x1D8A0];
	_ =	sdelay $0x4  }
0x3b6: {  	v0 =	vsel vm8, $0x1DC3, v0  }
0x3b7: {  	[tilespmem:$0x1DCB0] =	vst v0;
	v0 =	vld [tilespmem:$0x1D8B0];
	_ =	sdelay $0x4  }
0x3b8: {  	v0 =	vsel vm8, $0x1F7, v0  }
0x3b9: {  	[tilespmem:$0x1DCC0] =	vst v0;
	v0 =	vld [tilespmem:$0x1D8C0];
	_ =	sdelay $0x4  }
0x3ba: {  	v0 =	vsel vm8, $0x1DC4, v0  }
0x3bb: {  	[tilespmem:$0x1DCD0] =	vst v0;
	v0 =	vld [tilespmem:$0x1D8D0];
	_ =	sdelay $0x4  }
0x3bc: {  	v0 =	vsel vm8, $0x277, v0  }
0x3bd: {  	[tilespmem:$0x1DCE0] =	vst v0;
	v0 =	vld [tilespmem:$0x1D8E0];
	_ =	sdelay $0x4  }
0x3be: {  	v0 =	vsel vm8, $0x1DC5, v0  }
0x3bf: {  	[tilespmem:$0x1DCF0] =	vst v0;
	v0 =	vld [tilespmem:$0x1D8F0];
	_ =	sdelay $0x4  }
0x3c0: {  	v0 =	vsel vm8, $0x2F7, v0  }
0x3c1: {  	[tilespmem:$0x1DD00] =	vst v0;
	v0 =	vld [tilespmem:$0x1D900];
	_ =	sdelay $0x4  }
0x3c2: {  	v0 =	vsel vm8, $0x1DC6, v0  }
0x3c3: {  	[tilespmem:$0x1DD10] =	vst v0;
	v0 =	vld [tilespmem:$0x1D910];
	_ =	sdelay $0x4  }
0x3c4: {  	v0 =	vsel vm8, $0x377, v0  }
0x3c5: {  	[tilespmem:$0x1DD20] =	vst v0;
	v0 =	vld [tilespmem:$0x1D920];
	_ =	sdelay $0x3  }
0x3c6: {  	vm9 =	vcmask $0x2320  }
0x3c7: {  	v0 =	vsel vm9, $0x200, v0  }
0x3c8: {  	[tilespmem:$0x1DD30] =	vst v0;
	v0 =	vld [tilespmem:$0x1D930];
	_ =	sdelay $0x4  }
0x3c9: {  	v0 =	vsel vm9, $0x1200, v0  }
0x3ca: {  	[tilespmem:$0x1DD40] =	vst v0;
	v0 =	vld [tilespmem:$0x1D940];
	_ =	sdelay $0x4  }
0x3cb: {  	v0 =	vsel vm9, $0x48, v0  }
0x3cc: {  	[tilespmem:$0x1DD50] =	vst v0;
	v0 =	vld [tilespmem:$0x1D950];
	_ =	sdelay $0x4  }
0x3cd: {  	v0 =	vsel vm9, $0x1201, v0  }
0x3ce: {  	[tilespmem:$0x1DD60] =	vst v0;
	v0 =	vld [tilespmem:$0x1D960];
	_ =	sdelay $0x4  }
0x3cf: {  	v0 =	vsel vm9, $0xC8, v0  }
0x3d0: {  	[tilespmem:$0x1DD70] =	vst v0;
	v0 =	vld [tilespmem:$0x1D970];
	_ =	sdelay $0x4  }
0x3d1: {  	v0 =	vsel vm9, $0x1202, v0  }
0x3d2: {  	[tilespmem:$0x1DD80] =	vst v0;
	v0 =	vld [tilespmem:$0x1D980];
	_ =	sdelay $0x4  }
0x3d3: {  	v0 =	vsel vm9, $0x148, v0  }
0x3d4: {  	[tilespmem:$0x1DD90] =	vst v0;
	v0 =	vld [tilespmem:$0x1D990];
	_ =	sdelay $0x4  }
0x3d5: {  	v0 =	vsel vm9, $0x1203, v0  }
0x3d6: {  	[tilespmem:$0x1DDA0] =	vst v0;
	v0 =	vld [tilespmem:$0x1D9A0];
	_ =	sdelay $0x4  }
0x3d7: {  	v0 =	vsel vm9, $0x1C8, v0  }
0x3d8: {  	[tilespmem:$0x1DDB0] =	vst v0;
	v0 =	vld [tilespmem:$0x1D9B0];
	_ =	sdelay $0x4  }
0x3d9: {  	v0 =	vsel vm9, $0x1204, v0  }
0x3da: {  	[tilespmem:$0x1DDC0] =	vst v0;
	v0 =	vld [tilespmem:$0x1D9C0];
	_ =	sdelay $0x4  }
0x3db: {  	v0 =	vsel vm9, $0x248, v0  }
0x3dc: {  	[tilespmem:$0x1DDD0] =	vst v0;
	v0 =	vld [tilespmem:$0x1D9D0];
	_ =	sdelay $0x4  }
0x3dd: {  	v0 =	vsel vm9, $0x1205, v0  }
0x3de: {  	[tilespmem:$0x1DDE0] =	vst v0;
	v0 =	vld [tilespmem:$0x1D9E0];
	_ =	sdelay $0x4  }
0x3df: {  	v0 =	vsel vm9, $0x2C8, v0  }
0x3e0: {  	[tilespmem:$0x1DDF0] =	vst v0;
	v0 =	vld [tilespmem:$0x1D9F0];
	_ =	sdelay $0x4  }
0x3e1: {  	v0 =	vsel vm9, $0x1206, v0  }
0x3e2: {  	[tilespmem:$0x1DE00] =	vst v0;
	v0 =	vld [tilespmem:$0x1DA00];
	_ =	sdelay $0x4  }
0x3e3: {  	v0 =	vsel vm9, $0x348, v0  }
0x3e4: {  	[tilespmem:$0x1DE10] =	vst v0;
	v0 =	vld [tilespmem:$0x1DA10];
	_ =	sdelay $0x4  }
0x3e5: {  	v0 =	vsel vm9, $0x1207, v0  }
0x3e6: {  	[tilespmem:$0x1DE20] =	vst v0;
	v0 =	vld [tilespmem:$0x1DA20];
	_ =	sdelay $0x4  }
0x3e7: {  	v0 =	vsel vm9, $0x3C8, v0  }
0x3e8: {  	[tilespmem:$0x1DE30] =	vst v0;
	v0 =	vld [tilespmem:$0x1DA30];
	_ =	sdelay $0x4  }
0x3e9: {  	v0 =	vsel vm9, $0x1600, v0  }
0x3ea: {  	[tilespmem:$0x1DE40] =	vst v0;
	v0 =	vld [tilespmem:$0x1DA40];
	_ =	sdelay $0x4  }
0x3eb: {  	v0 =	vsel vm9, $0x58, v0  }
0x3ec: {  	[tilespmem:$0x1DE50] =	vst v0;
	v0 =	vld [tilespmem:$0x1DA50];
	_ =	sdelay $0x4  }
0x3ed: {  	v0 =	vsel vm9, $0x1601, v0  }
0x3ee: {  	v3 =	vsel vm15, $0x282, v3;
	[tilespmem:$0x1DE60] =	vst v0;
	v0 =	vld [tilespmem:$0x1DA60]  }
0x3ef: {  	v3 =	vsel vm4, $0x303, v3;
	v4 =	vsel vm15, $0x302, v4;
	v2 =	vld [tilespmem:$0x1CCB0]  }
0x3f0: {  	v5 =	vsel vm15, $0x382, v5;
	v4 =	vsel vm4, $0x383, v4;
	v7 =	vsel vm5, $0x384, v3;
	v3 =	vld [tilespmem:$0x1CCC0]  }
0x3f1: {  	v6 =	vsel vm15, $0x2, v6;
	v5 =	vsel vm4, $0x3, v5;
	v9 =	vsel vm5, $0x4, v4;
	v4 =	vld [tilespmem:$0x1CCD0]  }
0x3f2: {  	v6 =	vsel vm4, $0x83, v6;
	v11 =	vsel vm5, $0x84, v5;
	v5 =	vld [tilespmem:$0x1CCE0]  }
0x3f3: {  	v13 =	vsel vm5, $0x104, v6;
	v6 =	vld [tilespmem:$0x1CCF0];
	v0 =	vsel vm9, $0xD8, v0  }
0x3f4: {  	v1 =	vld [tilespmem:$0x1CCA0];
	[tilespmem:$0x1DE70] =	vst v0  }
0x3f5: {  	v0 =	vld [tilespmem:$0x1DA70];
	_ =	sdelay $0x4  }
0x3f6: {  	v0 =	vsel vm9, $0x1602, v0  }
0x3f7: {  	[tilespmem:$0x1DE80] =	vst v0;
	v0 =	vld [tilespmem:$0x1DA80];
	_ =	sdelay $0x4  }
0x3f8: {  	v0 =	vsel vm9, $0x158, v0  }
0x3f9: {  	[tilespmem:$0x1DE90] =	vst v0;
	v0 =	vld [tilespmem:$0x1DA90];
	_ =	sdelay $0x4  }
0x3fa: {  	v0 =	vsel vm9, $0x1603, v0  }
0x3fb: {  	[tilespmem:$0x1DEA0] =	vst v0;
	v0 =	vld [tilespmem:$0x1DAA0];
	_ =	sdelay $0x4  }
0x3fc: {  	v0 =	vsel vm9, $0x1D8, v0  }
0x3fd: {  	[tilespmem:$0x1DEB0] =	vst v0;
	v0 =	vld [tilespmem:$0x1DAB0];
	_ =	sdelay $0x4  }
0x3fe: {  	v0 =	vsel vm9, $0x1604, v0  }
0x3ff: {  	[tilespmem:$0x1DEC0] =	vst v0;
	v0 =	vld [tilespmem:$0x1DAC0];
	_ =	sdelay $0x4  }
0x400: {  	v0 =	vsel vm9, $0x258, v0  }
0x401: {  	[tilespmem:$0x1DED0] =	vst v0;
	v0 =	vld [tilespmem:$0x1DAD0];
	_ =	sdelay $0x4  }
0x402: {  	v0 =	vsel vm9, $0x1605, v0  }
0x403: {  	[tilespmem:$0x1DEE0] =	vst v0;
	v0 =	vld [tilespmem:$0x1DAE0];
	_ =	sdelay $0x4  }
0x404: {  	v0 =	vsel vm9, $0x2D8, v0  }
0x405: {  	[tilespmem:$0x1DEF0] =	vst v0;
	v0 =	vld [tilespmem:$0x1DAF0];
	_ =	sdelay $0x4  }
0x406: {  	v0 =	vsel vm9, $0x1606, v0  }
0x407: {  	[tilespmem:$0x1DF00] =	vst v0;
	v0 =	vld [tilespmem:$0x1DB00];
	_ =	sdelay $0x4  }
0x408: {  	v0 =	vsel vm9, $0x358, v0  }
0x409: {  	[tilespmem:$0x1DF10] =	vst v0;
	v0 =	vld [tilespmem:$0x1DB10];
	_ =	sdelay $0x4  }
0x40a: {  	v0 =	vsel vm9, $0x1607, v0  }
0x40b: {  	[tilespmem:$0x1DF20] =	vst v0;
	v0 =	vld [tilespmem:$0x1DB20];
	_ =	sdelay $0x4  }
0x40c: {  	v0 =	vsel vm9, $0x3D8, v0  }
0x40d: {  	[tilespmem:$0x1DF30] =	vst v0;
	v0 =	vld [tilespmem:$0x1DB30];
	_ =	sdelay $0x4  }
0x40e: {  	v0 =	vsel vm9, $0x1A00, v0  }
0x40f: {  	[tilespmem:$0x1DF40] =	vst v0;
	v0 =	vld [tilespmem:$0x1DB40];
	_ =	sdelay $0x4  }
0x410: {  	v0 =	vsel vm9, $0x68, v0  }
0x411: {  	[tilespmem:$0x1DF50] =	vst v0;
	v0 =	vld [tilespmem:$0x1DB50];
	_ =	sdelay $0x4  }
0x412: {  	v0 =	vsel vm9, $0x1A01, v0  }
0x413: {  	[tilespmem:$0x1DF60] =	vst v0;
	v0 =	vld [tilespmem:$0x1DB60];
	_ =	sdelay $0x4  }
0x414: {  	v0 =	vsel vm9, $0xE8, v0  }
0x415: {  	[tilespmem:$0x1DF70] =	vst v0;
	v0 =	vld [tilespmem:$0x1DB70];
	_ =	sdelay $0x4  }
0x416: {  	v0 =	vsel vm9, $0x1A02, v0  }
0x417: {  	[tilespmem:$0x1DF80] =	vst v0;
	v0 =	vld [tilespmem:$0x1DB80];
	_ =	sdelay $0x4  }
0x418: {  	v0 =	vsel vm9, $0x168, v0  }
0x419: {  	[tilespmem:$0x1DF90] =	vst v0;
	v0 =	vld [tilespmem:$0x1DB90];
	_ =	sdelay $0x4  }
0x41a: {  	v0 =	vsel vm9, $0x1A03, v0  }
0x41b: {  	[tilespmem:$0x1DFA0] =	vst v0;
	v0 =	vld [tilespmem:$0x1DBA0];
	_ =	sdelay $0x4  }
0x41c: {  	v0 =	vsel vm9, $0x1E8, v0  }
0x41d: {  	[tilespmem:$0x1DFB0] =	vst v0;
	v0 =	vld [tilespmem:$0x1DBB0];
	_ =	sdelay $0x4  }
0x41e: {  	v0 =	vsel vm9, $0x1A04, v0  }
0x41f: {  	[tilespmem:$0x1DFC0] =	vst v0;
	v0 =	vld [tilespmem:$0x1DBC0];
	_ =	sdelay $0x4  }
0x420: {  	v0 =	vsel vm9, $0x268, v0  }
0x421: {  	[tilespmem:$0x1DFD0] =	vst v0;
	v0 =	vld [tilespmem:$0x1DBD0];
	_ =	sdelay $0x4  }
0x422: {  	v0 =	vsel vm9, $0x1A05, v0  }
0x423: {  	[tilespmem:$0x1DFE0] =	vst v0;
	v0 =	vld [tilespmem:$0x1DBE0];
	_ =	sdelay $0x4  }
0x424: {  	v0 =	vsel vm9, $0x2E8, v0  }
0x425: {  	[tilespmem:$0x1DFF0] =	vst v0;
	v0 =	vld [tilespmem:$0x1DBF0];
	_ =	sdelay $0x4  }
0x426: {  	v0 =	vsel vm9, $0x1A06, v0  }
0x427: {  	[tilespmem:$0x1E000] =	vst v0;
	v0 =	vld [tilespmem:$0x1DC00];
	_ =	sdelay $0x4  }
0x428: {  	v0 =	vsel vm9, $0x368, v0  }
0x429: {  	[tilespmem:$0x1E010] =	vst v0;
	v0 =	vld [tilespmem:$0x1DC10];
	_ =	sdelay $0x4  }
0x42a: {  	v0 =	vsel vm9, $0x1A07, v0  }
0x42b: {  	[tilespmem:$0x1E020] =	vst v0;
	v0 =	vld [tilespmem:$0x1DC20];
	_ =	sdelay $0x4  }
0x42c: {  	v0 =	vsel vm9, $0x3E8, v0  }
0x42d: {  	[tilespmem:$0x1E030] =	vst v0;
	v0 =	vld [tilespmem:$0x1DC30];
	_ =	sdelay $0x4  }
0x42e: {  	v0 =	vsel vm9, $0x1E00, v0  }
0x42f: {  	[tilespmem:$0x1E040] =	vst v0;
	v0 =	vld [tilespmem:$0x1DC40];
	_ =	sdelay $0x4  }
0x430: {  	v0 =	vsel vm9, $0x78, v0  }
0x431: {  	[tilespmem:$0x1E050] =	vst v0;
	v0 =	vld [tilespmem:$0x1DC50];
	_ =	sdelay $0x4  }
0x432: {  	v0 =	vsel vm9, $0x1E01, v0  }
0x433: {  	[tilespmem:$0x1E060] =	vst v0;
	v0 =	vld [tilespmem:$0x1DC60];
	_ =	sdelay $0x4  }
0x434: {  	v0 =	vsel vm9, $0xF8, v0  }
0x435: {  	[tilespmem:$0x1E070] =	vst v0;
	v0 =	vld [tilespmem:$0x1DC70];
	_ =	sdelay $0x4  }
0x436: {  	v0 =	vsel vm9, $0x1E02, v0  }
0x437: {  	[tilespmem:$0x1E080] =	vst v0;
	v0 =	vld [tilespmem:$0x1DC80];
	_ =	sdelay $0x4  }
0x438: {  	v0 =	vsel vm9, $0x178, v0  }
0x439: {  	[tilespmem:$0x1E090] =	vst v0;
	v0 =	vld [tilespmem:$0x1DC90];
	_ =	sdelay $0x4  }
0x43a: {  	v0 =	vsel vm9, $0x1E03, v0  }
0x43b: {  	[tilespmem:$0x1E0A0] =	vst v0;
	v0 =	vld [tilespmem:$0x1DCA0];
	_ =	sdelay $0x4  }
0x43c: {  	v0 =	vsel vm9, $0x1F8, v0  }
0x43d: {  	[tilespmem:$0x1E0B0] =	vst v0;
	v0 =	vld [tilespmem:$0x1DCB0];
	_ =	sdelay $0x4  }
0x43e: {  	v0 =	vsel vm9, $0x1E04, v0  }
0x43f: {  	[tilespmem:$0x1E0C0] =	vst v0;
	v0 =	vld [tilespmem:$0x1DCC0];
	_ =	sdelay $0x4  }
0x440: {  	v0 =	vsel vm9, $0x278, v0  }
0x441: {  	[tilespmem:$0x1E0D0] =	vst v0;
	v0 =	vld [tilespmem:$0x1DCD0];
	_ =	sdelay $0x4  }
0x442: {  	v0 =	vsel vm9, $0x1E05, v0  }
0x443: {  	[tilespmem:$0x1E0E0] =	vst v0;
	v0 =	vld [tilespmem:$0x1DCE0];
	_ =	sdelay $0x4  }
0x444: {  	v0 =	vsel vm9, $0x2F8, v0  }
0x445: {  	[tilespmem:$0x1E0F0] =	vst v0;
	v0 =	vld [tilespmem:$0x1DCF0];
	_ =	sdelay $0x4  }
0x446: {  	v0 =	vsel vm9, $0x1E06, v0  }
0x447: {  	[tilespmem:$0x1E100] =	vst v0;
	v0 =	vld [tilespmem:$0x1DD00];
	_ =	sdelay $0x4  }
0x448: {  	v0 =	vsel vm9, $0x378, v0  }
0x449: {  	[tilespmem:$0x1E110] =	vst v0;
	v0 =	vld [tilespmem:$0x1DD10];
	_ =	sdelay $0x4  }
0x44a: {  	v0 =	vsel vm9, $0x1E07, v0  }
0x44b: {  	[tilespmem:$0x1E120] =	vst v0;
	v0 =	vld [tilespmem:$0x1DD20];
	_ =	sdelay $0x4  }
0x44c: {  	v0 =	vsel vm9, $0x3F8, v0  }
0x44d: {  	[tilespmem:$0x1E130] =	vst v0;
	v0 =	vld [tilespmem:$0x1DD30];
	_ =	sdelay $0x3  }
0x44e: {  	vm10 =	vcmask $0x2724  }
0x44f: {  	v0 =	vsel vm10, $0x241, v0  }
0x450: {  	[tilespmem:$0x1E140] =	vst v0;
	v0 =	vld [tilespmem:$0x1DD40];
	_ =	sdelay $0x4  }
0x451: {  	v0 =	vsel vm10, $0x1241, v0  }
0x452: {  	[tilespmem:$0x1E150] =	vst v0;
	v0 =	vld [tilespmem:$0x1DD50];
	_ =	sdelay $0x4  }
0x453: {  	v0 =	vsel vm10, $0xC9, v0  }
0x454: {  	[tilespmem:$0x1E160] =	vst v0;
	v0 =	vld [tilespmem:$0x1DD60];
	_ =	sdelay $0x4  }
0x455: {  	v0 =	vsel vm10, $0x1242, v0  }
0x456: {  	[tilespmem:$0x1E170] =	vst v0;
	v0 =	vld [tilespmem:$0x1DD70];
	_ =	sdelay $0x4  }
0x457: {  	v0 =	vsel vm10, $0x149, v0  }
0x458: {  	[tilespmem:$0x1E180] =	vst v0;
	v0 =	vld [tilespmem:$0x1DD80];
	_ =	sdelay $0x4  }
0x459: {  	v0 =	vsel vm10, $0x1243, v0  }
0x45a: {  	[tilespmem:$0x1E190] =	vst v0;
	v0 =	vld [tilespmem:$0x1DD90];
	_ =	sdelay $0x4  }
0x45b: {  	v0 =	vsel vm10, $0x1C9, v0  }
0x45c: {  	[tilespmem:$0x1E1A0] =	vst v0;
	v0 =	vld [tilespmem:$0x1DDA0];
	_ =	sdelay $0x4  }
0x45d: {  	v0 =	vsel vm10, $0x1244, v0  }
0x45e: {  	[tilespmem:$0x1E1B0] =	vst v0;
	v0 =	vld [tilespmem:$0x1DDB0];
	_ =	sdelay $0x4  }
0x45f: {  	v0 =	vsel vm10, $0x249, v0  }
0x460: {  	[tilespmem:$0x1E1C0] =	vst v0;
	v0 =	vld [tilespmem:$0x1DDC0];
	_ =	sdelay $0x4  }
0x461: {  	v0 =	vsel vm10, $0x1245, v0  }
0x462: {  	[tilespmem:$0x1E1D0] =	vst v0;
	v0 =	vld [tilespmem:$0x1DDD0];
	_ =	sdelay $0x4  }
0x463: {  	v0 =	vsel vm10, $0x2C9, v0  }
0x464: {  	[tilespmem:$0x1E1E0] =	vst v0;
	v0 =	vld [tilespmem:$0x1DDE0];
	_ =	sdelay $0x4  }
0x465: {  	v0 =	vsel vm10, $0x1246, v0  }
0x466: {  	[tilespmem:$0x1E1F0] =	vst v0;
	v0 =	vld [tilespmem:$0x1DDF0];
	_ =	sdelay $0x4  }
0x467: {  	v0 =	vsel vm10, $0x349, v0  }
0x468: {  	[tilespmem:$0x1E200] =	vst v0;
	v0 =	vld [tilespmem:$0x1DE00];
	_ =	sdelay $0x4  }
0x469: {  	v0 =	vsel vm10, $0x1247, v0  }
0x46a: {  	[tilespmem:$0x1E210] =	vst v0;
	v0 =	vld [tilespmem:$0x1DE10];
	_ =	sdelay $0x4  }
0x46b: {  	v0 =	vsel vm10, $0x3C9, v0  }
0x46c: {  	[tilespmem:$0x1E220] =	vst v0;
	v0 =	vld [tilespmem:$0x1DE20];
	_ =	sdelay $0x4  }
0x46d: {  	v0 =	vsel vm10, $0x1240, v0  }
0x46e: {  	[tilespmem:$0x1E230] =	vst v0;
	v0 =	vld [tilespmem:$0x1DE30];
	_ =	sdelay $0x4  }
0x46f: {  	v0 =	vsel vm10, $0x49, v0  }
0x470: {  	[tilespmem:$0x1E240] =	vst v0;
	v0 =	vld [tilespmem:$0x1DE40];
	_ =	sdelay $0x4  }
0x471: {  	v0 =	vsel vm10, $0x1641, v0  }
0x472: {  	[tilespmem:$0x1E250] =	vst v0;
	v0 =	vld [tilespmem:$0x1DE50];
	_ =	sdelay $0x4  }
0x473: {  	v0 =	vsel vm10, $0xD9, v0  }
0x474: {  	[tilespmem:$0x1E260] =	vst v0;
	v0 =	vld [tilespmem:$0x1DE60];
	_ =	sdelay $0x4  }
0x475: {  	v0 =	vsel vm10, $0x1642, v0  }
0x476: {  	[tilespmem:$0x1E270] =	vst v0;
	v0 =	vld [tilespmem:$0x1DE70];
	_ =	sdelay $0x4  }
0x477: {  	v0 =	vsel vm10, $0x159, v0  }
0x478: {  	[tilespmem:$0x1E280] =	vst v0;
	v0 =	vld [tilespmem:$0x1DE80];
	_ =	sdelay $0x4  }
0x479: {  	v0 =	vsel vm10, $0x1643, v0  }
0x47a: {  	[tilespmem:$0x1E290] =	vst v0;
	v0 =	vld [tilespmem:$0x1DE90];
	_ =	sdelay $0x4  }
0x47b: {  	v0 =	vsel vm10, $0x1D9, v0  }
0x47c: {  	[tilespmem:$0x1E2A0] =	vst v0;
	v0 =	vld [tilespmem:$0x1DEA0];
	_ =	sdelay $0x4  }
0x47d: {  	v0 =	vsel vm10, $0x1644, v0  }
0x47e: {  	[tilespmem:$0x1E2B0] =	vst v0;
	v0 =	vld [tilespmem:$0x1DEB0];
	_ =	sdelay $0x4  }
0x47f: {  	v0 =	vsel vm10, $0x259, v0  }
0x480: {  	[tilespmem:$0x1E2C0] =	vst v0;
	v0 =	vld [tilespmem:$0x1DEC0];
	_ =	sdelay $0x4  }
0x481: {  	v0 =	vsel vm10, $0x1645, v0  }
0x482: {  	[tilespmem:$0x1E2D0] =	vst v0;
	v0 =	vld [tilespmem:$0x1DED0];
	_ =	sdelay $0x4  }
0x483: {  	v0 =	vsel vm10, $0x2D9, v0  }
0x484: {  	[tilespmem:$0x1E2E0] =	vst v0;
	v0 =	vld [tilespmem:$0x1DEE0];
	_ =	sdelay $0x4  }
0x485: {  	v0 =	vsel vm10, $0x1646, v0  }
0x486: {  	[tilespmem:$0x1E2F0] =	vst v0;
	v0 =	vld [tilespmem:$0x1DEF0];
	_ =	sdelay $0x4  }
0x487: {  	v0 =	vsel vm10, $0x359, v0  }
0x488: {  	[tilespmem:$0x1E300] =	vst v0;
	v0 =	vld [tilespmem:$0x1DF00];
	_ =	sdelay $0x4  }
0x489: {  	v0 =	vsel vm10, $0x1647, v0  }
0x48a: {  	[tilespmem:$0x1E310] =	vst v0;
	v0 =	vld [tilespmem:$0x1DF10];
	_ =	sdelay $0x4  }
0x48b: {  	v0 =	vsel vm10, $0x3D9, v0  }
0x48c: {  	[tilespmem:$0x1E320] =	vst v0;
	v0 =	vld [tilespmem:$0x1DF20];
	_ =	sdelay $0x4  }
0x48d: {  	v0 =	vsel vm10, $0x1640, v0  }
0x48e: {  	[tilespmem:$0x1E330] =	vst v0;
	v0 =	vld [tilespmem:$0x1DF30];
	_ =	sdelay $0x4  }
0x48f: {  	v0 =	vsel vm10, $0x59, v0  }
0x490: {  	[tilespmem:$0x1E340] =	vst v0;
	v0 =	vld [tilespmem:$0x1DF40];
	_ =	sdelay $0x4  }
0x491: {  	v0 =	vsel vm10, $0x1A41, v0  }
0x492: {  	[tilespmem:$0x1E350] =	vst v0;
	v0 =	vld [tilespmem:$0x1DF50];
	_ =	sdelay $0x4  }
0x493: {  	v0 =	vsel vm10, $0xE9, v0  }
0x494: {  	[tilespmem:$0x1E360] =	vst v0;
	v0 =	vld [tilespmem:$0x1DF60];
	_ =	sdelay $0x4  }
0x495: {  	v0 =	vsel vm10, $0x1A42, v0  }
0x496: {  	[tilespmem:$0x1E370] =	vst v0;
	v0 =	vld [tilespmem:$0x1DF70];
	_ =	sdelay $0x4  }
0x497: {  	v0 =	vsel vm10, $0x169, v0  }
0x498: {  	[tilespmem:$0x1E380] =	vst v0;
	v0 =	vld [tilespmem:$0x1DF80];
	_ =	sdelay $0x4  }
0x499: {  	v0 =	vsel vm10, $0x1A43, v0  }
0x49a: {  	[tilespmem:$0x1E390] =	vst v0;
	v0 =	vld [tilespmem:$0x1DF90];
	_ =	sdelay $0x4  }
0x49b: {  	v0 =	vsel vm10, $0x1E9, v0  }
0x49c: {  	[tilespmem:$0x1E3A0] =	vst v0;
	v0 =	vld [tilespmem:$0x1DFA0];
	_ =	sdelay $0x4  }
0x49d: {  	v0 =	vsel vm10, $0x1A44, v0  }
0x49e: {  	[tilespmem:$0x1E3B0] =	vst v0;
	v0 =	vld [tilespmem:$0x1DFB0];
	_ =	sdelay $0x4  }
0x49f: {  	v0 =	vsel vm10, $0x269, v0  }
0x4a0: {  	[tilespmem:$0x1E3C0] =	vst v0;
	v0 =	vld [tilespmem:$0x1DFC0];
	_ =	sdelay $0x4  }
0x4a1: {  	v0 =	vsel vm10, $0x1A45, v0  }
0x4a2: {  	[tilespmem:$0x1E3D0] =	vst v0;
	v0 =	vld [tilespmem:$0x1DFD0];
	_ =	sdelay $0x4  }
0x4a3: {  	v0 =	vsel vm10, $0x2E9, v0  }
0x4a4: {  	[tilespmem:$0x1E3E0] =	vst v0;
	v0 =	vld [tilespmem:$0x1DFE0];
	_ =	sdelay $0x4  }
0x4a5: {  	v0 =	vsel vm10, $0x1A46, v0  }
0x4a6: {  	[tilespmem:$0x1E3F0] =	vst v0;
	v0 =	vld [tilespmem:$0x1DFF0];
	_ =	sdelay $0x4  }
0x4a7: {  	v0 =	vsel vm10, $0x369, v0  }
0x4a8: {  	[tilespmem:$0x1E400] =	vst v0;
	v0 =	vld [tilespmem:$0x1E000];
	_ =	sdelay $0x4  }
0x4a9: {  	v0 =	vsel vm10, $0x1A47, v0  }
0x4aa: {  	[tilespmem:$0x1E410] =	vst v0;
	v0 =	vld [tilespmem:$0x1E010];
	_ =	sdelay $0x4  }
0x4ab: {  	v0 =	vsel vm10, $0x3E9, v0  }
0x4ac: {  	[tilespmem:$0x1E420] =	vst v0;
	v0 =	vld [tilespmem:$0x1E020];
	_ =	sdelay $0x4  }
0x4ad: {  	v0 =	vsel vm10, $0x1A40, v0  }
0x4ae: {  	[tilespmem:$0x1E430] =	vst v0;
	v0 =	vld [tilespmem:$0x1E030];
	_ =	sdelay $0x4  }
0x4af: {  	v0 =	vsel vm10, $0x69, v0  }
0x4b0: {  	[tilespmem:$0x1E440] =	vst v0;
	v0 =	vld [tilespmem:$0x1E040];
	_ =	sdelay $0x4  }
0x4b1: {  	v0 =	vsel vm10, $0x1E41, v0  }
0x4b2: {  	[tilespmem:$0x1E450] =	vst v0;
	v0 =	vld [tilespmem:$0x1E050];
	_ =	sdelay $0x4  }
0x4b3: {  	v0 =	vsel vm10, $0xF9, v0  }
0x4b4: {  	[tilespmem:$0x1E460] =	vst v0;
	v0 =	vld [tilespmem:$0x1E060];
	_ =	sdelay $0x4  }
0x4b5: {  	v0 =	vsel vm10, $0x1E42, v0  }
0x4b6: {  	[tilespmem:$0x1E470] =	vst v0;
	v0 =	vld [tilespmem:$0x1E070];
	_ =	sdelay $0x4  }
0x4b7: {  	v0 =	vsel vm10, $0x179, v0  }
0x4b8: {  	[tilespmem:$0x1E480] =	vst v0;
	v0 =	vld [tilespmem:$0x1E080];
	_ =	sdelay $0x4  }
0x4b9: {  	v0 =	vsel vm10, $0x1E43, v0  }
0x4ba: {  	[tilespmem:$0x1E490] =	vst v0;
	v0 =	vld [tilespmem:$0x1E090];
	_ =	sdelay $0x4  }
0x4bb: {  	v0 =	vsel vm10, $0x1F9, v0  }
0x4bc: {  	[tilespmem:$0x1E4A0] =	vst v0;
	v0 =	vld [tilespmem:$0x1E0A0];
	_ =	sdelay $0x4  }
0x4bd: {  	v0 =	vsel vm10, $0x1E44, v0  }
0x4be: {  	[tilespmem:$0x1E4B0] =	vst v0;
	v0 =	vld [tilespmem:$0x1E0B0];
	_ =	sdelay $0x4  }
0x4bf: {  	v0 =	vsel vm10, $0x279, v0  }
0x4c0: {  	[tilespmem:$0x1E4C0] =	vst v0;
	v0 =	vld [tilespmem:$0x1E0C0];
	_ =	sdelay $0x4  }
0x4c1: {  	v0 =	vsel vm10, $0x1E45, v0  }
0x4c2: {  	[tilespmem:$0x1E4D0] =	vst v0;
	v0 =	vld [tilespmem:$0x1E0D0];
	_ =	sdelay $0x4  }
0x4c3: {  	v0 =	vsel vm10, $0x2F9, v0  }
0x4c4: {  	[tilespmem:$0x1E4E0] =	vst v0;
	v0 =	vld [tilespmem:$0x1E0E0];
	_ =	sdelay $0x4  }
0x4c5: {  	v0 =	vsel vm10, $0x1E46, v0  }
0x4c6: {  	[tilespmem:$0x1E4F0] =	vst v0;
	v0 =	vld [tilespmem:$0x1E0F0];
	_ =	sdelay $0x4  }
0x4c7: {  	v0 =	vsel vm10, $0x379, v0  }
0x4c8: {  	[tilespmem:$0x1E500] =	vst v0;
	v0 =	vld [tilespmem:$0x1E100];
	_ =	sdelay $0x4  }
0x4c9: {  	v0 =	vsel vm10, $0x1E47, v0  }
0x4ca: {  	[tilespmem:$0x1E510] =	vst v0;
	v0 =	vld [tilespmem:$0x1E110];
	_ =	sdelay $0x4  }
0x4cb: {  	v0 =	vsel vm10, $0x3F9, v0  }
0x4cc: {  	[tilespmem:$0x1E520] =	vst v0;
	v0 =	vld [tilespmem:$0x1E120];
	_ =	sdelay $0x4  }
0x4cd: {  	v0 =	vsel vm10, $0x1E40, v0  }
0x4ce: {  	[tilespmem:$0x1E530] =	vst v0;
	v0 =	vld [tilespmem:$0x1E130];
	_ =	sdelay $0x4  }
0x4cf: {  	v0 =	vsel vm10, $0x79, v0  }
0x4d0: {  	[tilespmem:$0x1E540] =	vst v0;
	v0 =	vld [tilespmem:$0x1E140];
	_ =	sdelay $0x3  }
0x4d1: {  	vm11 =	vcmask $0x2B28  }
0x4d2: {  	v0 =	vsel vm11, $0x282, v0  }
0x4d3: {  	[tilespmem:$0x1E550] =	vst v0;
	v0 =	vld [tilespmem:$0x1E150];
	_ =	sdelay $0x4  }
0x4d4: {  	v0 =	vsel vm11, $0x1282, v0  }
0x4d5: {  	[tilespmem:$0x1E560] =	vst v0;
	v0 =	vld [tilespmem:$0x1E160];
	_ =	sdelay $0x4  }
0x4d6: {  	v0 =	vsel vm11, $0x14A, v0  }
0x4d7: {  	[tilespmem:$0x1E570] =	vst v0;
	v0 =	vld [tilespmem:$0x1E170];
	_ =	sdelay $0x4  }
0x4d8: {  	v0 =	vsel vm11, $0x1283, v0  }
0x4d9: {  	[tilespmem:$0x1E580] =	vst v0;
	v0 =	vld [tilespmem:$0x1E180];
	_ =	sdelay $0x4  }
0x4da: {  	v0 =	vsel vm11, $0x1CA, v0  }
0x4db: {  	[tilespmem:$0x1E590] =	vst v0;
	v0 =	vld [tilespmem:$0x1E190];
	_ =	sdelay $0x4  }
0x4dc: {  	v0 =	vsel vm11, $0x1284, v0  }
0x4dd: {  	[tilespmem:$0x1E5A0] =	vst v0;
	v0 =	vld [tilespmem:$0x1E1A0];
	_ =	sdelay $0x4  }
0x4de: {  	v0 =	vsel vm11, $0x24A, v0  }
0x4df: {  	[tilespmem:$0x1E5B0] =	vst v0;
	v0 =	vld [tilespmem:$0x1E1B0];
	_ =	sdelay $0x4  }
0x4e0: {  	v0 =	vsel vm11, $0x1285, v0  }
0x4e1: {  	[tilespmem:$0x1E5C0] =	vst v0;
	v0 =	vld [tilespmem:$0x1E1C0];
	_ =	sdelay $0x4  }
0x4e2: {  	v0 =	vsel vm11, $0x2CA, v0  }
0x4e3: {  	[tilespmem:$0x1E5D0] =	vst v0;
	v0 =	vld [tilespmem:$0x1E1D0];
	_ =	sdelay $0x4  }
0x4e4: {  	v0 =	vsel vm11, $0x1286, v0  }
0x4e5: {  	[tilespmem:$0x1E5E0] =	vst v0;
	v0 =	vld [tilespmem:$0x1E1E0];
	_ =	sdelay $0x4  }
0x4e6: {  	v0 =	vsel vm11, $0x34A, v0  }
0x4e7: {  	[tilespmem:$0x1E5F0] =	vst v0;
	v0 =	vld [tilespmem:$0x1E1F0];
	_ =	sdelay $0x4  }
0x4e8: {  	v0 =	vsel vm11, $0x1287, v0  }
0x4e9: {  	[tilespmem:$0x1E600] =	vst v0;
	v0 =	vld [tilespmem:$0x1E200];
	_ =	sdelay $0x4  }
0x4ea: {  	v0 =	vsel vm11, $0x3CA, v0  }
0x4eb: {  	[tilespmem:$0x1E610] =	vst v0;
	v0 =	vld [tilespmem:$0x1E210];
	_ =	sdelay $0x4  }
0x4ec: {  	v0 =	vsel vm11, $0x1280, v0  }
0x4ed: {  	[tilespmem:$0x1E620] =	vst v0;
	v0 =	vld [tilespmem:$0x1E220];
	_ =	sdelay $0x4  }
0x4ee: {  	v0 =	vsel vm11, $0x4A, v0  }
0x4ef: {  	[tilespmem:$0x1E630] =	vst v0;
	v0 =	vld [tilespmem:$0x1E230];
	_ =	sdelay $0x4  }
0x4f0: {  	v0 =	vsel vm11, $0x1281, v0  }
0x4f1: {  	[tilespmem:$0x1E640] =	vst v0;
	v0 =	vld [tilespmem:$0x1E240];
	_ =	sdelay $0x4  }
0x4f2: {  	v0 =	vsel vm11, $0xCA, v0  }
0x4f3: {  	[tilespmem:$0x1E650] =	vst v0;
	v0 =	vld [tilespmem:$0x1E250];
	_ =	sdelay $0x4  }
0x4f4: {  	v0 =	vsel vm11, $0x1682, v0  }
0x4f5: {  	[tilespmem:$0x1E660] =	vst v0;
	v0 =	vld [tilespmem:$0x1E260];
	_ =	sdelay $0x4  }
0x4f6: {  	v0 =	vsel vm11, $0x15A, v0  }
0x4f7: {  	[tilespmem:$0x1E670] =	vst v0;
	v0 =	vld [tilespmem:$0x1E270];
	_ =	sdelay $0x4  }
0x4f8: {  	v0 =	vsel vm11, $0x1683, v0  }
0x4f9: {  	[tilespmem:$0x1E680] =	vst v0;
	v0 =	vld [tilespmem:$0x1E280];
	_ =	sdelay $0x4  }
0x4fa: {  	v0 =	vsel vm11, $0x1DA, v0  }
0x4fb: {  	[tilespmem:$0x1E690] =	vst v0;
	v0 =	vld [tilespmem:$0x1E290];
	_ =	sdelay $0x4  }
0x4fc: {  	v0 =	vsel vm11, $0x1684, v0  }
0x4fd: {  	[tilespmem:$0x1E6A0] =	vst v0;
	v0 =	vld [tilespmem:$0x1E2A0];
	_ =	sdelay $0x4  }
0x4fe: {  	v0 =	vsel vm11, $0x25A, v0  }
0x4ff: {  	[tilespmem:$0x1E6B0] =	vst v0;
	v0 =	vld [tilespmem:$0x1E2B0];
	_ =	sdelay $0x4  }
0x500: {  	v0 =	vsel vm11, $0x1685, v0  }
0x501: {  	[tilespmem:$0x1E6C0] =	vst v0;
	v0 =	vld [tilespmem:$0x1E2C0];
	_ =	sdelay $0x4  }
0x502: {  	v0 =	vsel vm11, $0x2DA, v0  }
0x503: {  	[tilespmem:$0x1E6D0] =	vst v0;
	v0 =	vld [tilespmem:$0x1E2D0];
	_ =	sdelay $0x4  }
0x504: {  	v0 =	vsel vm11, $0x1686, v0  }
0x505: {  	[tilespmem:$0x1E6E0] =	vst v0;
	v0 =	vld [tilespmem:$0x1E2E0];
	_ =	sdelay $0x4  }
0x506: {  	v0 =	vsel vm11, $0x35A, v0  }
0x507: {  	[tilespmem:$0x1E6F0] =	vst v0;
	v0 =	vld [tilespmem:$0x1E2F0];
	_ =	sdelay $0x4  }
0x508: {  	v0 =	vsel vm11, $0x1687, v0  }
0x509: {  	[tilespmem:$0x1E700] =	vst v0;
	v0 =	vld [tilespmem:$0x1E300];
	_ =	sdelay $0x4  }
0x50a: {  	v0 =	vsel vm11, $0x3DA, v0  }
0x50b: {  	[tilespmem:$0x1E710] =	vst v0;
	v0 =	vld [tilespmem:$0x1E310];
	_ =	sdelay $0x4  }
0x50c: {  	v0 =	vsel vm11, $0x1680, v0  }
0x50d: {  	[tilespmem:$0x1E720] =	vst v0;
	v0 =	vld [tilespmem:$0x1E320];
	_ =	sdelay $0x4  }
0x50e: {  	v0 =	vsel vm11, $0x5A, v0  }
0x50f: {  	[tilespmem:$0x1E730] =	vst v0;
	v0 =	vld [tilespmem:$0x1E330];
	_ =	sdelay $0x4  }
0x510: {  	v0 =	vsel vm11, $0x1681, v0  }
0x511: {  	[tilespmem:$0x1E740] =	vst v0;
	v0 =	vld [tilespmem:$0x1E340];
	_ =	sdelay $0x4  }
0x512: {  	v0 =	vsel vm11, $0xDA, v0  }
0x513: {  	[tilespmem:$0x1E750] =	vst v0;
	v0 =	vld [tilespmem:$0x1E350];
	_ =	sdelay $0x4  }
0x514: {  	v0 =	vsel vm11, $0x1A82, v0  }
0x515: {  	[tilespmem:$0x1E760] =	vst v0;
	v0 =	vld [tilespmem:$0x1E360];
	_ =	sdelay $0x4  }
0x516: {  	v0 =	vsel vm11, $0x16A, v0  }
0x517: {  	[tilespmem:$0x1E770] =	vst v0;
	v0 =	vld [tilespmem:$0x1E370];
	_ =	sdelay $0x4  }
0x518: {  	v0 =	vsel vm11, $0x1A83, v0  }
0x519: {  	[tilespmem:$0x1E780] =	vst v0;
	v0 =	vld [tilespmem:$0x1E380];
	_ =	sdelay $0x4  }
0x51a: {  	v0 =	vsel vm11, $0x1EA, v0  }
0x51b: {  	[tilespmem:$0x1E790] =	vst v0;
	v0 =	vld [tilespmem:$0x1E390];
	_ =	sdelay $0x4  }
0x51c: {  	v0 =	vsel vm11, $0x1A84, v0  }
0x51d: {  	[tilespmem:$0x1E7A0] =	vst v0;
	v0 =	vld [tilespmem:$0x1E3A0];
	_ =	sdelay $0x4  }
0x51e: {  	v0 =	vsel vm11, $0x26A, v0  }
0x51f: {  	[tilespmem:$0x1E7B0] =	vst v0;
	v0 =	vld [tilespmem:$0x1E3B0];
	_ =	sdelay $0x4  }
0x520: {  	v0 =	vsel vm11, $0x1A85, v0  }
0x521: {  	[tilespmem:$0x1E7C0] =	vst v0;
	v0 =	vld [tilespmem:$0x1E3C0];
	_ =	sdelay $0x4  }
0x522: {  	v0 =	vsel vm11, $0x2EA, v0  }
0x523: {  	[tilespmem:$0x1E7D0] =	vst v0;
	v0 =	vld [tilespmem:$0x1E3D0];
	_ =	sdelay $0x4  }
0x524: {  	v0 =	vsel vm11, $0x1A86, v0  }
0x525: {  	[tilespmem:$0x1E7E0] =	vst v0;
	v0 =	vld [tilespmem:$0x1E3E0];
	_ =	sdelay $0x4  }
0x526: {  	v0 =	vsel vm11, $0x36A, v0  }
0x527: {  	[tilespmem:$0x1E7F0] =	vst v0;
	v0 =	vld [tilespmem:$0x1E3F0];
	_ =	sdelay $0x4  }
0x528: {  	v0 =	vsel vm11, $0x1A87, v0  }
0x529: {  	[tilespmem:$0x1E800] =	vst v0;
	v0 =	vld [tilespmem:$0x1E400];
	_ =	sdelay $0x4  }
0x52a: {  	v0 =	vsel vm11, $0x3EA, v0  }
0x52b: {  	[tilespmem:$0x1E810] =	vst v0;
	v0 =	vld [tilespmem:$0x1E410];
	_ =	sdelay $0x4  }
0x52c: {  	v0 =	vsel vm11, $0x1A80, v0  }
0x52d: {  	[tilespmem:$0x1E820] =	vst v0;
	v0 =	vld [tilespmem:$0x1E420];
	_ =	sdelay $0x4  }
0x52e: {  	v0 =	vsel vm11, $0x6A, v0  }
0x52f: {  	[tilespmem:$0x1E830] =	vst v0;
	v0 =	vld [tilespmem:$0x1E430];
	_ =	sdelay $0x4  }
0x530: {  	v0 =	vsel vm11, $0x1A81, v0  }
0x531: {  	[tilespmem:$0x1E840] =	vst v0;
	v0 =	vld [tilespmem:$0x1E440];
	_ =	sdelay $0x4  }
0x532: {  	v0 =	vsel vm11, $0xEA, v0  }
0x533: {  	[tilespmem:$0x1E850] =	vst v0;
	v0 =	vld [tilespmem:$0x1E450];
	_ =	sdelay $0x4  }
0x534: {  	v0 =	vsel vm11, $0x1E82, v0  }
0x535: {  	[tilespmem:$0x1E860] =	vst v0;
	v0 =	vld [tilespmem:$0x1E460];
	_ =	sdelay $0x4  }
0x536: {  	v0 =	vsel vm11, $0x17A, v0  }
0x537: {  	[tilespmem:$0x1E870] =	vst v0;
	v0 =	vld [tilespmem:$0x1E470];
	_ =	sdelay $0x4  }
0x538: {  	v0 =	vsel vm11, $0x1E83, v0  }
0x539: {  	[tilespmem:$0x1E880] =	vst v0;
	v0 =	vld [tilespmem:$0x1E480];
	_ =	sdelay $0x4  }
0x53a: {  	v0 =	vsel vm11, $0x1FA, v0  }
0x53b: {  	[tilespmem:$0x1E890] =	vst v0;
	v0 =	vld [tilespmem:$0x1E490];
	_ =	sdelay $0x4  }
0x53c: {  	v0 =	vsel vm11, $0x1E84, v0  }
0x53d: {  	[tilespmem:$0x1E8A0] =	vst v0;
	v0 =	vld [tilespmem:$0x1E4A0];
	_ =	sdelay $0x4  }
0x53e: {  	v0 =	vsel vm11, $0x27A, v0  }
0x53f: {  	[tilespmem:$0x1E8B0] =	vst v0;
	v0 =	vld [tilespmem:$0x1E4B0];
	_ =	sdelay $0x4  }
0x540: {  	v0 =	vsel vm11, $0x1E85, v0  }
0x541: {  	[tilespmem:$0x1E8C0] =	vst v0;
	v0 =	vld [tilespmem:$0x1E4C0];
	_ =	sdelay $0x4  }
0x542: {  	v0 =	vsel vm11, $0x2FA, v0  }
0x543: {  	[tilespmem:$0x1E8D0] =	vst v0;
	v0 =	vld [tilespmem:$0x1E4D0];
	_ =	sdelay $0x4  }
0x544: {  	v0 =	vsel vm11, $0x1E86, v0  }
0x545: {  	[tilespmem:$0x1E8E0] =	vst v0;
	v0 =	vld [tilespmem:$0x1E4E0];
	_ =	sdelay $0x4  }
0x546: {  	v0 =	vsel vm11, $0x37A, v0  }
0x547: {  	[tilespmem:$0x1E8F0] =	vst v0;
	v0 =	vld [tilespmem:$0x1E4F0];
	_ =	sdelay $0x4  }
0x548: {  	v0 =	vsel vm11, $0x1E87, v0  }
0x549: {  	[tilespmem:$0x1E900] =	vst v0;
	v0 =	vld [tilespmem:$0x1E500];
	_ =	sdelay $0x4  }
0x54a: {  	v0 =	vsel vm11, $0x3FA, v0  }
0x54b: {  	[tilespmem:$0x1E910] =	vst v0;
	v0 =	vld [tilespmem:$0x1E510];
	_ =	sdelay $0x4  }
0x54c: {  	v0 =	vsel vm11, $0x1E80, v0  }
0x54d: {  	[tilespmem:$0x1E920] =	vst v0;
	v0 =	vld [tilespmem:$0x1E520];
	_ =	sdelay $0x4  }
0x54e: {  	v0 =	vsel vm11, $0x7A, v0  }
0x54f: {  	[tilespmem:$0x1E930] =	vst v0;
	v0 =	vld [tilespmem:$0x1E530];
	_ =	sdelay $0x4  }
0x550: {  	v0 =	vsel vm11, $0x1E81, v0  }
0x551: {  	[tilespmem:$0x1E940] =	vst v0;
	v0 =	vld [tilespmem:$0x1E540];
	_ =	sdelay $0x4  }
0x552: {  	v0 =	vsel vm11, $0xFA, v0  }
0x553: {  	[tilespmem:$0x1E950] =	vst v0;
	v0 =	vld [tilespmem:$0x1E550];
	_ =	sdelay $0x3  }
0x554: {  	vm12 =	vcmask $0x2F2C  }
0x555: {  	v0 =	vsel vm12, $0x2C3, v0  }
0x556: {  	[tilespmem:$0x1E960] =	vst v0;
	v0 =	vld [tilespmem:$0x1E560];
	_ =	sdelay $0x4  }
0x557: {  	v0 =	vsel vm12, $0x12C3, v0  }
0x558: {  	[tilespmem:$0x1E970] =	vst v0;
	v0 =	vld [tilespmem:$0x1E570];
	_ =	sdelay $0x4  }
0x559: {  	v0 =	vsel vm12, $0x1CB, v0  }
0x55a: {  	[tilespmem:$0x1E980] =	vst v0;
	v0 =	vld [tilespmem:$0x1E580];
	_ =	sdelay $0x4  }
0x55b: {  	v0 =	vsel vm12, $0x12C4, v0  }
0x55c: {  	[tilespmem:$0x1E990] =	vst v0;
	v0 =	vld [tilespmem:$0x1E590];
	_ =	sdelay $0x4  }
0x55d: {  	v0 =	vsel vm12, $0x24B, v0  }
0x55e: {  	[tilespmem:$0x1E9A0] =	vst v0;
	v0 =	vld [tilespmem:$0x1E5A0];
	_ =	sdelay $0x4  }
0x55f: {  	v0 =	vsel vm12, $0x12C5, v0  }
0x560: {  	[tilespmem:$0x1E9B0] =	vst v0;
	v0 =	vld [tilespmem:$0x1E5B0];
	_ =	sdelay $0x4  }
0x561: {  	v0 =	vsel vm12, $0x2CB, v0  }
0x562: {  	[tilespmem:$0x1E9C0] =	vst v0;
	v0 =	vld [tilespmem:$0x1E5C0];
	_ =	sdelay $0x4  }
0x563: {  	v0 =	vsel vm12, $0x12C6, v0  }
0x564: {  	[tilespmem:$0x1E9D0] =	vst v0;
	v0 =	vld [tilespmem:$0x1E5D0];
	_ =	sdelay $0x4  }
0x565: {  	v0 =	vsel vm12, $0x34B, v0  }
0x566: {  	[tilespmem:$0x1E9E0] =	vst v0;
	v0 =	vld [tilespmem:$0x1E5E0];
	_ =	sdelay $0x4  }
0x567: {  	v0 =	vsel vm12, $0x12C7, v0  }
0x568: {  	[tilespmem:$0x1E9F0] =	vst v0;
	v0 =	vld [tilespmem:$0x1E5F0];
	_ =	sdelay $0x4  }
0x569: {  	v0 =	vsel vm12, $0x3CB, v0  }
0x56a: {  	[tilespmem:$0x1EA00] =	vst v0;
	v0 =	vld [tilespmem:$0x1E600];
	_ =	sdelay $0x4  }
0x56b: {  	v0 =	vsel vm12, $0x12C0, v0  }
0x56c: {  	[tilespmem:$0x1EA10] =	vst v0;
	v0 =	vld [tilespmem:$0x1E610];
	_ =	sdelay $0x4  }
0x56d: {  	v0 =	vsel vm12, $0x4B, v0  }
0x56e: {  	[tilespmem:$0x1EA20] =	vst v0;
	v0 =	vld [tilespmem:$0x1E620];
	_ =	sdelay $0x4  }
0x56f: {  	v0 =	vsel vm12, $0x12C1, v0  }
0x570: {  	[tilespmem:$0x1EA30] =	vst v0;
	v0 =	vld [tilespmem:$0x1E630];
	_ =	sdelay $0x4  }
0x571: {  	v0 =	vsel vm12, $0xCB, v0  }
0x572: {  	[tilespmem:$0x1EA40] =	vst v0;
	v0 =	vld [tilespmem:$0x1E640];
	_ =	sdelay $0x4  }
0x573: {  	v0 =	vsel vm12, $0x12C2, v0  }
0x574: {  	[tilespmem:$0x1EA50] =	vst v0;
	v0 =	vld [tilespmem:$0x1E650];
	_ =	sdelay $0x4  }
0x575: {  	v0 =	vsel vm12, $0x14B, v0  }
0x576: {  	[tilespmem:$0x1EA60] =	vst v0;
	v0 =	vld [tilespmem:$0x1E660];
	_ =	sdelay $0x4  }
0x577: {  	v0 =	vsel vm12, $0x16C3, v0  }
0x578: {  	[tilespmem:$0x1EA70] =	vst v0;
	v0 =	vld [tilespmem:$0x1E670];
	_ =	sdelay $0x4  }
0x579: {  	v0 =	vsel vm12, $0x1DB, v0  }
0x57a: {  	[tilespmem:$0x1EA80] =	vst v0;
	v0 =	vld [tilespmem:$0x1E680];
	_ =	sdelay $0x4  }
0x57b: {  	v0 =	vsel vm12, $0x16C4, v0  }
0x57c: {  	[tilespmem:$0x1EA90] =	vst v0;
	v0 =	vld [tilespmem:$0x1E690];
	_ =	sdelay $0x4  }
0x57d: {  	v0 =	vsel vm12, $0x25B, v0  }
0x57e: {  	[tilespmem:$0x1EAA0] =	vst v0;
	v0 =	vld [tilespmem:$0x1E6A0];
	_ =	sdelay $0x4  }
0x57f: {  	v0 =	vsel vm12, $0x16C5, v0  }
0x580: {  	[tilespmem:$0x1EAB0] =	vst v0;
	v0 =	vld [tilespmem:$0x1E6B0];
	_ =	sdelay $0x4  }
0x581: {  	v0 =	vsel vm12, $0x2DB, v0  }
0x582: {  	[tilespmem:$0x1EAC0] =	vst v0;
	v0 =	vld [tilespmem:$0x1E6C0];
	_ =	sdelay $0x4  }
0x583: {  	v0 =	vsel vm12, $0x16C6, v0  }
0x584: {  	[tilespmem:$0x1EAD0] =	vst v0;
	v0 =	vld [tilespmem:$0x1E6D0];
	_ =	sdelay $0x4  }
0x585: {  	v0 =	vsel vm12, $0x35B, v0  }
0x586: {  	[tilespmem:$0x1EAE0] =	vst v0;
	v0 =	vld [tilespmem:$0x1E6E0];
	_ =	sdelay $0x4  }
0x587: {  	v0 =	vsel vm12, $0x16C7, v0  }
0x588: {  	[tilespmem:$0x1EAF0] =	vst v0;
	v0 =	vld [tilespmem:$0x1E6F0];
	_ =	sdelay $0x4  }
0x589: {  	v0 =	vsel vm12, $0x3DB, v0  }
0x58a: {  	[tilespmem:$0x1EB00] =	vst v0;
	v0 =	vld [tilespmem:$0x1E700];
	_ =	sdelay $0x4  }
0x58b: {  	v0 =	vsel vm12, $0x16C0, v0  }
0x58c: {  	[tilespmem:$0x1EB10] =	vst v0;
	v0 =	vld [tilespmem:$0x1E710];
	_ =	sdelay $0x4  }
0x58d: {  	v0 =	vsel vm12, $0x5B, v0  }
0x58e: {  	[tilespmem:$0x1EB20] =	vst v0;
	v0 =	vld [tilespmem:$0x1E720];
	_ =	sdelay $0x4  }
0x58f: {  	v0 =	vsel vm12, $0x16C1, v0  }
0x590: {  	[tilespmem:$0x1EB30] =	vst v0;
	v0 =	vld [tilespmem:$0x1E730];
	_ =	sdelay $0x4  }
0x591: {  	v0 =	vsel vm12, $0xDB, v0  }
0x592: {  	[tilespmem:$0x1EB40] =	vst v0;
	v0 =	vld [tilespmem:$0x1E740];
	_ =	sdelay $0x4  }
0x593: {  	v0 =	vsel vm12, $0x16C2, v0  }
0x594: {  	[tilespmem:$0x1EB50] =	vst v0;
	v0 =	vld [tilespmem:$0x1E750];
	_ =	sdelay $0x4  }
0x595: {  	v0 =	vsel vm12, $0x15B, v0  }
0x596: {  	[tilespmem:$0x1EB60] =	vst v0;
	v0 =	vld [tilespmem:$0x1E760];
	_ =	sdelay $0x4  }
0x597: {  	v0 =	vsel vm12, $0x1AC3, v0  }
0x598: {  	[tilespmem:$0x1EB70] =	vst v0;
	v0 =	vld [tilespmem:$0x1E770];
	_ =	sdelay $0x4  }
0x599: {  	v0 =	vsel vm12, $0x1EB, v0  }
0x59a: {  	[tilespmem:$0x1EB80] =	vst v0;
	v0 =	vld [tilespmem:$0x1E780];
	_ =	sdelay $0x4  }
0x59b: {  	v0 =	vsel vm12, $0x1AC4, v0  }
0x59c: {  	[tilespmem:$0x1EB90] =	vst v0;
	v0 =	vld [tilespmem:$0x1E790];
	_ =	sdelay $0x4  }
0x59d: {  	v0 =	vsel vm12, $0x26B, v0  }
0x59e: {  	[tilespmem:$0x1EBA0] =	vst v0;
	v0 =	vld [tilespmem:$0x1E7A0];
	_ =	sdelay $0x4  }
0x59f: {  	v0 =	vsel vm12, $0x1AC5, v0  }
0x5a0: {  	[tilespmem:$0x1EBB0] =	vst v0;
	v0 =	vld [tilespmem:$0x1E7B0];
	_ =	sdelay $0x4  }
0x5a1: {  	v0 =	vsel vm12, $0x2EB, v0  }
0x5a2: {  	[tilespmem:$0x1EBC0] =	vst v0;
	v0 =	vld [tilespmem:$0x1E7C0];
	_ =	sdelay $0x4  }
0x5a3: {  	v0 =	vsel vm12, $0x1AC6, v0  }
0x5a4: {  	[tilespmem:$0x1EBD0] =	vst v0;
	v0 =	vld [tilespmem:$0x1E7D0];
	_ =	sdelay $0x4  }
0x5a5: {  	v0 =	vsel vm12, $0x36B, v0  }
0x5a6: {  	[tilespmem:$0x1EBE0] =	vst v0;
	v0 =	vld [tilespmem:$0x1E7E0];
	_ =	sdelay $0x4  }
0x5a7: {  	v0 =	vsel vm12, $0x1AC7, v0  }
0x5a8: {  	[tilespmem:$0x1EBF0] =	vst v0;
	v0 =	vld [tilespmem:$0x1E7F0];
	_ =	sdelay $0x4  }
0x5a9: {  	v0 =	vsel vm12, $0x3EB, v0  }
0x5aa: {  	[tilespmem:$0x1EC00] =	vst v0;
	v0 =	vld [tilespmem:$0x1E800];
	_ =	sdelay $0x4  }
0x5ab: {  	v0 =	vsel vm12, $0x1AC0, v0  }
0x5ac: {  	[tilespmem:$0x1EC10] =	vst v0;
	v0 =	vld [tilespmem:$0x1E810];
	_ =	sdelay $0x4  }
0x5ad: {  	v0 =	vsel vm12, $0x6B, v0  }
0x5ae: {  	[tilespmem:$0x1EC20] =	vst v0;
	v0 =	vld [tilespmem:$0x1E820];
	_ =	sdelay $0x4  }
0x5af: {  	v0 =	vsel vm12, $0x1AC1, v0  }
0x5b0: {  	[tilespmem:$0x1EC30] =	vst v0;
	v0 =	vld [tilespmem:$0x1E830];
	_ =	sdelay $0x4  }
0x5b1: {  	v0 =	vsel vm12, $0xEB, v0  }
0x5b2: {  	[tilespmem:$0x1EC40] =	vst v0;
	v0 =	vld [tilespmem:$0x1E840];
	_ =	sdelay $0x4  }
0x5b3: {  	v0 =	vsel vm12, $0x1AC2, v0  }
0x5b4: {  	[tilespmem:$0x1EC50] =	vst v0;
	v0 =	vld [tilespmem:$0x1E850];
	_ =	sdelay $0x4  }
0x5b5: {  	v0 =	vsel vm12, $0x16B, v0  }
0x5b6: {  	[tilespmem:$0x1EC60] =	vst v0;
	v0 =	vld [tilespmem:$0x1E860];
	_ =	sdelay $0x4  }
0x5b7: {  	v0 =	vsel vm12, $0x1EC3, v0  }
0x5b8: {  	[tilespmem:$0x1EC70] =	vst v0;
	v0 =	vld [tilespmem:$0x1E870];
	_ =	sdelay $0x4  }
0x5b9: {  	v0 =	vsel vm12, $0x1FB, v0  }
0x5ba: {  	[tilespmem:$0x1EC80] =	vst v0;
	v0 =	vld [tilespmem:$0x1E880];
	_ =	sdelay $0x4  }
0x5bb: {  	v0 =	vsel vm12, $0x1EC4, v0  }
0x5bc: {  	[tilespmem:$0x1EC90] =	vst v0;
	v0 =	vld [tilespmem:$0x1E890]  }
0x5bd: {  	v41 =	vsel vm5, $0x24, v41  }
0x5be: {  	v41 =	vsel vm6, $0xA5, v41  }
0x5bf: {  	v41 =	vsel vm7, $0x126, v41  }
0x5c0: {  	v41 =	vsel vm8, $0x1A7, v41  }
0x5c1: {  	v41 =	vsel vm9, $0x228, v41;
	v0 =	vsel vm12, $0x27B, v0  }
0x5c2: {  	vm13 =	vcmask $0x3330;
	v41 =	vsel vm10, $0x2A9, v41;
	[tilespmem:$0x1ECA0] =	vst v0;
	v0 =	vld [tilespmem:$0x1E8A0]  }
0x5c3: {  	v43 =	vsel vm5, $0xA4, v43;
	v41 =	vsel vm11, $0x32A, v41;
	v44 =	vsel vm5, $0x902, v44  }
0x5c4: {  	v43 =	vsel vm6, $0x125, v43;
	v41 =	vsel vm12, $0x3AB, v41;
	v45 =	vsel vm5, $0x124, v45  }
0x5c5: {  	v44 =	vsel vm6, $0x943, v44;
	v43 =	vsel vm7, $0x1A6, v43;
	v46 =	vsel vm5, $0x903, v46  }
0x5c6: {  	v45 =	vsel vm6, $0x1A5, v45;
	v44 =	vsel vm7, $0x984, v44;
	v43 =	vsel vm8, $0x227, v43  }
0x5c7: {  	v47 =	vsel vm5, $0x1A4, v47;
	v46 =	vsel vm6, $0x944, v46;
	v0 =	vsel vm12, $0x1EC5, v0  }
0x5c8: {  	v45 =	vsel vm7, $0x226, v45;
	v44 =	vsel vm8, $0x9C5, v44;
	v43 =	vsel vm9, $0x2A8, v43;
	[tilespmem:$0x1ECB0] =	vst v0;
	v0 =	vld [tilespmem:$0x1E8B0]  }
0x5c9: {  	v48 =	vsel vm5, $0xD04, v48;
	v47 =	vsel vm6, $0x225, v47;
	v46 =	vsel vm7, $0x985, v46  }
0x5ca: {  	v45 =	vsel vm8, $0x2A7, v45;
	v44 =	vsel vm9, $0xA06, v44;
	v43 =	vsel vm10, $0x329, v43  }
0x5cb: {  	v49 =	vsel vm5, $0x234, v49;
	v48 =	vsel vm6, $0xD45, v48;
	v47 =	vsel vm7, $0x2A6, v47  }
0x5cc: {  	v46 =	vsel vm8, $0x9C6, v46;
	v45 =	vsel vm9, $0x328, v45;
	v44 =	vsel vm10, $0xA47, v44  }
0x5cd: {  	v43 =	vsel vm11, $0x3AA, v43;
	v50 =	vsel vm5, $0xD05, v50;
	v0 =	vsel vm12, $0x2FB, v0  }
0x5ce: {  	v49 =	vsel vm6, $0x2B5, v49;
	v48 =	vsel vm7, $0xD86, v48;
	v47 =	vsel vm8, $0x327, v47;
	[tilespmem:$0x1ECC0] =	vst v0;
	v0 =	vld [tilespmem:$0x1E8C0]  }
0x5cf: {  	v46 =	vsel vm9, $0xA07, v46;
	v45 =	vsel vm10, $0x3A9, v45;
	v44 =	vsel vm11, $0xA80, v44  }
0x5d0: {  	v43 =	vsel vm12, $0x2B, v43;
	v51 =	vsel vm5, $0x2B4, v51;
	v50 =	vsel vm6, $0xD46, v50  }
0x5d1: {  	v49 =	vsel vm7, $0x336, v49;
	v48 =	vsel vm8, $0xDC7, v48;
	v47 =	vsel vm9, $0x3A8, v47  }
0x5d2: {  	v46 =	vsel vm10, $0xA40, v46;
	v45 =	vsel vm11, $0x2A, v45;
	v44 =	vsel vm12, $0xAC1, v44  }
0x5d3: {  	v43 =	vsel vm13, $0xAC, v43;
	v52 =	vsel vm5, $0xD06, v52;
	v0 =	vsel vm12, $0x1EC6, v0  }
0x5d4: {  	v51 =	vsel vm6, $0x335, v51;
	v50 =	vsel vm7, $0xD87, v50;
	v49 =	vsel vm8, $0x3B7, v49;
	[tilespmem:$0x1ECD0] =	vst v0;
	v0 =	vld [tilespmem:$0x1E8D0]  }
0x5d5: {  	v48 =	vsel vm9, $0xE00, v48;
	v47 =	vsel vm10, $0x29, v47;
	v46 =	vsel vm11, $0xA81, v46  }
0x5d6: {  	v45 =	vsel vm12, $0xAB, v45;
	v44 =	vsel vm13, $0xB02, v44;
	v53 =	vsel vm5, $0x334, v53  }
0x5d7: {  	v52 =	vsel vm6, $0xD47, v52;
	v51 =	vsel vm7, $0x3B6, v51;
	v50 =	vsel vm8, $0xDC0, v50  }
0x5d8: {  	v49 =	vsel vm9, $0x38, v49;
	v48 =	vsel vm10, $0xE41, v48;
	v47 =	vsel vm11, $0xAA, v47  }
0x5d9: {  	v46 =	vsel vm12, $0xAC2, v46;
	v45 =	vsel vm13, $0x12C, v45;
	v0 =	vsel vm12, $0x37B, v0  }
0x5da: {  	v54 =	vsel vm5, $0xD07, v54;
	v53 =	vsel vm6, $0x3B5, v53;
	v52 =	vsel vm7, $0xD80, v52;
	[tilespmem:$0x1ECE0] =	vst v0;
	v0 =	vld [tilespmem:$0x1E8E0]  }
0x5db: {  	v51 =	vsel vm8, $0x37, v51;
	v50 =	vsel vm9, $0xE01, v50;
	v49 =	vsel vm10, $0xB9, v49  }
0x5dc: {  	v48 =	vsel vm11, $0xE82, v48;
	v47 =	vsel vm12, $0x12B, v47;
	v46 =	vsel vm13, $0xB03, v46  }
0x5dd: {  	v55 =	vsel vm5, $0x3B4, v55;
	v54 =	vsel vm6, $0xD40, v54;
	v53 =	vsel vm7, $0x36, v53  }
0x5de: {  	v52 =	vsel vm8, $0xDC1, v52;
	v51 =	vsel vm9, $0xB8, v51;
	v50 =	vsel vm10, $0xE42, v50  }
0x5df: {  	v49 =	vsel vm11, $0x13A, v49;
	v48 =	vsel vm12, $0xEC3, v48;
	v0 =	vsel vm12, $0x1EC7, v0  }
0x5e0: {  	v47 =	vsel vm13, $0x1AC, v47;
	v56 =	vsel vm5, $0xD00, v56;
	v55 =	vsel vm6, $0x35, v55;
	[tilespmem:$0x1ECF0] =	vst v0;
	v0 =	vld [tilespmem:$0x1E8F0]  }
0x5e1: {  	v54 =	vsel vm7, $0xD81, v54;
	v53 =	vsel vm8, $0xB7, v53;
	v52 =	vsel vm9, $0xE02, v52  }
0x5e2: {  	v51 =	vsel vm10, $0x139, v51;
	v50 =	vsel vm11, $0xE83, v50;
	v49 =	vsel vm12, $0x1BB, v49  }
0x5e3: {  	v48 =	vsel vm13, $0xF04, v48;
	v57 =	vsel vm5, $0x34, v57;
	v56 =	vsel vm6, $0xD41, v56  }
0x5e4: {  	v55 =	vsel vm7, $0xB6, v55;
	v54 =	vsel vm8, $0xDC2, v54;
	v53 =	vsel vm9, $0x138, v53  }
0x5e5: {  	v52 =	vsel vm10, $0xE43, v52;
	v51 =	vsel vm11, $0x1BA, v51;
	v0 =	vsel vm12, $0x3FB, v0  }
0x5e6: {  	v50 =	vsel vm12, $0xEC4, v50;
	v49 =	vsel vm13, $0x23C, v49;
	v58 =	vsel vm5, $0xD01, v58;
	[tilespmem:$0x1ED00] =	vst v0;
	v0 =	vld [tilespmem:$0x1E900]  }
0x5e7: {  	v57 =	vsel vm6, $0xB5, v57;
	v56 =	vsel vm7, $0xD82, v56;
	v55 =	vsel vm8, $0x137, v55  }
0x5e8: {  	v54 =	vsel vm9, $0xE03, v54;
	v53 =	vsel vm10, $0x1B9, v53;
	v52 =	vsel vm11, $0xE84, v52  }
0x5e9: {  	v51 =	vsel vm12, $0x23B, v51;
	v50 =	vsel vm13, $0xF05, v50;
	v59 =	vsel vm5, $0xB4, v59  }
0x5ea: {  	v58 =	vsel vm6, $0xD42, v58;
	v57 =	vsel vm7, $0x136, v57;
	v39 =	vsel vm5, $0x3A4, v39  }
0x5eb: {  	v39 =	vsel vm6, $0x25, v39;
	v42 =	vsel vm5, $0x901, v42;
	v0 =	vsel vm12, $0x1EC0, v0  }
0x5ec: {  	v56 =	vsel vm8, $0xDC3, v56;
	v39 =	vsel vm7, $0xA6, v39;
	v42 =	vsel vm6, $0x942, v42;
	[tilespmem:$0x1ED10] =	vst v0;
	v0 =	vld [tilespmem:$0x1E910]  }
0x5ed: {  	v55 =	vsel vm9, $0x1B8, v55;
	v39 =	vsel vm8, $0x127, v39;
	v42 =	vsel vm7, $0x983, v42  }
0x5ee: {  	v54 =	vsel vm10, $0xE44, v54;
	v39 =	vsel vm9, $0x1A8, v39;
	v42 =	vsel vm8, $0x9C4, v42  }
0x5ef: {  	v53 =	vsel vm11, $0x23A, v53;
	v39 =	vsel vm10, $0x229, v39;
	v42 =	vsel vm9, $0xA05, v42  }
0x5f0: {  	v52 =	vsel vm12, $0xEC5, v52;
	v39 =	vsel vm11, $0x2AA, v39;
	v42 =	vsel vm10, $0xA46, v42  }
0x5f1: {  	v39 =	vsel vm12, $0x32B, v39;
	v42 =	vsel vm11, $0xA87, v42;
	v0 =	vsel vm12, $0x7B, v0  }
0x5f2: {  	v51 =	vsel vm13, $0x2BC, v51;
	v39 =	vsel vm13, $0x3AC, v39;
	v42 =	vsel vm12, $0xAC0, v42;
	[tilespmem:$0x1ED20] =	vst v0;
	v0 =	vld [tilespmem:$0x1E920]  }
0x5f3: {  	v60 =	vsel vm5, $0xD02, v60;
	v59 =	vsel vm6, $0x135, v59;
	v42 =	vsel vm13, $0xB01, v42;
	[tilespmem:$0x1ED70] =	vst v39  }
0x5f4: {  	v58 =	vsel vm7, $0xD83, v58;
	v57 =	vsel vm8, $0x1B7, v57;
	v56 =	vsel vm9, $0xE04, v56;
	[tilespmem:$0x1EDA0] =	vst v42  }
0x5f5: {  	v55 =	vsel vm10, $0x239, v55;
	v54 =	vsel vm11, $0xE85, v54;
	v53 =	vsel vm12, $0x2BB, v53;
	[tilespmem:$0x1EDB0] =	vst v43  }
0x5f6: {  	v52 =	vsel vm13, $0xF06, v52;
	v61 =	vsel vm5, $0x134, v61;
	v60 =	vsel vm6, $0xD43, v60;
	[tilespmem:$0x1EDC0] =	vst v44  }
0x5f7: {  	v59 =	vsel vm7, $0x1B6, v59;
	v58 =	vsel vm8, $0xDC4, v58;
	[tilespmem:$0x1EDD0] =	vst v45;
	v0 =	vsel vm12, $0x1EC1, v0  }
0x5f8: {  	v57 =	vsel vm9, $0x238, v57;
	v56 =	vsel vm10, $0xE45, v56;
	v55 =	vsel vm11, $0x2BA, v55;
	[tilespmem:$0x1ED30] =	vst v0;
	v0 =	vld [tilespmem:$0x1E930]  }
0x5f9: {  	v54 =	vsel vm12, $0xEC6, v54;
	v53 =	vsel vm13, $0x33C, v53;
	v62 =	vsel vm5, $0xD03, v62;
	[tilespmem:$0x1EDE0] =	vst v46  }
0x5fa: {  	v61 =	vsel vm6, $0x1B5, v61;
	v60 =	vsel vm7, $0xD84, v60;
	v59 =	vsel vm8, $0x237, v59;
	[tilespmem:$0x1EDF0] =	vst v47  }
0x5fb: {  	v58 =	vsel vm9, $0xE05, v58;
	v57 =	vsel vm10, $0x2B9, v57;
	v56 =	vsel vm11, $0xE86, v56;
	[tilespmem:$0x1EE00] =	vst v48  }
0x5fc: {  	v55 =	vsel vm12, $0x33B, v55;
	v54 =	vsel vm13, $0xF07, v54;
	v62 =	vsel vm6, $0xD44, v62;
	[tilespmem:$0x1EE10] =	vst v49  }
0x5fd: {  	v61 =	vsel vm7, $0x236, v61;
	v60 =	vsel vm8, $0xDC5, v60;
	[tilespmem:$0x1EE20] =	vst v50;
	v0 =	vsel vm12, $0xFB, v0  }
0x5fe: {  	v59 =	vsel vm9, $0x2B8, v59;
	v58 =	vsel vm10, $0xE46, v58;
	v57 =	vsel vm11, $0x33A, v57;
	[tilespmem:$0x1ED40] =	vst v0;
	v0 =	vld [tilespmem:$0x1E940]  }
0x5ff: {  	v56 =	vsel vm12, $0xEC7, v56;
	v55 =	vsel vm13, $0x3BC, v55;
	v40 =	vsel vm5, $0x900, v40;
	[tilespmem:$0x1EE30] =	vst v51  }
0x600: {  	v62 =	vsel vm7, $0xD85, v62;
	v61 =	vsel vm8, $0x2B7, v61;
	v40 =	vsel vm6, $0x941, v40;
	[tilespmem:$0x1EE40] =	vst v52  }
0x601: {  	v60 =	vsel vm9, $0xE06, v60;
	v59 =	vsel vm10, $0x339, v59;
	v40 =	vsel vm7, $0x982, v40;
	[tilespmem:$0x1EE50] =	vst v53  }
0x602: {  	v58 =	vsel vm11, $0xE87, v58;
	v57 =	vsel vm12, $0x3BB, v57;
	v40 =	vsel vm8, $0x9C3, v40;
	[tilespmem:$0x1EE60] =	vst v54  }
0x603: {  	v56 =	vsel vm13, $0xF00, v56;
	v40 =	vsel vm9, $0xA04, v40;
	[tilespmem:$0x1EE70] =	vst v55;
	v0 =	vsel vm12, $0x1EC2, v0  }
0x604: {  	v62 =	vsel vm8, $0xDC6, v62;
	v61 =	vsel vm9, $0x338, v61;
	v40 =	vsel vm10, $0xA45, v40;
	[tilespmem:$0x1ED50] =	vst v0;
	v0 =	vld [tilespmem:$0x1E950]  }
0x605: {  	v58 =	vsel vm12, $0xEC0, v58;
	v57 =	vsel vm13, $0x3C, v57;
	v40 =	vsel vm11, $0xA86, v40;
	[tilespmem:$0x1EE80] =	vst v56  }
0x606: {  	v60 =	vsel vm10, $0xE47, v60;
	v58 =	vsel vm13, $0xF01, v58;
	v40 =	vsel vm12, $0xAC7, v40;
	[tilespmem:$0x1EE90] =	vst v57  }
0x607: {  	v59 =	vsel vm11, $0x3BA, v59;
	v62 =	vsel vm9, $0xE07, v62;
	v39 =	vsel vm13, $0xB00, v40;
	[tilespmem:$0x1EEA0] =	vst v58  }
0x608: {  	v61 =	vsel vm10, $0x3B9, v61;
	v63 =	vsel vm5, $0x1B4, v63;
	[tilespmem:$0x1ED80] =	vst v39;
	v39 =	vsel vm13, $0x2C, v41  }
0x609: {  	v59 =	vsel vm12, $0x3B, v59;
	v63 =	vsel vm6, $0x235, v63;
	[tilespmem:$0x1ED90] =	vst v39;
	v0 =	vsel vm12, $0x17B, v0  }
0x60a: {  	v60 =	vsel vm11, $0xE80, v60;
	v59 =	vsel vm13, $0xBC, v59;
	v63 =	vsel vm7, $0x2B6, v63;
	[tilespmem:$0x1ED60] =	vst v0  }
0x60b: {  	v62 =	vsel vm10, $0xE40, v62;
	v61 =	vsel vm11, $0x3A, v61;
	v63 =	vsel vm8, $0x337, v63;
	v0 =	vld [tilespmem:$0x1E960];
	[tilespmem:$0x1EEB0] =	vst v59  }
0x60c: {  	v60 =	vsel vm12, $0xEC1, v60;
	v62 =	vsel vm11, $0xE81, v62;
	v63 =	vsel vm9, $0x3B8, v63;
	v44 =	vld [tilespmem:$0x1E970]  }
0x60d: {  	v61 =	vsel vm12, $0xBB, v61;
	v60 =	vsel vm13, $0xF02, v60;
	v63 =	vsel vm10, $0x39, v63;
	v45 =	vld [tilespmem:$0x1E980]  }
0x60e: {  	v62 =	vsel vm12, $0xEC2, v62;
	v61 =	vsel vm13, $0x13C, v61;
	v63 =	vsel vm11, $0xBA, v63;
	[tilespmem:$0x1EEC0] =	vst v60;
	v46 =	vld [tilespmem:$0x1E990]  }
0x60f: {  	v63 =	vsel vm12, $0x13B, v63;
	v42 =	vsel vm13, $0xF03, v62;
	[tilespmem:$0x1EED0] =	vst v61;
	v47 =	vld [tilespmem:$0x1E9A0]  }
0x610: {  	v43 =	vsel vm13, $0x1BC, v63;
	[tilespmem:$0x1EEE0] =	vst v42;
	v48 =	vld [tilespmem:$0x1E9B0]  }
0x611: {  	[tilespmem:$0x1EEF0] =	vst v43;
	v49 =	vld [tilespmem:$0x1E9C0];
	v39 =	vsel vm13, $0x1304, v44  }
0x612: {  	v50 =	vld [tilespmem:$0x1E9D0];
	[tilespmem:$0x1EF00] =	vst v39;
	v39 =	vsel vm13, $0x24C, v45  }
0x613: {  	v51 =	vld [tilespmem:$0x1E9E0];
	[tilespmem:$0x1EF10] =	vst v39;
	v39 =	vsel vm13, $0x1305, v46  }
0x614: {  	v52 =	vld [tilespmem:$0x1E9F0];
	[tilespmem:$0x1EF20] =	vst v39;
	v39 =	vsel vm13, $0x2CC, v47  }
0x615: {  	v53 =	vld [tilespmem:$0x1EA00];
	[tilespmem:$0x1EF30] =	vst v39;
	v39 =	vsel vm13, $0x1306, v48  }
0x616: {  	v54 =	vld [tilespmem:$0x1EA10];
	[tilespmem:$0x1EF40] =	vst v39;
	v39 =	vsel vm13, $0x34C, v49  }
0x617: {  	v55 =	vld [tilespmem:$0x1EA20];
	[tilespmem:$0x1EF50] =	vst v39;
	v39 =	vsel vm13, $0x1307, v50  }
0x618: {  	v56 =	vld [tilespmem:$0x1EA30];
	[tilespmem:$0x1EF60] =	vst v39;
	v39 =	vsel vm13, $0x3CC, v51  }
0x619: {  	v57 =	vld [tilespmem:$0x1EA40];
	[tilespmem:$0x1EF70] =	vst v39;
	v39 =	vsel vm13, $0x1300, v52  }
0x61a: {  	v58 =	vld [tilespmem:$0x1EA50];
	[tilespmem:$0x1EF80] =	vst v39;
	v39 =	vsel vm13, $0x4C, v53  }
0x61b: {  	v59 =	vld [tilespmem:$0x1EA60];
	[tilespmem:$0x1EF90] =	vst v39;
	v39 =	vsel vm13, $0x1301, v54  }
0x61c: {  	v60 =	vld [tilespmem:$0x1EA70];
	[tilespmem:$0x1EFA0] =	vst v39;
	v39 =	vsel vm13, $0xCC, v55  }
0x61d: {  	v61 =	vld [tilespmem:$0x1EA80];
	[tilespmem:$0x1EFB0] =	vst v39;
	v39 =	vsel vm13, $0x1302, v56  }
0x61e: {  	v62 =	vld [tilespmem:$0x1EA90];
	[tilespmem:$0x1EFC0] =	vst v39;
	v39 =	vsel vm13, $0x14C, v57  }
0x61f: {  	v63 =	vld [tilespmem:$0x1EAA0];
	[tilespmem:$0x1EFD0] =	vst v39;
	v39 =	vsel vm13, $0x1303, v58  }
0x620: {  	v42 =	vld [tilespmem:$0x1EAB0];
	[tilespmem:$0x1EFE0] =	vst v39;
	v39 =	vsel vm13, $0x1CC, v59  }
0x621: {  	v43 =	vld [tilespmem:$0x1EAC0];
	[tilespmem:$0x1EFF0] =	vst v39;
	v39 =	vsel vm13, $0x1704, v60  }
0x622: {  	v44 =	vld [tilespmem:$0x1EAD0];
	[tilespmem:$0x1F000] =	vst v39;
	v39 =	vsel vm13, $0x25C, v61  }
0x623: {  	v45 =	vld [tilespmem:$0x1EAE0];
	[tilespmem:$0x1F010] =	vst v39;
	v39 =	vsel vm13, $0x1705, v62  }
0x624: {  	v46 =	vld [tilespmem:$0x1EAF0];
	[tilespmem:$0x1F020] =	vst v39;
	v39 =	vsel vm13, $0x2DC, v63  }
0x625: {  	v47 =	vld [tilespmem:$0x1EB00];
	[tilespmem:$0x1F030] =	vst v39;
	v39 =	vsel vm13, $0x1706, v42  }
0x626: {  	v48 =	vld [tilespmem:$0x1EB10];
	[tilespmem:$0x1F040] =	vst v39;
	v39 =	vsel vm13, $0x35C, v43  }
0x627: {  	v49 =	vld [tilespmem:$0x1EB20];
	[tilespmem:$0x1F050] =	vst v39;
	v39 =	vsel vm13, $0x1707, v44  }
0x628: {  	v50 =	vld [tilespmem:$0x1EB30];
	[tilespmem:$0x1F060] =	vst v39;
	v39 =	vsel vm13, $0x3DC, v45  }
0x629: {  	v51 =	vld [tilespmem:$0x1EB40];
	[tilespmem:$0x1F070] =	vst v39;
	v39 =	vsel vm13, $0x1700, v46  }
0x62a: {  	v52 =	vld [tilespmem:$0x1EB50];
	[tilespmem:$0x1F080] =	vst v39;
	v39 =	vsel vm13, $0x5C, v47  }
0x62b: {  	v53 =	vld [tilespmem:$0x1EB60];
	[tilespmem:$0x1F090] =	vst v39;
	v39 =	vsel vm13, $0x1701, v48  }
0x62c: {  	v54 =	vld [tilespmem:$0x1EB70];
	[tilespmem:$0x1F0A0] =	vst v39;
	v39 =	vsel vm13, $0xDC, v49  }
0x62d: {  	v55 =	vld [tilespmem:$0x1EB80];
	[tilespmem:$0x1F0B0] =	vst v39;
	v39 =	vsel vm13, $0x1702, v50  }
0x62e: {  	v56 =	vld [tilespmem:$0x1EB90];
	[tilespmem:$0x1F0C0] =	vst v39;
	v39 =	vsel vm13, $0x15C, v51  }
0x62f: {  	v57 =	vld [tilespmem:$0x1EBA0];
	[tilespmem:$0x1F0D0] =	vst v39;
	v39 =	vsel vm13, $0x1703, v52  }
0x630: {  	v58 =	vld [tilespmem:$0x1EBB0];
	[tilespmem:$0x1F0E0] =	vst v39;
	v39 =	vsel vm13, $0x1DC, v53  }
0x631: {  	v59 =	vld [tilespmem:$0x1EBC0];
	[tilespmem:$0x1F0F0] =	vst v39;
	v39 =	vsel vm13, $0x1B04, v54  }
0x632: {  	v60 =	vld [tilespmem:$0x1EBD0];
	[tilespmem:$0x1F100] =	vst v39;
	v39 =	vsel vm13, $0x26C, v55  }
0x633: {  	v61 =	vld [tilespmem:$0x1EBE0];
	[tilespmem:$0x1F110] =	vst v39;
	v39 =	vsel vm13, $0x1B05, v56  }
0x634: {  	v62 =	vld [tilespmem:$0x1EBF0];
	[tilespmem:$0x1F120] =	vst v39;
	v39 =	vsel vm13, $0x2EC, v57  }
0x635: {  	v63 =	vld [tilespmem:$0x1EC00];
	[tilespmem:$0x1F130] =	vst v39;
	v39 =	vsel vm13, $0x1B06, v58  }
0x636: {  	v42 =	vld [tilespmem:$0x1EC10];
	[tilespmem:$0x1F140] =	vst v39;
	v39 =	vsel vm13, $0x36C, v59  }
0x637: {  	v43 =	vld [tilespmem:$0x1EC20];
	[tilespmem:$0x1F150] =	vst v39;
	v39 =	vsel vm13, $0x1B07, v60  }
0x638: {  	v44 =	vld [tilespmem:$0x1EC30];
	[tilespmem:$0x1F160] =	vst v39;
	v39 =	vsel vm13, $0x3EC, v61  }
0x639: {  	v45 =	vld [tilespmem:$0x1EC40];
	[tilespmem:$0x1F170] =	vst v39;
	v39 =	vsel vm13, $0x1B00, v62  }
0x63a: {  	v46 =	vld [tilespmem:$0x1EC50];
	[tilespmem:$0x1F180] =	vst v39;
	v39 =	vsel vm13, $0x6C, v63  }
0x63b: {  	v47 =	vld [tilespmem:$0x1EC60];
	[tilespmem:$0x1F190] =	vst v39;
	v39 =	vsel vm13, $0x1B01, v42  }
0x63c: {  	v48 =	vld [tilespmem:$0x1EC70];
	[tilespmem:$0x1F1A0] =	vst v39;
	v39 =	vsel vm13, $0xEC, v43  }
0x63d: {  	v49 =	vld [tilespmem:$0x1EC80];
	[tilespmem:$0x1F1B0] =	vst v39;
	v39 =	vsel vm13, $0x1B02, v44  }
0x63e: {  	v50 =	vld [tilespmem:$0x1EC90];
	[tilespmem:$0x1F1C0] =	vst v39;
	v39 =	vsel vm13, $0x16C, v45  }
0x63f: {  	v51 =	vld [tilespmem:$0x1ECA0];
	[tilespmem:$0x1F1D0] =	vst v39;
	v39 =	vsel vm13, $0x1B03, v46  }
0x640: {  	v52 =	vld [tilespmem:$0x1ECB0];
	[tilespmem:$0x1F1E0] =	vst v39;
	v39 =	vsel vm13, $0x1EC, v47  }
0x641: {  	v53 =	vld [tilespmem:$0x1ECC0];
	[tilespmem:$0x1F1F0] =	vst v39;
	v39 =	vsel vm13, $0x1F04, v48  }
0x642: {  	v54 =	vld [tilespmem:$0x1ECD0];
	[tilespmem:$0x1F200] =	vst v39;
	v39 =	vsel vm13, $0x27C, v49  }
0x643: {  	v55 =	vld [tilespmem:$0x1ECE0];
	[tilespmem:$0x1F210] =	vst v39;
	v39 =	vsel vm13, $0x1F05, v50  }
0x644: {  	v56 =	vld [tilespmem:$0x1ECF0];
	[tilespmem:$0x1F220] =	vst v39;
	v39 =	vsel vm13, $0x2FC, v51  }
0x645: {  	v57 =	vld [tilespmem:$0x1ED00];
	[tilespmem:$0x1F230] =	vst v39;
	v39 =	vsel vm13, $0x1F06, v52  }
0x646: {  	v58 =	vld [tilespmem:$0x1ED10];
	[tilespmem:$0x1F240] =	vst v39;
	v39 =	vsel vm13, $0x37C, v53  }
0x647: {  	v59 =	vld [tilespmem:$0x1ED20];
	[tilespmem:$0x1F250] =	vst v39;
	v39 =	vsel vm13, $0x1F07, v54  }
0x648: {  	v25 =	vsel vm6, $0x95, v25;
	v60 =	vld [tilespmem:$0x1ED30];
	[tilespmem:$0x1F260] =	vst v39;
	v39 =	vsel vm13, $0x3FC, v55  }
0x649: {  	v25 =	vsel vm7, $0x116, v25;
	v61 =	vld [tilespmem:$0x1ED40];
	[tilespmem:$0x1F270] =	vst v39;
	v39 =	vsel vm13, $0x1F00, v56  }
0x64a: {  	v25 =	vsel vm8, $0x197, v25;
	v62 =	vld [tilespmem:$0x1ED50];
	[tilespmem:$0x1F280] =	vst v39;
	v39 =	vsel vm13, $0x7C, v57  }
0x64b: {  	v25 =	vsel vm9, $0x218, v25;
	v63 =	vld [tilespmem:$0x1ED60];
	[tilespmem:$0x1F290] =	vst v39;
	v39 =	vsel vm13, $0x1F01, v58  }
0x64c: {  	v25 =	vsel vm10, $0x299, v25;
	[tilespmem:$0x1F2A0] =	vst v39;
	v39 =	vsel vm13, $0xFC, v59  }
0x64d: {  	v25 =	vsel vm11, $0x31A, v25;
	[tilespmem:$0x1F2B0] =	vst v39;
	v39 =	vsel vm13, $0x1F02, v60  }
0x64e: {  	v25 =	vsel vm12, $0x39B, v25;
	[tilespmem:$0x1F2C0] =	vst v39;
	v39 =	vsel vm13, $0x17C, v61  }
0x64f: {  	v25 =	vsel vm13, $0x1C, v25;
	[tilespmem:$0x1F2D0] =	vst v39;
	v39 =	vsel vm13, $0x1F03, v62  }
0x650: {  	vm14 =	vcmask $0x3734;
	v0 =	vsel vm13, $0x304, v0;
	[tilespmem:$0x1F2E0] =	vst v39;
	v39 =	vsel vm13, $0x1FC, v63  }
0x651: {  	[tilespmem:$0x1F2F0] =	vst v39;
	v39 =	vsel vm14, $0x345, v0;
	v0 =	vsel vm14, $0x9D, v25  }
0x652: {  	[tilespmem:$0x1F3E0] =	vst v0;
	v0 =	vld [tilespmem:$0x1EF00];
	_ =	sdelay $0x4  }
0x653: {  	v0 =	vsel vm14, $0x1345, v0  }
0x654: {  	[tilespmem:$0x1F660] =	vst v0;
	v0 =	vld [tilespmem:$0x1EF10];
	_ =	sdelay $0x4  }
0x655: {  	v0 =	vsel vm14, $0x2CD, v0  }
0x656: {  	[tilespmem:$0x1F680] =	vst v0;
	v0 =	vld [tilespmem:$0x1EF20];
	_ =	sdelay $0x4  }
0x657: {  	v0 =	vsel vm14, $0x1346, v0  }
0x658: {  	[tilespmem:$0x1F6A0] =	vst v0;
	v0 =	vld [tilespmem:$0x1EF30];
	_ =	sdelay $0x4  }
0x659: {  	v0 =	vsel vm14, $0x34D, v0  }
0x65a: {  	[tilespmem:$0x1F6C0] =	vst v0;
	v0 =	vld [tilespmem:$0x1EF40];
	_ =	sdelay $0x4  }
0x65b: {  	v0 =	vsel vm14, $0x1347, v0  }
0x65c: {  	[tilespmem:$0x1F6E0] =	vst v0;
	v0 =	vld [tilespmem:$0x1EF50];
	_ =	sdelay $0x4  }
0x65d: {  	v0 =	vsel vm14, $0x3CD, v0  }
0x65e: {  	[tilespmem:$0x1F700] =	vst v0;
	v0 =	vld [tilespmem:$0x1EF60];
	_ =	sdelay $0x4  }
0x65f: {  	v0 =	vsel vm14, $0x1340, v0  }
0x660: {  	[tilespmem:$0x1F720] =	vst v0;
	v0 =	vld [tilespmem:$0x1EF70];
	_ =	sdelay $0x4  }
0x661: {  	v0 =	vsel vm14, $0x4D, v0  }
0x662: {  	[tilespmem:$0x1F740] =	vst v0;
	v0 =	vld [tilespmem:$0x1EF80];
	_ =	sdelay $0x4  }
0x663: {  	v0 =	vsel vm14, $0x1341, v0  }
0x664: {  	[tilespmem:$0x1F760] =	vst v0;
	v0 =	vld [tilespmem:$0x1EF90];
	_ =	sdelay $0x4  }
0x665: {  	v0 =	vsel vm14, $0xCD, v0  }
0x666: {  	[tilespmem:$0x1F780] =	vst v0;
	v0 =	vld [tilespmem:$0x1EFA0];
	_ =	sdelay $0x4  }
0x667: {  	v0 =	vsel vm14, $0x1342, v0  }
0x668: {  	[tilespmem:$0x1F7A0] =	vst v0;
	v0 =	vld [tilespmem:$0x1EFB0];
	_ =	sdelay $0x4  }
0x669: {  	v0 =	vsel vm14, $0x14D, v0  }
0x66a: {  	[tilespmem:$0x1F7C0] =	vst v0;
	v0 =	vld [tilespmem:$0x1EFC0];
	_ =	sdelay $0x4  }
0x66b: {  	v0 =	vsel vm14, $0x1343, v0  }
0x66c: {  	[tilespmem:$0x1F7E0] =	vst v0;
	v0 =	vld [tilespmem:$0x1EFD0];
	_ =	sdelay $0x4  }
0x66d: {  	v0 =	vsel vm14, $0x1CD, v0  }
0x66e: {  	[tilespmem:$0x1F800] =	vst v0;
	v0 =	vld [tilespmem:$0x1EFE0];
	_ =	sdelay $0x4  }
0x66f: {  	v0 =	vsel vm14, $0x1344, v0  }
0x670: {  	[tilespmem:$0x1F820] =	vst v0;
	v0 =	vld [tilespmem:$0x1EFF0];
	_ =	sdelay $0x4  }
0x671: {  	v0 =	vsel vm14, $0x24D, v0  }
0x672: {  	[tilespmem:$0x1F840] =	vst v0;
	v0 =	vld [tilespmem:$0x1F000];
	_ =	sdelay $0x4  }
0x673: {  	v0 =	vsel vm14, $0x1745, v0  }
0x674: {  	[tilespmem:$0x1F860] =	vst v0;
	v0 =	vld [tilespmem:$0x1F010];
	_ =	sdelay $0x4  }
0x675: {  	v0 =	vsel vm14, $0x2DD, v0  }
0x676: {  	[tilespmem:$0x1F880] =	vst v0;
	v0 =	vld [tilespmem:$0x1F020];
	_ =	sdelay $0x4  }
0x677: {  	v0 =	vsel vm14, $0x1746, v0  }
0x678: {  	[tilespmem:$0x1F8A0] =	vst v0;
	v0 =	vld [tilespmem:$0x1F030];
	_ =	sdelay $0x4  }
0x679: {  	v0 =	vsel vm14, $0x35D, v0  }
0x67a: {  	[tilespmem:$0x1F8C0] =	vst v0;
	v0 =	vld [tilespmem:$0x1F040];
	_ =	sdelay $0x4  }
0x67b: {  	v0 =	vsel vm14, $0x1747, v0  }
0x67c: {  	[tilespmem:$0x1F8E0] =	vst v0;
	v0 =	vld [tilespmem:$0x1F050];
	_ =	sdelay $0x4  }
0x67d: {  	v0 =	vsel vm14, $0x3DD, v0  }
0x67e: {  	[tilespmem:$0x1F900] =	vst v0;
	v0 =	vld [tilespmem:$0x1F060];
	_ =	sdelay $0x4  }
0x67f: {  	v0 =	vsel vm14, $0x1740, v0  }
0x680: {  	[tilespmem:$0x1F920] =	vst v0;
	v0 =	vld [tilespmem:$0x1F070];
	_ =	sdelay $0x4  }
0x681: {  	v0 =	vsel vm14, $0x5D, v0  }
0x682: {  	[tilespmem:$0x1F940] =	vst v0;
	v0 =	vld [tilespmem:$0x1F080];
	_ =	sdelay $0x4  }
0x683: {  	v0 =	vsel vm14, $0x1741, v0  }
0x684: {  	[tilespmem:$0x1F960] =	vst v0;
	v0 =	vld [tilespmem:$0x1F090];
	_ =	sdelay $0x4  }
0x685: {  	v0 =	vsel vm14, $0xDD, v0  }
0x686: {  	[tilespmem:$0x1F980] =	vst v0;
	v0 =	vld [tilespmem:$0x1F0A0];
	_ =	sdelay $0x4  }
0x687: {  	v0 =	vsel vm14, $0x1742, v0  }
0x688: {  	[tilespmem:$0x1F9A0] =	vst v0;
	v0 =	vld [tilespmem:$0x1F0B0];
	_ =	sdelay $0x4  }
0x689: {  	v0 =	vsel vm14, $0x15D, v0  }
0x68a: {  	[tilespmem:$0x1F9C0] =	vst v0;
	v0 =	vld [tilespmem:$0x1F0C0];
	_ =	sdelay $0x4  }
0x68b: {  	v0 =	vsel vm14, $0x1743, v0  }
0x68c: {  	[tilespmem:$0x1F9E0] =	vst v0;
	v0 =	vld [tilespmem:$0x1F0D0];
	_ =	sdelay $0x4  }
0x68d: {  	v0 =	vsel vm14, $0x1DD, v0  }
0x68e: {  	[tilespmem:$0x1FA00] =	vst v0;
	v0 =	vld [tilespmem:$0x1F0E0];
	_ =	sdelay $0x4  }
0x68f: {  	v0 =	vsel vm14, $0x1744, v0  }
0x690: {  	[tilespmem:$0x1FA20] =	vst v0;
	v0 =	vld [tilespmem:$0x1F0F0];
	_ =	sdelay $0x4  }
0x691: {  	v0 =	vsel vm14, $0x25D, v0  }
0x692: {  	[tilespmem:$0x1FA40] =	vst v0;
	v0 =	vld [tilespmem:$0x1F100];
	_ =	sdelay $0x4  }
0x693: {  	v0 =	vsel vm14, $0x1B45, v0  }
0x694: {  	[tilespmem:$0x1FA60] =	vst v0;
	v0 =	vld [tilespmem:$0x1F110];
	_ =	sdelay $0x4  }
0x695: {  	v0 =	vsel vm14, $0x2ED, v0  }
0x696: {  	[tilespmem:$0x1FA80] =	vst v0;
	v0 =	vld [tilespmem:$0x1F120];
	_ =	sdelay $0x4  }
0x697: {  	v0 =	vsel vm14, $0x1B46, v0  }
0x698: {  	[tilespmem:$0x1FAA0] =	vst v0;
	v0 =	vld [tilespmem:$0x1F130];
	_ =	sdelay $0x4  }
0x699: {  	v0 =	vsel vm14, $0x36D, v0  }
0x69a: {  	[tilespmem:$0x1FAC0] =	vst v0;
	v0 =	vld [tilespmem:$0x1F140];
	_ =	sdelay $0x4  }
0x69b: {  	v0 =	vsel vm14, $0x1B47, v0  }
0x69c: {  	[tilespmem:$0x1FAE0] =	vst v0;
	v0 =	vld [tilespmem:$0x1F150];
	_ =	sdelay $0x4  }
0x69d: {  	v0 =	vsel vm14, $0x3ED, v0  }
0x69e: {  	[tilespmem:$0x1FB00] =	vst v0;
	v0 =	vld [tilespmem:$0x1F160];
	_ =	sdelay $0x4  }
0x69f: {  	v0 =	vsel vm14, $0x1B40, v0  }
0x6a0: {  	[tilespmem:$0x1FB20] =	vst v0;
	v0 =	vld [tilespmem:$0x1F170];
	_ =	sdelay $0x4  }
0x6a1: {  	v0 =	vsel vm14, $0x6D, v0  }
0x6a2: {  	[tilespmem:$0x1FB40] =	vst v0;
	v0 =	vld [tilespmem:$0x1F180];
	_ =	sdelay $0x3  }
0x6a3: {  	v9 =	vsel vm6, $0x85, v9  }
0x6a4: {  	v9 =	vsel vm7, $0x106, v9;
	v0 =	vsel vm14, $0x1B41, v0  }
0x6a5: {  	v11 =	vsel vm6, $0x105, v11;
	v9 =	vsel vm8, $0x187, v9;
	v13 =	vsel vm6, $0x185, v13;
	[tilespmem:$0x1FB60] =	vst v0;
	v0 =	vld [tilespmem:$0x1F190]  }
0x6a6: {  	v11 =	vsel vm7, $0x186, v11;
	v9 =	vsel vm9, $0x208, v9;
	v13 =	vsel vm7, $0x206, v13  }
0x6a7: {  	v11 =	vsel vm8, $0x207, v11;
	v9 =	vsel vm10, $0x289, v9;
	v13 =	vsel vm8, $0x287, v13  }
0x6a8: {  	v11 =	vsel vm9, $0x288, v11;
	v9 =	vsel vm11, $0x30A, v9;
	v13 =	vsel vm9, $0x308, v13  }
0x6a9: {  	v11 =	vsel vm10, $0x309, v11;
	v9 =	vsel vm12, $0x38B, v9;
	v13 =	vsel vm10, $0x389, v13  }
0x6aa: {  	v11 =	vsel vm11, $0x38A, v11;
	v13 =	vsel vm11, $0xA, v13;
	v0 =	vsel vm14, $0xED, v0  }
0x6ab: {  	v9 =	vsel vm13, $0xC, v9;
	v11 =	vsel vm12, $0xB, v11;
	v13 =	vsel vm12, $0x8B, v13;
	[tilespmem:$0x1FB80] =	vst v0;
	v0 =	vld [tilespmem:$0x1F1A0]  }
0x6ac: {  	v11 =	vsel vm13, $0x8C, v11;
	v13 =	vsel vm13, $0x10C, v13;
	v32 =	vsel vm5, $0x904, v32  }
0x6ad: {  	v33 =	vsel vm5, $0x224, v33;
	v32 =	vsel vm6, $0x945, v32;
	v34 =	vsel vm5, $0x905, v34  }
0x6ae: {  	v33 =	vsel vm6, $0x2A5, v33;
	v32 =	vsel vm7, $0x986, v32;
	v35 =	vsel vm5, $0x2A4, v35  }
0x6af: {  	v34 =	vsel vm6, $0x946, v34;
	v33 =	vsel vm7, $0x326, v33;
	v32 =	vsel vm8, $0x9C7, v32  }
0x6b0: {  	v36 =	vsel vm5, $0x906, v36;
	v35 =	vsel vm6, $0x325, v35;
	v0 =	vsel vm14, $0x1B42, v0  }
0x6b1: {  	v34 =	vsel vm7, $0x987, v34;
	v33 =	vsel vm8, $0x3A7, v33;
	v32 =	vsel vm9, $0xA00, v32;
	[tilespmem:$0x1FBA0] =	vst v0;
	v0 =	vld [tilespmem:$0x1F1B0]  }
0x6b2: {  	v37 =	vsel vm5, $0x324, v37;
	v36 =	vsel vm6, $0x947, v36;
	v35 =	vsel vm7, $0x3A6, v35  }
0x6b3: {  	v34 =	vsel vm8, $0x9C0, v34;
	v33 =	vsel vm9, $0x28, v33;
	v32 =	vsel vm10, $0xA41, v32  }
0x6b4: {  	v37 =	vsel vm6, $0x3A5, v37;
	v36 =	vsel vm7, $0x980, v36;
	v35 =	vsel vm8, $0x27, v35  }
0x6b5: {  	v34 =	vsel vm9, $0xA01, v34;
	v33 =	vsel vm10, $0xA9, v33;
	v32 =	vsel vm11, $0xA82, v32  }
0x6b6: {  	v37 =	vsel vm7, $0x26, v37;
	v36 =	vsel vm8, $0x9C1, v36;
	v0 =	vsel vm14, $0x16D, v0  }
0x6b7: {  	v35 =	vsel vm9, $0xA8, v35;
	v34 =	vsel vm10, $0xA42, v34;
	v33 =	vsel vm11, $0x12A, v33;
	[tilespmem:$0x1FBC0] =	vst v0;
	v0 =	vld [tilespmem:$0x1F1C0]  }
0x6b8: {  	v32 =	vsel vm12, $0xAC3, v32;
	v37 =	vsel vm8, $0xA7, v37;
	v36 =	vsel vm9, $0xA02, v36  }
0x6b9: {  	v35 =	vsel vm10, $0x129, v35;
	v34 =	vsel vm11, $0xA83, v34;
	v33 =	vsel vm12, $0x1AB, v33  }
0x6ba: {  	v32 =	vsel vm13, $0xB04, v32;
	v37 =	vsel vm9, $0x128, v37;
	v36 =	vsel vm10, $0xA43, v36  }
0x6bb: {  	v35 =	vsel vm11, $0x1AA, v35;
	v34 =	vsel vm12, $0xAC4, v34;
	v33 =	vsel vm13, $0x22C, v33  }
0x6bc: {  	v37 =	vsel vm10, $0x1A9, v37;
	v36 =	vsel vm11, $0xA84, v36;
	v0 =	vsel vm14, $0x1B43, v0  }
0x6bd: {  	v35 =	vsel vm12, $0x22B, v35;
	v34 =	vsel vm13, $0xB05, v34;
	v37 =	vsel vm11, $0x22A, v37;
	[tilespmem:$0x1FBE0] =	vst v0;
	v0 =	vld [tilespmem:$0x1F1D0]  }
0x6be: {  	v36 =	vsel vm12, $0xAC5, v36;
	v35 =	vsel vm13, $0x2AC, v35;
	v8 =	vsel vm6, $0x141, v8  }
0x6bf: {  	v37 =	vsel vm12, $0x2AB, v37;
	v36 =	vsel vm13, $0xB06, v36;
	v10 =	vsel vm6, $0x142, v10  }
0x6c0: {  	v8 =	vsel vm7, $0x182, v8;
	v37 =	vsel vm13, $0x32C, v37;
	v12 =	vsel vm6, $0x143, v12  }
0x6c1: {  	v10 =	vsel vm7, $0x183, v10;
	v8 =	vsel vm8, $0x1C3, v8;
	v14 =	vsel vm6, $0x144, v14  }
0x6c2: {  	v12 =	vsel vm7, $0x184, v12;
	v10 =	vsel vm8, $0x1C4, v10;
	v0 =	vsel vm14, $0x1ED, v0  }
0x6c3: {  	v8 =	vsel vm9, $0x204, v8;
	v15 =	vsel vm6, $0x205, v15;
	v14 =	vsel vm7, $0x185, v14;
	[tilespmem:$0x1FC00] =	vst v0;
	v0 =	vld [tilespmem:$0x1F1E0]  }
0x6c4: {  	v12 =	vsel vm8, $0x1C5, v12;
	v10 =	vsel vm9, $0x205, v10;
	v8 =	vsel vm10, $0x245, v8  }
0x6c5: {  	v16 =	vsel vm6, $0x545, v16;
	v15 =	vsel vm7, $0x286, v15;
	v14 =	vsel vm8, $0x1C6, v14  }
0x6c6: {  	v12 =	vsel vm9, $0x206, v12;
	v10 =	vsel vm10, $0x246, v10;
	v8 =	vsel vm11, $0x286, v8  }
0x6c7: {  	v17 =	vsel vm6, $0x295, v17;
	v16 =	vsel vm7, $0x586, v16;
	v15 =	vsel vm8, $0x307, v15  }
0x6c8: {  	v14 =	vsel vm9, $0x207, v14;
	v12 =	vsel vm10, $0x247, v12;
	v0 =	vsel vm14, $0x1B44, v0  }
0x6c9: {  	v10 =	vsel vm11, $0x287, v10;
	v8 =	vsel vm12, $0x2C7, v8;
	v18 =	vsel vm6, $0x546, v18;
	[tilespmem:$0x1FC20] =	vst v0;
	v0 =	vld [tilespmem:$0x1F1F0]  }
0x6ca: {  	v17 =	vsel vm7, $0x316, v17;
	v16 =	vsel vm8, $0x5C7, v16;
	v15 =	vsel vm9, $0x388, v15  }
0x6cb: {  	v14 =	vsel vm10, $0x240, v14;
	v12 =	vsel vm11, $0x280, v12;
	v10 =	vsel vm12, $0x2C0, v10  }
0x6cc: {  	v8 =	vsel vm13, $0x300, v8;
	v19 =	vsel vm6, $0x315, v19;
	v18 =	vsel vm7, $0x587, v18  }
0x6cd: {  	v17 =	vsel vm8, $0x397, v17;
	v16 =	vsel vm9, $0x600, v16;
	v15 =	vsel vm10, $0x9, v15  }
0x6ce: {  	v14 =	vsel vm11, $0x281, v14;
	v12 =	vsel vm12, $0x2C1, v12;
	v0 =	vsel vm14, $0x26D, v0  }
0x6cf: {  	v10 =	vsel vm13, $0x301, v10;
	v20 =	vsel vm6, $0x547, v20;
	v19 =	vsel vm7, $0x396, v19;
	[tilespmem:$0x1FC40] =	vst v0;
	v0 =	vld [tilespmem:$0x1F200]  }
0x6d0: {  	v18 =	vsel vm8, $0x5C0, v18;
	v17 =	vsel vm9, $0x18, v17;
	v16 =	vsel vm10, $0x641, v16  }
0x6d1: {  	v15 =	vsel vm11, $0x8A, v15;
	v14 =	vsel vm12, $0x2C2, v14;
	v12 =	vsel vm13, $0x302, v12  }
0x6d2: {  	v21 =	vsel vm6, $0x395, v21;
	v20 =	vsel vm7, $0x580, v20;
	v19 =	vsel vm8, $0x17, v19  }
0x6d3: {  	v18 =	vsel vm9, $0x601, v18;
	v17 =	vsel vm10, $0x99, v17;
	v16 =	vsel vm11, $0x682, v16  }
0x6d4: {  	v15 =	vsel vm12, $0x10B, v15;
	v14 =	vsel vm13, $0x303, v14;
	v0 =	vsel vm14, $0x1F45, v0  }
0x6d5: {  	v22 =	vsel vm6, $0x540, v22;
	v21 =	vsel vm7, $0x16, v21;
	v20 =	vsel vm8, $0x5C1, v20;
	[tilespmem:$0x1FC60] =	vst v0;
	v0 =	vld [tilespmem:$0x1F210]  }
0x6d6: {  	v19 =	vsel vm9, $0x98, v19;
	v18 =	vsel vm10, $0x642, v18;
	v17 =	vsel vm11, $0x11A, v17  }
0x6d7: {  	v16 =	vsel vm12, $0x6C3, v16;
	v15 =	vsel vm13, $0x18C, v15;
	v23 =	vsel vm6, $0x15, v23  }
0x6d8: {  	v22 =	vsel vm7, $0x581, v22;
	v21 =	vsel vm8, $0x97, v21;
	v20 =	vsel vm9, $0x602, v20  }
0x6d9: {  	v19 =	vsel vm10, $0x119, v19;
	v18 =	vsel vm11, $0x683, v18;
	v17 =	vsel vm12, $0x19B, v17  }
0x6da: {  	v16 =	vsel vm13, $0x704, v16;
	v24 =	vsel vm6, $0x541, v24;
	v0 =	vsel vm14, $0x2FD, v0  }
0x6db: {  	v23 =	vsel vm7, $0x96, v23;
	v22 =	vsel vm8, $0x5C2, v22;
	v21 =	vsel vm9, $0x118, v21;
	[tilespmem:$0x1FC70] =	vst v0;
	v0 =	vld [tilespmem:$0x1F220]  }
0x6dc: {  	v20 =	vsel vm10, $0x643, v20;
	v19 =	vsel vm11, $0x19A, v19;
	v18 =	vsel vm12, $0x6C4, v18  }
0x6dd: {  	v17 =	vsel vm13, $0x21C, v17;
	v24 =	vsel vm7, $0x582, v24;
	v23 =	vsel vm8, $0x117, v23  }
0x6de: {  	v22 =	vsel vm9, $0x603, v22;
	v21 =	vsel vm10, $0x199, v21;
	v20 =	vsel vm11, $0x684, v20  }
0x6df: {  	v19 =	vsel vm12, $0x21B, v19;
	v18 =	vsel vm13, $0x705, v18;
	v26 =	vsel vm6, $0x542, v26  }
0x6e0: {  	v24 =	vsel vm8, $0x5C3, v24;
	v23 =	vsel vm9, $0x198, v23;
	v0 =	vsel vm14, $0x1F46, v0  }
0x6e1: {  	v22 =	vsel vm10, $0x644, v22;
	v21 =	vsel vm11, $0x21A, v21;
	v20 =	vsel vm12, $0x6C5, v20;
	[tilespmem:$0x1FC80] =	vst v0;
	v0 =	vld [tilespmem:$0x1F230]  }
0x6e2: {  	v19 =	vsel vm13, $0x29C, v19;
	v27 =	vsel vm6, $0x115, v27;
	v26 =	vsel vm7, $0x583, v26  }
0x6e3: {  	v24 =	vsel vm9, $0x604, v24;
	v23 =	vsel vm10, $0x219, v23;
	v22 =	vsel vm11, $0x685, v22  }
0x6e4: {  	v21 =	vsel vm12, $0x29B, v21;
	v20 =	vsel vm13, $0x706, v20;
	v27 =	vsel vm7, $0x196, v27  }
0x6e5: {  	v26 =	vsel vm8, $0x5C4, v26;
	v24 =	vsel vm10, $0x645, v24;
	v23 =	vsel vm11, $0x29A, v23  }
0x6e6: {  	v22 =	vsel vm12, $0x6C6, v22;
	v21 =	vsel vm13, $0x31C, v21;
	v0 =	vsel vm14, $0x37D, v0  }
0x6e7: {  	v29 =	vsel vm6, $0x195, v29;
	v27 =	vsel vm8, $0x217, v27;
	v26 =	vsel vm9, $0x605, v26;
	[tilespmem:$0x1FC90] =	vst v0;
	v0 =	vld [tilespmem:$0x1F240]  }
0x6e8: {  	v24 =	vsel vm11, $0x686, v24;
	v23 =	vsel vm12, $0x31B, v23;
	v22 =	vsel vm13, $0x707, v22  }
0x6e9: {  	v30 =	vsel vm6, $0x544, v30;
	v29 =	vsel vm7, $0x216, v29;
	v27 =	vsel vm9, $0x298, v27  }
0x6ea: {  	v26 =	vsel vm10, $0x646, v26;
	v24 =	vsel vm12, $0x6C7, v24;
	v23 =	vsel vm13, $0x39C, v23  }
0x6eb: {  	v30 =	vsel vm7, $0x585, v30;
	v29 =	vsel vm8, $0x297, v29;
	v27 =	vsel vm10, $0x319, v27  }
0x6ec: {  	v26 =	vsel vm11, $0x687, v26;
	v24 =	vsel vm13, $0x700, v24;
	v0 =	vsel vm14, $0x1F47, v0  }
0x6ed: {  	v30 =	vsel vm8, $0x5C6, v30;
	v29 =	vsel vm9, $0x318, v29;
	v27 =	vsel vm11, $0x39A, v27;
	[tilespmem:$0x1FCA0] =	vst v0;
	v0 =	vld [tilespmem:$0x1F250]  }
0x6ee: {  	v26 =	vsel vm12, $0x6C0, v26;
	v30 =	vsel vm9, $0x607, v30;
	v29 =	vsel vm10, $0x399, v29  }
0x6ef: {  	v27 =	vsel vm12, $0x1B, v27;
	v29 =	vsel vm11, $0x1A, v29;
	v38 =	vsel vm5, $0x907, v38  }
0x6f0: {  	v26 =	vsel vm13, $0x701, v26;
	v29 =	vsel vm12, $0x9B, v29;
	v38 =	vsel vm6, $0x940, v38  }
0x6f1: {  	v27 =	vsel vm13, $0x9C, v27;
	v29 =	vsel vm13, $0x11C, v29;
	v38 =	vsel vm7, $0x981, v38  }
0x6f2: {  	v38 =	vsel vm8, $0x9C2, v38;
	v31 =	vsel vm6, $0x215, v31;
	v0 =	vsel vm14, $0x3FD, v0  }
0x6f3: {  	v38 =	vsel vm9, $0xA03, v38;
	v31 =	vsel vm7, $0x296, v31;
	v7 =	vsel vm6, $0x5, v7;
	[tilespmem:$0x1FCB0] =	vst v0;
	v0 =	vld [tilespmem:$0x1F260]  }
0x6f4: {  	v38 =	vsel vm10, $0xA44, v38;
	v31 =	vsel vm8, $0x317, v31;
	v7 =	vsel vm7, $0x86, v7  }
0x6f5: {  	v38 =	vsel vm11, $0xA85, v38;
	v31 =	vsel vm9, $0x398, v31;
	v7 =	vsel vm8, $0x107, v7  }
0x6f6: {  	v38 =	vsel vm12, $0xAC6, v38;
	v31 =	vsel vm10, $0x19, v31;
	v7 =	vsel vm9, $0x188, v7  }
0x6f7: {  	v38 =	vsel vm13, $0xB07, v38;
	v31 =	vsel vm11, $0x9A, v31;
	v7 =	vsel vm10, $0x209, v7  }
0x6f8: {  	v31 =	vsel vm12, $0x11B, v31;
	v7 =	vsel vm11, $0x28A, v7;
	v0 =	vsel vm14, $0x1F40, v0  }
0x6f9: {  	vm15 =	vcmask $0x3B38;
	v31 =	vsel vm13, $0x19C, v31;
	v7 =	vsel vm12, $0x30B, v7;
	[tilespmem:$0x1FCC0] =	vst v0;
	v0 =	vld [tilespmem:$0x1F270]  }
0x6fa: {  	v7 =	vsel vm13, $0x38C, v7;
	v2 =	vsel vm6, $0x146, v2;
	v4 =	vsel vm6, $0x147, v4  }
0x6fb: {  	v5 =	vsel vm6, $0x385, v5;
	v6 =	vsel vm6, $0x140, v6;
	v2 =	vsel vm7, $0x187, v2  }
0x6fc: {  	v4 =	vsel vm7, $0x180, v4;
	v6 =	vsel vm7, $0x181, v6;
	v2 =	vsel vm8, $0x1C0, v2  }
0x6fd: {  	v4 =	vsel vm8, $0x1C1, v4;
	v6 =	vsel vm8, $0x1C2, v6;
	v2 =	vsel vm9, $0x201, v2  }
0x6fe: {  	v4 =	vsel vm9, $0x202, v4;
	v6 =	vsel vm9, $0x203, v6;
	v0 =	vsel vm14, $0x7D, v0  }
0x6ff: {  	v2 =	vsel vm10, $0x242, v2;
	v4 =	vsel vm10, $0x243, v4;
	v6 =	vsel vm10, $0x244, v6;
	[tilespmem:$0x1FCD0] =	vst v0;
	v0 =	vld [tilespmem:$0x1F280]  }
0x700: {  	v2 =	vsel vm11, $0x283, v2;
	v4 =	vsel vm11, $0x284, v4;
	v6 =	vsel vm11, $0x285, v6  }
0x701: {  	v4 =	vsel vm12, $0x2C5, v4;
	v6 =	vsel vm12, $0x2C6, v6;
	v1 =	vsel vm6, $0x285, v1  }
0x702: {  	v4 =	vsel vm13, $0x306, v4;
	v1 =	vsel vm7, $0x306, v1;
	v50 =	vsel vm14, $0x10D, v11  }
0x703: {  	v6 =	vsel vm13, $0x307, v6;
	v1 =	vsel vm8, $0x387, v1;
	v50 =	vsel vm15, $0x18E, v50  }
0x704: {  	v43 =	vsel vm14, $0x347, v4;
	v4 =	vsel vm14, $0x19D, v29;
	[tilespmem:$0x1F300] =	vst v50;
	v0 =	vsel vm14, $0x1F41, v0  }
0x705: {  	v1 =	vsel vm9, $0x8, v1;
	v52 =	vsel vm14, $0x18D, v13;
	v50 =	vsel vm15, $0x21E, v4;
	[tilespmem:$0x1FCE0] =	vst v0;
	v0 =	vld [tilespmem:$0x1F290]  }
0x706: {  	v46 =	vsel vm14, $0xD, v7;
	v53 =	vsel vm14, $0x344, v14;
	v52 =	vsel vm15, $0x20E, v52;
	[tilespmem:$0x1F430] =	vst v50  }
0x707: {  	v7 =	vsel vm14, $0xB45, v32;
	v32 =	vld [tilespmem:$0x1EDB0];
	v54 =	vsel vm14, $0x20D, v15;
	[tilespmem:$0x1F320] =	vst v52;
	v53 =	vsel vm15, $0x385, v53  }
0x708: {  	v1 =	vsel vm10, $0x89, v1;
	[tilespmem:$0x1F330] =	vst v53;
	v54 =	vsel vm15, $0x28E, v54;
	v56 =	vsel vm14, $0x29D, v17  }
0x709: {  	v49 =	vsel vm14, $0x342, v10;
	v10 =	vsel vm14, $0x32D, v35;
	v35 =	vld [tilespmem:$0x1ED70];
	[tilespmem:$0x1F340] =	vst v54;
	v52 =	vsel vm15, $0x31E, v56  }
0x70a: {  	v45 =	vsel vm14, $0x340, v6;
	v57 =	vsel vm14, $0x746, v18;
	[tilespmem:$0x1F360] =	vst v52;
	v0 =	vsel vm14, $0xFD, v0  }
0x70b: {  	v6 =	vsel vm14, $0x21D, v31;
	v48 =	vsel vm14, $0x8D, v9;
	v53 =	vsel vm15, $0x787, v57;
	[tilespmem:$0x1FCF0] =	vst v0;
	v0 =	vld [tilespmem:$0x1F2A0]  }
0x70c: {  	v9 =	vsel vm14, $0xB46, v34;
	v34 =	vld [tilespmem:$0x1EDD0];
	v18 =	vsel vm14, $0x12D, v32;
	v52 =	vsel vm15, $0x29E, v6;
	[tilespmem:$0x1F370] =	vst v53  }
0x70d: {  	v11 =	vsel vm14, $0xB47, v36;
	v36 =	vld [tilespmem:$0x1ED80];
	v58 =	vsel vm14, $0x31D, v19;
	v50 =	vsel vm15, $0x1AE, v18;
	[tilespmem:$0x1F450] =	vst v52  }
0x70e: {  	v1 =	vsel vm11, $0x10A, v1;
	v14 =	vsel vm14, $0x2D, v35;
	v35 =	vld [tilespmem:$0x1EDE0];
	v54 =	vsel vm15, $0x39E, v58;
	[tilespmem:$0x1F510] =	vst v50  }
0x70f: {  	v1 =	vsel vm12, $0x18B, v1;
	v47 =	vsel vm14, $0x341, v8;
	v53 =	vsel vm15, $0xB86, v7;
	[tilespmem:$0x1F380] =	vst v54  }
0x710: {  	v8 =	vsel vm14, $0x2AD, v33;
	v51 =	vsel vm14, $0x343, v12;
	[tilespmem:$0x1F460] =	vst v53;
	v0 =	vsel vm14, $0x1F42, v0  }
0x711: {  	v59 =	vsel vm14, $0x747, v20;
	v20 =	vsel vm14, $0x1AD, v34;
	v54 =	vsel vm15, $0x32E, v8;
	[tilespmem:$0x1FD00] =	vst v0;
	v0 =	vld [tilespmem:$0x1F2B0]  }
0x712: {  	v12 =	vsel vm14, $0x3AD, v37;
	v37 =	vld [tilespmem:$0x1ED90];
	v60 =	vsel vm14, $0x39D, v21;
	v52 =	vsel vm15, $0x22E, v20;
	[tilespmem:$0x1F470] =	vst v54  }
0x713: {  	v15 =	vsel vm14, $0xB41, v36;
	v36 =	vld [tilespmem:$0x1EDF0];
	v21 =	vsel vm14, $0xB44, v35;
	v56 =	vsel vm15, $0x1E, v60;
	[tilespmem:$0x1F530] =	vst v52  }
0x714: {  	v13 =	vsel vm14, $0xB40, v38;
	v38 =	vld [tilespmem:$0x1EDA0];
	v61 =	vsel vm14, $0x740, v22;
	v53 =	vsel vm15, $0xB85, v21;
	[tilespmem:$0x1F3A0] =	vst v56  }
0x715: {  	v2 =	vsel vm12, $0x2C4, v2;
	v1 =	vsel vm13, $0x20C, v1;
	v57 =	vsel vm15, $0x781, v61;
	[tilespmem:$0x1F540] =	vst v53  }
0x716: {  	v40 =	vsel vm14, $0x28D, v1;
	v1 =	vsel vm14, $0x742, v26;
	v33 =	vld [tilespmem:$0x1EDC0];
	[tilespmem:$0x1F3B0] =	vst v57;
	v0 =	vsel vm14, $0x17D, v0  }
0x717: {  	v2 =	vsel vm13, $0x305, v2;
	v55 =	vsel vm14, $0x745, v16;
	v61 =	vsel vm15, $0x783, v1;
	[tilespmem:$0x1FD10] =	vst v0;
	v0 =	vld [tilespmem:$0x1F2C0]  }
0x718: {  	v16 =	vsel vm14, $0xAD, v37;
	v37 =	vld [tilespmem:$0x1EE00];
	v22 =	vsel vm14, $0x22D, v36;
	v56 =	vsel vm15, $0x3AE, v10;
	[tilespmem:$0x1F400] =	vst v61  }
0x719: {  	v17 =	vsel vm14, $0xB42, v38;
	v38 =	vld [tilespmem:$0x1EE10];
	v62 =	vsel vm14, $0x1D, v23;
	v54 =	vsel vm15, $0x2AE, v22;
	[tilespmem:$0x1F490] =	vst v56  }
0x71a: {  	v41 =	vsel vm14, $0x346, v2;
	v2 =	vsel vm14, $0x11D, v27;
	v32 =	vld [tilespmem:$0x1EE20];
	v58 =	vsel vm15, $0x9E, v62;
	[tilespmem:$0x1F550] =	vst v54  }
0x71b: {  	v5 =	vsel vm7, $0x6, v5;
	v19 =	vsel vm14, $0xB43, v33;
	v33 =	vld [tilespmem:$0x1EE30];
	v62 =	vsel vm15, $0x19E, v2;
	[tilespmem:$0x1F3C0] =	vst v58  }
0x71c: {  	v30 =	vsel vm10, $0x640, v30;
	v5 =	vsel vm8, $0x87, v5;
	v34 =	vld [tilespmem:$0x1EE40];
	[tilespmem:$0x1F410] =	vst v62;
	v0 =	vsel vm14, $0x1F43, v0  }
0x71d: {  	v30 =	vsel vm11, $0x681, v30;
	v5 =	vsel vm9, $0x108, v5;
	v57 =	vsel vm15, $0xB80, v11;
	[tilespmem:$0x1FD20] =	vst v0;
	v0 =	vld [tilespmem:$0x1F2D0]  }
0x71e: {  	v30 =	vsel vm12, $0x6C2, v30;
	v5 =	vsel vm10, $0x189, v5;
	v36 =	vld [tilespmem:$0x1EE60];
	v61 =	vsel vm15, $0xB82, v15;
	[tilespmem:$0x1F4A0] =	vst v57  }
0x71f: {  	v5 =	vsel vm11, $0x20A, v5;
	v23 =	vsel vm14, $0xF45, v37;
	v37 =	vld [tilespmem:$0x1EE70];
	v58 =	vsel vm15, $0x2E, v12;
	[tilespmem:$0x1F4E0] =	vst v61  }
0x720: {  	v63 =	vsel vm14, $0x741, v24;
	v24 =	vsel vm14, $0x2BD, v38;
	v38 =	vld [tilespmem:$0x1EE80];
	v62 =	vsel vm15, $0x12E, v16;
	[tilespmem:$0x1F4B0] =	vst v58  }
0x721: {  	v5 =	vsel vm12, $0x28B, v5;
	v26 =	vsel vm14, $0x33D, v33;
	v33 =	vld [tilespmem:$0x1EEA0];
	v56 =	vsel vm15, $0x33E, v24;
	[tilespmem:$0x1F4F0] =	vst v62  }
0x722: {  	v5 =	vsel vm13, $0x30C, v5;
	v25 =	vsel vm14, $0xF46, v32;
	v32 =	vld [tilespmem:$0x1EE90];
	[tilespmem:$0x1F570] =	vst v56;
	v0 =	vsel vm14, $0x1FD, v0  }
0x723: {  	v30 =	vsel vm13, $0x703, v30;
	v44 =	vsel vm14, $0x38D, v5;
	v57 =	vsel vm15, $0xF87, v25;
	[tilespmem:$0x1FD30] =	vst v0;
	v0 =	vld [tilespmem:$0x1F2E0]  }
0x724: {  	v27 =	vsel vm14, $0xF47, v34;
	v34 =	vld [tilespmem:$0x1EEB0];
	v58 =	vsel vm15, $0x3BE, v26;
	v29 =	vsel vm14, $0xF40, v36;
	[tilespmem:$0x1F580] =	vst v57  }
0x725: {  	v5 =	vsel vm14, $0x744, v30;
	v36 =	vld [tilespmem:$0x1EED0];
	[tilespmem:$0x1F590] =	vst v58;
	v30 =	vsel vm14, $0x3D, v37;
	v61 =	vsel vm15, $0xF81, v29  }
0x726: {  	v37 =	vld [tilespmem:$0x1EEE0];
	v33 =	vsel vm14, $0xF42, v33;
	[tilespmem:$0x1F5C0] =	vst v61;
	v62 =	vsel vm15, $0xBE, v30  }
0x727: {  	v31 =	vsel vm14, $0xF41, v38;
	v38 =	vld [tilespmem:$0x1EEF0];
	[tilespmem:$0x1F5D0] =	vst v62;
	v33 =	vsel vm15, $0xF83, v33  }
0x728: {  	v32 =	vsel vm14, $0xBD, v32;
	[tilespmem:$0x1F600] =	vst v33;
	v0 =	vsel vm14, $0x1F44, v0  }
0x729: {  	v28 =	vsel vm6, $0x543, v28;
	v34 =	vsel vm14, $0x13D, v34;
	v32 =	vsel vm15, $0x13E, v32;
	[tilespmem:$0x1FD40] =	vst v0;
	v0 =	vld [tilespmem:$0x1F2F0]  }
0x72a: {  	v28 =	vsel vm7, $0x584, v28;
	v50 =	vsel vm15, $0x1BE, v34;
	v36 =	vsel vm14, $0x1BD, v36;
	[tilespmem:$0x1F5F0] =	vst v32  }
0x72b: {  	v3 =	vsel vm6, $0x305, v3;
	[tilespmem:$0x1F610] =	vst v50;
	v37 =	vsel vm14, $0xF44, v37;
	v52 =	vsel vm15, $0x23E, v36  }
0x72c: {  	v3 =	vsel vm7, $0x386, v3;
	v38 =	vsel vm14, $0x23D, v38;
	[tilespmem:$0x1F630] =	vst v52;
	v53 =	vsel vm15, $0xF85, v37  }
0x72d: {  	v28 =	vsel vm8, $0x5C5, v28;
	v3 =	vsel vm8, $0x7, v3;
	[tilespmem:$0x1F640] =	vst v53;
	v54 =	vsel vm15, $0x2BE, v38  }
0x72e: {  	v28 =	vsel vm9, $0x606, v28;
	v3 =	vsel vm9, $0x88, v3;
	[tilespmem:$0x1F650] =	vst v54;
	v0 =	vsel vm14, $0x27D, v0  }
0x72f: {  	v28 =	vsel vm10, $0x647, v28;
	v3 =	vsel vm10, $0x109, v3;
	[tilespmem:$0x1FD50] =	vst v0;
	v0 =	vsel vm15, $0x384, v51  }
0x730: {  	v28 =	vsel vm11, $0x680, v28;
	v3 =	vsel vm11, $0x18A, v3;
	v35 =	vld [tilespmem:$0x1EE50];
	v51 =	vsel vm15, $0x785, v5;
	[tilespmem:$0x1F310] =	vst v0  }
0x731: {  	v28 =	vsel vm12, $0x6C1, v28;
	v3 =	vsel vm12, $0x20B, v3;
	v60 =	vld [tilespmem:$0x1F3E0];
	v0 =	vsel vm15, $0x786, v55;
	[tilespmem:$0x1F440] =	vst v51  }
0x732: {  	v28 =	vsel vm13, $0x702, v28;
	v3 =	vsel vm13, $0x28C, v3;
	v55 =	vsel vm15, $0x780, v59;
	[tilespmem:$0x1F350] =	vst v0  }
0x733: {  	v42 =	vsel vm14, $0x30D, v3;
	v3 =	vsel vm14, $0x743, v28;
	v59 =	vsel vm15, $0x782, v63;
	[tilespmem:$0x1F390] =	vst v55  }
0x734: {  	v63 =	vsel vm15, $0x784, v3;
	[tilespmem:$0x1F3D0] =	vst v59  }
0x735: {  	v51 =	vsel vm15, $0xB84, v19;
	[tilespmem:$0x1F420] =	vst v63  }
0x736: {  	v28 =	vsel vm14, $0x3BD, v35;
	v35 =	vld [tilespmem:$0x1EEC0];
	v0 =	vsel vm15, $0x11E, v60;
	[tilespmem:$0x1F520] =	vst v51  }
0x737: {  	v55 =	vsel vm15, $0xB87, v9;
	[tilespmem:$0x1F3F0] =	vst v0  }
0x738: {  	v59 =	vsel vm15, $0xB81, v13;
	[tilespmem:$0x1F480] =	vst v55  }
0x739: {  	v60 =	vsel vm15, $0xAE, v14;
	[tilespmem:$0x1F4C0] =	vst v59  }
0x73a: {  	[tilespmem:$0x1F4D0] =	vst v60;
	v55 =	vsel vm15, $0xF86, v23  }
0x73b: {  	v35 =	vsel vm14, $0xF43, v35;
	v63 =	vsel vm15, $0xB83, v17;
	[tilespmem:$0x1F560] =	vst v55;
	v55 =	vld [tilespmem:$0x1F660]  }
0x73c: {  	v56 =	vld [tilespmem:$0x1F680];
	v51 =	vsel vm15, $0xF84, v35;
	[tilespmem:$0x1F500] =	vst v63  }
0x73d: {  	v57 =	vld [tilespmem:$0x1F6A0];
	v59 =	vsel vm15, $0xF80, v27;
	[tilespmem:$0x1F620] =	vst v51  }
0x73e: {  	v58 =	vld [tilespmem:$0x1F6C0];
	v60 =	vsel vm15, $0x3E, v28;
	[tilespmem:$0x1F5A0] =	vst v59  }
0x73f: {  	v63 =	vsel vm15, $0xF82, v31;
	[tilespmem:$0x1F5B0] =	vst v60;
	v59 =	vld [tilespmem:$0x1F6E0]  }
0x740: {  	[tilespmem:$0x1F5E0] =	vst v63;
	v60 =	vld [tilespmem:$0x1F700];
	v0 =	vsel vm15, $0x1386, v55  }
0x741: {  	v61 =	vld [tilespmem:$0x1F720];
	[tilespmem:$0x1F670] =	vst v0;
	v0 =	vsel vm15, $0x34E, v56  }
0x742: {  	v62 =	vld [tilespmem:$0x1F740];
	[tilespmem:$0x1F690] =	vst v0;
	v0 =	vsel vm15, $0x1387, v57  }
0x743: {  	v63 =	vld [tilespmem:$0x1F760];
	[tilespmem:$0x1F6B0] =	vst v0;
	v0 =	vsel vm15, $0x3CE, v58  }
0x744: {  	v32 =	vld [tilespmem:$0x1F780];
	[tilespmem:$0x1F6D0] =	vst v0;
	v0 =	vsel vm15, $0x1380, v59  }
0x745: {  	v33 =	vld [tilespmem:$0x1F7A0];
	[tilespmem:$0x1F6F0] =	vst v0;
	v0 =	vsel vm15, $0x4E, v60  }
0x746: {  	v34 =	vld [tilespmem:$0x1F7C0];
	[tilespmem:$0x1F710] =	vst v0;
	v0 =	vsel vm15, $0x1381, v61  }
0x747: {  	v35 =	vld [tilespmem:$0x1F7E0];
	[tilespmem:$0x1F730] =	vst v0;
	v0 =	vsel vm15, $0xCE, v62  }
0x748: {  	v36 =	vld [tilespmem:$0x1F800];
	[tilespmem:$0x1F750] =	vst v0;
	v0 =	vsel vm15, $0x1382, v63  }
0x749: {  	v37 =	vld [tilespmem:$0x1F820];
	[tilespmem:$0x1F770] =	vst v0;
	v0 =	vsel vm15, $0x14E, v32  }
0x74a: {  	v38 =	vld [tilespmem:$0x1F840];
	[tilespmem:$0x1F790] =	vst v0;
	v0 =	vsel vm15, $0x1383, v33  }
0x74b: {  	v50 =	vld [tilespmem:$0x1F860];
	[tilespmem:$0x1F7B0] =	vst v0;
	v0 =	vsel vm15, $0x1CE, v34  }
0x74c: {  	v51 =	vld [tilespmem:$0x1F880];
	[tilespmem:$0x1F7D0] =	vst v0;
	v0 =	vsel vm15, $0x1384, v35  }
0x74d: {  	v52 =	vld [tilespmem:$0x1F8A0];
	[tilespmem:$0x1F7F0] =	vst v0;
	v0 =	vsel vm15, $0x24E, v36  }
0x74e: {  	v53 =	vld [tilespmem:$0x1F8C0];
	[tilespmem:$0x1F810] =	vst v0;
	v0 =	vsel vm15, $0x1385, v37  }
0x74f: {  	v54 =	vld [tilespmem:$0x1F8E0];
	[tilespmem:$0x1F830] =	vst v0;
	v0 =	vsel vm15, $0x2CE, v38  }
0x750: {  	v55 =	vld [tilespmem:$0x1F900];
	[tilespmem:$0x1F850] =	vst v0;
	v0 =	vsel vm15, $0x1786, v50  }
0x751: {  	v56 =	vld [tilespmem:$0x1F920];
	[tilespmem:$0x1F870] =	vst v0;
	v0 =	vsel vm15, $0x35E, v51  }
0x752: {  	v57 =	vld [tilespmem:$0x1F940];
	[tilespmem:$0x1F890] =	vst v0;
	v0 =	vsel vm15, $0x1787, v52  }
0x753: {  	v58 =	vld [tilespmem:$0x1F960];
	[tilespmem:$0x1F8B0] =	vst v0;
	v0 =	vsel vm15, $0x3DE, v53  }
0x754: {  	v59 =	vld [tilespmem:$0x1F980];
	[tilespmem:$0x1F8D0] =	vst v0;
	v0 =	vsel vm15, $0x1780, v54  }
0x755: {  	v60 =	vld [tilespmem:$0x1F9A0];
	[tilespmem:$0x1F8F0] =	vst v0;
	v0 =	vsel vm15, $0x5E, v55  }
0x756: {  	v61 =	vld [tilespmem:$0x1F9C0];
	[tilespmem:$0x1F910] =	vst v0;
	v0 =	vsel vm15, $0x1781, v56  }
0x757: {  	v62 =	vld [tilespmem:$0x1F9E0];
	[tilespmem:$0x1F930] =	vst v0;
	v0 =	vsel vm15, $0xDE, v57  }
0x758: {  	v63 =	vld [tilespmem:$0x1FA00];
	[tilespmem:$0x1F950] =	vst v0;
	v0 =	vsel vm15, $0x1782, v58  }
0x759: {  	v32 =	vld [tilespmem:$0x1FA20];
	[tilespmem:$0x1F970] =	vst v0;
	v0 =	vsel vm15, $0x15E, v59  }
0x75a: {  	v33 =	vld [tilespmem:$0x1FA40];
	[tilespmem:$0x1F990] =	vst v0;
	v0 =	vsel vm15, $0x1783, v60  }
0x75b: {  	v34 =	vld [tilespmem:$0x1FA60];
	[tilespmem:$0x1F9B0] =	vst v0;
	v0 =	vsel vm15, $0x1DE, v61  }
0x75c: {  	v35 =	vld [tilespmem:$0x1FA80];
	[tilespmem:$0x1F9D0] =	vst v0;
	v0 =	vsel vm15, $0x1784, v62  }
0x75d: {  	v36 =	vld [tilespmem:$0x1FAA0];
	[tilespmem:$0x1F9F0] =	vst v0;
	v0 =	vsel vm15, $0x25E, v63  }
0x75e: {  	v37 =	vld [tilespmem:$0x1FAC0];
	[tilespmem:$0x1FA10] =	vst v0;
	v0 =	vsel vm15, $0x1785, v32  }
0x75f: {  	v38 =	vld [tilespmem:$0x1FAE0];
	[tilespmem:$0x1FA30] =	vst v0;
	v0 =	vsel vm15, $0x2DE, v33  }
0x760: {  	v50 =	vld [tilespmem:$0x1FB00];
	[tilespmem:$0x1FA50] =	vst v0;
	v0 =	vsel vm15, $0x1B86, v34  }
0x761: {  	v51 =	vld [tilespmem:$0x1FB20];
	[tilespmem:$0x1FA70] =	vst v0;
	v0 =	vsel vm15, $0x36E, v35  }
0x762: {  	v52 =	vld [tilespmem:$0x1FB40];
	[tilespmem:$0x1FA90] =	vst v0;
	v0 =	vsel vm15, $0x1B87, v36  }
0x763: {  	v53 =	vld [tilespmem:$0x1FB60];
	[tilespmem:$0x1FAB0] =	vst v0;
	v0 =	vsel vm15, $0x3EE, v37  }
0x764: {  	v54 =	vld [tilespmem:$0x1FB80];
	[tilespmem:$0x1FAD0] =	vst v0;
	v0 =	vsel vm15, $0x1B80, v38  }
0x765: {  	v55 =	vld [tilespmem:$0x1FBA0];
	[tilespmem:$0x1FAF0] =	vst v0;
	v0 =	vsel vm15, $0x6E, v50  }
0x766: {  	v56 =	vld [tilespmem:$0x1FBC0];
	[tilespmem:$0x1FB10] =	vst v0;
	v0 =	vsel vm15, $0x1B81, v51  }
0x767: {  	v57 =	vld [tilespmem:$0x1FBE0];
	[tilespmem:$0x1FB30] =	vst v0;
	v0 =	vsel vm15, $0xEE, v52  }
0x768: {  	v58 =	vld [tilespmem:$0x1FC00];
	[tilespmem:$0x1FB50] =	vst v0;
	v0 =	vsel vm15, $0x1B82, v53  }
0x769: {  	v59 =	vld [tilespmem:$0x1FC20];
	[tilespmem:$0x1FB70] =	vst v0;
	v0 =	vsel vm15, $0x16E, v54  }
0x76a: {  	v60 =	vld [tilespmem:$0x1FC40];
	[tilespmem:$0x1FB90] =	vst v0;
	v0 =	vsel vm15, $0x1B83, v55  }
0x76b: {  	[tilespmem:$0x1FBB0] =	vst v0;
	v0 =	vsel vm15, $0x1EE, v56  }
0x76c: {  	s3 =	simm.s32 $0x0;
	[tilespmem:$0x1FBD0] =	vst v0;
	v0 =	vsel vm15, $0x1B84, v57  }
0x76d: {  	[smem:$0x7FF] =	sst s3;
	[tilespmem:$0x1FBF0] =	vst v0;
	v0 =	vsel vm15, $0x26E, v58  }
0x76e: {  	s0 =	rddreg [dreg:$0x0];
	[tilespmem:$0x1FC10] =	vst v0;
	v0 =	vsel vm15, $0x1B85, v59  }
0x76f: {  	s4 =	rddreg [dreg:$0x1];
	[tilespmem:$0x1FC30] =	vst v0;
	v0 =	vsel vm15, $0x2EE, v60  }
0x770: {  	s8 =	rddreg [dreg:$0x2];
	[tilespmem:$0x1FC50] =	vst v0  }
0x771: {  	s1 =	rddreg [dreg:$0x3];
	v61 =	vld [tilespmem:$0x1FC60];
	_ =	strace $0x80000047  }
0x772: {  	v33 =	vld [tilespmem:$0x1FCA0]  }
0x773: {  	v15 =	vld [tilespmem:$0x1FD60];
	_ =	sdelay $0x3  }
0x774: {  	v34 =	vld [tilespmem:$0x1FCB0]  }
0x775: {  	v22 =	vsel vm15, $0x1F80, v33;
	v33 =	vand.u32 $0xF, v15;
	v15 =	vld [tilespmem:$0x1FD70];
	_ =	sdelay $0x3  }
0x776: {  	v35 =	vld [tilespmem:$0x1FCC0]  }
0x777: {  	v23 =	vsel vm15, $0x7E, v34;
	v34 =	vand.u32 $0xF, v15;
	v15 =	vld [tilespmem:$0x1FD80];
	_ =	sdelay $0x3  }
0x778: {  	v36 =	vld [tilespmem:$0x1FCD0]  }
0x779: {  	v24 =	vsel vm15, $0x1F81, v35;
	v35 =	vand.u32 $0xF, v15;
	v15 =	vld [tilespmem:$0x1FD90];
	_ =	sdelay $0x4  }
0x77a: {  	v25 =	vsel vm15, $0xFE, v36;
	v36 =	vand.u32 $0xF, v15;
	v15 =	vld [tilespmem:$0x1FDA0];
	_ =	sdelay $0x4  }
0x77b: {  	v7 =	vand.u32 $0xF, v15;
	v15 =	vld [tilespmem:$0x1FDB0];
	_ =	sdelay $0x4  }
0x77c: {  	v8 =	vand.u32 $0xF, v15;
	v15 =	vld [tilespmem:$0x1FDC0];
	_ =	sdelay $0x4  }
0x77d: {  	v56 =	vand.u32 $0xF, v15;
	v15 =	vld [tilespmem:$0x1FDE0];
	_ =	sdelay $0x4  }
0x77e: {  	v57 =	vand.u32 $0xF, v15;
	v15 =	vld [tilespmem:$0x1FE00];
	_ =	sdelay $0x2  }
0x77f: {  	v39 =	vsel vm15, $0x386, v39  }
0x780: {  	v40 =	vsel vm15, $0x30E, v40;
	[tilespmem:$0x1FF00] =	vst v39  }
0x781: {  	v41 =	vsel vm15, $0x387, v41;
	[tilespmem:$0x1FF10] =	vst v40;
	v58 =	vand.u32 $0xF, v15;
	v15 =	vld [tilespmem:$0x1FE20]  }
0x782: {  	v42 =	vsel vm15, $0x38E, v42;
	[tilespmem:$0x1FF40] =	vst v41  }
0x783: {  	v43 =	vsel vm15, $0x380, v43;
	[tilespmem:$0x1FF50] =	vst v42  }
0x784: {  	v44 =	vsel vm15, $0xE, v44;
	[tilespmem:$0x1FF60] =	vst v43  }
0x785: {  	v45 =	vsel vm15, $0x381, v45;
	[tilespmem:$0x1FF70] =	vst v44  }
0x786: {  	v46 =	vsel vm15, $0x8E, v46;
	[tilespmem:$0x1FF80] =	vst v45;
	v59 =	vand.u32 $0xF, v15;
	v15 =	vld [tilespmem:$0x1FE40]  }
0x787: {  	v47 =	vsel vm15, $0x382, v47;
	[tilespmem:$0x1FF90] =	vst v46;
	v55 =	vld [tilespmem:$0x1FD50]  }
0x788: {  	v48 =	vsel vm15, $0x10E, v48;
	[tilespmem:$0x1FFA0] =	vst v47;
	v62 =	vld [tilespmem:$0x1FC70]  }
0x789: {  	v49 =	vsel vm15, $0x383, v49;
	[tilespmem:$0x1FFB0] =	vst v48  }
0x78a: {  	v9 =	vsel vm15, $0x1F86, v61;
	[tilespmem:$0x1FFC0] =	vst v49  }
0x78b: {  	[tilespmem:$0x1FFE0] =	vst v9;
	v60 =	vand.u32 $0xF, v15;
	v15 =	vld [tilespmem:$0x1FE60]  }
0x78c: {  	v63 =	vld [tilespmem:$0x1FC80];
	v6 =	vsel vm15, $0x2FE, v55;
	[tilespmem:$0x1FEC0] =	vst v33  }
0x78d: {  	v32 =	vld [tilespmem:$0x1FC90];
	v10 =	vsel vm15, $0x37E, v62;
	[tilespmem:$0x1FFD0] =	vst v6  }
0x78e: {  	v37 =	vld [tilespmem:$0x1FCE0];
	[tilespmem:$0x1FFF0] =	vst v10  }
0x78f: {  	v38 =	vld [tilespmem:$0x1FCF0];
	[tilespmem:$0x1FED0] =	vst v34  }
0x790: {  	s5 =	srdreg.scid;
	s2 =	stileid.u32;
	[tilespmem:$0x1FEE0] =	vst v35;
	v61 =	vand.u32 $0xF, v15;
	v15 =	vld [tilespmem:$0x1FE80]  }
0x791: {  	s11 =	simm.s32 $0x80;
	s12 =	simm.s32 $0x1000;
	s13 =	simm.s32 $0x2080;
	v50 =	vld [tilespmem:$0x1FD00];
	[tilespmem:$0x1FEF0] =	vst v36  }
0x792: {  	s14 =	simm.s32 $0x6;
	s15 =	simm.s32 $0x8480;
	s16 =	simm.s32 $0x2100;
	v51 =	vld [tilespmem:$0x1FD10];
	[tilespmem:$0x1FF20] =	vst v7  }
0x793: {  	s17 =	simm.s32 $0xA480;
	s18 =	simm.s32 $0x5;
	s19 =	simm.s32 $0x1;
	v52 =	vld [tilespmem:$0x1FD20];
	[tilespmem:$0x1FF30] =	vst v8  }
0x794: {  	s20 =	simm.s32 $0xC480;
	s21 =	simm.s32 $0x400;
	s22 =	simm.s32 $0x8000;
	v53 =	vld [tilespmem:$0x1FD30];
	[tilespmem:$0x1FDD0] =	vst v56  }
0x795: {  	s23 =	simm.s32 $0x2;
	s5 =	sand.u32 $0x1, s5;
	s6 =	sshll.u32 s2, $0x1;
	[tilespmem:$0x1FDF0] =	vst v57;
	v62 =	vand.u32 $0xF, v15;
	v15 =	vld [tilespmem:$0x1FEA0]  }
0x796: {  	s24 =	simm.s32 $0x4;
	s6 =	sor.u32 s5, s6;
	s5 =	ssub.s32 $0x2, s5;
	v54 =	vld [tilespmem:$0x1FD40];
	[tilespmem:$0x1FE10] =	vst v58  }
.Ltmp0:
0x797: {  	s25 =	simm.s32 $0xE480;
	s10 =	sshrl.u32 s5, $0x1;
	[tilespmem:$0x1FE30] =	vst v59;
	(pc) =	sbr.rel .LBB2_1-.Ltmp0, $4  }
0x798: {  	s26 =	simm.s32 $0x3;
	s28 =	simm.s32 $0x0;
	s10 =	ssub.s32 s5, s10;
	v20 =	vsel vm15, $0x1F87, v63;
	v21 =	vsel vm15, $0x3FE, v32;
	[tilespmem:$0x1FE50] =	vst v60  }
0x799: {  	s7 =	sshll.u32 s6, $0x4;
	s6 =	sshll.u32 s6, $0xA;
	s10 =	smax.u32 s10, $0x1;
	v26 =	vsel vm15, $0x1F82, v37;
	v27 =	vsel vm15, $0x17E, v38;
	v28 =	vsel vm15, $0x1F83, v50;
	[tilespmem:$0x1FE70] =	vst v61  }
0x79a: {  	s9 =	sadd.s32 s7, s4;
	s4 =	sadd.s32 $0xC00, s4;
	s7 =	sadd.s32 s0, s7;
	v29 =	vsel vm15, $0x1FE, v51;
	v30 =	vsel vm15, $0x1F84, v52;
	[tilespmem:$0x1FE90] =	vst v62;
	v63 =	vand.u32 $0xF, v15  }
0x79b: {  	s8 =	sadd.s32 s8, s6;
	s5 =	sadd.s32 $0xC4200, s9;
	s9 =	sadd.s32 $0x8000, s1;
	v31 =	vsel vm15, $0x27E, v53;
	v32 =	vsel vm15, $0x1F85, v54;
	v15 =	vlaneseq.u32;
	[tilespmem:$0x1FEB0] =	vst v63  }
.LBB2_12:
0x79c: {  	s28 =	sadd.s32 $0x1, s28  }
0x79d: {  	_ =	swait.ge [sflag:s26], $0x2000;
	p0 =	sne.s32 s28, s10  }
.Ltmp1:
0x79e: {  	[sflag:s26] =	ssyncset.done $0x0;
	(pc) =	sbr.rel @!p0 .LBB2_13-.Ltmp1, $4  }
0x79f: {  	[sflag:s26] =	ssyncadd.s32 $0xFFFFE000  }
0x7a0: {  	_ =	swait.ge [sflag:s24], $0x2000  }
0x7a1: {  	[sflag:s24] =	ssyncset.done $0x0  }
0x7a2: {  	[sflag:s24] =	ssyncadd.s32 $0xFFFFE000  }
.LBB2_1:
0x7a3: {  	[tilespmem:s13], [sflag:$0x6] =	stream.strided.gather [hbm4b:s5+s11], $0x6400, s12, s11, $0x38;
	[tilespmem:$0x10480] =	vst v63  }
0x7a4: {  	_ =	swait.ge [sflag:s14], $0x6400  }
0x7a5: {  	[sflag:s14] =	ssyncset.done $0x0  }
0x7a6: {  	[sflag:s14] =	ssyncadd.s32 $0xFFFF9C00  }
0x7a7: {  	[tilespmem:s15], [sflag:$0x1] =	stream.indirect.gather [hbm4b:s4+s11], $0x40, s13, s11, $0xb8;
	[tilespmem:$0x10480] =	vst v63  }
0x7a8: {  	_ = 	snop  }
0x7a9: {  	[tilespmem:s17], [sflag:$0x2] =	stream.indirect.gather [hbm4b:s4+s11], $0x40, s16, s11, $0xb8;
	[tilespmem:$0x10480] =	vst v63  }
0x7aa: {  	_ = 	snop  }
0x7ab: {  	[tilespmem:s3], [sflag:$0x6] =	stream.linear.gather [hbm4b:s7+s3], $0x80, $0x38;
	[tilespmem:$0x10480] =	vst v63  }
0x7ac: {  	_ =	swait.ge [sflag:s14], $0x80  }
0x7ad: {  	[sflag:s14] =	ssyncset.done $0x0  }
0x7ae: {  	[sflag:s14] =	ssyncadd.s32 $0xFFFFFF80  }
0x7af: {  	[tilespmem:s11], [sflag:$0x5] =	stream.indirect.gather [hbm4b:s4+s11], $0x40, s3, s11, $0xb8;
	[tilespmem:$0x10480] =	vst v63  }
0x7b0: {  	_ =	swait.ge [sflag:s18], $0x2000  }
0x7b1: {  	[sflag:s18] =	ssyncset.done $0x0  }
0x7b2: {  	[sflag:s18] =	ssyncadd.s32 $0xFFFFE000  }
0x7b3: {  	[hbm4b:s8+s3] =	stream.linear.scatter [tilespmem:s11], [sflag:$0x6], $0x2000, $0x38;
	[tilespmem:$0x10480] =	vst v63  }
0x7b4: {  	_ =	swait.ge [sflag:s14], $0x2000  }
0x7b5: {  	[sflag:s14] =	ssyncset.done $0x0  }
0x7b6: {  	s29 =	simm.s32 $0x0;
	[sflag:s14] =	ssyncadd.s32 $0xFFFFE000  }
.LBB2_2:
0x7b7: {  	_ =	swait.ge [sflag:s19], $0x2000  }
0x7b8: {  	p0 =	seq.s32 s29, $0x0;
	[sflag:s19] =	ssyncset.done $0x0  }
0x7b9: {  	s0 =	simm.s32 @!p0 $0x3;
	[sflag:s19] =	ssyncadd.s32 $0xFFFFE000  }
0x7ba: {  	_ =	swait.ge @!p0 [sflag:s0], $0x2000  }
0x7bb: {  	[sflag:s0] =	ssyncset.done @!p0 $0x0  }
0x7bc: {  	s30 =	sshll.u32 s29, $0xA;
	s31 =	simm.s32 $0x0;
	[sflag:s0] =	ssyncadd.s32 @!p0 $0xFFFFE000  }
.LBB2_3:
0x7bd: {  	v16 =	vor.u32 s31, v15  }
0x7be: {  	v15 =	vand.u32 $0x38, v16  }
0x7bf: {  	v17 =	vor.u32 v39, v15;
	_ =	sdelay $0x2  }
0x7c0: {  	v16 =	vshll.u32 v16, $0x7  }
0x7c1: {  	v16 =	vand.u32 $0x1C00, v16;
	v18 =	vor.u32 s31, v33  }
0x7c2: {  	v11 =	vmov v20;
	v20 =	vor.u32 v40, v16;
	v19 =	vld.idx.msk [tilespmem:v17+s15+$0x0], $0xffff;
	v17 =	vand.u32 $0x38, v18  }
0x7c3: {  	v12 =	vmov v21;
	v21 =	vor.u32 v41, v17;
	_ =	sdelay $0x2  }
0x7c4: {  	v18 =	vshll.u32 v18, $0x7  }
0x7c5: {  	v13 =	vmov v22;
	v22 =	vor.u32 s31, v34;
	v18 =	vand.u32 $0x1C00, v18;
	[tilespmem:v20+s20+$0x0] =	vst.idx.msk $0xffff, v19  }
0x7c6: {  	v19 =	vand.u32 $0x38, v22;
	v20 =	vld.idx.msk [tilespmem:v21+s15+$0x0], $0xffff;
	v21 =	vor.u32 v42, v18  }
0x7c7: {  	v14 =	vmov v23;
	v23 =	vor.u32 v43, v19;
	_ =	sdelay $0x2  }
0x7c8: {  	v22 =	vshll.u32 v22, $0x7  }
0x7c9: {  	v0 =	vmov v24;
	v24 =	vor.u32 s31, v35;
	[tilespmem:v21+s20+$0x0] =	vst.idx.msk $0xffff, v20;
	v20 =	vand.u32 $0x1C00, v22  }
0x7ca: {  	v21 =	vand.u32 $0x38, v24;
	v22 =	vld.idx.msk [tilespmem:v23+s15+$0x0], $0xffff;
	v23 =	vor.u32 v44, v20  }
0x7cb: {  	v61 =	vmov v25;
	v25 =	vor.u32 v45, v21;
	_ =	sdelay $0x2  }
0x7cc: {  	v24 =	vshll.u32 v24, $0x7  }
0x7cd: {  	v62 =	vmov v26;
	v26 =	vor.u32 s31, v36;
	[tilespmem:v23+s20+$0x0] =	vst.idx.msk $0xffff, v22;
	v22 =	vand.u32 $0x1C00, v24  }
0x7ce: {  	v23 =	vand.u32 $0x38, v26;
	v24 =	vld.idx.msk [tilespmem:v25+s15+$0x0], $0xffff;
	v25 =	vor.u32 v46, v22  }
0x7cf: {  	v63 =	vmov v27;
	v27 =	vor.u32 v47, v23;
	_ =	sdelay $0x2  }
0x7d0: {  	v26 =	vshll.u32 v26, $0x7  }
0x7d1: {  	v1 =	vmov v28;
	v28 =	vor.u32 s31, v7;
	[tilespmem:v25+s20+$0x0] =	vst.idx.msk $0xffff, v24;
	v24 =	vand.u32 $0x1C00, v26  }
0x7d2: {  	v25 =	vand.u32 $0x38, v28;
	v26 =	vld.idx.msk [tilespmem:v27+s15+$0x0], $0xffff;
	v27 =	vor.u32 v48, v24  }
0x7d3: {  	v2 =	vmov v29;
	v58 =	vld [tilespmem:$0x1F300];
	v29 =	vor.u32 v49, v25  }
0x7d4: {  	v59 =	vld [tilespmem:$0x1F310];
	_ =	sdelay $0x1  }
0x7d5: {  	v6 =	vld [tilespmem:$0x1FDD0];
	v28 =	vshll.u32 v28, $0x7  }
0x7d6: {  	v3 =	vmov v30;
	v50 =	vld [tilespmem:$0x1F330];
	v30 =	vor.u32 s31, v8;
	[tilespmem:v27+s20+$0x0] =	vst.idx.msk $0xffff, v26;
	v26 =	vand.u32 $0x1C00, v28  }
0x7d7: {  	v27 =	vand.u32 $0x38, v30;
	v28 =	vld.idx.msk [tilespmem:v29+s15+$0x0], $0xffff;
	v29 =	vor.u32 v58, v26  }
0x7d8: {  	v4 =	vmov v31;
	v8 =	vld [tilespmem:$0x1F320];
	v31 =	vor.u32 v59, v27  }
0x7d9: {  	v7 =	vld [tilespmem:$0x1B9D0];
	_ =	sdelay $0x1  }
0x7da: {  	v30 =	vshll.u32 v30, $0x7  }
0x7db: {  	v53 =	vor.u32 s31, v6;
	[tilespmem:v29+s20+$0x0] =	vst.idx.msk $0xffff, v28;
	v28 =	vand.u32 $0x1C00, v30  }
0x7dc: {  	v29 =	vand.u32 $0x38, v53;
	v30 =	vld.idx.msk [tilespmem:v31+s15+$0x0], $0xffff;
	v31 =	vor.u32 v8, v28  }
0x7dd: {  	v55 =	vor.u32 s31, v7;
	v7 =	vld [tilespmem:$0x1F340];
	v54 =	vor.u32 v50, v29;
	_ =	sdelay $0x2  }
0x7de: {  	v5 =	vmov v32;
	v32 =	vshll.u32 v53, $0x7  }
0x7df: {  	v6 =	vld [tilespmem:$0x1FDF0];
	[tilespmem:v31+s20+$0x0] =	vst.idx.msk $0xffff, v30;
	v30 =	vand.u32 $0x1C00, v32  }
0x7e0: {  	v31 =	vand.u32 $0x38, v55;
	v56 =	vld.idx.msk [tilespmem:v54+s15+$0x0], $0xffff;
	v57 =	vor.u32 v7, v30  }
0x7e1: {  	v60 =	vor.u32 v39, v31;
	_ =	sdelay $0x2  }
0x7e2: {  	v34 =	vshll.u32 v55, $0x7  }
0x7e3: {  	v51 =	vor.u32 s31, v6;
	v6 =	vld [tilespmem:$0x1FE10];
	v32 =	vand.u32 $0x1C00, v34;
	[tilespmem:v57+s20+$0x0] =	vst.idx.msk $0xffff, v56  }
0x7e4: {  	v33 =	vand.u32 $0x38, v51;
	v53 =	vor.u32 v40, v32;
	v52 =	vld.idx.msk [tilespmem:v60+s15+$0x0], $0xffff  }
0x7e5: {  	v37 =	vor.u32 v41, v33;
	_ =	sdelay $0x2  }
0x7e6: {  	v36 =	vshll.u32 v51, $0x7  }
0x7e7: {  	v38 =	vor.u32 s31, v6;
	v6 =	vld [tilespmem:$0x1FE30];
	v34 =	vand.u32 $0x1C00, v36;
	[tilespmem:v53+s20+$0x0] =	vst.idx.msk $0xffff, v52  }
0x7e8: {  	v35 =	vand.u32 $0x38, v38;
	v55 =	vor.u32 v42, v34;
	v54 =	vld.idx.msk [tilespmem:v37+s15+$0x0], $0xffff  }
0x7e9: {  	v56 =	vor.u32 v43, v35;
	_ =	sdelay $0x2  }
0x7ea: {  	v38 =	vshll.u32 v38, $0x7  }
0x7eb: {  	v36 =	vand.u32 $0x1C00, v38;
	v57 =	vor.u32 s31, v6;
	v6 =	vld [tilespmem:$0x1FE50];
	[tilespmem:v55+s20+$0x0] =	vst.idx.msk $0xffff, v54  }
0x7ec: {  	v51 =	vor.u32 v44, v36;
	v37 =	vand.u32 $0x38, v57;
	v60 =	vld.idx.msk [tilespmem:v56+s15+$0x0], $0xffff  }
0x7ed: {  	v52 =	vor.u32 v45, v37;
	_ =	sdelay $0x2  }
0x7ee: {  	v40 =	vshll.u32 v57, $0x7  }
0x7ef: {  	v38 =	vand.u32 $0x1C00, v40;
	v53 =	vor.u32 s31, v6;
	v6 =	vld [tilespmem:$0x1FE70];
	[tilespmem:v51+s20+$0x0] =	vst.idx.msk $0xffff, v60  }
0x7f0: {  	v39 =	vand.u32 $0x38, v53;
	v55 =	vor.u32 v46, v38;
	v54 =	vld.idx.msk [tilespmem:v52+s15+$0x0], $0xffff  }
0x7f1: {  	v56 =	vor.u32 v47, v39;
	_ =	sdelay $0x2  }
0x7f2: {  	v42 =	vshll.u32 v53, $0x7  }
0x7f3: {  	v40 =	vand.u32 $0x1C00, v42;
	v57 =	vor.u32 s31, v6;
	v6 =	vld [tilespmem:$0x1FE90];
	[tilespmem:v55+s20+$0x0] =	vst.idx.msk $0xffff, v54  }
0x7f4: {  	v41 =	vand.u32 $0x38, v57;
	v51 =	vor.u32 v48, v40;
	v60 =	vld.idx.msk [tilespmem:v56+s15+$0x0], $0xffff  }
0x7f5: {  	v52 =	vor.u32 v49, v41;
	_ =	sdelay $0x2  }
0x7f6: {  	v44 =	vshll.u32 v57, $0x7  }
0x7f7: {  	v42 =	vand.u32 $0x1C00, v44;
	v53 =	vor.u32 s31, v6;
	v6 =	vld [tilespmem:$0x1FEB0];
	[tilespmem:v51+s20+$0x0] =	vst.idx.msk $0xffff, v60  }
0x7f8: {  	v43 =	vand.u32 $0x38, v53;
	v55 =	vor.u32 v58, v42;
	v54 =	vld.idx.msk [tilespmem:v52+s15+$0x0], $0xffff  }
0x7f9: {  	v56 =	vor.u32 v59, v43;
	_ =	sdelay $0x2  }
0x7fa: {  	v46 =	vshll.u32 v53, $0x7  }
0x7fb: {  	v44 =	vand.u32 $0x1C00, v46;
	v57 =	vor.u32 s31, v6;
	[tilespmem:v55+s20+$0x0] =	vst.idx.msk $0xffff, v54  }
0x7fc: {  	v45 =	vand.u32 $0x38, v57;
	v59 =	vor.u32 v8, v44;
	v58 =	vld.idx.msk [tilespmem:v56+s15+$0x0], $0xffff  }
0x7fd: {  	v60 =	vor.u32 v50, v45  }
0x7fe: {  	v53 =	vld [tilespmem:$0x1F350];
	_ =	sdelay $0x1  }
0x7ff: {  	v48 =	vshll.u32 v57, $0x7  }
0x800: {  	v46 =	vand.u32 $0x1C00, v48;
	[tilespmem:v59+s20+$0x0] =	vst.idx.msk $0xffff, v58  }
0x801: {  	v48 =	vor.u32 v7, v46;
	v47 =	vld.idx.msk [tilespmem:v60+s15+$0x0], $0xffff  }
0x802: {  	v7 =	vld [tilespmem:$0x1F360];
	v52 =	vor.u32 v53, v15  }
0x803: {  	v8 =	vld [tilespmem:$0x1F370];
	_ =	sdelay $0x2  }
0x804: {  	[tilespmem:v48+s20+$0x0] =	vst.idx.msk $0xffff, v47  }
0x805: {  	v54 =	vor.u32 v7, v16;
	v47 =	vld.idx.msk [tilespmem:v52+s15+$0x0], $0xffff  }
0x806: {  	v50 =	vld [tilespmem:$0x1F380];
	v55 =	vor.u32 v8, v17  }
0x807: {  	v51 =	vld [tilespmem:$0x1F390];
	_ =	sdelay $0x2  }
0x808: {  	[tilespmem:v54+s20+$0x0] =	vst.idx.msk $0xffff, v47  }
0x809: {  	v56 =	vor.u32 v50, v18;
	v47 =	vld.idx.msk [tilespmem:v55+s15+$0x0], $0xffff  }
0x80a: {  	v57 =	vor.u32 v51, v19;
	v52 =	vld [tilespmem:$0x1F3A0]  }
0x80b: {  	v54 =	vld [tilespmem:$0x1F3B0];
	_ =	sdelay $0x2  }
0x80c: {  	[tilespmem:v56+s20+$0x0] =	vst.idx.msk $0xffff, v47  }
0x80d: {  	v58 =	vor.u32 v52, v20;
	v47 =	vld.idx.msk [tilespmem:v57+s15+$0x0], $0xffff  }
0x80e: {  	v55 =	vld [tilespmem:$0x1F3C0];
	v59 =	vor.u32 v54, v21  }
0x80f: {  	v56 =	vld [tilespmem:$0x1F3D0];
	_ =	sdelay $0x2  }
0x810: {  	[tilespmem:v58+s20+$0x0] =	vst.idx.msk $0xffff, v47  }
0x811: {  	v60 =	vor.u32 v55, v22;
	v47 =	vld.idx.msk [tilespmem:v59+s15+$0x0], $0xffff  }
0x812: {  	v57 =	vld [tilespmem:$0x1F3F0];
	v59 =	vor.u32 v56, v23  }
0x813: {  	v58 =	vld [tilespmem:$0x1F400];
	_ =	sdelay $0x2  }
0x814: {  	[tilespmem:v60+s20+$0x0] =	vst.idx.msk $0xffff, v47  }
0x815: {  	v48 =	vor.u32 v57, v24;
	v47 =	vld.idx.msk [tilespmem:v59+s15+$0x0], $0xffff  }
0x816: {  	v60 =	vor.u32 v58, v25;
	_ =	sdelay $0x3  }
0x817: {  	v59 =	vld [tilespmem:$0x1F410];
	[tilespmem:v48+s20+$0x0] =	vst.idx.msk $0xffff, v47  }
0x818: {  	v47 =	vld.idx.msk [tilespmem:v60+s15+$0x0], $0xffff  }
0x819: {  	v60 =	vld [tilespmem:$0x1F420];
	_ =	sdelay $0x3  }
0x81a: {  	v48 =	vor.u32 v59, v26  }
0x81b: {  	v6 =	vld [tilespmem:$0x1F430];
	v49 =	vor.u32 v60, v27  }
0x81c: {  	v9 =	vld [tilespmem:$0x1F440];
	_ =	sdelay $0x2  }
0x81d: {  	[tilespmem:v48+s20+$0x0] =	vst.idx.msk $0xffff, v47  }
0x81e: {  	v48 =	vor.u32 v6, v28;
	v47 =	vld.idx.msk [tilespmem:v49+s15+$0x0], $0xffff  }
0x81f: {  	v10 =	vld [tilespmem:$0x1F450];
	v49 =	vor.u32 v9, v29;
	_ =	sdelay $0x3  }
0x820: {  	[tilespmem:v48+s20+$0x0] =	vst.idx.msk $0xffff, v47  }
0x821: {  	v48 =	vor.u32 v10, v30;
	v47 =	vld.idx.msk [tilespmem:v49+s15+$0x0], $0xffff  }
0x822: {  	v53 =	vor.u32 v53, v31;
	_ =	sdelay $0x3  }
0x823: {  	[tilespmem:v48+s20+$0x0] =	vst.idx.msk $0xffff, v47  }
0x824: {  	v48 =	vor.u32 v7, v32;
	v47 =	vld.idx.msk [tilespmem:v53+s15+$0x0], $0xffff  }
0x825: {  	v53 =	vor.u32 v8, v33;
	_ =	sdelay $0x3  }
0x826: {  	[tilespmem:v48+s20+$0x0] =	vst.idx.msk $0xffff, v47  }
0x827: {  	v48 =	vor.u32 v50, v34;
	v47 =	vld.idx.msk [tilespmem:v53+s15+$0x0], $0xffff  }
0x828: {  	v53 =	vor.u32 v51, v35;
	_ =	sdelay $0x3  }
0x829: {  	[tilespmem:v48+s20+$0x0] =	vst.idx.msk $0xffff, v47  }
0x82a: {  	v47 =	vld.idx.msk [tilespmem:v53+s15+$0x0], $0xffff;
	v53 =	vor.u32 v52, v36  }
0x82b: {  	v54 =	vor.u32 v54, v37;
	_ =	sdelay $0x3  }
0x82c: {  	[tilespmem:v53+s20+$0x0] =	vst.idx.msk $0xffff, v47  }
0x82d: {  	v55 =	vor.u32 v55, v38;
	v47 =	vld.idx.msk [tilespmem:v54+s15+$0x0], $0xffff  }
0x82e: {  	v56 =	vor.u32 v56, v39;
	_ =	sdelay $0x3  }
0x82f: {  	[tilespmem:v55+s20+$0x0] =	vst.idx.msk $0xffff, v47  }
0x830: {  	v57 =	vor.u32 v57, v40;
	v47 =	vld.idx.msk [tilespmem:v56+s15+$0x0], $0xffff  }
0x831: {  	v52 =	vor.u32 v58, v41;
	_ =	sdelay $0x3  }
0x832: {  	[tilespmem:v57+s20+$0x0] =	vst.idx.msk $0xffff, v47  }
0x833: {  	v53 =	vor.u32 v59, v42;
	v47 =	vld.idx.msk [tilespmem:v52+s15+$0x0], $0xffff  }
0x834: {  	v54 =	vor.u32 v60, v43;
	_ =	sdelay $0x3  }
0x835: {  	[tilespmem:v53+s20+$0x0] =	vst.idx.msk $0xffff, v47  }
0x836: {  	v55 =	vor.u32 v6, v44;
	v47 =	vld.idx.msk [tilespmem:v54+s15+$0x0], $0xffff  }
0x837: {  	v56 =	vor.u32 v9, v45  }
0x838: {  	v6 =	vld [tilespmem:$0x1F460];
	_ =	sdelay $0x2  }
0x839: {  	[tilespmem:v55+s20+$0x0] =	vst.idx.msk $0xffff, v47  }
0x83a: {  	v57 =	vor.u32 v10, v46;
	v47 =	vld.idx.msk [tilespmem:v56+s15+$0x0], $0xffff  }
0x83b: {  	v7 =	vld [tilespmem:$0x1F470];
	v58 =	vor.u32 v6, v15  }
0x83c: {  	v8 =	vld [tilespmem:$0x1F480];
	_ =	sdelay $0x2  }
0x83d: {  	[tilespmem:v57+s20+$0x0] =	vst.idx.msk $0xffff, v47  }
0x83e: {  	v59 =	vor.u32 v7, v16;
	v47 =	vld.idx.msk [tilespmem:v58+s15+$0x0], $0xffff  }
0x83f: {  	v60 =	vor.u32 v8, v17;
	v9 =	vld [tilespmem:$0x1F490]  }
0x840: {  	v10 =	vld [tilespmem:$0x1F4A0];
	_ =	sdelay $0x2  }
0x841: {  	[tilespmem:v59+s20+$0x0] =	vst.idx.msk $0xffff, v47  }
0x842: {  	v52 =	vor.u32 v9, v18;
	v47 =	vld.idx.msk [tilespmem:v60+s15+$0x0], $0xffff  }
0x843: {  	v50 =	vld [tilespmem:$0x1F4B0];
	v53 =	vor.u32 v10, v19  }
0x844: {  	v51 =	vld [tilespmem:$0x1F4C0];
	_ =	sdelay $0x2  }
0x845: {  	[tilespmem:v52+s20+$0x0] =	vst.idx.msk $0xffff, v47  }
0x846: {  	v54 =	vor.u32 v50, v20;
	v47 =	vld.idx.msk [tilespmem:v53+s15+$0x0], $0xffff  }
0x847: {  	v55 =	vor.u32 v51, v21;
	v52 =	vld [tilespmem:$0x1F4D0]  }
0x848: {  	v53 =	vld [tilespmem:$0x1F4E0];
	_ =	sdelay $0x2  }
0x849: {  	[tilespmem:v54+s20+$0x0] =	vst.idx.msk $0xffff, v47  }
0x84a: {  	v56 =	vor.u32 v52, v22;
	v47 =	vld.idx.msk [tilespmem:v55+s15+$0x0], $0xffff  }
0x84b: {  	v57 =	vor.u32 v53, v23;
	v54 =	vld [tilespmem:$0x1F4F0]  }
0x84c: {  	v55 =	vld [tilespmem:$0x1F500];
	_ =	sdelay $0x2  }
0x84d: {  	[tilespmem:v56+s20+$0x0] =	vst.idx.msk $0xffff, v47  }
0x84e: {  	v58 =	vor.u32 v54, v24;
	v47 =	vld.idx.msk [tilespmem:v57+s15+$0x0], $0xffff  }
0x84f: {  	v59 =	vor.u32 v55, v25;
	v56 =	vld [tilespmem:$0x1F510]  }
0x850: {  	v57 =	vld [tilespmem:$0x1F520];
	_ =	sdelay $0x2  }
0x851: {  	[tilespmem:v58+s20+$0x0] =	vst.idx.msk $0xffff, v47  }
0x852: {  	v60 =	vor.u32 v56, v26;
	v47 =	vld.idx.msk [tilespmem:v59+s15+$0x0], $0xffff  }
0x853: {  	v59 =	vor.u32 v57, v27;
	_ =	sdelay $0x3  }
0x854: {  	v58 =	vld [tilespmem:$0x1F530];
	[tilespmem:v60+s20+$0x0] =	vst.idx.msk $0xffff, v47  }
0x855: {  	v47 =	vld.idx.msk [tilespmem:v59+s15+$0x0], $0xffff  }
0x856: {  	v59 =	vld [tilespmem:$0x1F540];
	_ =	sdelay $0x3  }
0x857: {  	v48 =	vor.u32 v58, v28  }
0x858: {  	v60 =	vor.u32 v59, v29;
	_ =	sdelay $0x3  }
0x859: {  	[tilespmem:v48+s20+$0x0] =	vst.idx.msk $0xffff, v47  }
0x85a: {  	v47 =	vld.idx.msk [tilespmem:v60+s15+$0x0], $0xffff  }
0x85b: {  	v60 =	vld [tilespmem:$0x1F550];
	_ =	sdelay $0x4  }
0x85c: {  	v48 =	vor.u32 v60, v30  }
0x85d: {  	v49 =	vor.u32 v6, v31;
	_ =	sdelay $0x3  }
0x85e: {  	[tilespmem:v48+s20+$0x0] =	vst.idx.msk $0xffff, v47  }
0x85f: {  	v48 =	vor.u32 v7, v32;
	v47 =	vld.idx.msk [tilespmem:v49+s15+$0x0], $0xffff  }
0x860: {  	v49 =	vor.u32 v8, v33;
	_ =	sdelay $0x3  }
0x861: {  	[tilespmem:v48+s20+$0x0] =	vst.idx.msk $0xffff, v47  }
0x862: {  	v48 =	vor.u32 v9, v34;
	v47 =	vld.idx.msk [tilespmem:v49+s15+$0x0], $0xffff  }
0x863: {  	v49 =	vor.u32 v10, v35;
	_ =	sdelay $0x3  }
0x864: {  	[tilespmem:v48+s20+$0x0] =	vst.idx.msk $0xffff, v47  }
0x865: {  	v48 =	vor.u32 v50, v36;
	v47 =	vld.idx.msk [tilespmem:v49+s15+$0x0], $0xffff  }
0x866: {  	v49 =	vor.u32 v51, v37;
	_ =	sdelay $0x3  }
0x867: {  	[tilespmem:v48+s20+$0x0] =	vst.idx.msk $0xffff, v47  }
0x868: {  	v52 =	vor.u32 v52, v38;
	v47 =	vld.idx.msk [tilespmem:v49+s15+$0x0], $0xffff  }
0x869: {  	v53 =	vor.u32 v53, v39;
	_ =	sdelay $0x3  }
0x86a: {  	[tilespmem:v52+s20+$0x0] =	vst.idx.msk $0xffff, v47  }
0x86b: {  	v54 =	vor.u32 v54, v40;
	v47 =	vld.idx.msk [tilespmem:v53+s15+$0x0], $0xffff  }
0x86c: {  	v52 =	vor.u32 v55, v41;
	_ =	sdelay $0x3  }
0x86d: {  	[tilespmem:v54+s20+$0x0] =	vst.idx.msk $0xffff, v47  }
0x86e: {  	v53 =	vor.u32 v56, v42;
	v47 =	vld.idx.msk [tilespmem:v52+s15+$0x0], $0xffff  }
0x86f: {  	v54 =	vor.u32 v57, v43;
	_ =	sdelay $0x3  }
0x870: {  	[tilespmem:v53+s20+$0x0] =	vst.idx.msk $0xffff, v47  }
0x871: {  	v55 =	vor.u32 v58, v44;
	v47 =	vld.idx.msk [tilespmem:v54+s15+$0x0], $0xffff  }
0x872: {  	v56 =	vor.u32 v59, v45  }
0x873: {  	v6 =	vld [tilespmem:$0x1F560];
	_ =	sdelay $0x2  }
0x874: {  	[tilespmem:v55+s20+$0x0] =	vst.idx.msk $0xffff, v47  }
0x875: {  	v57 =	vor.u32 v60, v46;
	v47 =	vld.idx.msk [tilespmem:v56+s15+$0x0], $0xffff  }
0x876: {  	v7 =	vld [tilespmem:$0x1F570];
	v58 =	vor.u32 v6, v15  }
0x877: {  	v8 =	vld [tilespmem:$0x1F580];
	_ =	sdelay $0x2  }
0x878: {  	[tilespmem:v57+s20+$0x0] =	vst.idx.msk $0xffff, v47  }
0x879: {  	v59 =	vor.u32 v7, v16;
	v47 =	vld.idx.msk [tilespmem:v58+s15+$0x0], $0xffff  }
0x87a: {  	v9 =	vld [tilespmem:$0x1F590];
	v60 =	vor.u32 v8, v17  }
0x87b: {  	v10 =	vld [tilespmem:$0x1F5A0];
	_ =	sdelay $0x2  }
0x87c: {  	[tilespmem:v59+s20+$0x0] =	vst.idx.msk $0xffff, v47  }
0x87d: {  	v52 =	vor.u32 v9, v18;
	v47 =	vld.idx.msk [tilespmem:v60+s15+$0x0], $0xffff  }
0x87e: {  	v50 =	vld [tilespmem:$0x1F5B0];
	v53 =	vor.u32 v10, v19  }
0x87f: {  	v51 =	vld [tilespmem:$0x1F5C0];
	_ =	sdelay $0x2  }
0x880: {  	[tilespmem:v52+s20+$0x0] =	vst.idx.msk $0xffff, v47  }
0x881: {  	v54 =	vor.u32 v50, v20;
	v47 =	vld.idx.msk [tilespmem:v53+s15+$0x0], $0xffff  }
0x882: {  	v55 =	vor.u32 v51, v21;
	v52 =	vld [tilespmem:$0x1F5D0]  }
0x883: {  	v53 =	vld [tilespmem:$0x1F5E0];
	_ =	sdelay $0x2  }
0x884: {  	[tilespmem:v54+s20+$0x0] =	vst.idx.msk $0xffff, v47  }
0x885: {  	v56 =	vor.u32 v52, v22;
	v47 =	vld.idx.msk [tilespmem:v55+s15+$0x0], $0xffff  }
0x886: {  	v57 =	vor.u32 v53, v23;
	v54 =	vld [tilespmem:$0x1F5F0]  }
0x887: {  	v55 =	vld [tilespmem:$0x1F600];
	_ =	sdelay $0x2  }
0x888: {  	[tilespmem:v56+s20+$0x0] =	vst.idx.msk $0xffff, v47  }
0x889: {  	v58 =	vor.u32 v54, v24;
	v47 =	vld.idx.msk [tilespmem:v57+s15+$0x0], $0xffff  }
0x88a: {  	v59 =	vor.u32 v55, v25;
	v56 =	vld [tilespmem:$0x1F610]  }
0x88b: {  	v57 =	vld [tilespmem:$0x1F620];
	_ =	sdelay $0x2  }
0x88c: {  	[tilespmem:v58+s20+$0x0] =	vst.idx.msk $0xffff, v47  }
0x88d: {  	v60 =	vor.u32 v56, v26;
	v47 =	vld.idx.msk [tilespmem:v59+s15+$0x0], $0xffff  }
0x88e: {  	v59 =	vor.u32 v57, v27;
	_ =	sdelay $0x3  }
0x88f: {  	v58 =	vld [tilespmem:$0x1F630];
	[tilespmem:v60+s20+$0x0] =	vst.idx.msk $0xffff, v47  }
0x890: {  	v47 =	vld.idx.msk [tilespmem:v59+s15+$0x0], $0xffff  }
0x891: {  	v59 =	vld [tilespmem:$0x1F640];
	_ =	sdelay $0x3  }
0x892: {  	v48 =	vor.u32 v58, v28  }
0x893: {  	v60 =	vor.u32 v59, v29;
	_ =	sdelay $0x3  }
0x894: {  	[tilespmem:v48+s20+$0x0] =	vst.idx.msk $0xffff, v47  }
0x895: {  	v47 =	vld.idx.msk [tilespmem:v60+s15+$0x0], $0xffff  }
0x896: {  	v60 =	vld [tilespmem:$0x1F650];
	_ =	sdelay $0x4  }
0x897: {  	v48 =	vor.u32 v60, v30  }
0x898: {  	v49 =	vor.u32 v6, v31;
	_ =	sdelay $0x3  }
0x899: {  	[tilespmem:v48+s20+$0x0] =	vst.idx.msk $0xffff, v47  }
0x89a: {  	v48 =	vor.u32 v7, v32;
	v47 =	vld.idx.msk [tilespmem:v49+s15+$0x0], $0xffff  }
0x89b: {  	v49 =	vor.u32 v8, v33;
	_ =	sdelay $0x3  }
0x89c: {  	[tilespmem:v48+s20+$0x0] =	vst.idx.msk $0xffff, v47  }
0x89d: {  	v48 =	vor.u32 v9, v34;
	v47 =	vld.idx.msk [tilespmem:v49+s15+$0x0], $0xffff  }
0x89e: {  	v49 =	vor.u32 v10, v35;
	_ =	sdelay $0x3  }
0x89f: {  	[tilespmem:v48+s20+$0x0] =	vst.idx.msk $0xffff, v47  }
0x8a0: {  	v48 =	vor.u32 v50, v36;
	v47 =	vld.idx.msk [tilespmem:v49+s15+$0x0], $0xffff  }
0x8a1: {  	v49 =	vor.u32 v51, v37;
	_ =	sdelay $0x3  }
0x8a2: {  	[tilespmem:v48+s20+$0x0] =	vst.idx.msk $0xffff, v47  }
0x8a3: {  	v52 =	vor.u32 v52, v38;
	v47 =	vld.idx.msk [tilespmem:v49+s15+$0x0], $0xffff  }
0x8a4: {  	v53 =	vor.u32 v53, v39;
	_ =	sdelay $0x3  }
0x8a5: {  	[tilespmem:v52+s20+$0x0] =	vst.idx.msk $0xffff, v47  }
0x8a6: {  	v54 =	vor.u32 v54, v40;
	v47 =	vld.idx.msk [tilespmem:v53+s15+$0x0], $0xffff  }
0x8a7: {  	v52 =	vor.u32 v55, v41;
	_ =	sdelay $0x3  }
0x8a8: {  	[tilespmem:v54+s20+$0x0] =	vst.idx.msk $0xffff, v47  }
0x8a9: {  	v53 =	vor.u32 v56, v42;
	v47 =	vld.idx.msk [tilespmem:v52+s15+$0x0], $0xffff  }
0x8aa: {  	v54 =	vor.u32 v57, v43;
	_ =	sdelay $0x3  }
0x8ab: {  	[tilespmem:v53+s20+$0x0] =	vst.idx.msk $0xffff, v47  }
0x8ac: {  	v55 =	vor.u32 v58, v44;
	v47 =	vld.idx.msk [tilespmem:v54+s15+$0x0], $0xffff  }
0x8ad: {  	v56 =	vor.u32 v59, v45  }
0x8ae: {  	v6 =	vld [tilespmem:$0x1F670];
	_ =	sdelay $0x2  }
0x8af: {  	[tilespmem:v55+s20+$0x0] =	vst.idx.msk $0xffff, v47  }
0x8b0: {  	v57 =	vor.u32 v60, v46;
	v47 =	vld.idx.msk [tilespmem:v56+s15+$0x0], $0xffff  }
0x8b1: {  	v7 =	vld [tilespmem:$0x1F690];
	v58 =	vor.u32 v6, v15  }
0x8b2: {  	v8 =	vld [tilespmem:$0x1F6B0];
	_ =	sdelay $0x2  }
0x8b3: {  	[tilespmem:v57+s20+$0x0] =	vst.idx.msk $0xffff, v47  }
0x8b4: {  	v59 =	vor.u32 v7, v16;
	v47 =	vld.idx.msk [tilespmem:v58+s15+$0x0], $0xffff  }
0x8b5: {  	v9 =	vld [tilespmem:$0x1F6D0];
	v60 =	vor.u32 v8, v17  }
0x8b6: {  	v10 =	vld [tilespmem:$0x1F6F0];
	_ =	sdelay $0x2  }
0x8b7: {  	[tilespmem:v59+s20+$0x0] =	vst.idx.msk $0xffff, v47  }
0x8b8: {  	v52 =	vor.u32 v9, v18;
	v47 =	vld.idx.msk [tilespmem:v60+s15+$0x0], $0xffff  }
0x8b9: {  	v50 =	vld [tilespmem:$0x1F710];
	v53 =	vor.u32 v10, v19  }
0x8ba: {  	v51 =	vld [tilespmem:$0x1F730];
	_ =	sdelay $0x2  }
0x8bb: {  	[tilespmem:v52+s20+$0x0] =	vst.idx.msk $0xffff, v47  }
0x8bc: {  	v54 =	vor.u32 v50, v20;
	v47 =	vld.idx.msk [tilespmem:v53+s15+$0x0], $0xffff  }
0x8bd: {  	v55 =	vor.u32 v51, v21;
	v52 =	vld [tilespmem:$0x1F750]  }
0x8be: {  	v53 =	vld [tilespmem:$0x1F770];
	_ =	sdelay $0x2  }
0x8bf: {  	[tilespmem:v54+s20+$0x0] =	vst.idx.msk $0xffff, v47  }
0x8c0: {  	v56 =	vor.u32 v52, v22;
	v47 =	vld.idx.msk [tilespmem:v55+s15+$0x0], $0xffff  }
0x8c1: {  	v57 =	vor.u32 v53, v23;
	v54 =	vld [tilespmem:$0x1F790]  }
0x8c2: {  	v55 =	vld [tilespmem:$0x1F7B0];
	_ =	sdelay $0x2  }
0x8c3: {  	[tilespmem:v56+s20+$0x0] =	vst.idx.msk $0xffff, v47  }
0x8c4: {  	v58 =	vor.u32 v54, v24;
	v47 =	vld.idx.msk [tilespmem:v57+s15+$0x0], $0xffff  }
0x8c5: {  	v59 =	vor.u32 v55, v25;
	v56 =	vld [tilespmem:$0x1F7D0]  }
0x8c6: {  	v57 =	vld [tilespmem:$0x1F7F0];
	_ =	sdelay $0x2  }
0x8c7: {  	[tilespmem:v58+s20+$0x0] =	vst.idx.msk $0xffff, v47  }
0x8c8: {  	v60 =	vor.u32 v56, v26;
	v47 =	vld.idx.msk [tilespmem:v59+s15+$0x0], $0xffff  }
0x8c9: {  	v59 =	vor.u32 v57, v27;
	_ =	sdelay $0x3  }
0x8ca: {  	v58 =	vld [tilespmem:$0x1F810];
	[tilespmem:v60+s20+$0x0] =	vst.idx.msk $0xffff, v47  }
0x8cb: {  	v47 =	vld.idx.msk [tilespmem:v59+s15+$0x0], $0xffff  }
0x8cc: {  	v59 =	vld [tilespmem:$0x1F830];
	_ =	sdelay $0x3  }
0x8cd: {  	v48 =	vor.u32 v58, v28  }
0x8ce: {  	v60 =	vor.u32 v59, v29;
	_ =	sdelay $0x3  }
0x8cf: {  	[tilespmem:v48+s20+$0x0] =	vst.idx.msk $0xffff, v47  }
0x8d0: {  	v47 =	vld.idx.msk [tilespmem:v60+s15+$0x0], $0xffff  }
0x8d1: {  	v60 =	vld [tilespmem:$0x1F850];
	_ =	sdelay $0x4  }
0x8d2: {  	v48 =	vor.u32 v60, v30  }
0x8d3: {  	v49 =	vor.u32 v6, v31;
	_ =	sdelay $0x3  }
0x8d4: {  	[tilespmem:v48+s20+$0x0] =	vst.idx.msk $0xffff, v47  }
0x8d5: {  	v48 =	vor.u32 v7, v32;
	v47 =	vld.idx.msk [tilespmem:v49+s15+$0x0], $0xffff  }
0x8d6: {  	v49 =	vor.u32 v8, v33;
	_ =	sdelay $0x3  }
0x8d7: {  	[tilespmem:v48+s20+$0x0] =	vst.idx.msk $0xffff, v47  }
0x8d8: {  	v48 =	vor.u32 v9, v34;
	v47 =	vld.idx.msk [tilespmem:v49+s15+$0x0], $0xffff  }
0x8d9: {  	v49 =	vor.u32 v10, v35;
	_ =	sdelay $0x3  }
0x8da: {  	[tilespmem:v48+s20+$0x0] =	vst.idx.msk $0xffff, v47  }
0x8db: {  	v48 =	vor.u32 v50, v36;
	v47 =	vld.idx.msk [tilespmem:v49+s15+$0x0], $0xffff  }
0x8dc: {  	v49 =	vor.u32 v51, v37;
	_ =	sdelay $0x3  }
0x8dd: {  	[tilespmem:v48+s20+$0x0] =	vst.idx.msk $0xffff, v47  }
0x8de: {  	v52 =	vor.u32 v52, v38;
	v47 =	vld.idx.msk [tilespmem:v49+s15+$0x0], $0xffff  }
0x8df: {  	v53 =	vor.u32 v53, v39;
	_ =	sdelay $0x3  }
0x8e0: {  	[tilespmem:v52+s20+$0x0] =	vst.idx.msk $0xffff, v47  }
0x8e1: {  	v54 =	vor.u32 v54, v40;
	v47 =	vld.idx.msk [tilespmem:v53+s15+$0x0], $0xffff  }
0x8e2: {  	v52 =	vor.u32 v55, v41;
	_ =	sdelay $0x3  }
0x8e3: {  	[tilespmem:v54+s20+$0x0] =	vst.idx.msk $0xffff, v47  }
0x8e4: {  	v53 =	vor.u32 v56, v42;
	v47 =	vld.idx.msk [tilespmem:v52+s15+$0x0], $0xffff  }
0x8e5: {  	v54 =	vor.u32 v57, v43;
	_ =	sdelay $0x3  }
0x8e6: {  	[tilespmem:v53+s20+$0x0] =	vst.idx.msk $0xffff, v47  }
0x8e7: {  	v55 =	vor.u32 v58, v44;
	v47 =	vld.idx.msk [tilespmem:v54+s15+$0x0], $0xffff  }
0x8e8: {  	v56 =	vor.u32 v59, v45  }
0x8e9: {  	v6 =	vld [tilespmem:$0x1F870];
	_ =	sdelay $0x2  }
0x8ea: {  	[tilespmem:v55+s20+$0x0] =	vst.idx.msk $0xffff, v47  }
0x8eb: {  	v57 =	vor.u32 v60, v46;
	v47 =	vld.idx.msk [tilespmem:v56+s15+$0x0], $0xffff  }
0x8ec: {  	v7 =	vld [tilespmem:$0x1F890];
	v58 =	vor.u32 v6, v15  }
0x8ed: {  	v8 =	vld [tilespmem:$0x1F8B0];
	_ =	sdelay $0x2  }
0x8ee: {  	[tilespmem:v57+s20+$0x0] =	vst.idx.msk $0xffff, v47  }
0x8ef: {  	v59 =	vor.u32 v7, v16;
	v47 =	vld.idx.msk [tilespmem:v58+s15+$0x0], $0xffff  }
0x8f0: {  	v9 =	vld [tilespmem:$0x1F8D0];
	v60 =	vor.u32 v8, v17  }
0x8f1: {  	v10 =	vld [tilespmem:$0x1F8F0];
	_ =	sdelay $0x2  }
0x8f2: {  	[tilespmem:v59+s20+$0x0] =	vst.idx.msk $0xffff, v47  }
0x8f3: {  	v52 =	vor.u32 v9, v18;
	v47 =	vld.idx.msk [tilespmem:v60+s15+$0x0], $0xffff  }
0x8f4: {  	v50 =	vld [tilespmem:$0x1F910];
	v53 =	vor.u32 v10, v19  }
0x8f5: {  	v51 =	vld [tilespmem:$0x1F930];
	_ =	sdelay $0x2  }
0x8f6: {  	[tilespmem:v52+s20+$0x0] =	vst.idx.msk $0xffff, v47  }
0x8f7: {  	v54 =	vor.u32 v50, v20;
	v47 =	vld.idx.msk [tilespmem:v53+s15+$0x0], $0xffff  }
0x8f8: {  	v55 =	vor.u32 v51, v21;
	v52 =	vld [tilespmem:$0x1F950]  }
0x8f9: {  	v53 =	vld [tilespmem:$0x1F970];
	_ =	sdelay $0x2  }
0x8fa: {  	[tilespmem:v54+s20+$0x0] =	vst.idx.msk $0xffff, v47  }
0x8fb: {  	v56 =	vor.u32 v52, v22;
	v47 =	vld.idx.msk [tilespmem:v55+s15+$0x0], $0xffff  }
0x8fc: {  	v57 =	vor.u32 v53, v23;
	v54 =	vld [tilespmem:$0x1F990]  }
0x8fd: {  	v55 =	vld [tilespmem:$0x1F9B0];
	_ =	sdelay $0x2  }
0x8fe: {  	[tilespmem:v56+s20+$0x0] =	vst.idx.msk $0xffff, v47  }
0x8ff: {  	v58 =	vor.u32 v54, v24;
	v47 =	vld.idx.msk [tilespmem:v57+s15+$0x0], $0xffff  }
0x900: {  	v59 =	vor.u32 v55, v25;
	v56 =	vld [tilespmem:$0x1F9D0]  }
0x901: {  	v57 =	vld [tilespmem:$0x1F9F0];
	_ =	sdelay $0x2  }
0x902: {  	[tilespmem:v58+s20+$0x0] =	vst.idx.msk $0xffff, v47  }
0x903: {  	v60 =	vor.u32 v56, v26;
	v47 =	vld.idx.msk [tilespmem:v59+s15+$0x0], $0xffff  }
0x904: {  	v59 =	vor.u32 v57, v27;
	_ =	sdelay $0x3  }
0x905: {  	v58 =	vld [tilespmem:$0x1FA10];
	[tilespmem:v60+s20+$0x0] =	vst.idx.msk $0xffff, v47  }
0x906: {  	v47 =	vld.idx.msk [tilespmem:v59+s15+$0x0], $0xffff  }
0x907: {  	v59 =	vld [tilespmem:$0x1FA30];
	_ =	sdelay $0x3  }
0x908: {  	v48 =	vor.u32 v58, v28  }
0x909: {  	v60 =	vor.u32 v59, v29;
	_ =	sdelay $0x3  }
0x90a: {  	[tilespmem:v48+s20+$0x0] =	vst.idx.msk $0xffff, v47  }
0x90b: {  	v47 =	vld.idx.msk [tilespmem:v60+s15+$0x0], $0xffff  }
0x90c: {  	v60 =	vld [tilespmem:$0x1FA50];
	_ =	sdelay $0x4  }
0x90d: {  	v48 =	vor.u32 v60, v30  }
0x90e: {  	v49 =	vor.u32 v6, v31;
	_ =	sdelay $0x3  }
0x90f: {  	[tilespmem:v48+s20+$0x0] =	vst.idx.msk $0xffff, v47  }
0x910: {  	v48 =	vor.u32 v7, v32;
	v47 =	vld.idx.msk [tilespmem:v49+s15+$0x0], $0xffff  }
0x911: {  	v49 =	vor.u32 v8, v33;
	_ =	sdelay $0x3  }
0x912: {  	[tilespmem:v48+s20+$0x0] =	vst.idx.msk $0xffff, v47  }
0x913: {  	v48 =	vor.u32 v9, v34;
	v47 =	vld.idx.msk [tilespmem:v49+s15+$0x0], $0xffff  }
0x914: {  	v49 =	vor.u32 v10, v35;
	_ =	sdelay $0x3  }
0x915: {  	[tilespmem:v48+s20+$0x0] =	vst.idx.msk $0xffff, v47  }
0x916: {  	v48 =	vor.u32 v50, v36;
	v47 =	vld.idx.msk [tilespmem:v49+s15+$0x0], $0xffff  }
0x917: {  	v49 =	vor.u32 v51, v37;
	_ =	sdelay $0x3  }
0x918: {  	[tilespmem:v48+s20+$0x0] =	vst.idx.msk $0xffff, v47  }
0x919: {  	v52 =	vor.u32 v52, v38;
	v47 =	vld.idx.msk [tilespmem:v49+s15+$0x0], $0xffff  }
0x91a: {  	v53 =	vor.u32 v53, v39;
	_ =	sdelay $0x3  }
0x91b: {  	[tilespmem:v52+s20+$0x0] =	vst.idx.msk $0xffff, v47  }
0x91c: {  	v54 =	vor.u32 v54, v40;
	v47 =	vld.idx.msk [tilespmem:v53+s15+$0x0], $0xffff  }
0x91d: {  	v52 =	vor.u32 v55, v41;
	_ =	sdelay $0x3  }
0x91e: {  	[tilespmem:v54+s20+$0x0] =	vst.idx.msk $0xffff, v47  }
0x91f: {  	v53 =	vor.u32 v56, v42;
	v47 =	vld.idx.msk [tilespmem:v52+s15+$0x0], $0xffff  }
0x920: {  	v54 =	vor.u32 v57, v43;
	_ =	sdelay $0x3  }
0x921: {  	[tilespmem:v53+s20+$0x0] =	vst.idx.msk $0xffff, v47  }
0x922: {  	v55 =	vor.u32 v58, v44;
	v47 =	vld.idx.msk [tilespmem:v54+s15+$0x0], $0xffff  }
0x923: {  	v56 =	vor.u32 v59, v45  }
0x924: {  	v6 =	vld [tilespmem:$0x1FA70];
	_ =	sdelay $0x2  }
0x925: {  	[tilespmem:v55+s20+$0x0] =	vst.idx.msk $0xffff, v47  }
0x926: {  	v57 =	vor.u32 v60, v46;
	v47 =	vld.idx.msk [tilespmem:v56+s15+$0x0], $0xffff  }
0x927: {  	v7 =	vld [tilespmem:$0x1FA90];
	v58 =	vor.u32 v6, v15  }
0x928: {  	v8 =	vld [tilespmem:$0x1FAB0];
	_ =	sdelay $0x2  }
0x929: {  	[tilespmem:v57+s20+$0x0] =	vst.idx.msk $0xffff, v47  }
0x92a: {  	v59 =	vor.u32 v7, v16;
	v47 =	vld.idx.msk [tilespmem:v58+s15+$0x0], $0xffff  }
0x92b: {  	v9 =	vld [tilespmem:$0x1FAD0];
	v60 =	vor.u32 v8, v17  }
0x92c: {  	v10 =	vld [tilespmem:$0x1FAF0];
	_ =	sdelay $0x2  }
0x92d: {  	[tilespmem:v59+s20+$0x0] =	vst.idx.msk $0xffff, v47  }
0x92e: {  	v52 =	vor.u32 v9, v18;
	v47 =	vld.idx.msk [tilespmem:v60+s15+$0x0], $0xffff  }
0x92f: {  	v50 =	vld [tilespmem:$0x1FB10];
	v53 =	vor.u32 v10, v19  }
0x930: {  	v51 =	vld [tilespmem:$0x1FB30];
	_ =	sdelay $0x2  }
0x931: {  	[tilespmem:v52+s20+$0x0] =	vst.idx.msk $0xffff, v47  }
0x932: {  	v54 =	vor.u32 v50, v20;
	v47 =	vld.idx.msk [tilespmem:v53+s15+$0x0], $0xffff  }
0x933: {  	v55 =	vor.u32 v51, v21;
	v52 =	vld [tilespmem:$0x1FB50]  }
0x934: {  	v53 =	vld [tilespmem:$0x1FB70];
	_ =	sdelay $0x2  }
0x935: {  	[tilespmem:v54+s20+$0x0] =	vst.idx.msk $0xffff, v47  }
0x936: {  	v56 =	vor.u32 v52, v22;
	v47 =	vld.idx.msk [tilespmem:v55+s15+$0x0], $0xffff  }
0x937: {  	v57 =	vor.u32 v53, v23;
	v54 =	vld [tilespmem:$0x1FB90]  }
0x938: {  	v55 =	vld [tilespmem:$0x1FBB0];
	_ =	sdelay $0x2  }
0x939: {  	[tilespmem:v56+s20+$0x0] =	vst.idx.msk $0xffff, v47  }
0x93a: {  	v58 =	vor.u32 v54, v24;
	v47 =	vld.idx.msk [tilespmem:v57+s15+$0x0], $0xffff  }
0x93b: {  	v59 =	vor.u32 v55, v25;
	v56 =	vld [tilespmem:$0x1FBD0]  }
0x93c: {  	v57 =	vld [tilespmem:$0x1FBF0];
	_ =	sdelay $0x2  }
0x93d: {  	[tilespmem:v58+s20+$0x0] =	vst.idx.msk $0xffff, v47  }
0x93e: {  	v60 =	vor.u32 v56, v26;
	v47 =	vld.idx.msk [tilespmem:v59+s15+$0x0], $0xffff  }
0x93f: {  	v59 =	vor.u32 v57, v27;
	_ =	sdelay $0x3  }
0x940: {  	v58 =	vld [tilespmem:$0x1FC10];
	[tilespmem:v60+s20+$0x0] =	vst.idx.msk $0xffff, v47  }
0x941: {  	v47 =	vld.idx.msk [tilespmem:v59+s15+$0x0], $0xffff  }
0x942: {  	v59 =	vld [tilespmem:$0x1FC30];
	_ =	sdelay $0x3  }
0x943: {  	v48 =	vor.u32 v58, v28  }
0x944: {  	v60 =	vor.u32 v59, v29;
	_ =	sdelay $0x3  }
0x945: {  	[tilespmem:v48+s20+$0x0] =	vst.idx.msk $0xffff, v47  }
0x946: {  	v47 =	vld.idx.msk [tilespmem:v60+s15+$0x0], $0xffff  }
0x947: {  	v60 =	vld [tilespmem:$0x1FC50];
	_ =	sdelay $0x4  }
0x948: {  	v48 =	vor.u32 v60, v30  }
0x949: {  	v49 =	vor.u32 v6, v31;
	_ =	sdelay $0x3  }
0x94a: {  	[tilespmem:v48+s20+$0x0] =	vst.idx.msk $0xffff, v47  }
0x94b: {  	v48 =	vor.u32 v7, v32;
	v47 =	vld.idx.msk [tilespmem:v49+s15+$0x0], $0xffff  }
0x94c: {  	v49 =	vor.u32 v8, v33;
	_ =	sdelay $0x3  }
0x94d: {  	[tilespmem:v48+s20+$0x0] =	vst.idx.msk $0xffff, v47  }
0x94e: {  	v48 =	vor.u32 v9, v34;
	v47 =	vld.idx.msk [tilespmem:v49+s15+$0x0], $0xffff  }
0x94f: {  	v49 =	vor.u32 v10, v35;
	_ =	sdelay $0x3  }
0x950: {  	[tilespmem:v48+s20+$0x0] =	vst.idx.msk $0xffff, v47  }
0x951: {  	v48 =	vor.u32 v50, v36;
	v47 =	vld.idx.msk [tilespmem:v49+s15+$0x0], $0xffff  }
0x952: {  	v49 =	vor.u32 v51, v37;
	_ =	sdelay $0x3  }
0x953: {  	[tilespmem:v48+s20+$0x0] =	vst.idx.msk $0xffff, v47  }
0x954: {  	v52 =	vor.u32 v52, v38;
	v47 =	vld.idx.msk [tilespmem:v49+s15+$0x0], $0xffff  }
0x955: {  	v53 =	vor.u32 v53, v39;
	_ =	sdelay $0x3  }
0x956: {  	[tilespmem:v52+s20+$0x0] =	vst.idx.msk $0xffff, v47  }
0x957: {  	v54 =	vor.u32 v54, v40;
	v47 =	vld.idx.msk [tilespmem:v53+s15+$0x0], $0xffff  }
0x958: {  	v55 =	vor.u32 v55, v41;
	_ =	sdelay $0x3  }
0x959: {  	[tilespmem:v54+s20+$0x0] =	vst.idx.msk $0xffff, v47  }
0x95a: {  	v56 =	vor.u32 v56, v42;
	v47 =	vld.idx.msk [tilespmem:v55+s15+$0x0], $0xffff  }
0x95b: {  	v57 =	vor.u32 v57, v43;
	_ =	sdelay $0x3  }
0x95c: {  	[tilespmem:v56+s20+$0x0] =	vst.idx.msk $0xffff, v47  }
0x95d: {  	v58 =	vor.u32 v58, v44;
	v47 =	vld.idx.msk [tilespmem:v57+s15+$0x0], $0xffff  }
0x95e: {  	v59 =	vor.u32 v59, v45  }
0x95f: {  	v6 =	vld [tilespmem:$0x1FFE0];
	_ =	sdelay $0x2  }
0x960: {  	[tilespmem:v58+s20+$0x0] =	vst.idx.msk $0xffff, v47  }
0x961: {  	v60 =	vor.u32 v60, v46;
	v47 =	vld.idx.msk [tilespmem:v59+s15+$0x0], $0xffff  }
0x962: {  	v15 =	vor.u32 v6, v15;
	v6 =	vld [tilespmem:$0x1FFF0];
	_ =	sdelay $0x3  }
0x963: {  	[tilespmem:v60+s20+$0x0] =	vst.idx.msk $0xffff, v47  }
0x964: {  	v16 =	vor.u32 v6, v16;
	v15 =	vld.idx.msk [tilespmem:v15+s15+$0x0], $0xffff  }
0x965: {  	v17 =	vor.u32 v11, v17;
	_ =	sdelay $0x3  }
0x966: {  	[tilespmem:v16+s20+$0x0] =	vst.idx.msk $0xffff, v15  }
0x967: {  	v16 =	vor.u32 v12, v18;
	v15 =	vld.idx.msk [tilespmem:v17+s15+$0x0], $0xffff  }
0x968: {  	v17 =	vor.u32 v13, v19;
	_ =	sdelay $0x3  }
0x969: {  	[tilespmem:v16+s20+$0x0] =	vst.idx.msk $0xffff, v15  }
0x96a: {  	v16 =	vor.u32 v14, v20;
	v15 =	vld.idx.msk [tilespmem:v17+s15+$0x0], $0xffff  }
0x96b: {  	v17 =	vor.u32 v0, v21;
	_ =	sdelay $0x3  }
0x96c: {  	[tilespmem:v16+s20+$0x0] =	vst.idx.msk $0xffff, v15  }
0x96d: {  	v16 =	vor.u32 v61, v22;
	v15 =	vld.idx.msk [tilespmem:v17+s15+$0x0], $0xffff  }
0x96e: {  	v17 =	vor.u32 v62, v23;
	_ =	sdelay $0x3  }
0x96f: {  	[tilespmem:v16+s20+$0x0] =	vst.idx.msk $0xffff, v15  }
0x970: {  	v16 =	vor.u32 v63, v24;
	v15 =	vld.idx.msk [tilespmem:v17+s15+$0x0], $0xffff  }
0x971: {  	v17 =	vor.u32 v1, v25;
	_ =	sdelay $0x3  }
0x972: {  	[tilespmem:v16+s20+$0x0] =	vst.idx.msk $0xffff, v15  }
0x973: {  	v16 =	vor.u32 v2, v26;
	v15 =	vld.idx.msk [tilespmem:v17+s15+$0x0], $0xffff  }
0x974: {  	v17 =	vor.u32 v3, v27;
	_ =	sdelay $0x3  }
0x975: {  	[tilespmem:v16+s20+$0x0] =	vst.idx.msk $0xffff, v15  }
0x976: {  	v16 =	vor.u32 v4, v28;
	v15 =	vld.idx.msk [tilespmem:v17+s15+$0x0], $0xffff  }
0x977: {  	v6 =	vld [tilespmem:$0x1FFD0];
	v17 =	vor.u32 v5, v29  }
0x978: {  	v9 =	vld [tilespmem:$0x1FFE0];
	_ =	sdelay $0x2  }
0x979: {  	[tilespmem:v16+s20+$0x0] =	vst.idx.msk $0xffff, v15  }
0x97a: {  	v16 =	vor.u32 v6, v30;
	v15 =	vld.idx.msk [tilespmem:v17+s15+$0x0], $0xffff  }
0x97b: {  	v10 =	vld [tilespmem:$0x1FFF0];
	v17 =	vor.u32 v9, v31;
	_ =	sdelay $0x3  }
0x97c: {  	[tilespmem:v16+s20+$0x0] =	vst.idx.msk $0xffff, v15  }
0x97d: {  	v16 =	vor.u32 v10, v32;
	v15 =	vld.idx.msk [tilespmem:v17+s15+$0x0], $0xffff  }
0x97e: {  	v17 =	vor.u32 v11, v33;
	_ =	sdelay $0x3  }
0x97f: {  	[tilespmem:v16+s20+$0x0] =	vst.idx.msk $0xffff, v15  }
0x980: {  	v16 =	vor.u32 v12, v34;
	v15 =	vld.idx.msk [tilespmem:v17+s15+$0x0], $0xffff  }
0x981: {  	v17 =	vor.u32 v13, v35;
	_ =	sdelay $0x3  }
0x982: {  	[tilespmem:v16+s20+$0x0] =	vst.idx.msk $0xffff, v15  }
0x983: {  	v16 =	vor.u32 v14, v36;
	v15 =	vld.idx.msk [tilespmem:v17+s15+$0x0], $0xffff  }
0x984: {  	v17 =	vor.u32 v0, v37;
	_ =	sdelay $0x3  }
0x985: {  	[tilespmem:v16+s20+$0x0] =	vst.idx.msk $0xffff, v15  }
0x986: {  	v16 =	vor.u32 v61, v38;
	v15 =	vld.idx.msk [tilespmem:v17+s15+$0x0], $0xffff  }
0x987: {  	v17 =	vor.u32 v62, v39;
	_ =	sdelay $0x3  }
0x988: {  	[tilespmem:v16+s20+$0x0] =	vst.idx.msk $0xffff, v15  }
0x989: {  	v16 =	vor.u32 v63, v40;
	v15 =	vld.idx.msk [tilespmem:v17+s15+$0x0], $0xffff  }
0x98a: {  	v17 =	vor.u32 v1, v41;
	_ =	sdelay $0x1  }
0x98b: {  	v7 =	vld [tilespmem:$0x1FF20]  }
0x98c: {  	v8 =	vld [tilespmem:$0x1FF30]  }
0x98d: {  	v48 =	vld [tilespmem:$0x1FFB0];
	[tilespmem:v16+s20+$0x0] =	vst.idx.msk $0xffff, v15  }
0x98e: {  	v16 =	vor.u32 v2, v42;
	v15 =	vld.idx.msk [tilespmem:v17+s15+$0x0], $0xffff  }
0x98f: {  	v49 =	vld [tilespmem:$0x1FFC0];
	v17 =	vor.u32 v3, v43  }
0x990: {  	v47 =	vld [tilespmem:$0x1FFA0]  }
0x991: {  	v6 =	vld [tilespmem:$0x1FFD0]  }
0x992: {  	v33 =	vld [tilespmem:$0x1FEC0]  }
0x993: {  	v34 =	vld [tilespmem:$0x1FED0];
	[tilespmem:v16+s20+$0x0] =	vst.idx.msk $0xffff, v15  }
0x994: {  	v16 =	vor.u32 v4, v44;
	v15 =	vld.idx.msk [tilespmem:v17+s15+$0x0], $0xffff  }
0x995: {  	v35 =	vld [tilespmem:$0x1FEE0];
	v17 =	vor.u32 v5, v45  }
0x996: {  	v36 =	vld [tilespmem:$0x1FEF0]  }
0x997: {  	v39 =	vld [tilespmem:$0x1FF00]  }
0x998: {  	v40 =	vld [tilespmem:$0x1FF10]  }
0x999: {  	v41 =	vld [tilespmem:$0x1FF40];
	[tilespmem:v16+s20+$0x0] =	vst.idx.msk $0xffff, v15  }
0x99a: {  	p1 =	sne.s32 s31, $0x30;
	v16 =	vor.u32 v6, v46;
	v15 =	vld.idx.msk [tilespmem:v17+s15+$0x0], $0xffff  }
.Ltmp2:
0x99b: {  	v42 =	vld [tilespmem:$0x1FF50];
	(pc) =	sbr.rel @p1 .LBB2_3-.Ltmp2, $4  }
0x99c: {  	v43 =	vld [tilespmem:$0x1FF60]  }
0x99d: {  	v20 =	vmovc v11;
	v21 =	vmov v12;
	v22 =	vmov v13;
	v23 =	vmov v14;
	v44 =	vld [tilespmem:$0x1FF70]  }
0x99e: {  	v24 =	vmovc v0;
	v25 =	vmovc v61;
	v26 =	vmov v62;
	v27 =	vmov v63;
	v28 =	vmov v1;
	v45 =	vld [tilespmem:$0x1FF80]  }
0x99f: {  	s31 =	sadd.s32 $0x10, s31;
	v29 =	vmovc v2;
	v30 =	vmovc v3;
	v31 =	vmov v4;
	v32 =	vmov v5;
	v46 =	vld [tilespmem:$0x1FF90];
	[tilespmem:v16+s20+$0x0] =	vst.idx.msk $0xffff, v15;
	v15 =	vlaneseq.u32  }
0x9a0: {  	p1 =	sne.s32 s29, $0x63  }
.Ltmp3:
0x9a1: {  	s0 =	sshll.u32 s29, $0x13;
	(pc) =	sbr.rel @p1 .LBB2_6-.Ltmp3, $4  }
0x9a2: {  	s0 =	sor.u32 s6, s0  }
0x9a3: {  	s31 =	sshrl.u32 s0, $0x3  }
0x9a4: {  	s0 =	sadd.s32 s1, s31  }
0x9a5: {  	[hbm4b:s0+s21] =	stream.strided.scatter [tilespmem:s20], [sflag:$0x3], $0x2000, s22, s21, $0x38;
	[tilespmem:$0x10480] =	vst v63  }
.Ltmp4:
0x9a6: {  	(pc) =	sbr.rel .LBB2_7-.Ltmp4, $4  }
0x9a7: {  	_ = 	snop  }
0x9a8: {  	_ =	swait.ge [sflag:s23], $0x2000  }
0x9a9: {  	[sflag:s23] =	ssyncset.done $0x0  }
0x9aa: {  	[sflag:s23] =	ssyncadd.s32 $0xFFFFE000  }
.LBB2_6:
0x9ab: {  	s0 =	sshrl.u32 s30, $0x2  }
.Ltmp5:
0x9ac: {  	s0 =	sadd.s32 $0x2180, s0;
	(pc) =	sbr.rel @p0 .LBB2_8-.Ltmp5, $4  }
0x9ad: {  	[tilespmem:s15], [sflag:$0x1] =	stream.indirect.gather [hbm4b:s4+s11], $0x40, s0, s11, $0xb8;
	[tilespmem:$0x10480] =	vst v63  }
0x9ae: {  	_ =	swait.ge [sflag:s23], $0x2000  }
0x9af: {  	[sflag:s23] =	ssyncset.done $0x0  }
0x9b0: {  	[sflag:s23] =	ssyncadd.s32 $0xFFFFE000  }
.LBB2_7:
0x9b1: {  	_ =	swait.ge [sflag:s24], $0x2000  }
0x9b2: {  	[sflag:s24] =	ssyncset.done $0x0  }
0x9b3: {  	[sflag:s24] =	ssyncadd.s32 $0xFFFFE000  }
.LBB2_8:
0x9b4: {  	s0 =	simm.s32 $0x0  }
.LBB2_9:
0x9b5: {  	v16 =	vor.u32 s0, v15  }
0x9b6: {  	v15 =	vand.u32 $0x38, v16  }
0x9b7: {  	v17 =	vor.u32 v39, v15;
	_ =	sdelay $0x2  }
0x9b8: {  	v16 =	vshll.u32 v16, $0x7  }
0x9b9: {  	v16 =	vand.u32 $0x1C00, v16;
	v18 =	vor.u32 s0, v33  }
0x9ba: {  	v20 =	vor.u32 v40, v16;
	v19 =	vld.idx.msk [tilespmem:v17+s17+$0x0], $0xffff;
	v17 =	vand.u32 $0x38, v18  }
0x9bb: {  	v21 =	vor.u32 v41, v17;
	_ =	sdelay $0x2  }
0x9bc: {  	v18 =	vshll.u32 v18, $0x7  }
0x9bd: {  	v22 =	vor.u32 s0, v34;
	v18 =	vand.u32 $0x1C00, v18;
	[tilespmem:v20+s25+$0x0] =	vst.idx.msk $0xffff, v19  }
0x9be: {  	v30 =	vor.u32 v42, v18;
	v19 =	vand.u32 $0x38, v22;
	v20 =	vld.idx.msk [tilespmem:v21+s17+$0x0], $0xffff  }
0x9bf: {  	v23 =	vor.u32 v43, v19;
	_ =	sdelay $0x2  }
0x9c0: {  	v22 =	vshll.u32 v22, $0x7  }
0x9c1: {  	v24 =	vor.u32 s0, v35;
	[tilespmem:v30+s25+$0x0] =	vst.idx.msk $0xffff, v20;
	v20 =	vand.u32 $0x1C00, v22  }
0x9c2: {  	v21 =	vand.u32 $0x38, v24;
	v31 =	vld.idx.msk [tilespmem:v23+s17+$0x0], $0xffff;
	v32 =	vor.u32 v44, v20  }
0x9c3: {  	v25 =	vor.u32 v45, v21;
	_ =	sdelay $0x2  }
0x9c4: {  	v24 =	vshll.u32 v24, $0x7  }
0x9c5: {  	v26 =	vor.u32 s0, v36;
	v22 =	vand.u32 $0x1C00, v24;
	[tilespmem:v32+s25+$0x0] =	vst.idx.msk $0xffff, v31  }
0x9c6: {  	v34 =	vor.u32 v46, v22;
	v23 =	vand.u32 $0x38, v26;
	v33 =	vld.idx.msk [tilespmem:v25+s17+$0x0], $0xffff  }
0x9c7: {  	v27 =	vor.u32 v47, v23;
	_ =	sdelay $0x2  }
0x9c8: {  	v26 =	vshll.u32 v26, $0x7  }
0x9c9: {  	v28 =	vor.u32 s0, v7;
	v24 =	vand.u32 $0x1C00, v26;
	[tilespmem:v34+s25+$0x0] =	vst.idx.msk $0xffff, v33  }
0x9ca: {  	v36 =	vor.u32 v48, v24;
	v25 =	vand.u32 $0x38, v28;
	v35 =	vld.idx.msk [tilespmem:v27+s17+$0x0], $0xffff  }
0x9cb: {  	v50 =	vld [tilespmem:$0x1F300];
	v29 =	vor.u32 v49, v25  }
0x9cc: {  	v51 =	vld [tilespmem:$0x1F310];
	_ =	sdelay $0x1  }
0x9cd: {  	v28 =	vshll.u32 v28, $0x7  }
0x9ce: {  	v6 =	vld [tilespmem:$0x1FDD0];
	v30 =	vor.u32 s0, v8;
	v26 =	vand.u32 $0x1C00, v28;
	[tilespmem:v36+s25+$0x0] =	vst.idx.msk $0xffff, v35  }
0x9cf: {  	v38 =	vor.u32 v50, v26;
	v27 =	vand.u32 $0x38, v30;
	v37 =	vld.idx.msk [tilespmem:v29+s17+$0x0], $0xffff  }
0x9d0: {  	v7 =	vld [tilespmem:$0x1F320];
	v31 =	vor.u32 v51, v27  }
0x9d1: {  	v8 =	vld [tilespmem:$0x1F330];
	_ =	sdelay $0x1  }
0x9d2: {  	v30 =	vshll.u32 v30, $0x7  }
0x9d3: {  	v57 =	vld [tilespmem:$0x1B9D0];
	v32 =	vor.u32 s0, v6;
	v28 =	vand.u32 $0x1C00, v30;
	[tilespmem:v38+s25+$0x0] =	vst.idx.msk $0xffff, v37  }
0x9d4: {  	v55 =	vor.u32 v7, v28;
	v29 =	vand.u32 $0x38, v32;
	v54 =	vld.idx.msk [tilespmem:v31+s17+$0x0], $0xffff  }
0x9d5: {  	v52 =	vld [tilespmem:$0x1F340];
	v56 =	vor.u32 v8, v29;
	_ =	sdelay $0x2  }
0x9d6: {  	v32 =	vshll.u32 v32, $0x7  }
0x9d7: {  	v6 =	vld [tilespmem:$0x1FDF0];
	v34 =	vor.u32 s0, v57;
	v30 =	vand.u32 $0x1C00, v32;
	[tilespmem:v55+s25+$0x0] =	vst.idx.msk $0xffff, v54  }
0x9d8: {  	v59 =	vor.u32 v52, v30;
	v31 =	vand.u32 $0x38, v34;
	v58 =	vld.idx.msk [tilespmem:v56+s17+$0x0], $0xffff  }
0x9d9: {  	v60 =	vor.u32 v39, v31;
	_ =	sdelay $0x2  }
0x9da: {  	v34 =	vshll.u32 v34, $0x7  }
0x9db: {  	v53 =	vor.u32 s0, v6;
	v6 =	vld [tilespmem:$0x1FE10];
	v32 =	vand.u32 $0x1C00, v34;
	[tilespmem:v59+s25+$0x0] =	vst.idx.msk $0xffff, v58  }
0x9dc: {  	v33 =	vand.u32 $0x38, v53;
	v55 =	vor.u32 v40, v32;
	v54 =	vld.idx.msk [tilespmem:v60+s17+$0x0], $0xffff  }
0x9dd: {  	v37 =	vor.u32 v41, v33;
	_ =	sdelay $0x2  }
0x9de: {  	v36 =	vshll.u32 v53, $0x7  }
0x9df: {  	v38 =	vor.u32 s0, v6;
	v6 =	vld [tilespmem:$0x1FE30];
	v34 =	vand.u32 $0x1C00, v36;
	[tilespmem:v55+s25+$0x0] =	vst.idx.msk $0xffff, v54  }
0x9e0: {  	v35 =	vand.u32 $0x38, v38;
	v57 =	vor.u32 v42, v34;
	v56 =	vld.idx.msk [tilespmem:v37+s17+$0x0], $0xffff  }
0x9e1: {  	v58 =	vor.u32 v43, v35;
	_ =	sdelay $0x2  }
0x9e2: {  	v38 =	vshll.u32 v38, $0x7  }
0x9e3: {  	v36 =	vand.u32 $0x1C00, v38;
	v59 =	vor.u32 s0, v6;
	v6 =	vld [tilespmem:$0x1FE50];
	[tilespmem:v57+s25+$0x0] =	vst.idx.msk $0xffff, v56  }
0x9e4: {  	v53 =	vor.u32 v44, v36;
	v37 =	vand.u32 $0x38, v59;
	v60 =	vld.idx.msk [tilespmem:v58+s17+$0x0], $0xffff  }
0x9e5: {  	v54 =	vor.u32 v45, v37;
	_ =	sdelay $0x2  }
0x9e6: {  	v40 =	vshll.u32 v59, $0x7  }
0x9e7: {  	v38 =	vand.u32 $0x1C00, v40;
	v55 =	vor.u32 s0, v6;
	v6 =	vld [tilespmem:$0x1FE70];
	[tilespmem:v53+s25+$0x0] =	vst.idx.msk $0xffff, v60  }
0x9e8: {  	v39 =	vand.u32 $0x38, v55;
	v57 =	vor.u32 v46, v38;
	v56 =	vld.idx.msk [tilespmem:v54+s17+$0x0], $0xffff  }
0x9e9: {  	v58 =	vor.u32 v47, v39;
	_ =	sdelay $0x2  }
0x9ea: {  	v42 =	vshll.u32 v55, $0x7  }
0x9eb: {  	v40 =	vand.u32 $0x1C00, v42;
	v59 =	vor.u32 s0, v6;
	v6 =	vld [tilespmem:$0x1FE90];
	[tilespmem:v57+s25+$0x0] =	vst.idx.msk $0xffff, v56  }
0x9ec: {  	v48 =	vor.u32 v48, v40;
	v41 =	vand.u32 $0x38, v59;
	v60 =	vld.idx.msk [tilespmem:v58+s17+$0x0], $0xffff  }
0x9ed: {  	v53 =	vor.u32 v49, v41;
	_ =	sdelay $0x2  }
0x9ee: {  	v44 =	vshll.u32 v59, $0x7  }
0x9ef: {  	v42 =	vand.u32 $0x1C00, v44;
	v54 =	vor.u32 s0, v6;
	v6 =	vld [tilespmem:$0x1FEB0];
	[tilespmem:v48+s25+$0x0] =	vst.idx.msk $0xffff, v60  }
0x9f0: {  	v43 =	vand.u32 $0x38, v54;
	v56 =	vor.u32 v50, v42;
	v55 =	vld.idx.msk [tilespmem:v53+s17+$0x0], $0xffff  }
0x9f1: {  	v57 =	vor.u32 v51, v43;
	_ =	sdelay $0x2  }
0x9f2: {  	v46 =	vshll.u32 v54, $0x7  }
0x9f3: {  	v44 =	vand.u32 $0x1C00, v46;
	v58 =	vor.u32 s0, v6;
	[tilespmem:v56+s25+$0x0] =	vst.idx.msk $0xffff, v55  }
0x9f4: {  	v45 =	vand.u32 $0x38, v58;
	v60 =	vor.u32 v7, v44;
	v59 =	vld.idx.msk [tilespmem:v57+s17+$0x0], $0xffff  }
0x9f5: {  	v53 =	vor.u32 v8, v45  }
0x9f6: {  	v7 =	vld [tilespmem:$0x1F350];
	_ =	sdelay $0x1  }
0x9f7: {  	v48 =	vshll.u32 v58, $0x7  }
0x9f8: {  	v46 =	vand.u32 $0x1C00, v48;
	[tilespmem:v60+s25+$0x0] =	vst.idx.msk $0xffff, v59  }
0x9f9: {  	v48 =	vor.u32 v52, v46;
	v47 =	vld.idx.msk [tilespmem:v53+s17+$0x0], $0xffff  }
0x9fa: {  	v8 =	vld [tilespmem:$0x1F360];
	v54 =	vor.u32 v7, v15  }
0x9fb: {  	v50 =	vld [tilespmem:$0x1F370];
	_ =	sdelay $0x2  }
0x9fc: {  	[tilespmem:v48+s25+$0x0] =	vst.idx.msk $0xffff, v47  }
0x9fd: {  	v55 =	vor.u32 v8, v16;
	v47 =	vld.idx.msk [tilespmem:v54+s17+$0x0], $0xffff  }
0x9fe: {  	v51 =	vld [tilespmem:$0x1F380];
	v56 =	vor.u32 v50, v17  }
0x9ff: {  	v53 =	vld [tilespmem:$0x1F390];
	_ =	sdelay $0x2  }
0xa00: {  	[tilespmem:v55+s25+$0x0] =	vst.idx.msk $0xffff, v47  }
0xa01: {  	v57 =	vor.u32 v51, v18;
	v47 =	vld.idx.msk [tilespmem:v56+s17+$0x0], $0xffff  }
0xa02: {  	v58 =	vor.u32 v53, v19;
	v54 =	vld [tilespmem:$0x1F3A0]  }
0xa03: {  	v55 =	vld [tilespmem:$0x1F3B0];
	_ =	sdelay $0x2  }
0xa04: {  	[tilespmem:v57+s25+$0x0] =	vst.idx.msk $0xffff, v47  }
0xa05: {  	v59 =	vor.u32 v54, v20;
	v47 =	vld.idx.msk [tilespmem:v58+s17+$0x0], $0xffff  }
0xa06: {  	v56 =	vld [tilespmem:$0x1F3C0];
	v60 =	vor.u32 v55, v21  }
0xa07: {  	v57 =	vld [tilespmem:$0x1F3D0];
	_ =	sdelay $0x2  }
0xa08: {  	[tilespmem:v59+s25+$0x0] =	vst.idx.msk $0xffff, v47  }
0xa09: {  	v52 =	vor.u32 v56, v22;
	v47 =	vld.idx.msk [tilespmem:v60+s17+$0x0], $0xffff  }
0xa0a: {  	v58 =	vld [tilespmem:$0x1F3F0];
	v60 =	vor.u32 v57, v23  }
0xa0b: {  	v59 =	vld [tilespmem:$0x1F400];
	_ =	sdelay $0x2  }
0xa0c: {  	[tilespmem:v52+s25+$0x0] =	vst.idx.msk $0xffff, v47  }
0xa0d: {  	v52 =	vor.u32 v58, v24;
	v47 =	vld.idx.msk [tilespmem:v60+s17+$0x0], $0xffff  }
0xa0e: {  	v60 =	vor.u32 v59, v25;
	_ =	sdelay $0x3  }
0xa0f: {  	[tilespmem:v52+s25+$0x0] =	vst.idx.msk $0xffff, v47  }
0xa10: {  	v47 =	vld.idx.msk [tilespmem:v60+s17+$0x0], $0xffff  }
0xa11: {  	v60 =	vld [tilespmem:$0x1F410]  }
0xa12: {  	v6 =	vld [tilespmem:$0x1F420];
	_ =	sdelay $0x3  }
0xa13: {  	v48 =	vor.u32 v60, v26  }
0xa14: {  	v9 =	vld [tilespmem:$0x1F430];
	v52 =	vor.u32 v6, v27  }
0xa15: {  	v10 =	vld [tilespmem:$0x1F440];
	_ =	sdelay $0x2  }
0xa16: {  	[tilespmem:v48+s25+$0x0] =	vst.idx.msk $0xffff, v47  }
0xa17: {  	v48 =	vor.u32 v9, v28;
	v47 =	vld.idx.msk [tilespmem:v52+s17+$0x0], $0xffff  }
0xa18: {  	v52 =	vor.u32 v10, v29;
	_ =	sdelay $0x3  }
0xa19: {  	[tilespmem:v48+s25+$0x0] =	vst.idx.msk $0xffff, v47  }
0xa1a: {  	v47 =	vld.idx.msk [tilespmem:v52+s17+$0x0], $0xffff  }
0xa1b: {  	v52 =	vld [tilespmem:$0x1F450];
	_ =	sdelay $0x4  }
0xa1c: {  	v48 =	vor.u32 v52, v30  }
0xa1d: {  	v49 =	vor.u32 v7, v31;
	_ =	sdelay $0x3  }
0xa1e: {  	[tilespmem:v48+s25+$0x0] =	vst.idx.msk $0xffff, v47  }
0xa1f: {  	v48 =	vor.u32 v8, v32;
	v47 =	vld.idx.msk [tilespmem:v49+s17+$0x0], $0xffff  }
0xa20: {  	v49 =	vor.u32 v50, v33;
	_ =	sdelay $0x3  }
0xa21: {  	[tilespmem:v48+s25+$0x0] =	vst.idx.msk $0xffff, v47  }
0xa22: {  	v48 =	vor.u32 v51, v34;
	v47 =	vld.idx.msk [tilespmem:v49+s17+$0x0], $0xffff  }
0xa23: {  	v53 =	vor.u32 v53, v35;
	_ =	sdelay $0x3  }
0xa24: {  	[tilespmem:v48+s25+$0x0] =	vst.idx.msk $0xffff, v47  }
0xa25: {  	v54 =	vor.u32 v54, v36;
	v47 =	vld.idx.msk [tilespmem:v53+s17+$0x0], $0xffff  }
0xa26: {  	v55 =	vor.u32 v55, v37;
	_ =	sdelay $0x3  }
0xa27: {  	[tilespmem:v54+s25+$0x0] =	vst.idx.msk $0xffff, v47  }
0xa28: {  	v56 =	vor.u32 v56, v38;
	v47 =	vld.idx.msk [tilespmem:v55+s17+$0x0], $0xffff  }
0xa29: {  	v57 =	vor.u32 v57, v39;
	_ =	sdelay $0x3  }
0xa2a: {  	[tilespmem:v56+s25+$0x0] =	vst.idx.msk $0xffff, v47  }
0xa2b: {  	v58 =	vor.u32 v58, v40;
	v47 =	vld.idx.msk [tilespmem:v57+s17+$0x0], $0xffff  }
0xa2c: {  	v59 =	vor.u32 v59, v41;
	_ =	sdelay $0x3  }
0xa2d: {  	[tilespmem:v58+s25+$0x0] =	vst.idx.msk $0xffff, v47  }
0xa2e: {  	v53 =	vor.u32 v60, v42;
	v47 =	vld.idx.msk [tilespmem:v59+s17+$0x0], $0xffff  }
0xa2f: {  	v54 =	vor.u32 v6, v43;
	_ =	sdelay $0x3  }
0xa30: {  	[tilespmem:v53+s25+$0x0] =	vst.idx.msk $0xffff, v47  }
0xa31: {  	v55 =	vor.u32 v9, v44;
	v47 =	vld.idx.msk [tilespmem:v54+s17+$0x0], $0xffff  }
0xa32: {  	v56 =	vor.u32 v10, v45  }
0xa33: {  	v6 =	vld [tilespmem:$0x1F460];
	_ =	sdelay $0x2  }
0xa34: {  	[tilespmem:v55+s25+$0x0] =	vst.idx.msk $0xffff, v47  }
0xa35: {  	v57 =	vor.u32 v52, v46;
	v47 =	vld.idx.msk [tilespmem:v56+s17+$0x0], $0xffff  }
0xa36: {  	v7 =	vld [tilespmem:$0x1F470];
	v58 =	vor.u32 v6, v15  }
0xa37: {  	v8 =	vld [tilespmem:$0x1F480];
	_ =	sdelay $0x2  }
0xa38: {  	[tilespmem:v57+s25+$0x0] =	vst.idx.msk $0xffff, v47  }
0xa39: {  	v59 =	vor.u32 v7, v16;
	v47 =	vld.idx.msk [tilespmem:v58+s17+$0x0], $0xffff  }
0xa3a: {  	v60 =	vor.u32 v8, v17;
	v9 =	vld [tilespmem:$0x1F490]  }
0xa3b: {  	v10 =	vld [tilespmem:$0x1F4A0];
	_ =	sdelay $0x2  }
0xa3c: {  	[tilespmem:v59+s25+$0x0] =	vst.idx.msk $0xffff, v47  }
0xa3d: {  	v52 =	vor.u32 v9, v18;
	v47 =	vld.idx.msk [tilespmem:v60+s17+$0x0], $0xffff  }
0xa3e: {  	v50 =	vld [tilespmem:$0x1F4B0];
	v53 =	vor.u32 v10, v19  }
0xa3f: {  	v51 =	vld [tilespmem:$0x1F4C0];
	_ =	sdelay $0x2  }
0xa40: {  	[tilespmem:v52+s25+$0x0] =	vst.idx.msk $0xffff, v47  }
0xa41: {  	v54 =	vor.u32 v50, v20;
	v47 =	vld.idx.msk [tilespmem:v53+s17+$0x0], $0xffff  }
0xa42: {  	v55 =	vor.u32 v51, v21;
	v52 =	vld [tilespmem:$0x1F4D0]  }
0xa43: {  	v53 =	vld [tilespmem:$0x1F4E0];
	_ =	sdelay $0x2  }
0xa44: {  	[tilespmem:v54+s25+$0x0] =	vst.idx.msk $0xffff, v47  }
0xa45: {  	v56 =	vor.u32 v52, v22;
	v47 =	vld.idx.msk [tilespmem:v55+s17+$0x0], $0xffff  }
0xa46: {  	v57 =	vor.u32 v53, v23;
	v54 =	vld [tilespmem:$0x1F4F0]  }
0xa47: {  	v55 =	vld [tilespmem:$0x1F500];
	_ =	sdelay $0x2  }
0xa48: {  	[tilespmem:v56+s25+$0x0] =	vst.idx.msk $0xffff, v47  }
0xa49: {  	v58 =	vor.u32 v54, v24;
	v47 =	vld.idx.msk [tilespmem:v57+s17+$0x0], $0xffff  }
0xa4a: {  	v59 =	vor.u32 v55, v25;
	v56 =	vld [tilespmem:$0x1F510]  }
0xa4b: {  	v57 =	vld [tilespmem:$0x1F520];
	_ =	sdelay $0x2  }
0xa4c: {  	[tilespmem:v58+s25+$0x0] =	vst.idx.msk $0xffff, v47  }
0xa4d: {  	v60 =	vor.u32 v56, v26;
	v47 =	vld.idx.msk [tilespmem:v59+s17+$0x0], $0xffff  }
0xa4e: {  	v59 =	vor.u32 v57, v27;
	_ =	sdelay $0x3  }
0xa4f: {  	v58 =	vld [tilespmem:$0x1F530];
	[tilespmem:v60+s25+$0x0] =	vst.idx.msk $0xffff, v47  }
0xa50: {  	v47 =	vld.idx.msk [tilespmem:v59+s17+$0x0], $0xffff  }
0xa51: {  	v59 =	vld [tilespmem:$0x1F540];
	_ =	sdelay $0x3  }
0xa52: {  	v48 =	vor.u32 v58, v28  }
0xa53: {  	v60 =	vor.u32 v59, v29;
	_ =	sdelay $0x3  }
0xa54: {  	[tilespmem:v48+s25+$0x0] =	vst.idx.msk $0xffff, v47  }
0xa55: {  	v47 =	vld.idx.msk [tilespmem:v60+s17+$0x0], $0xffff  }
0xa56: {  	v60 =	vld [tilespmem:$0x1F550];
	_ =	sdelay $0x4  }
0xa57: {  	v48 =	vor.u32 v60, v30  }
0xa58: {  	v49 =	vor.u32 v6, v31;
	_ =	sdelay $0x3  }
0xa59: {  	[tilespmem:v48+s25+$0x0] =	vst.idx.msk $0xffff, v47  }
0xa5a: {  	v48 =	vor.u32 v7, v32;
	v47 =	vld.idx.msk [tilespmem:v49+s17+$0x0], $0xffff  }
0xa5b: {  	v49 =	vor.u32 v8, v33;
	_ =	sdelay $0x3  }
0xa5c: {  	[tilespmem:v48+s25+$0x0] =	vst.idx.msk $0xffff, v47  }
0xa5d: {  	v48 =	vor.u32 v9, v34;
	v47 =	vld.idx.msk [tilespmem:v49+s17+$0x0], $0xffff  }
0xa5e: {  	v49 =	vor.u32 v10, v35;
	_ =	sdelay $0x3  }
0xa5f: {  	[tilespmem:v48+s25+$0x0] =	vst.idx.msk $0xffff, v47  }
0xa60: {  	v48 =	vor.u32 v50, v36;
	v47 =	vld.idx.msk [tilespmem:v49+s17+$0x0], $0xffff  }
0xa61: {  	v49 =	vor.u32 v51, v37;
	_ =	sdelay $0x3  }
0xa62: {  	[tilespmem:v48+s25+$0x0] =	vst.idx.msk $0xffff, v47  }
0xa63: {  	v52 =	vor.u32 v52, v38;
	v47 =	vld.idx.msk [tilespmem:v49+s17+$0x0], $0xffff  }
0xa64: {  	v53 =	vor.u32 v53, v39;
	_ =	sdelay $0x3  }
0xa65: {  	[tilespmem:v52+s25+$0x0] =	vst.idx.msk $0xffff, v47  }
0xa66: {  	v54 =	vor.u32 v54, v40;
	v47 =	vld.idx.msk [tilespmem:v53+s17+$0x0], $0xffff  }
0xa67: {  	v52 =	vor.u32 v55, v41;
	_ =	sdelay $0x3  }
0xa68: {  	[tilespmem:v54+s25+$0x0] =	vst.idx.msk $0xffff, v47  }
0xa69: {  	v53 =	vor.u32 v56, v42;
	v47 =	vld.idx.msk [tilespmem:v52+s17+$0x0], $0xffff  }
0xa6a: {  	v54 =	vor.u32 v57, v43;
	_ =	sdelay $0x3  }
0xa6b: {  	[tilespmem:v53+s25+$0x0] =	vst.idx.msk $0xffff, v47  }
0xa6c: {  	v55 =	vor.u32 v58, v44;
	v47 =	vld.idx.msk [tilespmem:v54+s17+$0x0], $0xffff  }
0xa6d: {  	v56 =	vor.u32 v59, v45  }
0xa6e: {  	v6 =	vld [tilespmem:$0x1F560];
	_ =	sdelay $0x2  }
0xa6f: {  	[tilespmem:v55+s25+$0x0] =	vst.idx.msk $0xffff, v47  }
0xa70: {  	v57 =	vor.u32 v60, v46;
	v47 =	vld.idx.msk [tilespmem:v56+s17+$0x0], $0xffff  }
0xa71: {  	v7 =	vld [tilespmem:$0x1F570];
	v58 =	vor.u32 v6, v15  }
0xa72: {  	v8 =	vld [tilespmem:$0x1F580];
	_ =	sdelay $0x2  }
0xa73: {  	[tilespmem:v57+s25+$0x0] =	vst.idx.msk $0xffff, v47  }
0xa74: {  	v59 =	vor.u32 v7, v16;
	v47 =	vld.idx.msk [tilespmem:v58+s17+$0x0], $0xffff  }
0xa75: {  	v9 =	vld [tilespmem:$0x1F590];
	v60 =	vor.u32 v8, v17  }
0xa76: {  	v10 =	vld [tilespmem:$0x1F5A0];
	_ =	sdelay $0x2  }
0xa77: {  	[tilespmem:v59+s25+$0x0] =	vst.idx.msk $0xffff, v47  }
0xa78: {  	v52 =	vor.u32 v9, v18;
	v47 =	vld.idx.msk [tilespmem:v60+s17+$0x0], $0xffff  }
0xa79: {  	v50 =	vld [tilespmem:$0x1F5B0];
	v53 =	vor.u32 v10, v19  }
0xa7a: {  	v51 =	vld [tilespmem:$0x1F5C0];
	_ =	sdelay $0x2  }
0xa7b: {  	[tilespmem:v52+s25+$0x0] =	vst.idx.msk $0xffff, v47  }
0xa7c: {  	v54 =	vor.u32 v50, v20;
	v47 =	vld.idx.msk [tilespmem:v53+s17+$0x0], $0xffff  }
0xa7d: {  	v55 =	vor.u32 v51, v21;
	v52 =	vld [tilespmem:$0x1F5D0]  }
0xa7e: {  	v53 =	vld [tilespmem:$0x1F5E0];
	_ =	sdelay $0x2  }
0xa7f: {  	[tilespmem:v54+s25+$0x0] =	vst.idx.msk $0xffff, v47  }
0xa80: {  	v56 =	vor.u32 v52, v22;
	v47 =	vld.idx.msk [tilespmem:v55+s17+$0x0], $0xffff  }
0xa81: {  	v57 =	vor.u32 v53, v23;
	v54 =	vld [tilespmem:$0x1F5F0]  }
0xa82: {  	v55 =	vld [tilespmem:$0x1F600];
	_ =	sdelay $0x2  }
0xa83: {  	[tilespmem:v56+s25+$0x0] =	vst.idx.msk $0xffff, v47  }
0xa84: {  	v58 =	vor.u32 v54, v24;
	v47 =	vld.idx.msk [tilespmem:v57+s17+$0x0], $0xffff  }
0xa85: {  	v59 =	vor.u32 v55, v25;
	v56 =	vld [tilespmem:$0x1F610]  }
0xa86: {  	v57 =	vld [tilespmem:$0x1F620];
	_ =	sdelay $0x2  }
0xa87: {  	[tilespmem:v58+s25+$0x0] =	vst.idx.msk $0xffff, v47  }
0xa88: {  	v60 =	vor.u32 v56, v26;
	v47 =	vld.idx.msk [tilespmem:v59+s17+$0x0], $0xffff  }
0xa89: {  	v59 =	vor.u32 v57, v27;
	_ =	sdelay $0x3  }
0xa8a: {  	v58 =	vld [tilespmem:$0x1F630];
	[tilespmem:v60+s25+$0x0] =	vst.idx.msk $0xffff, v47  }
0xa8b: {  	v47 =	vld.idx.msk [tilespmem:v59+s17+$0x0], $0xffff  }
0xa8c: {  	v59 =	vld [tilespmem:$0x1F640];
	_ =	sdelay $0x3  }
0xa8d: {  	v48 =	vor.u32 v58, v28  }
0xa8e: {  	v60 =	vor.u32 v59, v29;
	_ =	sdelay $0x3  }
0xa8f: {  	[tilespmem:v48+s25+$0x0] =	vst.idx.msk $0xffff, v47  }
0xa90: {  	v47 =	vld.idx.msk [tilespmem:v60+s17+$0x0], $0xffff  }
0xa91: {  	v60 =	vld [tilespmem:$0x1F650];
	_ =	sdelay $0x4  }
0xa92: {  	v48 =	vor.u32 v60, v30  }
0xa93: {  	v49 =	vor.u32 v6, v31;
	_ =	sdelay $0x3  }
0xa94: {  	[tilespmem:v48+s25+$0x0] =	vst.idx.msk $0xffff, v47  }
0xa95: {  	v48 =	vor.u32 v7, v32;
	v47 =	vld.idx.msk [tilespmem:v49+s17+$0x0], $0xffff  }
0xa96: {  	v49 =	vor.u32 v8, v33;
	_ =	sdelay $0x3  }
0xa97: {  	[tilespmem:v48+s25+$0x0] =	vst.idx.msk $0xffff, v47  }
0xa98: {  	v48 =	vor.u32 v9, v34;
	v47 =	vld.idx.msk [tilespmem:v49+s17+$0x0], $0xffff  }
0xa99: {  	v49 =	vor.u32 v10, v35;
	_ =	sdelay $0x3  }
0xa9a: {  	[tilespmem:v48+s25+$0x0] =	vst.idx.msk $0xffff, v47  }
0xa9b: {  	v48 =	vor.u32 v50, v36;
	v47 =	vld.idx.msk [tilespmem:v49+s17+$0x0], $0xffff  }
0xa9c: {  	v49 =	vor.u32 v51, v37;
	_ =	sdelay $0x3  }
0xa9d: {  	[tilespmem:v48+s25+$0x0] =	vst.idx.msk $0xffff, v47  }
0xa9e: {  	v52 =	vor.u32 v52, v38;
	v47 =	vld.idx.msk [tilespmem:v49+s17+$0x0], $0xffff  }
0xa9f: {  	v53 =	vor.u32 v53, v39;
	_ =	sdelay $0x3  }
0xaa0: {  	[tilespmem:v52+s25+$0x0] =	vst.idx.msk $0xffff, v47  }
0xaa1: {  	v54 =	vor.u32 v54, v40;
	v47 =	vld.idx.msk [tilespmem:v53+s17+$0x0], $0xffff  }
0xaa2: {  	v52 =	vor.u32 v55, v41;
	_ =	sdelay $0x3  }
0xaa3: {  	[tilespmem:v54+s25+$0x0] =	vst.idx.msk $0xffff, v47  }
0xaa4: {  	v53 =	vor.u32 v56, v42;
	v47 =	vld.idx.msk [tilespmem:v52+s17+$0x0], $0xffff  }
0xaa5: {  	v54 =	vor.u32 v57, v43;
	_ =	sdelay $0x3  }
0xaa6: {  	[tilespmem:v53+s25+$0x0] =	vst.idx.msk $0xffff, v47  }
0xaa7: {  	v55 =	vor.u32 v58, v44;
	v47 =	vld.idx.msk [tilespmem:v54+s17+$0x0], $0xffff  }
0xaa8: {  	v56 =	vor.u32 v59, v45  }
0xaa9: {  	v6 =	vld [tilespmem:$0x1F670];
	_ =	sdelay $0x2  }
0xaaa: {  	[tilespmem:v55+s25+$0x0] =	vst.idx.msk $0xffff, v47  }
0xaab: {  	v57 =	vor.u32 v60, v46;
	v47 =	vld.idx.msk [tilespmem:v56+s17+$0x0], $0xffff  }
0xaac: {  	v7 =	vld [tilespmem:$0x1F690];
	v58 =	vor.u32 v6, v15  }
0xaad: {  	v8 =	vld [tilespmem:$0x1F6B0];
	_ =	sdelay $0x2  }
0xaae: {  	[tilespmem:v57+s25+$0x0] =	vst.idx.msk $0xffff, v47  }
0xaaf: {  	v59 =	vor.u32 v7, v16;
	v47 =	vld.idx.msk [tilespmem:v58+s17+$0x0], $0xffff  }
0xab0: {  	v9 =	vld [tilespmem:$0x1F6D0];
	v60 =	vor.u32 v8, v17  }
0xab1: {  	v10 =	vld [tilespmem:$0x1F6F0];
	_ =	sdelay $0x2  }
0xab2: {  	[tilespmem:v59+s25+$0x0] =	vst.idx.msk $0xffff, v47  }
0xab3: {  	v52 =	vor.u32 v9, v18;
	v47 =	vld.idx.msk [tilespmem:v60+s17+$0x0], $0xffff  }
0xab4: {  	v50 =	vld [tilespmem:$0x1F710];
	v53 =	vor.u32 v10, v19  }
0xab5: {  	v51 =	vld [tilespmem:$0x1F730];
	_ =	sdelay $0x2  }
0xab6: {  	[tilespmem:v52+s25+$0x0] =	vst.idx.msk $0xffff, v47  }
0xab7: {  	v54 =	vor.u32 v50, v20;
	v47 =	vld.idx.msk [tilespmem:v53+s17+$0x0], $0xffff  }
0xab8: {  	v55 =	vor.u32 v51, v21;
	v52 =	vld [tilespmem:$0x1F750]  }
0xab9: {  	v53 =	vld [tilespmem:$0x1F770];
	_ =	sdelay $0x2  }
0xaba: {  	[tilespmem:v54+s25+$0x0] =	vst.idx.msk $0xffff, v47  }
0xabb: {  	v56 =	vor.u32 v52, v22;
	v47 =	vld.idx.msk [tilespmem:v55+s17+$0x0], $0xffff  }
0xabc: {  	v57 =	vor.u32 v53, v23;
	v54 =	vld [tilespmem:$0x1F790]  }
0xabd: {  	v55 =	vld [tilespmem:$0x1F7B0];
	_ =	sdelay $0x2  }
0xabe: {  	[tilespmem:v56+s25+$0x0] =	vst.idx.msk $0xffff, v47  }
0xabf: {  	v58 =	vor.u32 v54, v24;
	v47 =	vld.idx.msk [tilespmem:v57+s17+$0x0], $0xffff  }
0xac0: {  	v59 =	vor.u32 v55, v25;
	v56 =	vld [tilespmem:$0x1F7D0]  }
0xac1: {  	v57 =	vld [tilespmem:$0x1F7F0];
	_ =	sdelay $0x2  }
0xac2: {  	[tilespmem:v58+s25+$0x0] =	vst.idx.msk $0xffff, v47  }
0xac3: {  	v60 =	vor.u32 v56, v26;
	v47 =	vld.idx.msk [tilespmem:v59+s17+$0x0], $0xffff  }
0xac4: {  	v59 =	vor.u32 v57, v27;
	_ =	sdelay $0x3  }
0xac5: {  	v58 =	vld [tilespmem:$0x1F810];
	[tilespmem:v60+s25+$0x0] =	vst.idx.msk $0xffff, v47  }
0xac6: {  	v47 =	vld.idx.msk [tilespmem:v59+s17+$0x0], $0xffff  }
0xac7: {  	v59 =	vld [tilespmem:$0x1F830];
	_ =	sdelay $0x3  }
0xac8: {  	v48 =	vor.u32 v58, v28  }
0xac9: {  	v60 =	vor.u32 v59, v29;
	_ =	sdelay $0x3  }
0xaca: {  	[tilespmem:v48+s25+$0x0] =	vst.idx.msk $0xffff, v47  }
0xacb: {  	v47 =	vld.idx.msk [tilespmem:v60+s17+$0x0], $0xffff  }
0xacc: {  	v60 =	vld [tilespmem:$0x1F850];
	_ =	sdelay $0x4  }
0xacd: {  	v48 =	vor.u32 v60, v30  }
0xace: {  	v49 =	vor.u32 v6, v31;
	_ =	sdelay $0x3  }
0xacf: {  	[tilespmem:v48+s25+$0x0] =	vst.idx.msk $0xffff, v47  }
0xad0: {  	v48 =	vor.u32 v7, v32;
	v47 =	vld.idx.msk [tilespmem:v49+s17+$0x0], $0xffff  }
0xad1: {  	v49 =	vor.u32 v8, v33;
	_ =	sdelay $0x3  }
0xad2: {  	[tilespmem:v48+s25+$0x0] =	vst.idx.msk $0xffff, v47  }
0xad3: {  	v48 =	vor.u32 v9, v34;
	v47 =	vld.idx.msk [tilespmem:v49+s17+$0x0], $0xffff  }
0xad4: {  	v49 =	vor.u32 v10, v35;
	_ =	sdelay $0x3  }
0xad5: {  	[tilespmem:v48+s25+$0x0] =	vst.idx.msk $0xffff, v47  }
0xad6: {  	v48 =	vor.u32 v50, v36;
	v47 =	vld.idx.msk [tilespmem:v49+s17+$0x0], $0xffff  }
0xad7: {  	v49 =	vor.u32 v51, v37;
	_ =	sdelay $0x3  }
0xad8: {  	[tilespmem:v48+s25+$0x0] =	vst.idx.msk $0xffff, v47  }
0xad9: {  	v52 =	vor.u32 v52, v38;
	v47 =	vld.idx.msk [tilespmem:v49+s17+$0x0], $0xffff  }
0xada: {  	v53 =	vor.u32 v53, v39;
	_ =	sdelay $0x3  }
0xadb: {  	[tilespmem:v52+s25+$0x0] =	vst.idx.msk $0xffff, v47  }
0xadc: {  	v54 =	vor.u32 v54, v40;
	v47 =	vld.idx.msk [tilespmem:v53+s17+$0x0], $0xffff  }
0xadd: {  	v52 =	vor.u32 v55, v41;
	_ =	sdelay $0x3  }
0xade: {  	[tilespmem:v54+s25+$0x0] =	vst.idx.msk $0xffff, v47  }
0xadf: {  	v53 =	vor.u32 v56, v42;
	v47 =	vld.idx.msk [tilespmem:v52+s17+$0x0], $0xffff  }
0xae0: {  	v54 =	vor.u32 v57, v43;
	_ =	sdelay $0x3  }
0xae1: {  	[tilespmem:v53+s25+$0x0] =	vst.idx.msk $0xffff, v47  }
0xae2: {  	v55 =	vor.u32 v58, v44;
	v47 =	vld.idx.msk [tilespmem:v54+s17+$0x0], $0xffff  }
0xae3: {  	v56 =	vor.u32 v59, v45  }
0xae4: {  	v6 =	vld [tilespmem:$0x1F870];
	_ =	sdelay $0x2  }
0xae5: {  	[tilespmem:v55+s25+$0x0] =	vst.idx.msk $0xffff, v47  }
0xae6: {  	v57 =	vor.u32 v60, v46;
	v47 =	vld.idx.msk [tilespmem:v56+s17+$0x0], $0xffff  }
0xae7: {  	v7 =	vld [tilespmem:$0x1F890];
	v58 =	vor.u32 v6, v15  }
0xae8: {  	v8 =	vld [tilespmem:$0x1F8B0];
	_ =	sdelay $0x2  }
0xae9: {  	[tilespmem:v57+s25+$0x0] =	vst.idx.msk $0xffff, v47  }
0xaea: {  	v59 =	vor.u32 v7, v16;
	v47 =	vld.idx.msk [tilespmem:v58+s17+$0x0], $0xffff  }
0xaeb: {  	v9 =	vld [tilespmem:$0x1F8D0];
	v60 =	vor.u32 v8, v17  }
0xaec: {  	v10 =	vld [tilespmem:$0x1F8F0];
	_ =	sdelay $0x2  }
0xaed: {  	[tilespmem:v59+s25+$0x0] =	vst.idx.msk $0xffff, v47  }
0xaee: {  	v52 =	vor.u32 v9, v18;
	v47 =	vld.idx.msk [tilespmem:v60+s17+$0x0], $0xffff  }
0xaef: {  	v50 =	vld [tilespmem:$0x1F910];
	v53 =	vor.u32 v10, v19  }
0xaf0: {  	v51 =	vld [tilespmem:$0x1F930];
	_ =	sdelay $0x2  }
0xaf1: {  	[tilespmem:v52+s25+$0x0] =	vst.idx.msk $0xffff, v47  }
0xaf2: {  	v54 =	vor.u32 v50, v20;
	v47 =	vld.idx.msk [tilespmem:v53+s17+$0x0], $0xffff  }
0xaf3: {  	v55 =	vor.u32 v51, v21;
	v52 =	vld [tilespmem:$0x1F950]  }
0xaf4: {  	v53 =	vld [tilespmem:$0x1F970];
	_ =	sdelay $0x2  }
0xaf5: {  	[tilespmem:v54+s25+$0x0] =	vst.idx.msk $0xffff, v47  }
0xaf6: {  	v56 =	vor.u32 v52, v22;
	v47 =	vld.idx.msk [tilespmem:v55+s17+$0x0], $0xffff  }
0xaf7: {  	v57 =	vor.u32 v53, v23;
	v54 =	vld [tilespmem:$0x1F990]  }
0xaf8: {  	v55 =	vld [tilespmem:$0x1F9B0];
	_ =	sdelay $0x2  }
0xaf9: {  	[tilespmem:v56+s25+$0x0] =	vst.idx.msk $0xffff, v47  }
0xafa: {  	v58 =	vor.u32 v54, v24;
	v47 =	vld.idx.msk [tilespmem:v57+s17+$0x0], $0xffff  }
0xafb: {  	v59 =	vor.u32 v55, v25;
	v56 =	vld [tilespmem:$0x1F9D0]  }
0xafc: {  	v57 =	vld [tilespmem:$0x1F9F0];
	_ =	sdelay $0x2  }
0xafd: {  	[tilespmem:v58+s25+$0x0] =	vst.idx.msk $0xffff, v47  }
0xafe: {  	v60 =	vor.u32 v56, v26;
	v47 =	vld.idx.msk [tilespmem:v59+s17+$0x0], $0xffff  }
0xaff: {  	v59 =	vor.u32 v57, v27;
	_ =	sdelay $0x3  }
0xb00: {  	v58 =	vld [tilespmem:$0x1FA10];
	[tilespmem:v60+s25+$0x0] =	vst.idx.msk $0xffff, v47  }
0xb01: {  	v47 =	vld.idx.msk [tilespmem:v59+s17+$0x0], $0xffff  }
0xb02: {  	v59 =	vld [tilespmem:$0x1FA30];
	_ =	sdelay $0x3  }
0xb03: {  	v48 =	vor.u32 v58, v28  }
0xb04: {  	v60 =	vor.u32 v59, v29;
	_ =	sdelay $0x3  }
0xb05: {  	[tilespmem:v48+s25+$0x0] =	vst.idx.msk $0xffff, v47  }
0xb06: {  	v47 =	vld.idx.msk [tilespmem:v60+s17+$0x0], $0xffff  }
0xb07: {  	v60 =	vld [tilespmem:$0x1FA50];
	_ =	sdelay $0x4  }
0xb08: {  	v48 =	vor.u32 v60, v30  }
0xb09: {  	v49 =	vor.u32 v6, v31;
	_ =	sdelay $0x3  }
0xb0a: {  	[tilespmem:v48+s25+$0x0] =	vst.idx.msk $0xffff, v47  }
0xb0b: {  	v48 =	vor.u32 v7, v32;
	v47 =	vld.idx.msk [tilespmem:v49+s17+$0x0], $0xffff  }
0xb0c: {  	v49 =	vor.u32 v8, v33;
	_ =	sdelay $0x3  }
0xb0d: {  	[tilespmem:v48+s25+$0x0] =	vst.idx.msk $0xffff, v47  }
0xb0e: {  	v48 =	vor.u32 v9, v34;
	v47 =	vld.idx.msk [tilespmem:v49+s17+$0x0], $0xffff  }
0xb0f: {  	v49 =	vor.u32 v10, v35;
	_ =	sdelay $0x3  }
0xb10: {  	[tilespmem:v48+s25+$0x0] =	vst.idx.msk $0xffff, v47  }
0xb11: {  	v48 =	vor.u32 v50, v36;
	v47 =	vld.idx.msk [tilespmem:v49+s17+$0x0], $0xffff  }
0xb12: {  	v49 =	vor.u32 v51, v37;
	_ =	sdelay $0x3  }
0xb13: {  	[tilespmem:v48+s25+$0x0] =	vst.idx.msk $0xffff, v47  }
0xb14: {  	v52 =	vor.u32 v52, v38;
	v47 =	vld.idx.msk [tilespmem:v49+s17+$0x0], $0xffff  }
0xb15: {  	v53 =	vor.u32 v53, v39;
	_ =	sdelay $0x3  }
0xb16: {  	[tilespmem:v52+s25+$0x0] =	vst.idx.msk $0xffff, v47  }
0xb17: {  	v54 =	vor.u32 v54, v40;
	v47 =	vld.idx.msk [tilespmem:v53+s17+$0x0], $0xffff  }
0xb18: {  	v52 =	vor.u32 v55, v41;
	_ =	sdelay $0x3  }
0xb19: {  	[tilespmem:v54+s25+$0x0] =	vst.idx.msk $0xffff, v47  }
0xb1a: {  	v53 =	vor.u32 v56, v42;
	v47 =	vld.idx.msk [tilespmem:v52+s17+$0x0], $0xffff  }
0xb1b: {  	v54 =	vor.u32 v57, v43;
	_ =	sdelay $0x3  }
0xb1c: {  	[tilespmem:v53+s25+$0x0] =	vst.idx.msk $0xffff, v47  }
0xb1d: {  	v55 =	vor.u32 v58, v44;
	v47 =	vld.idx.msk [tilespmem:v54+s17+$0x0], $0xffff  }
0xb1e: {  	v56 =	vor.u32 v59, v45  }
0xb1f: {  	v6 =	vld [tilespmem:$0x1FA70];
	_ =	sdelay $0x2  }
0xb20: {  	[tilespmem:v55+s25+$0x0] =	vst.idx.msk $0xffff, v47  }
0xb21: {  	v57 =	vor.u32 v60, v46;
	v47 =	vld.idx.msk [tilespmem:v56+s17+$0x0], $0xffff  }
0xb22: {  	v7 =	vld [tilespmem:$0x1FA90];
	v58 =	vor.u32 v6, v15  }
0xb23: {  	v8 =	vld [tilespmem:$0x1FAB0];
	_ =	sdelay $0x2  }
0xb24: {  	[tilespmem:v57+s25+$0x0] =	vst.idx.msk $0xffff, v47  }
0xb25: {  	v59 =	vor.u32 v7, v16;
	v47 =	vld.idx.msk [tilespmem:v58+s17+$0x0], $0xffff  }
0xb26: {  	v9 =	vld [tilespmem:$0x1FAD0];
	v60 =	vor.u32 v8, v17  }
0xb27: {  	v10 =	vld [tilespmem:$0x1FAF0];
	_ =	sdelay $0x2  }
0xb28: {  	[tilespmem:v59+s25+$0x0] =	vst.idx.msk $0xffff, v47  }
0xb29: {  	v52 =	vor.u32 v9, v18;
	v47 =	vld.idx.msk [tilespmem:v60+s17+$0x0], $0xffff  }
0xb2a: {  	v50 =	vld [tilespmem:$0x1FB10];
	v53 =	vor.u32 v10, v19  }
0xb2b: {  	v51 =	vld [tilespmem:$0x1FB30];
	_ =	sdelay $0x2  }
0xb2c: {  	[tilespmem:v52+s25+$0x0] =	vst.idx.msk $0xffff, v47  }
0xb2d: {  	v54 =	vor.u32 v50, v20;
	v47 =	vld.idx.msk [tilespmem:v53+s17+$0x0], $0xffff  }
0xb2e: {  	v55 =	vor.u32 v51, v21;
	v52 =	vld [tilespmem:$0x1FB50]  }
0xb2f: {  	v53 =	vld [tilespmem:$0x1FB70];
	_ =	sdelay $0x2  }
0xb30: {  	[tilespmem:v54+s25+$0x0] =	vst.idx.msk $0xffff, v47  }
0xb31: {  	v56 =	vor.u32 v52, v22;
	v47 =	vld.idx.msk [tilespmem:v55+s17+$0x0], $0xffff  }
0xb32: {  	v57 =	vor.u32 v53, v23;
	v54 =	vld [tilespmem:$0x1FB90]  }
0xb33: {  	v55 =	vld [tilespmem:$0x1FBB0];
	_ =	sdelay $0x2  }
0xb34: {  	[tilespmem:v56+s25+$0x0] =	vst.idx.msk $0xffff, v47  }
0xb35: {  	v58 =	vor.u32 v54, v24;
	v47 =	vld.idx.msk [tilespmem:v57+s17+$0x0], $0xffff  }
0xb36: {  	v59 =	vor.u32 v55, v25;
	v56 =	vld [tilespmem:$0x1FBD0]  }
0xb37: {  	v57 =	vld [tilespmem:$0x1FBF0];
	_ =	sdelay $0x2  }
0xb38: {  	[tilespmem:v58+s25+$0x0] =	vst.idx.msk $0xffff, v47  }
0xb39: {  	v60 =	vor.u32 v56, v26;
	v47 =	vld.idx.msk [tilespmem:v59+s17+$0x0], $0xffff  }
0xb3a: {  	v59 =	vor.u32 v57, v27;
	_ =	sdelay $0x3  }
0xb3b: {  	v58 =	vld [tilespmem:$0x1FC10];
	[tilespmem:v60+s25+$0x0] =	vst.idx.msk $0xffff, v47  }
0xb3c: {  	v47 =	vld.idx.msk [tilespmem:v59+s17+$0x0], $0xffff  }
0xb3d: {  	v59 =	vld [tilespmem:$0x1FC30];
	_ =	sdelay $0x3  }
0xb3e: {  	v48 =	vor.u32 v58, v28  }
0xb3f: {  	v60 =	vor.u32 v59, v29;
	_ =	sdelay $0x3  }
0xb40: {  	[tilespmem:v48+s25+$0x0] =	vst.idx.msk $0xffff, v47  }
0xb41: {  	v47 =	vld.idx.msk [tilespmem:v60+s17+$0x0], $0xffff  }
0xb42: {  	v60 =	vld [tilespmem:$0x1FC50];
	_ =	sdelay $0x4  }
0xb43: {  	v48 =	vor.u32 v60, v30  }
0xb44: {  	v49 =	vor.u32 v6, v31;
	_ =	sdelay $0x3  }
0xb45: {  	[tilespmem:v48+s25+$0x0] =	vst.idx.msk $0xffff, v47  }
0xb46: {  	v48 =	vor.u32 v7, v32;
	v47 =	vld.idx.msk [tilespmem:v49+s17+$0x0], $0xffff  }
0xb47: {  	v49 =	vor.u32 v8, v33;
	_ =	sdelay $0x3  }
0xb48: {  	[tilespmem:v48+s25+$0x0] =	vst.idx.msk $0xffff, v47  }
0xb49: {  	v48 =	vor.u32 v9, v34;
	v47 =	vld.idx.msk [tilespmem:v49+s17+$0x0], $0xffff  }
0xb4a: {  	v49 =	vor.u32 v10, v35;
	_ =	sdelay $0x3  }
0xb4b: {  	[tilespmem:v48+s25+$0x0] =	vst.idx.msk $0xffff, v47  }
0xb4c: {  	v48 =	vor.u32 v50, v36;
	v47 =	vld.idx.msk [tilespmem:v49+s17+$0x0], $0xffff  }
0xb4d: {  	v49 =	vor.u32 v51, v37;
	_ =	sdelay $0x3  }
0xb4e: {  	[tilespmem:v48+s25+$0x0] =	vst.idx.msk $0xffff, v47  }
0xb4f: {  	v52 =	vor.u32 v52, v38;
	v47 =	vld.idx.msk [tilespmem:v49+s17+$0x0], $0xffff  }
0xb50: {  	v53 =	vor.u32 v53, v39;
	_ =	sdelay $0x3  }
0xb51: {  	[tilespmem:v52+s25+$0x0] =	vst.idx.msk $0xffff, v47  }
0xb52: {  	v54 =	vor.u32 v54, v40;
	v47 =	vld.idx.msk [tilespmem:v53+s17+$0x0], $0xffff  }
0xb53: {  	v55 =	vor.u32 v55, v41;
	_ =	sdelay $0x3  }
0xb54: {  	[tilespmem:v54+s25+$0x0] =	vst.idx.msk $0xffff, v47  }
0xb55: {  	v56 =	vor.u32 v56, v42;
	v47 =	vld.idx.msk [tilespmem:v55+s17+$0x0], $0xffff  }
0xb56: {  	v57 =	vor.u32 v57, v43;
	_ =	sdelay $0x3  }
0xb57: {  	[tilespmem:v56+s25+$0x0] =	vst.idx.msk $0xffff, v47  }
0xb58: {  	v58 =	vor.u32 v58, v44;
	v47 =	vld.idx.msk [tilespmem:v57+s17+$0x0], $0xffff  }
0xb59: {  	v59 =	vor.u32 v59, v45  }
0xb5a: {  	v6 =	vld [tilespmem:$0x1FFE0];
	_ =	sdelay $0x2  }
0xb5b: {  	[tilespmem:v58+s25+$0x0] =	vst.idx.msk $0xffff, v47  }
0xb5c: {  	v60 =	vor.u32 v60, v46;
	v47 =	vld.idx.msk [tilespmem:v59+s17+$0x0], $0xffff  }
0xb5d: {  	v15 =	vor.u32 v6, v15;
	v6 =	vld [tilespmem:$0x1FFF0];
	_ =	sdelay $0x3  }
0xb5e: {  	[tilespmem:v60+s25+$0x0] =	vst.idx.msk $0xffff, v47  }
0xb5f: {  	v16 =	vor.u32 v6, v16;
	v15 =	vld.idx.msk [tilespmem:v15+s17+$0x0], $0xffff  }
0xb60: {  	v17 =	vor.u32 v11, v17;
	_ =	sdelay $0x3  }
0xb61: {  	[tilespmem:v16+s25+$0x0] =	vst.idx.msk $0xffff, v15  }
0xb62: {  	v16 =	vor.u32 v12, v18;
	v15 =	vld.idx.msk [tilespmem:v17+s17+$0x0], $0xffff  }
0xb63: {  	v17 =	vor.u32 v13, v19;
	_ =	sdelay $0x3  }
0xb64: {  	[tilespmem:v16+s25+$0x0] =	vst.idx.msk $0xffff, v15  }
0xb65: {  	v16 =	vor.u32 v14, v20;
	v15 =	vld.idx.msk [tilespmem:v17+s17+$0x0], $0xffff  }
0xb66: {  	v17 =	vor.u32 v0, v21;
	_ =	sdelay $0x3  }
0xb67: {  	[tilespmem:v16+s25+$0x0] =	vst.idx.msk $0xffff, v15  }
0xb68: {  	v16 =	vor.u32 v61, v22;
	v15 =	vld.idx.msk [tilespmem:v17+s17+$0x0], $0xffff  }
0xb69: {  	v17 =	vor.u32 v62, v23;
	_ =	sdelay $0x3  }
0xb6a: {  	[tilespmem:v16+s25+$0x0] =	vst.idx.msk $0xffff, v15  }
0xb6b: {  	v16 =	vor.u32 v63, v24;
	v15 =	vld.idx.msk [tilespmem:v17+s17+$0x0], $0xffff  }
0xb6c: {  	v17 =	vor.u32 v1, v25;
	_ =	sdelay $0x3  }
0xb6d: {  	[tilespmem:v16+s25+$0x0] =	vst.idx.msk $0xffff, v15  }
0xb6e: {  	v16 =	vor.u32 v2, v26;
	v15 =	vld.idx.msk [tilespmem:v17+s17+$0x0], $0xffff  }
0xb6f: {  	v17 =	vor.u32 v3, v27;
	_ =	sdelay $0x3  }
0xb70: {  	[tilespmem:v16+s25+$0x0] =	vst.idx.msk $0xffff, v15  }
0xb71: {  	v16 =	vor.u32 v4, v28;
	v15 =	vld.idx.msk [tilespmem:v17+s17+$0x0], $0xffff  }
0xb72: {  	v6 =	vld [tilespmem:$0x1FFD0];
	v17 =	vor.u32 v5, v29  }
0xb73: {  	v9 =	vld [tilespmem:$0x1FFE0];
	_ =	sdelay $0x2  }
0xb74: {  	[tilespmem:v16+s25+$0x0] =	vst.idx.msk $0xffff, v15  }
0xb75: {  	v16 =	vor.u32 v6, v30;
	v15 =	vld.idx.msk [tilespmem:v17+s17+$0x0], $0xffff  }
0xb76: {  	v10 =	vld [tilespmem:$0x1FFF0];
	v17 =	vor.u32 v9, v31;
	_ =	sdelay $0x3  }
0xb77: {  	[tilespmem:v16+s25+$0x0] =	vst.idx.msk $0xffff, v15  }
0xb78: {  	v16 =	vor.u32 v10, v32;
	v15 =	vld.idx.msk [tilespmem:v17+s17+$0x0], $0xffff  }
0xb79: {  	v17 =	vor.u32 v11, v33;
	_ =	sdelay $0x3  }
0xb7a: {  	[tilespmem:v16+s25+$0x0] =	vst.idx.msk $0xffff, v15  }
0xb7b: {  	v16 =	vor.u32 v12, v34;
	v15 =	vld.idx.msk [tilespmem:v17+s17+$0x0], $0xffff  }
0xb7c: {  	v17 =	vor.u32 v13, v35;
	_ =	sdelay $0x3  }
0xb7d: {  	[tilespmem:v16+s25+$0x0] =	vst.idx.msk $0xffff, v15  }
0xb7e: {  	v16 =	vor.u32 v14, v36;
	v15 =	vld.idx.msk [tilespmem:v17+s17+$0x0], $0xffff  }
0xb7f: {  	v17 =	vor.u32 v0, v37;
	_ =	sdelay $0x3  }
0xb80: {  	[tilespmem:v16+s25+$0x0] =	vst.idx.msk $0xffff, v15  }
0xb81: {  	v16 =	vor.u32 v61, v38;
	v15 =	vld.idx.msk [tilespmem:v17+s17+$0x0], $0xffff  }
0xb82: {  	v17 =	vor.u32 v62, v39;
	_ =	sdelay $0x3  }
0xb83: {  	[tilespmem:v16+s25+$0x0] =	vst.idx.msk $0xffff, v15  }
0xb84: {  	v16 =	vor.u32 v63, v40;
	v15 =	vld.idx.msk [tilespmem:v17+s17+$0x0], $0xffff  }
0xb85: {  	v17 =	vor.u32 v1, v41;
	_ =	sdelay $0x1  }
0xb86: {  	v7 =	vld [tilespmem:$0x1FF20]  }
0xb87: {  	v8 =	vld [tilespmem:$0x1FF30]  }
0xb88: {  	v48 =	vld [tilespmem:$0x1FFB0];
	[tilespmem:v16+s25+$0x0] =	vst.idx.msk $0xffff, v15  }
0xb89: {  	v16 =	vor.u32 v2, v42;
	v15 =	vld.idx.msk [tilespmem:v17+s17+$0x0], $0xffff  }
0xb8a: {  	v49 =	vld [tilespmem:$0x1FFC0];
	v17 =	vor.u32 v3, v43  }
0xb8b: {  	v47 =	vld [tilespmem:$0x1FFA0]  }
0xb8c: {  	v6 =	vld [tilespmem:$0x1FFD0]  }
0xb8d: {  	v33 =	vld [tilespmem:$0x1FEC0]  }
0xb8e: {  	v34 =	vld [tilespmem:$0x1FED0];
	[tilespmem:v16+s25+$0x0] =	vst.idx.msk $0xffff, v15  }
0xb8f: {  	v16 =	vor.u32 v4, v44;
	v15 =	vld.idx.msk [tilespmem:v17+s17+$0x0], $0xffff  }
0xb90: {  	v35 =	vld [tilespmem:$0x1FEE0];
	v17 =	vor.u32 v5, v45  }
0xb91: {  	v36 =	vld [tilespmem:$0x1FEF0]  }
0xb92: {  	v39 =	vld [tilespmem:$0x1FF00]  }
0xb93: {  	v40 =	vld [tilespmem:$0x1FF10]  }
0xb94: {  	v41 =	vld [tilespmem:$0x1FF40];
	[tilespmem:v16+s25+$0x0] =	vst.idx.msk $0xffff, v15  }
0xb95: {  	p0 =	sne.s32 s0, $0x30;
	v16 =	vor.u32 v6, v46;
	v15 =	vld.idx.msk [tilespmem:v17+s17+$0x0], $0xffff  }
.Ltmp6:
0xb96: {  	v42 =	vld [tilespmem:$0x1FF50];
	(pc) =	sbr.rel @p0 .LBB2_9-.Ltmp6, $4  }
0xb97: {  	v43 =	vld [tilespmem:$0x1FF60]  }
0xb98: {  	v44 =	vld [tilespmem:$0x1FF70]  }
0xb99: {  	v45 =	vld [tilespmem:$0x1FF80]  }
0xb9a: {  	s0 =	sadd.s32 $0x10, s0;
	v46 =	vld [tilespmem:$0x1FF90];
	[tilespmem:v16+s25+$0x0] =	vst.idx.msk $0xffff, v15;
	v15 =	vlaneseq.u32  }
0xb9b: {  	p0 =	seq.s32 s29, $0x63  }
.Ltmp7:
0xb9c: {  	_ = 	snop;
	(pc) =	sbr.rel @p0 .LBB2_12-.Ltmp7, $4  }
0xb9d: {  	_ = 	snop  }
0xb9e: {  	v20 =	vmov v11;
	v21 =	vmov v12;
	v22 =	vmov v13  }
0xb9f: {  	v23 =	vmovc v14;
	v24 =	vmovc v0;
	v25 =	vmov v61;
	v26 =	vmov v62;
	v27 =	vmov v63;
	s0 =	sadd.s32 s31, s9  }
0xba0: {  	v28 =	vmovc v1;
	v29 =	vmovc v2;
	v30 =	vmov v3;
	v31 =	vmov v4;
	v32 =	vmov v5;
	[hbm4b:s0+s21] =	stream.strided.scatter [tilespmem:s25], [sflag:$0x4], $0x2000, s22, s21, $0x38;
	[tilespmem:$0x10480] =	vst v63  }
.Ltmp8:
0xba1: {  	(pc) =	sbr.rel .LBB2_2-.Ltmp8, $4  }
0xba2: {  	_ = 	snop  }
0xba3: {  	s0 =	sshrl.u32 s30, $0x2  }
0xba4: {  	s29 =	sadd.s32 $0x1, s29;
	s0 =	sadd.s32 $0x2200, s0  }
0xba5: {  	[tilespmem:s17], [sflag:$0x2] =	stream.indirect.gather [hbm4b:s4+s11], $0x40, s0, s11, $0xb8;
	[tilespmem:$0x10480] =	vst v63  }
.LBB2_13:
0xba6: {  	_ =	sfence.sel $0x180000  }
0xba7: {  	[bflag:$0x0] =	sbarrier.arrive $0xFFFF  }
0xba8: {  	_ =	strace $0x90000047  }
0xba9: {  	[bflag:$0x2] =	sbarrier.arrive $0xFFFF  }
0xbaa: {  	p0 =	sne.s32 s2, $0x0;
	s0 =	rddreg [dreg:$0x4]  }
0xbab: {  	s0 =	sadd.s32 @!p0 $0x100000, s0  }
0xbac: {  	[sflag:s0] =	ssyncadd.tile.s32 @!p0 $0x1;
	_ =	shalt  }
.Lfunc_end2:
_tile_overlayer_lowered:
.L_overlay_start_2:
0xbad: {  	(tag) =	ssettag $0x2  }
0xbae: {  	s0 =	rddreg [dreg:$0x0];
	s2 =	stileid.u32  }
0xbaf: {  	s1 =	rddreg [dreg:$0x1];
	p0 =	sne.s32 s2, $0x0  }
0xbb0: {  	s3 =	rddreg [dreg:$0x2];
	[bflag:$0x3] =	sbarrier.arrive $0xFFFF;
	s2 =	simm.s32 @!p0 $0x1C06  }
0xbb1: {  	[timem:s3], [sflag:s2] =	dma.local @!p0 [hbm:s0], s1  }
0xbb2: {  	s0 =	simm.s32 @!p0 $0x6  }
0xbb3: {  	_ =	swait.ge @!p0 [sflag:s0], s1  }
0xbb4: {  	s1 =	ssub.s32 @!p0 $0x0, s1;
	[sflag:s0] =	ssyncset.done @!p0 $0x0  }
0xbb5: {  	[sflag:s0] =	ssyncadd.s32 @!p0 s1  }
0xbb6: {  	[bflag:$0x3] =	sbarrier.arrive $0xFFFF  }
0xbb7: {  	_ =	shalt  }

</sc_bundles>
